<compile_context>
chip_gen: v7x
topology: tpu7x:2x2x1
jax: 0.10.2.dev20260603
libtpu: 0.0.44.dev20260713+nightly
codegen_flags: <defaults>
</compile_context>

<pallas_src>
import functools

import jax
import jax.numpy as jnp
from jax import lax
from jax.experimental import pallas as pl
from jax.experimental.pallas import tpu as pltpu
from jax.experimental.pallas import tpu_sc as plsc

N = 10000
E = 320000
D_IN = 128
H1 = 64
H2 = 32
NC, NS = 2, 16
NPAD = 10240
RPS = NPAD // NS
CHUNK = 128
CPT0 = 120
CPT1 = 40
TCH = NS * (CPT0 + CPT1)
NCH0 = NS * CPT0
EPAD = TCH * CHUNK
DEGW = 8
NB = 4


def _mm_body(x_ref, w_ref, o_ref):
    o_ref[...] = jnp.dot(x_ref[...], w_ref[...],
                         preferred_element_type=jnp.float32)


def _matmul(x, w, blk=1024):
    m, k = x.shape
    n = w.shape[1]
    return pl.pallas_call(
        _mm_body,
        grid=(m // blk,),
        in_specs=[pl.BlockSpec((blk, k), lambda i: (i, 0)),
                  pl.BlockSpec((k, n), lambda i: (0, 0))],
        out_specs=pl.BlockSpec((blk, n), lambda i: (i, 0)),
        out_shape=jax.ShapeDtypeStruct((m, n), jnp.float32),
    )(x, w)


_MESH = plsc.VectorSubcoreMesh(core_axis_name="c", subcore_axis_name="s",
                               num_cores=NC, num_subcores=NS)


@functools.partial(
    pl.kernel,
    out_type=[jax.ShapeDtypeStruct((NC, NPAD, H1), jnp.float32),
              jax.ShapeDtypeStruct((NC, NPAD, DEGW), jnp.float32)],
    mesh=_MESH,
    scratch_types=[
        pltpu.VMEM((CPT0, CHUNK), jnp.int32),
        pltpu.VMEM((CPT0, CHUNK), jnp.int32),
        pltpu.VMEM((NB, CHUNK, H1), jnp.float32),
        pltpu.VMEM((CHUNK, DEGW), jnp.float32),
        pltpu.VMEM_SHARED((NPAD, H1), jnp.float32),
        pltpu.VMEM_SHARED((NPAD, DEGW), jnp.float32),
        pltpu.SemaphoreType.DMA((NB,)),
        pltpu.SemaphoreType.DMA((NB,)),
        pltpu.SemaphoreType.DMA((NB,)),
        pltpu.SemaphoreType.DMA((5,)),
    ],
    compiler_params=pltpu.CompilerParams(use_tc_tiling_on_sc=False),
)
def _seg_sum1(edges, table, z_d, ones_hbm,
              acc_out, deg_out,
              src_idx, dst_idx, rows, ones_v, acc_sh, deg_sh,
              gsem, ssem, dsem, isem):
    c = lax.axis_index("c")
    s = lax.axis_index("s")
    cpt = jnp.where(c == 0, CPT0, CPT1)
    r0 = s * RPS
    zv = jnp.zeros((16,), jnp.float32)

    def zrow(i, carry):
        for k in range(H1 // 16):
            rows[0, i, pl.ds(16 * k, 16)] = zv
        return carry

    lax.fori_loop(0, CHUNK, zrow, 0)
    for t in range(RPS // CHUNK):
        pltpu.async_copy(rows.at[0], acc_sh.at[pl.ds(r0 + t * CHUNK, CHUNK)],
                         isem.at[0])
    izd = pltpu.async_copy(z_d, deg_sh.at[pl.ds(r0, RPS)], isem.at[1])
    io = pltpu.async_copy(ones_hbm, ones_v, isem.at[2])

    @pl.when(c == 0)
    def _():
        pltpu.async_copy(edges.at[0, pl.ds(s * CPT0, CPT0)],
                         src_idx.at[pl.ds(0, CPT0)], isem.at[3])
        pltpu.async_copy(edges.at[1, pl.ds(s * CPT0, CPT0)],
                         dst_idx.at[pl.ds(0, CPT0)], isem.at[4])
        pltpu.make_async_copy(edges.at[0, pl.ds(0, CPT0)],
                              src_idx.at[pl.ds(0, CPT0)], isem.at[3]).wait()
        pltpu.make_async_copy(edges.at[1, pl.ds(0, CPT0)],
                              dst_idx.at[pl.ds(0, CPT0)], isem.at[4]).wait()

    @pl.when(c == 1)
    def _():
        pltpu.async_copy(edges.at[0, pl.ds(NCH0 + s * CPT1, CPT1)],
                         src_idx.at[pl.ds(0, CPT1)], isem.at[3])
        pltpu.async_copy(edges.at[1, pl.ds(NCH0 + s * CPT1, CPT1)],
                         dst_idx.at[pl.ds(0, CPT1)], isem.at[4])
        pltpu.make_async_copy(edges.at[0, pl.ds(0, CPT1)],
                              src_idx.at[pl.ds(0, CPT1)], isem.at[3]).wait()
        pltpu.make_async_copy(edges.at[1, pl.ds(0, CPT1)],
                              dst_idx.at[pl.ds(0, CPT1)], isem.at[4]).wait()

    for t in range(RPS // CHUNK):
        pltpu.make_async_copy(rows.at[0], acc_sh.at[pl.ds(r0, CHUNK)],
                              isem.at[0]).wait()
    for b in range(NB):
        pltpu.async_copy(table.at[src_idx.at[b]], rows.at[b], gsem.at[b])
    izd.wait()
    io.wait()
    plsc.subcore_barrier()

    def group(g, carry):
        base = g * NB
        for b in range(NB):
            j = base + b
            pltpu.make_async_copy(table.at[src_idx.at[j]], rows.at[b],
                                  gsem.at[b]).wait()
            pltpu.async_copy(rows.at[b], acc_sh.at[dst_idx.at[j]],
                             ssem.at[b], add=True)
            pltpu.async_copy(ones_v, deg_sh.at[dst_idx.at[j]],
                             dsem.at[b], add=True)
        for b in range(NB):
            j = base + b
            pltpu.make_async_copy(rows.at[b], acc_sh.at[dst_idx.at[j]],
                                  ssem.at[b]).wait()
            pltpu.make_async_copy(ones_v, deg_sh.at[dst_idx.at[j]],
                                  dsem.at[b]).wait()

            @pl.when(j + NB < cpt)
            def _():
                pltpu.async_copy(table.at[src_idx.at[j + NB]],
                                 rows.at[b], gsem.at[b])
        return carry

    lax.fori_loop(0, cpt // NB, group, 0)
    plsc.subcore_barrier()
    pltpu.async_copy(acc_sh.at[pl.ds(r0, RPS)],
                     acc_out.at[c, pl.ds(r0, RPS)], isem.at[0])
    pltpu.async_copy(deg_sh.at[pl.ds(r0, RPS)],
                     deg_out.at[c, pl.ds(r0, RPS)], isem.at[1])
    pltpu.make_async_copy(acc_sh.at[pl.ds(r0, RPS)],
                          acc_out.at[c, pl.ds(r0, RPS)], isem.at[0]).wait()
    pltpu.make_async_copy(deg_sh.at[pl.ds(r0, RPS)],
                          deg_out.at[c, pl.ds(r0, RPS)], isem.at[1]).wait()


@functools.partial(
    pl.kernel,
    out_type=jax.ShapeDtypeStruct((NC, NPAD, H2), jnp.float32),
    mesh=_MESH,
    scratch_types=[
        pltpu.VMEM((CPT0, CHUNK), jnp.int32),
        pltpu.VMEM((CPT0, CHUNK), jnp.int32),
        pltpu.VMEM((NB, CHUNK, H2), jnp.float32),
        pltpu.VMEM_SHARED((NPAD, H2), jnp.float32),
        pltpu.SemaphoreType.DMA((NB,)),
        pltpu.SemaphoreType.DMA((NB,)),
        pltpu.SemaphoreType.DMA((3,)),
    ],
    compiler_params=pltpu.CompilerParams(use_tc_tiling_on_sc=False),
)
def _seg_sum2(edges, table,
              acc_out,
              src_idx, dst_idx, rows, acc_sh, gsem, ssem, isem):
    c = lax.axis_index("c")
    s = lax.axis_index("s")
    cpt = jnp.where(c == 0, CPT0, CPT1)
    r0 = s * RPS
    zv = jnp.zeros((16,), jnp.float32)

    def zrow(i, carry):
        for k in range(H2 // 16):
            rows[0, i, pl.ds(16 * k, 16)] = zv
        return carry

    lax.fori_loop(0, CHUNK, zrow, 0)
    for t in range(RPS // CHUNK):
        pltpu.async_copy(rows.at[0], acc_sh.at[pl.ds(r0 + t * CHUNK, CHUNK)],
                         isem.at[0])

    @pl.when(c == 0)
    def _():
        pltpu.async_copy(edges.at[0, pl.ds(s * CPT0, CPT0)],
                         src_idx.at[pl.ds(0, CPT0)], isem.at[1])
        pltpu.async_copy(edges.at[1, pl.ds(s * CPT0, CPT0)],
                         dst_idx.at[pl.ds(0, CPT0)], isem.at[2])
        pltpu.make_async_copy(edges.at[0, pl.ds(0, CPT0)],
                              src_idx.at[pl.ds(0, CPT0)], isem.at[1]).wait()
        pltpu.make_async_copy(edges.at[1, pl.ds(0, CPT0)],
                              dst_idx.at[pl.ds(0, CPT0)], isem.at[2]).wait()

    @pl.when(c == 1)
    def _():
        pltpu.async_copy(edges.at[0, pl.ds(NCH0 + s * CPT1, CPT1)],
                         src_idx.at[pl.ds(0, CPT1)], isem.at[1])
        pltpu.async_copy(edges.at[1, pl.ds(NCH0 + s * CPT1, CPT1)],
                         dst_idx.at[pl.ds(0, CPT1)], isem.at[2])
        pltpu.make_async_copy(edges.at[0, pl.ds(0, CPT1)],
                              src_idx.at[pl.ds(0, CPT1)], isem.at[1]).wait()
        pltpu.make_async_copy(edges.at[1, pl.ds(0, CPT1)],
                              dst_idx.at[pl.ds(0, CPT1)], isem.at[2]).wait()

    for t in range(RPS // CHUNK):
        pltpu.make_async_copy(rows.at[0], acc_sh.at[pl.ds(r0, CHUNK)],
                              isem.at[0]).wait()
    for b in range(NB):
        pltpu.async_copy(table.at[src_idx.at[b]], rows.at[b], gsem.at[b])
    plsc.subcore_barrier()

    def group(g, carry):
        base = g * NB
        for b in range(NB):
            j = base + b
            pltpu.make_async_copy(table.at[src_idx.at[j]], rows.at[b],
                                  gsem.at[b]).wait()
            pltpu.async_copy(rows.at[b], acc_sh.at[dst_idx.at[j]],
                             ssem.at[b], add=True)
        for b in range(NB):
            j = base + b
            pltpu.make_async_copy(rows.at[b], acc_sh.at[dst_idx.at[j]],
                                  ssem.at[b]).wait()

            @pl.when(j + NB < cpt)
            def _():
                pltpu.async_copy(table.at[src_idx.at[j + NB]],
                                 rows.at[b], gsem.at[b])
        return carry

    lax.fori_loop(0, cpt // NB, group, 0)
    plsc.subcore_barrier()
    pltpu.sync_copy(acc_sh.at[pl.ds(r0, RPS)], acc_out.at[c, pl.ds(r0, RPS)])


def _mid_body(acc_ref, deg_ref, w_ref, b_ref, o_ref):
    i = pl.program_id(0)
    a = acc_ref[...]
    d = deg_ref[...]
    deg = jnp.maximum(d[0, :, 0] + d[1, :, 0], 1.0)
    h = (a[0] + a[1]) / deg[:, None] + b_ref[...]
    h = jnp.maximum(h, 0.0)
    blk = h.shape[0]
    row = i * blk + lax.broadcasted_iota(jnp.int32, (blk, 1), 0)
    h = jnp.where(row < N, h, 0.0)
    o_ref[...] = jnp.dot(h, w_ref[...], preferred_element_type=jnp.float32)


def _mid(acc, degw, w, b, blk=1024):
    n_in = acc.shape[2]
    n_out = w.shape[1]
    return pl.pallas_call(
        _mid_body,
        grid=(NPAD // blk,),
        in_specs=[pl.BlockSpec((NC, blk, n_in), lambda i: (0, i, 0)),
                  pl.BlockSpec((NC, blk, DEGW), lambda i: (0, i, 0)),
                  pl.BlockSpec((n_in, n_out), lambda i: (0, 0)),
                  pl.BlockSpec((1, n_in), lambda i: (0, 0))],
        out_specs=pl.BlockSpec((blk, n_out), lambda i: (i, 0)),
        out_shape=jax.ShapeDtypeStruct((NPAD, n_out), jnp.float32),
    )(acc, degw, w, b.reshape(1, n_in))


def _head_body(acc_ref, deg_ref, b_ref, wd_ref, bd_ref, o_ref):
    a = acc_ref[...]
    d = deg_ref[...]
    deg = jnp.maximum(d[0, :, 0] + d[1, :, 0], 1.0)
    h = (a[0] + a[1]) / deg[:, None] + b_ref[...]
    h = jnp.maximum(h, 0.0)
    pooled = jnp.mean(h, axis=1, keepdims=True)
    z = pooled * wd_ref[...] + bd_ref[...]
    o_ref[...] = 1.0 / (1.0 + jnp.exp(-z))


def _head(acc, degw, b, wd, bd, blk=1024):
    return pl.pallas_call(
        _head_body,
        grid=(NPAD // blk,),
        in_specs=[pl.BlockSpec((NC, blk, H2), lambda i: (0, i, 0)),
                  pl.BlockSpec((NC, blk, DEGW), lambda i: (0, i, 0)),
                  pl.BlockSpec((1, H2), lambda i: (0, 0)),
                  pl.BlockSpec((1, 1), lambda i: (0, 0)),
                  pl.BlockSpec((1, 1), lambda i: (0, 0))],
        out_specs=pl.BlockSpec((blk, 1), lambda i: (i, 0)),
        out_shape=jax.ShapeDtypeStruct((NPAD, 1), jnp.float32),
    )(acc, degw, b.reshape(1, H2), wd.reshape(1, 1), bd.reshape(1, 1))


def kernel(x, edge_index, W1, b1, W2, b2, Wd, bd):
    x = x.astype(jnp.float32)
    ei = edge_index.astype(jnp.int32)
    pad = EPAD - E
    src = jnp.concatenate([ei[0], jnp.full((pad,), N, jnp.int32)])
    dst = jnp.concatenate([ei[1], jnp.full((pad,), NPAD - 1, jnp.int32)])
    edges = jnp.stack([src, dst]).reshape(2, TCH, CHUNK)

    x_pad = jnp.pad(x, ((0, NPAD - N), (0, 0)))
    zd = jnp.zeros((RPS, DEGW), jnp.float32)
    ones = jnp.ones((CHUNK, DEGW), jnp.float32)

    y1 = _matmul(x_pad, W1)
    acc1, degw = _seg_sum1(edges, y1, zd, ones)
    y2 = _mid(acc1, degw, W2, b1)
    acc2 = _seg_sum2(edges, y2)
    out = _head(acc2, degw, b2, Wd, bd)
    return out[:N]

# --- scband reference (transcript-rebuilt; emitter-appended) ---
"""Pipeline reference for scband-link-prediction-gnn-18442589569957 (READ-ONLY COPY).

The authoritative reference and input builder live on the scoring server;
editing this copy changes nothing except your own understanding.
"""

import jax, jax.numpy as jnp
import numpy as np

N_NODES = 10000
N_EDGES = 320000
D_FEAT = 128
H1 = 64
H2 = 32


def setup_inputs(seed: int = 0) -> dict:
    key = jax.random.key(seed)
    k1, k2, k3, k4, k5, k6, k7, k8 = jax.random.split(key, 8)
    x = jax.random.normal(k1, (N_NODES, D_FEAT), dtype=jnp.float32)
    edge_index = jax.random.randint(k2, (2, N_EDGES), 0, N_NODES, dtype=jnp.int64)
    W1 = jax.random.normal(k3, (D_FEAT, H1), dtype=jnp.float32) * (1.0 / np.sqrt(D_FEAT))
    b1 = jnp.zeros((H1,), dtype=jnp.float32)
    W2 = jax.random.normal(k4, (H1, H2), dtype=jnp.float32) * (1.0 / np.sqrt(H1))
    b2 = jnp.zeros((H2,), dtype=jnp.float32)
    Wd = jax.random.normal(k5, (1, 1), dtype=jnp.float32)
    bd = jnp.zeros((1,), dtype=jnp.float32)
    return {"x": x, "edge_index": edge_index, "W1": W1, "b1": b1, "W2": W2, "b2": b2, "Wd": Wd, "bd": bd}


def _graph_conv(x, edge_index, W, b, n_nodes):
    # tfgnn.GraphConv-style: mean-aggregate neighbor features, then dense + relu
    src = edge_index[0]
    dst = edge_index[1]
    msgs = jnp.take(x, src, axis=0)
    agg = jax.ops.segment_sum(msgs, dst, num_segments=n_nodes)
    deg = jax.ops.segment_sum(jnp.ones((edge_index.shape[1],), dtype=x.dtype), dst, num_segments=n_nodes)
    agg = agg / jnp.clip(deg, 1.0)[:, None]
    return jax.nn.relu(agg @ W + b)


def reference(x, edge_index, W1, b1, W2, b2, Wd, bd):
    n_nodes = x.shape[0]
    h = _graph_conv(x, edge_index, W1, b1, n_nodes)
    h = _graph_conv(h, edge_index, W2, b2, n_nodes)
    pooled = jnp.mean(h, axis=1)  # tf.reduce_mean(x, axis=1) -> [N]
    logits = pooled[:, None] @ Wd + bd  # Dense(1)
    return jax.nn.sigmoid(logits)

if __name__ == "__main__":
    import jax
    _d = setup_inputs()
    print(jax.jit(kernel)(*tuple(_d.values())))

</pallas_src>

<mosaic_0001>
#map = affine_map<(d0, d1) -> (0, 0, 0)>
#map1 = affine_map<(d0, d1) -> (0, 0)>
module attributes {stable_mosaic.version = 14 : i64} {
  func.func @_seg_sum2(%arg0: i32, %arg1: i32, %arg2: memref<2x2560x128xi32, #tpu.memory_space<hbm>>, %arg3: memref<10240x32xf32, #tpu.memory_space<hbm>>, %arg4: memref<2x10240x32xf32, #tpu.memory_space<hbm>>, %arg5: memref<120x128xi32, #tpu.memory_space<vmem>>, %arg6: memref<120x128xi32, #tpu.memory_space<vmem>>, %arg7: memref<4x128x32xf32, #tpu.memory_space<vmem>>, %arg8: memref<10240x32xf32, #tpu.memory_space<vmem_shared>>, %arg9: memref<4x!tpu.dma_semaphore, #tpu.memory_space<semaphore_mem>>, %arg10: memref<4x!tpu.dma_semaphore, #tpu.memory_space<semaphore_mem>>, %arg11: memref<3x!tpu.dma_semaphore, #tpu.memory_space<semaphore_mem>>) attributes {dimension_semantics = [#tpu.dimension_semantics<core_parallel>, #tpu.dimension_semantics<subcore_parallel>], iteration_bounds = array<i64: 2, 16>, scalar_prefetch = 0 : i64, scratch_operands = 7 : i64, tpu.core_type = #tpu.core_type<sc_vector_subcore>, window_params = [{transform_indices = #map}, {transform_indices = #map1}, {transform_indices = #map}]} {
    %eq3A = arith.constant 0 : i32
    %eq3A_0 = arith.cmpi eq, %arg0, %eq3A : i32
    %jit3A = arith.constant 120 : i32
    %jit3A_1 = arith.constant 40 : i32
    %select_n3A = arith.select %eq3A_0, %jit3A, %jit3A_1 : i32
    %mul3A = arith.constant 640 : i32
    %mul3A_2 = arith.muli %arg1, %mul3A : i32
    %broadcast_in_dim3A = arith.constant 0.000000e+00 : f32
    %broadcast_in_dim3A_3 = vector.broadcast %broadcast_in_dim3A : f32 to vector<16xf32>
    %scan3A = arith.constant 0 : i32
    %scan3A_4 = arith.constant 0 : i32
    %scan3A_5 = arith.constant 128 : i32
    %scan3A_6 = arith.addi %scan3A_4, %scan3A_5 : i32
    %scan3A_7 = arith.constant 1 : i32
    scf.for %scan3A_272 = %scan3A_4 to %scan3A_6 step %scan3A_7  : i32 {
      %swap3A = arith.constant 0 : i32
      %swap3A_273 = arith.index_cast %swap3A : i32 to index
      %swap3A_274 = arith.index_cast %scan3A_272 : i32 to index
      %swap3A_275 = arith.constant 0 : index
      %swap3A_276 = tpu.vector_load %arg7[%swap3A_273, %swap3A_274, %swap3A_275] {strides = array<i32>} : memref<4x128x32xf32, #tpu.memory_space<vmem>>, vector<1x1x16xf32>,
      %swap3A_277 = vector.shape_cast %swap3A_276 : vector<1x1x16xf32> to vector<16xf32>
      %swap3A_278 = vector.shape_cast %broadcast_in_dim3A_3 : vector<16xf32> to vector<1x1x16xf32>
      tpu.vector_store %arg7[%swap3A_273, %swap3A_274, %swap3A_275], %swap3A_278 {strides = array<i32>} : memref<4x128x32xf32, #tpu.memory_space<vmem>>, vector<1x1x16xf32>,
      %swap3A_279 = arith.constant 0 : i32
      %swap3A_280 = arith.index_cast %swap3A_279 : i32 to index
      %swap3A_281 = arith.index_cast %scan3A_272 : i32 to index
      %swap3A_282 = arith.constant 16 : index
      %swap3A_283 = tpu.vector_load %arg7[%swap3A_280, %swap3A_281, %swap3A_282] {strides = array<i32>} : memref<4x128x32xf32, #tpu.memory_space<vmem>>, vector<1x1x16xf32>,
      %swap3A_284 = vector.shape_cast %swap3A_283 : vector<1x1x16xf32> to vector<16xf32>
      %swap3A_285 = vector.shape_cast %broadcast_in_dim3A_3 : vector<16xf32> to vector<1x1x16xf32>
      tpu.vector_store %arg7[%swap3A_280, %swap3A_281, %swap3A_282], %swap3A_285 {strides = array<i32>} : memref<4x128x32xf32, #tpu.memory_space<vmem>>, vector<1x1x16xf32>,
    }
    %scan3A_8 = arith.constant 128 : i32
    %add3A = arith.constant 0 : i32
    %add3A_9 = arith.addi %mul3A_2, %add3A : i32
    %dma_start3A = arith.constant 0 : i32
    %dma_start3A_10 = arith.constant 0 : i32
    %dma_start3A_11 = arith.constant 0 : i32
    %dma_start3A_12 = arith.constant 0 : i32
    %dma_start3A_13 = tpu.memref_slice %arg7[%dma_start3A, %dma_start3A_11, %dma_start3A_12] : memref<4x128x32xf32, #tpu.memory_space<vmem>> -> memref<1x128x32xf32, #tpu.memory_space<vmem>>
    %dma_start3A_14 = tpu.memref_squeeze %dma_start3A_13 : memref<1x128x32xf32, #tpu.memory_space<vmem>> -> memref<128x32xf32, #tpu.memory_space<vmem>>
    %dma_start3A_15 = arith.constant 0 : i32
    %dma_start3A_16 = tpu.memref_slice %arg8[%add3A_9, %dma_start3A_15] : memref<10240x32xf32, #tpu.memory_space<vmem_shared>> -> memref<128x32xf32, #tpu.memory_space<vmem_shared>>
    %dma_start3A_17 = tpu.memref_slice %arg11[%dma_start3A_10] : memref<3x!tpu.dma_semaphore, #tpu.memory_space<semaphore_mem>> -> memref<1x!tpu.dma_semaphore, #tpu.memory_space<semaphore_mem>>
    %dma_start3A_18 = tpu.memref_squeeze %dma_start3A_17 : memref<1x!tpu.dma_semaphore, #tpu.memory_space<semaphore_mem>> -> memref<!tpu.dma_semaphore, #tpu.memory_space<semaphore_mem>>
    %dma_start3A_19 = arith.constant 0 : i32
    %dma_start3A_20 = tpu.memref_slice %arg8[%add3A_9, %dma_start3A_19] : memref<10240x32xf32, #tpu.memory_space<vmem_shared>> -> memref<128x32xf32, #tpu.memory_space<vmem_shared>>
    %dma_start3A_21 = arith.constant 0 : i32
    %dma_start3A_22 = arith.constant 0 : i32
    %dma_start3A_23 = tpu.memref_slice %arg7[%dma_start3A, %dma_start3A_21, %dma_start3A_22] : memref<4x128x32xf32, #tpu.memory_space<vmem>> -> memref<1x128x32xf32, #tpu.memory_space<vmem>>
    %dma_start3A_24 = tpu.memref_squeeze %dma_start3A_23 : memref<1x128x32xf32, #tpu.memory_space<vmem>> -> memref<128x32xf32, #tpu.memory_space<vmem>>
    tpu.enqueue_dma source(%dma_start3A_24 : memref<128x32xf32, #tpu.memory_space<vmem>>) target(%dma_start3A_20 : memref<128x32xf32, #tpu.memory_space<vmem_shared>>) target_semaphore(%dma_start3A_18 : memref<!tpu.dma_semaphore, #tpu.memory_space<semaphore_mem>>)
    %add3A_25 = arith.constant 128 : i32
    %add3A_26 = arith.addi %mul3A_2, %add3A_25 : i32
    %dma_start3A_27 = arith.constant 0 : i32
    %dma_start3A_28 = arith.constant 0 : i32
    %dma_start3A_29 = arith.constant 0 : i32
    %dma_start3A_30 = arith.constant 0 : i32
    %dma_start3A_31 = tpu.memref_slice %arg7[%dma_start3A_27, %dma_start3A_29, %dma_start3A_30] : memref<4x128x32xf32, #tpu.memory_space<vmem>> -> memref<1x128x32xf32, #tpu.memory_space<vmem>>
    %dma_start3A_32 = tpu.memref_squeeze %dma_start3A_31 : memref<1x128x32xf32, #tpu.memory_space<vmem>> -> memref<128x32xf32, #tpu.memory_space<vmem>>
    %dma_start3A_33 = arith.constant 0 : i32
    %dma_start3A_34 = tpu.memref_slice %arg8[%add3A_26, %dma_start3A_33] : memref<10240x32xf32, #tpu.memory_space<vmem_shared>> -> memref<128x32xf32, #tpu.memory_space<vmem_shared>>
    %dma_start3A_35 = tpu.memref_slice %arg11[%dma_start3A_28] : memref<3x!tpu.dma_semaphore, #tpu.memory_space<semaphore_mem>> -> memref<1x!tpu.dma_semaphore, #tpu.memory_space<semaphore_mem>>
    %dma_start3A_36 = tpu.memref_squeeze %dma_start3A_35 : memref<1x!tpu.dma_semaphore, #tpu.memory_space<semaphore_mem>> -> memref<!tpu.dma_semaphore, #tpu.memory_space<semaphore_mem>>
    %dma_start3A_37 = arith.constant 0 : i32
    %dma_start3A_38 = tpu.memref_slice %arg8[%add3A_26, %dma_start3A_37] : memref<10240x32xf32, #tpu.memory_space<vmem_shared>> -> memref<128x32xf32, #tpu.memory_space<vmem_shared>>
    %dma_start3A_39 = arith.constant 0 : i32
    %dma_start3A_40 = arith.constant 0 : i32
    %dma_start3A_41 = tpu.memref_slice %arg7[%dma_start3A_27, %dma_start3A_39, %dma_start3A_40] : memref<4x128x32xf32, #tpu.memory_space<vmem>> -> memref<1x128x32xf32, #tpu.memory_space<vmem>>
    %dma_start3A_42 = tpu.memref_squeeze %dma_start3A_41 : memref<1x128x32xf32, #tpu.memory_space<vmem>> -> memref<128x32xf32, #tpu.memory_space<vmem>>
    tpu.enqueue_dma source(%dma_start3A_42 : memref<128x32xf32, #tpu.memory_space<vmem>>) target(%dma_start3A_38 : memref<128x32xf32, #tpu.memory_space<vmem_shared>>) target_semaphore(%dma_start3A_36 : memref<!tpu.dma_semaphore, #tpu.memory_space<semaphore_mem>>)
    %add3A_43 = arith.constant 256 : i32
    %add3A_44 = arith.addi %mul3A_2, %add3A_43 : i32
    %dma_start3A_45 = arith.constant 0 : i32
    %dma_start3A_46 = arith.constant 0 : i32
    %dma_start3A_47 = arith.constant 0 : i32
    %dma_start3A_48 = arith.constant 0 : i32
    %dma_start3A_49 = tpu.memref_slice %arg7[%dma_start3A_45, %dma_start3A_47, %dma_start3A_48] : memref<4x128x32xf32, #tpu.memory_space<vmem>> -> memref<1x128x32xf32, #tpu.memory_space<vmem>>
    %dma_start3A_50 = tpu.memref_squeeze %dma_start3A_49 : memref<1x128x32xf32, #tpu.memory_space<vmem>> -> memref<128x32xf32, #tpu.memory_space<vmem>>
    %dma_start3A_51 = arith.constant 0 : i32
    %dma_start3A_52 = tpu.memref_slice %arg8[%add3A_44, %dma_start3A_51] : memref<10240x32xf32, #tpu.memory_space<vmem_shared>> -> memref<128x32xf32, #tpu.memory_space<vmem_shared>>
    %dma_start3A_53 = tpu.memref_slice %arg11[%dma_start3A_46] : memref<3x!tpu.dma_semaphore, #tpu.memory_space<semaphore_mem>> -> memref<1x!tpu.dma_semaphore, #tpu.memory_space<semaphore_mem>>
    %dma_start3A_54 = tpu.memref_squeeze %dma_start3A_53 : memref<1x!tpu.dma_semaphore, #tpu.memory_space<semaphore_mem>> -> memref<!tpu.dma_semaphore, #tpu.memory_space<semaphore_mem>>
    %dma_start3A_55 = arith.constant 0 : i32
    %dma_start3A_56 = tpu.memref_slice %arg8[%add3A_44, %dma_start3A_55] : memref<10240x32xf32, #tpu.memory_space<vmem_shared>> -> memref<128x32xf32, #tpu.memory_space<vmem_shared>>
    %dma_start3A_57 = arith.constant 0 : i32
    %dma_start3A_58 = arith.constant 0 : i32
    %dma_start3A_59 = tpu.memref_slice %arg7[%dma_start3A_45, %dma_start3A_57, %dma_start3A_58] : memref<4x128x32xf32, #tpu.memory_space<vmem>> -> memref<1x128x32xf32, #tpu.memory_space<vmem>>
    %dma_start3A_60 = tpu.memref_squeeze %dma_start3A_59 : memref<1x128x32xf32, #tpu.memory_space<vmem>> -> memref<128x32xf32, #tpu.memory_space<vmem>>
    tpu.enqueue_dma source(%dma_start3A_60 : memref<128x32xf32, #tpu.memory_space<vmem>>) target(%dma_start3A_56 : memref<128x32xf32, #tpu.memory_space<vmem_shared>>) target_semaphore(%dma_start3A_54 : memref<!tpu.dma_semaphore, #tpu.memory_space<semaphore_mem>>)
    %add3A_61 = arith.constant 384 : i32
    %add3A_62 = arith.addi %mul3A_2, %add3A_61 : i32
    %dma_start3A_63 = arith.constant 0 : i32
    %dma_start3A_64 = arith.constant 0 : i32
    %dma_start3A_65 = arith.constant 0 : i32
    %dma_start3A_66 = arith.constant 0 : i32
    %dma_start3A_67 = tpu.memref_slice %arg7[%dma_start3A_63, %dma_start3A_65, %dma_start3A_66] : memref<4x128x32xf32, #tpu.memory_space<vmem>> -> memref<1x128x32xf32, #tpu.memory_space<vmem>>
    %dma_start3A_68 = tpu.memref_squeeze %dma_start3A_67 : memref<1x128x32xf32, #tpu.memory_space<vmem>> -> memref<128x32xf32, #tpu.memory_space<vmem>>
    %dma_start3A_69 = arith.constant 0 : i32
    %dma_start3A_70 = tpu.memref_slice %arg8[%add3A_62, %dma_start3A_69] : memref<10240x32xf32, #tpu.memory_space<vmem_shared>> -> memref<128x32xf32, #tpu.memory_space<vmem_shared>>
    %dma_start3A_71 = tpu.memref_slice %arg11[%dma_start3A_64] : memref<3x!tpu.dma_semaphore, #tpu.memory_space<semaphore_mem>> -> memref<1x!tpu.dma_semaphore, #tpu.memory_space<semaphore_mem>>
    %dma_start3A_72 = tpu.memref_squeeze %dma_start3A_71 : memref<1x!tpu.dma_semaphore, #tpu.memory_space<semaphore_mem>> -> memref<!tpu.dma_semaphore, #tpu.memory_space<semaphore_mem>>
    %dma_start3A_73 = arith.constant 0 : i32
    %dma_start3A_74 = tpu.memref_slice %arg8[%add3A_62, %dma_start3A_73] : memref<10240x32xf32, #tpu.memory_space<vmem_shared>> -> memref<128x32xf32, #tpu.memory_space<vmem_shared>>
    %dma_start3A_75 = arith.constant 0 : i32
    %dma_start3A_76 = arith.constant 0 : i32
    %dma_start3A_77 = tpu.memref_slice %arg7[%dma_start3A_63, %dma_start3A_75, %dma_start3A_76] : memref<4x128x32xf32, #tpu.memory_space<vmem>> -> memref<1x128x32xf32, #tpu.memory_space<vmem>>
    %dma_start3A_78 = tpu.memref_squeeze %dma_start3A_77 : memref<1x128x32xf32, #tpu.memory_space<vmem>> -> memref<128x32xf32, #tpu.memory_space<vmem>>
    tpu.enqueue_dma source(%dma_start3A_78 : memref<128x32xf32, #tpu.memory_space<vmem>>) target(%dma_start3A_74 : memref<128x32xf32, #tpu.memory_space<vmem_shared>>) target_semaphore(%dma_start3A_72 : memref<!tpu.dma_semaphore, #tpu.memory_space<semaphore_mem>>)
    %add3A_79 = arith.constant 512 : i32
    %add3A_80 = arith.addi %mul3A_2, %add3A_79 : i32
    %dma_start3A_81 = arith.constant 0 : i32
    %dma_start3A_82 = arith.constant 0 : i32
    %dma_start3A_83 = arith.constant 0 : i32
    %dma_start3A_84 = arith.constant 0 : i32
    %dma_start3A_85 = tpu.memref_slice %arg7[%dma_start3A_81, %dma_start3A_83, %dma_start3A_84] : memref<4x128x32xf32, #tpu.memory_space<vmem>> -> memref<1x128x32xf32, #tpu.memory_space<vmem>>
    %dma_start3A_86 = tpu.memref_squeeze %dma_start3A_85 : memref<1x128x32xf32, #tpu.memory_space<vmem>> -> memref<128x32xf32, #tpu.memory_space<vmem>>
    %dma_start3A_87 = arith.constant 0 : i32
    %dma_start3A_88 = tpu.memref_slice %arg8[%add3A_80, %dma_start3A_87] : memref<10240x32xf32, #tpu.memory_space<vmem_shared>> -> memref<128x32xf32, #tpu.memory_space<vmem_shared>>
    %dma_start3A_89 = tpu.memref_slice %arg11[%dma_start3A_82] : memref<3x!tpu.dma_semaphore, #tpu.memory_space<semaphore_mem>> -> memref<1x!tpu.dma_semaphore, #tpu.memory_space<semaphore_mem>>
    %dma_start3A_90 = tpu.memref_squeeze %dma_start3A_89 : memref<1x!tpu.dma_semaphore, #tpu.memory_space<semaphore_mem>> -> memref<!tpu.dma_semaphore, #tpu.memory_space<semaphore_mem>>
    %dma_start3A_91 = arith.constant 0 : i32
    %dma_start3A_92 = tpu.memref_slice %arg8[%add3A_80, %dma_start3A_91] : memref<10240x32xf32, #tpu.memory_space<vmem_shared>> -> memref<128x32xf32, #tpu.memory_space<vmem_shared>>
    %dma_start3A_93 = arith.constant 0 : i32
    %dma_start3A_94 = arith.constant 0 : i32
    %dma_start3A_95 = tpu.memref_slice %arg7[%dma_start3A_81, %dma_start3A_93, %dma_start3A_94] : memref<4x128x32xf32, #tpu.memory_space<vmem>> -> memref<1x128x32xf32, #tpu.memory_space<vmem>>
    %dma_start3A_96 = tpu.memref_squeeze %dma_start3A_95 : memref<1x128x32xf32, #tpu.memory_space<vmem>> -> memref<128x32xf32, #tpu.memory_space<vmem>>
    tpu.enqueue_dma source(%dma_start3A_96 : memref<128x32xf32, #tpu.memory_space<vmem>>) target(%dma_start3A_92 : memref<128x32xf32, #tpu.memory_space<vmem_shared>>) target_semaphore(%dma_start3A_90 : memref<!tpu.dma_semaphore, #tpu.memory_space<semaphore_mem>>)
    %eq3A_97 = arith.constant 0 : i32
    %eq3A_98 = arith.cmpi eq, %arg0, %eq3A_97 : i32
    %convert_element_type3A = arith.extui %eq3A_98 : i1 to i32
    %cond3A = arith.constant 0 : i32
    %cond3A_99 = arith.cmpi ne, %convert_element_type3A, %cond3A : i32
    scf.if %cond3A_99 {
      %mul3A_272 = arith.constant 120 : i32
      %mul3A_273 = arith.muli %arg1, %mul3A_272 : i32
      %dma_start3A_274 = arith.constant 0 : i32
      %dma_start3A_275 = arith.constant 1 : i32
      %dma_start3A_276 = arith.constant 0 : i32
      %dma_start3A_277 = arith.constant 0 : i32
      %dma_start3A_278 = tpu.memref_slice %arg5[%dma_start3A_276, %dma_start3A_277] : memref<120x128xi32, #tpu.memory_space<vmem>> -> memref<120x128xi32, #tpu.memory_space<vmem>>
      %dma_start3A_279 = arith.constant 0 : i32
      %dma_start3A_280 = tpu.memref_slice %arg2[%dma_start3A_274, %mul3A_273, %dma_start3A_279] : memref<2x2560x128xi32, #tpu.memory_space<hbm>> -> memref<1x120x128xi32, #tpu.memory_space<hbm>>
      %dma_start3A_281 = tpu.memref_squeeze %dma_start3A_280 : memref<1x120x128xi32, #tpu.memory_space<hbm>> -> memref<120x128xi32, #tpu.memory_space<hbm>>
      %dma_start3A_282 = tpu.memref_slice %arg11[%dma_start3A_275] : memref<3x!tpu.dma_semaphore, #tpu.memory_space<semaphore_mem>> -> memref<1x!tpu.dma_semaphore, #tpu.memory_space<semaphore_mem>>
      %dma_start3A_283 = tpu.memref_squeeze %dma_start3A_282 : memref<1x!tpu.dma_semaphore, #tpu.memory_space<semaphore_mem>> -> memref<!tpu.dma_semaphore, #tpu.memory_space<semaphore_mem>>
      %dma_start3A_284 = arith.constant 0 : i32
      %dma_start3A_285 = arith.constant 0 : i32
      %dma_start3A_286 = tpu.memref_slice %arg5[%dma_start3A_284, %dma_start3A_285] : memref<120x128xi32, #tpu.memory_space<vmem>> -> memref<120x128xi32, #tpu.memory_space<vmem>>
      %dma_start3A_287 = arith.constant 0 : i32
      %dma_start3A_288 = tpu.memref_slice %arg2[%dma_start3A_274, %mul3A_273, %dma_start3A_287] : memref<2x2560x128xi32, #tpu.memory_space<hbm>> -> memref<1x120x128xi32, #tpu.memory_space<hbm>>
      %dma_start3A_289 = tpu.memref_squeeze %dma_start3A_288 : memref<1x120x128xi32, #tpu.memory_space<hbm>> -> memref<120x128xi32, #tpu.memory_space<hbm>>
      tpu.enqueue_dma source(%dma_start3A_289 : memref<120x128xi32, #tpu.memory_space<hbm>>) target(%dma_start3A_286 : memref<120x128xi32, #tpu.memory_space<vmem>>) target_semaphore(%dma_start3A_283 : memref<!tpu.dma_semaphore, #tpu.memory_space<semaphore_mem>>)
      %mul3A_290 = arith.constant 120 : i32
      %mul3A_291 = arith.muli %arg1, %mul3A_290 : i32
      %dma_start3A_292 = arith.constant 1 : i32
      %dma_start3A_293 = arith.constant 2 : i32
      %dma_start3A_294 = arith.constant 0 : i32
      %dma_start3A_295 = arith.constant 0 : i32
      %dma_start3A_296 = tpu.memref_slice %arg6[%dma_start3A_294, %dma_start3A_295] : memref<120x128xi32, #tpu.memory_space<vmem>> -> memref<120x128xi32, #tpu.memory_space<vmem>>
      %dma_start3A_297 = arith.constant 0 : i32
      %dma_start3A_298 = tpu.memref_slice %arg2[%dma_start3A_292, %mul3A_291, %dma_start3A_297] : memref<2x2560x128xi32, #tpu.memory_space<hbm>> -> memref<1x120x128xi32, #tpu.memory_space<hbm>>
      %dma_start3A_299 = tpu.memref_squeeze %dma_start3A_298 : memref<1x120x128xi32, #tpu.memory_space<hbm>> -> memref<120x128xi32, #tpu.memory_space<hbm>>
      %dma_start3A_300 = tpu.memref_slice %arg11[%dma_start3A_293] : memref<3x!tpu.dma_semaphore, #tpu.memory_space<semaphore_mem>> -> memref<1x!tpu.dma_semaphore, #tpu.memory_space<semaphore_mem>>
      %dma_start3A_301 = tpu.memref_squeeze %dma_start3A_300 : memref<1x!tpu.dma_semaphore, #tpu.memory_space<semaphore_mem>> -> memref<!tpu.dma_semaphore, #tpu.memory_space<semaphore_mem>>
      %dma_start3A_302 = arith.constant 0 : i32
      %dma_start3A_303 = arith.constant 0 : i32
      %dma_start3A_304 = tpu.memref_slice %arg6[%dma_start3A_302, %dma_start3A_303] : memref<120x128xi32, #tpu.memory_space<vmem>> -> memref<120x128xi32, #tpu.memory_space<vmem>>
      %dma_start3A_305 = arith.constant 0 : i32
      %dma_start3A_306 = tpu.memref_slice %arg2[%dma_start3A_292, %mul3A_291, %dma_start3A_305] : memref<2x2560x128xi32, #tpu.memory_space<hbm>> -> memref<1x120x128xi32, #tpu.memory_space<hbm>>
      %dma_start3A_307 = tpu.memref_squeeze %dma_start3A_306 : memref<1x120x128xi32, #tpu.memory_space<hbm>> -> memref<120x128xi32, #tpu.memory_space<hbm>>
      tpu.enqueue_dma source(%dma_start3A_307 : memref<120x128xi32, #tpu.memory_space<hbm>>) target(%dma_start3A_304 : memref<120x128xi32, #tpu.memory_space<vmem>>) target_semaphore(%dma_start3A_301 : memref<!tpu.dma_semaphore, #tpu.memory_space<semaphore_mem>>)
      %dma_wait3A_308 = arith.constant 0 : i32
      %dma_wait3A_309 = arith.constant 1 : i32
      %dma_wait3A_310 = arith.constant 0 : i32
      %dma_wait3A_311 = arith.constant 0 : i32
      %dma_wait3A_312 = tpu.memref_slice %arg5[%dma_wait3A_310, %dma_wait3A_311] : memref<120x128xi32, #tpu.memory_space<vmem>> -> memref<120x128xi32, #tpu.memory_space<vmem>>
      %dma_wait3A_313 = arith.constant 0 : i32
      %dma_wait3A_314 = arith.constant 0 : i32
      %dma_wait3A_315 = tpu.memref_slice %arg2[%dma_wait3A_308, %dma_wait3A_313, %dma_wait3A_314] : memref<2x2560x128xi32, #tpu.memory_space<hbm>> -> memref<1x120x128xi32, #tpu.memory_space<hbm>>
      %dma_wait3A_316 = tpu.memref_squeeze %dma_wait3A_315 : memref<1x120x128xi32, #tpu.memory_space<hbm>> -> memref<120x128xi32, #tpu.memory_space<hbm>>
      %dma_wait3A_317 = tpu.memref_slice %arg11[%dma_wait3A_309] : memref<3x!tpu.dma_semaphore, #tpu.memory_space<semaphore_mem>> -> memref<1x!tpu.dma_semaphore, #tpu.memory_space<semaphore_mem>>
      %dma_wait3A_318 = tpu.memref_squeeze %dma_wait3A_317 : memref<1x!tpu.dma_semaphore, #tpu.memory_space<semaphore_mem>> -> memref<!tpu.dma_semaphore, #tpu.memory_space<semaphore_mem>>
      %dma_wait3A_319 = arith.constant 0 : i32
      %dma_wait3A_320 = arith.constant 0 : i32
      %dma_wait3A_321 = tpu.memref_slice %arg5[%dma_wait3A_319, %dma_wait3A_320] : memref<120x128xi32, #tpu.memory_space<vmem>> -> memref<120x128xi32, #tpu.memory_space<vmem>>
      %dma_wait3A_322 = arith.constant 0 : i32
      %dma_wait3A_323 = arith.constant 0 : i32
      %dma_wait3A_324 = tpu.memref_slice %arg2[%dma_wait3A_308, %dma_wait3A_322, %dma_wait3A_323] : memref<2x2560x128xi32, #tpu.memory_space<hbm>> -> memref<1x120x128xi32, #tpu.memory_space<hbm>>
      %dma_wait3A_325 = tpu.memref_squeeze %dma_wait3A_324 : memref<1x120x128xi32, #tpu.memory_space<hbm>> -> memref<120x128xi32, #tpu.memory_space<hbm>>
      tpu.wait_dma2 semaphore(%dma_wait3A_318 : memref<!tpu.dma_semaphore, #tpu.memory_space<semaphore_mem>>) src(%dma_wait3A_325 : memref<120x128xi32, #tpu.memory_space<hbm>>) dst(%dma_wait3A_321 : memref<120x128xi32, #tpu.memory_space<vmem>>)
      %dma_wait3A_326 = arith.constant 1 : i32
      %dma_wait3A_327 = arith.constant 2 : i32
      %dma_wait3A_328 = arith.constant 0 : i32
      %dma_wait3A_329 = arith.constant 0 : i32
      %dma_wait3A_330 = tpu.memref_slice %arg6[%dma_wait3A_328, %dma_wait3A_329] : memref<120x128xi32, #tpu.memory_space<vmem>> -> memref<120x128xi32, #tpu.memory_space<vmem>>
      %dma_wait3A_331 = arith.constant 0 : i32
      %dma_wait3A_332 = arith.constant 0 : i32
      %dma_wait3A_333 = tpu.memref_slice %arg2[%dma_wait3A_326, %dma_wait3A_331, %dma_wait3A_332] : memref<2x2560x128xi32, #tpu.memory_space<hbm>> -> memref<1x120x128xi32, #tpu.memory_space<hbm>>
      %dma_wait3A_334 = tpu.memref_squeeze %dma_wait3A_333 : memref<1x120x128xi32, #tpu.memory_space<hbm>> -> memref<120x128xi32, #tpu.memory_space<hbm>>
      %dma_wait3A_335 = tpu.memref_slice %arg11[%dma_wait3A_327] : memref<3x!tpu.dma_semaphore, #tpu.memory_space<semaphore_mem>> -> memref<1x!tpu.dma_semaphore, #tpu.memory_space<semaphore_mem>>
      %dma_wait3A_336 = tpu.memref_squeeze %dma_wait3A_335 : memref<1x!tpu.dma_semaphore, #tpu.memory_space<semaphore_mem>> -> memref<!tpu.dma_semaphore, #tpu.memory_space<semaphore_mem>>
      %dma_wait3A_337 = arith.constant 0 : i32
      %dma_wait3A_338 = arith.constant 0 : i32
      %dma_wait3A_339 = tpu.memref_slice %arg6[%dma_wait3A_337, %dma_wait3A_338] : memref<120x128xi32, #tpu.memory_space<vmem>> -> memref<120x128xi32, #tpu.memory_space<vmem>>
      %dma_wait3A_340 = arith.constant 0 : i32
      %dma_wait3A_341 = arith.constant 0 : i32
      %dma_wait3A_342 = tpu.memref_slice %arg2[%dma_wait3A_326, %dma_wait3A_340, %dma_wait3A_341] : memref<2x2560x128xi32, #tpu.memory_space<hbm>> -> memref<1x120x128xi32, #tpu.memory_space<hbm>>
      %dma_wait3A_343 = tpu.memref_squeeze %dma_wait3A_342 : memref<1x120x128xi32, #tpu.memory_space<hbm>> -> memref<120x128xi32, #tpu.memory_space<hbm>>
      tpu.wait_dma2 semaphore(%dma_wait3A_336 : memref<!tpu.dma_semaphore, #tpu.memory_space<semaphore_mem>>) src(%dma_wait3A_343 : memref<120x128xi32, #tpu.memory_space<hbm>>) dst(%dma_wait3A_339 : memref<120x128xi32, #tpu.memory_space<vmem>>)
    } else {
    }
    %eq3A_100 = arith.constant 1 : i32
    %eq3A_101 = arith.cmpi eq, %arg0, %eq3A_100 : i32
    %convert_element_type3A_102 = arith.extui %eq3A_101 : i1 to i32
    %cond3A_103 = arith.constant 0 : i32
    %cond3A_104 = arith.cmpi ne, %convert_element_type3A_102, %cond3A_103 : i32
    scf.if %cond3A_104 {
      %mul3A_272 = arith.constant 40 : i32
      %mul3A_273 = arith.muli %arg1, %mul3A_272 : i32
      %add3A_274 = arith.constant 1920 : i32
      %add3A_275 = arith.addi %add3A_274, %mul3A_273 : i32
      %dma_start3A_276 = arith.constant 0 : i32
      %dma_start3A_277 = arith.constant 1 : i32
      %dma_start3A_278 = arith.constant 0 : i32
      %dma_start3A_279 = arith.constant 0 : i32
      %dma_start3A_280 = tpu.memref_slice %arg5[%dma_start3A_278, %dma_start3A_279] : memref<120x128xi32, #tpu.memory_space<vmem>> -> memref<40x128xi32, #tpu.memory_space<vmem>>
      %dma_start3A_281 = arith.constant 0 : i32
      %dma_start3A_282 = tpu.memref_slice %arg2[%dma_start3A_276, %add3A_275, %dma_start3A_281] : memref<2x2560x128xi32, #tpu.memory_space<hbm>> -> memref<1x40x128xi32, #tpu.memory_space<hbm>>
      %dma_start3A_283 = tpu.memref_squeeze %dma_start3A_282 : memref<1x40x128xi32, #tpu.memory_space<hbm>> -> memref<40x128xi32, #tpu.memory_space<hbm>>
      %dma_start3A_284 = tpu.memref_slice %arg11[%dma_start3A_277] : memref<3x!tpu.dma_semaphore, #tpu.memory_space<semaphore_mem>> -> memref<1x!tpu.dma_semaphore, #tpu.memory_space<semaphore_mem>>
      %dma_start3A_285 = tpu.memref_squeeze %dma_start3A_284 : memref<1x!tpu.dma_semaphore, #tpu.memory_space<semaphore_mem>> -> memref<!tpu.dma_semaphore, #tpu.memory_space<semaphore_mem>>
      %dma_start3A_286 = arith.constant 0 : i32
      %dma_start3A_287 = arith.constant 0 : i32
      %dma_start3A_288 = tpu.memref_slice %arg5[%dma_start3A_286, %dma_start3A_287] : memref<120x128xi32, #tpu.memory_space<vmem>> -> memref<40x128xi32, #tpu.memory_space<vmem>>
      %dma_start3A_289 = arith.constant 0 : i32
      %dma_start3A_290 = tpu.memref_slice %arg2[%dma_start3A_276, %add3A_275, %dma_start3A_289] : memref<2x2560x128xi32, #tpu.memory_space<hbm>> -> memref<1x40x128xi32, #tpu.memory_space<hbm>>
      %dma_start3A_291 = tpu.memref_squeeze %dma_start3A_290 : memref<1x40x128xi32, #tpu.memory_space<hbm>> -> memref<40x128xi32, #tpu.memory_space<hbm>>
      tpu.enqueue_dma source(%dma_start3A_291 : memref<40x128xi32, #tpu.memory_space<hbm>>) target(%dma_start3A_288 : memref<40x128xi32, #tpu.memory_space<vmem>>) target_semaphore(%dma_start3A_285 : memref<!tpu.dma_semaphore, #tpu.memory_space<semaphore_mem>>)
      %mul3A_292 = arith.constant 40 : i32
      %mul3A_293 = arith.muli %arg1, %mul3A_292 : i32
      %add3A_294 = arith.constant 1920 : i32
      %add3A_295 = arith.addi %add3A_294, %mul3A_293 : i32
      %dma_start3A_296 = arith.constant 1 : i32
      %dma_start3A_297 = arith.constant 2 : i32
      %dma_start3A_298 = arith.constant 0 : i32
      %dma_start3A_299 = arith.constant 0 : i32
      %dma_start3A_300 = tpu.memref_slice %arg6[%dma_start3A_298, %dma_start3A_299] : memref<120x128xi32, #tpu.memory_space<vmem>> -> memref<40x128xi32, #tpu.memory_space<vmem>>
      %dma_start3A_301 = arith.constant 0 : i32
      %dma_start3A_302 = tpu.memref_slice %arg2[%dma_start3A_296, %add3A_295, %dma_start3A_301] : memref<2x2560x128xi32, #tpu.memory_space<hbm>> -> memref<1x40x128xi32, #tpu.memory_space<hbm>>
      %dma_start3A_303 = tpu.memref_squeeze %dma_start3A_302 : memref<1x40x128xi32, #tpu.memory_space<hbm>> -> memref<40x128xi32, #tpu.memory_space<hbm>>
      %dma_start3A_304 = tpu.memref_slice %arg11[%dma_start3A_297] : memref<3x!tpu.dma_semaphore, #tpu.memory_space<semaphore_mem>> -> memref<1x!tpu.dma_semaphore, #tpu.memory_space<semaphore_mem>>
      %dma_start3A_305 = tpu.memref_squeeze %dma_start3A_304 : memref<1x!tpu.dma_semaphore, #tpu.memory_space<semaphore_mem>> -> memref<!tpu.dma_semaphore, #tpu.memory_space<semaphore_mem>>
      %dma_start3A_306 = arith.constant 0 : i32
      %dma_start3A_307 = arith.constant 0 : i32
      %dma_start3A_308 = tpu.memref_slice %arg6[%dma_start3A_306, %dma_start3A_307] : memref<120x128xi32, #tpu.memory_space<vmem>> -> memref<40x128xi32, #tpu.memory_space<vmem>>
      %dma_start3A_309 = arith.constant 0 : i32
      %dma_start3A_310 = tpu.memref_slice %arg2[%dma_start3A_296, %add3A_295, %dma_start3A_309] : memref<2x2560x128xi32, #tpu.memory_space<hbm>> -> memref<1x40x128xi32, #tpu.memory_space<hbm>>
      %dma_start3A_311 = tpu.memref_squeeze %dma_start3A_310 : memref<1x40x128xi32, #tpu.memory_space<hbm>> -> memref<40x128xi32, #tpu.memory_space<hbm>>
      tpu.enqueue_dma source(%dma_start3A_311 : memref<40x128xi32, #tpu.memory_space<hbm>>) target(%dma_start3A_308 : memref<40x128xi32, #tpu.memory_space<vmem>>) target_semaphore(%dma_start3A_305 : memref<!tpu.dma_semaphore, #tpu.memory_space<semaphore_mem>>)
      %dma_wait3A_312 = arith.constant 0 : i32
      %dma_wait3A_313 = arith.constant 1 : i32
      %dma_wait3A_314 = arith.constant 0 : i32
      %dma_wait3A_315 = arith.constant 0 : i32
      %dma_wait3A_316 = tpu.memref_slice %arg5[%dma_wait3A_314, %dma_wait3A_315] : memref<120x128xi32, #tpu.memory_space<vmem>> -> memref<40x128xi32, #tpu.memory_space<vmem>>
      %dma_wait3A_317 = arith.constant 0 : i32
      %dma_wait3A_318 = arith.constant 0 : i32
      %dma_wait3A_319 = tpu.memref_slice %arg2[%dma_wait3A_312, %dma_wait3A_317, %dma_wait3A_318] : memref<2x2560x128xi32, #tpu.memory_space<hbm>> -> memref<1x40x128xi32, #tpu.memory_space<hbm>>
      %dma_wait3A_320 = tpu.memref_squeeze %dma_wait3A_319 : memref<1x40x128xi32, #tpu.memory_space<hbm>> -> memref<40x128xi32, #tpu.memory_space<hbm>>
      %dma_wait3A_321 = tpu.memref_slice %arg11[%dma_wait3A_313] : memref<3x!tpu.dma_semaphore, #tpu.memory_space<semaphore_mem>> -> memref<1x!tpu.dma_semaphore, #tpu.memory_space<semaphore_mem>>
      %dma_wait3A_322 = tpu.memref_squeeze %dma_wait3A_321 : memref<1x!tpu.dma_semaphore, #tpu.memory_space<semaphore_mem>> -> memref<!tpu.dma_semaphore, #tpu.memory_space<semaphore_mem>>
      %dma_wait3A_323 = arith.constant 0 : i32
      %dma_wait3A_324 = arith.constant 0 : i32
      %dma_wait3A_325 = tpu.memref_slice %arg5[%dma_wait3A_323, %dma_wait3A_324] : memref<120x128xi32, #tpu.memory_space<vmem>> -> memref<40x128xi32, #tpu.memory_space<vmem>>
      %dma_wait3A_326 = arith.constant 0 : i32
      %dma_wait3A_327 = arith.constant 0 : i32
      %dma_wait3A_328 = tpu.memref_slice %arg2[%dma_wait3A_312, %dma_wait3A_326, %dma_wait3A_327] : memref<2x2560x128xi32, #tpu.memory_space<hbm>> -> memref<1x40x128xi32, #tpu.memory_space<hbm>>
      %dma_wait3A_329 = tpu.memref_squeeze %dma_wait3A_328 : memref<1x40x128xi32, #tpu.memory_space<hbm>> -> memref<40x128xi32, #tpu.memory_space<hbm>>
      tpu.wait_dma2 semaphore(%dma_wait3A_322 : memref<!tpu.dma_semaphore, #tpu.memory_space<semaphore_mem>>) src(%dma_wait3A_329 : memref<40x128xi32, #tpu.memory_space<hbm>>) dst(%dma_wait3A_325 : memref<40x128xi32, #tpu.memory_space<vmem>>)
      %dma_wait3A_330 = arith.constant 1 : i32
      %dma_wait3A_331 = arith.constant 2 : i32
      %dma_wait3A_332 = arith.constant 0 : i32
      %dma_wait3A_333 = arith.constant 0 : i32
      %dma_wait3A_334 = tpu.memref_slice %arg6[%dma_wait3A_332, %dma_wait3A_333] : memref<120x128xi32, #tpu.memory_space<vmem>> -> memref<40x128xi32, #tpu.memory_space<vmem>>
      %dma_wait3A_335 = arith.constant 0 : i32
      %dma_wait3A_336 = arith.constant 0 : i32
      %dma_wait3A_337 = tpu.memref_slice %arg2[%dma_wait3A_330, %dma_wait3A_335, %dma_wait3A_336] : memref<2x2560x128xi32, #tpu.memory_space<hbm>> -> memref<1x40x128xi32, #tpu.memory_space<hbm>>
      %dma_wait3A_338 = tpu.memref_squeeze %dma_wait3A_337 : memref<1x40x128xi32, #tpu.memory_space<hbm>> -> memref<40x128xi32, #tpu.memory_space<hbm>>
      %dma_wait3A_339 = tpu.memref_slice %arg11[%dma_wait3A_331] : memref<3x!tpu.dma_semaphore, #tpu.memory_space<semaphore_mem>> -> memref<1x!tpu.dma_semaphore, #tpu.memory_space<semaphore_mem>>
      %dma_wait3A_340 = tpu.memref_squeeze %dma_wait3A_339 : memref<1x!tpu.dma_semaphore, #tpu.memory_space<semaphore_mem>> -> memref<!tpu.dma_semaphore, #tpu.memory_space<semaphore_mem>>
      %dma_wait3A_341 = arith.constant 0 : i32
      %dma_wait3A_342 = arith.constant 0 : i32
      %dma_wait3A_343 = tpu.memref_slice %arg6[%dma_wait3A_341, %dma_wait3A_342] : memref<120x128xi32, #tpu.memory_space<vmem>> -> memref<40x128xi32, #tpu.memory_space<vmem>>
      %dma_wait3A_344 = arith.constant 0 : i32
      %dma_wait3A_345 = arith.constant 0 : i32
      %dma_wait3A_346 = tpu.memref_slice %arg2[%dma_wait3A_330, %dma_wait3A_344, %dma_wait3A_345] : memref<2x2560x128xi32, #tpu.memory_space<hbm>> -> memref<1x40x128xi32, #tpu.memory_space<hbm>>
      %dma_wait3A_347 = tpu.memref_squeeze %dma_wait3A_346 : memref<1x40x128xi32, #tpu.memory_space<hbm>> -> memref<40x128xi32, #tpu.memory_space<hbm>>
      tpu.wait_dma2 semaphore(%dma_wait3A_340 : memref<!tpu.dma_semaphore, #tpu.memory_space<semaphore_mem>>) src(%dma_wait3A_347 : memref<40x128xi32, #tpu.memory_space<hbm>>) dst(%dma_wait3A_343 : memref<40x128xi32, #tpu.memory_space<vmem>>)
    } else {
    }
    %dma_wait3A = arith.constant 0 : i32
    %dma_wait3A_105 = arith.constant 0 : i32
    %dma_wait3A_106 = arith.constant 0 : i32
    %dma_wait3A_107 = arith.constant 0 : i32
    %dma_wait3A_108 = tpu.memref_slice %arg7[%dma_wait3A, %dma_wait3A_106, %dma_wait3A_107] : memref<4x128x32xf32, #tpu.memory_space<vmem>> -> memref<1x128x32xf32, #tpu.memory_space<vmem>>
    %dma_wait3A_109 = tpu.memref_squeeze %dma_wait3A_108 : memref<1x128x32xf32, #tpu.memory_space<vmem>> -> memref<128x32xf32, #tpu.memory_space<vmem>>
    %dma_wait3A_110 = arith.constant 0 : i32
    %dma_wait3A_111 = tpu.memref_slice %arg8[%mul3A_2, %dma_wait3A_110] : memref<10240x32xf32, #tpu.memory_space<vmem_shared>> -> memref<128x32xf32, #tpu.memory_space<vmem_shared>>
    %dma_wait3A_112 = tpu.memref_slice %arg11[%dma_wait3A_105] : memref<3x!tpu.dma_semaphore, #tpu.memory_space<semaphore_mem>> -> memref<1x!tpu.dma_semaphore, #tpu.memory_space<semaphore_mem>>
    %dma_wait3A_113 = tpu.memref_squeeze %dma_wait3A_112 : memref<1x!tpu.dma_semaphore, #tpu.memory_space<semaphore_mem>> -> memref<!tpu.dma_semaphore, #tpu.memory_space<semaphore_mem>>
    %dma_wait3A_114 = arith.constant 0 : i32
    %dma_wait3A_115 = tpu.memref_slice %arg8[%mul3A_2, %dma_wait3A_114] : memref<10240x32xf32, #tpu.memory_space<vmem_shared>> -> memref<128x32xf32, #tpu.memory_space<vmem_shared>>
    %dma_wait3A_116 = arith.constant 0 : i32
    %dma_wait3A_117 = arith.constant 0 : i32
    %dma_wait3A_118 = tpu.memref_slice %arg7[%dma_wait3A, %dma_wait3A_116, %dma_wait3A_117] : memref<4x128x32xf32, #tpu.memory_space<vmem>> -> memref<1x128x32xf32, #tpu.memory_space<vmem>>
    %dma_wait3A_119 = tpu.memref_squeeze %dma_wait3A_118 : memref<1x128x32xf32, #tpu.memory_space<vmem>> -> memref<128x32xf32, #tpu.memory_space<vmem>>
    tpu.wait_dma2 semaphore(%dma_wait3A_113 : memref<!tpu.dma_semaphore, #tpu.memory_space<semaphore_mem>>) src(%dma_wait3A_119 : memref<128x32xf32, #tpu.memory_space<vmem>>) dst(%dma_wait3A_115 : memref<128x32xf32, #tpu.memory_space<vmem_shared>>)
    %dma_wait3A_120 = arith.constant 0 : i32
    %dma_wait3A_121 = arith.constant 0 : i32
    %dma_wait3A_122 = arith.constant 0 : i32
    %dma_wait3A_123 = arith.constant 0 : i32
    %dma_wait3A_124 = tpu.memref_slice %arg7[%dma_wait3A_120, %dma_wait3A_122, %dma_wait3A_123] : memref<4x128x32xf32, #tpu.memory_space<vmem>> -> memref<1x128x32xf32, #tpu.memory_space<vmem>>
    %dma_wait3A_125 = tpu.memref_squeeze %dma_wait3A_124 : memref<1x128x32xf32, #tpu.memory_space<vmem>> -> memref<128x32xf32, #tpu.memory_space<vmem>>
    %dma_wait3A_126 = arith.constant 0 : i32
    %dma_wait3A_127 = tpu.memref_slice %arg8[%mul3A_2, %dma_wait3A_126] : memref<10240x32xf32, #tpu.memory_space<vmem_shared>> -> memref<128x32xf32, #tpu.memory_space<vmem_shared>>
    %dma_wait3A_128 = tpu.memref_slice %arg11[%dma_wait3A_121] : memref<3x!tpu.dma_semaphore, #tpu.memory_space<semaphore_mem>> -> memref<1x!tpu.dma_semaphore, #tpu.memory_space<semaphore_mem>>
    %dma_wait3A_129 = tpu.memref_squeeze %dma_wait3A_128 : memref<1x!tpu.dma_semaphore, #tpu.memory_space<semaphore_mem>> -> memref<!tpu.dma_semaphore, #tpu.memory_space<semaphore_mem>>
    %dma_wait3A_130 = arith.constant 0 : i32
    %dma_wait3A_131 = tpu.memref_slice %arg8[%mul3A_2, %dma_wait3A_130] : memref<10240x32xf32, #tpu.memory_space<vmem_shared>> -> memref<128x32xf32, #tpu.memory_space<vmem_shared>>
    %dma_wait3A_132 = arith.constant 0 : i32
    %dma_wait3A_133 = arith.constant 0 : i32
    %dma_wait3A_134 = tpu.memref_slice %arg7[%dma_wait3A_120, %dma_wait3A_132, %dma_wait3A_133] : memref<4x128x32xf32, #tpu.memory_space<vmem>> -> memref<1x128x32xf32, #tpu.memory_space<vmem>>
    %dma_wait3A_135 = tpu.memref_squeeze %dma_wait3A_134 : memref<1x128x32xf32, #tpu.memory_space<vmem>> -> memref<128x32xf32, #tpu.memory_space<vmem>>
    tpu.wait_dma2 semaphore(%dma_wait3A_129 : memref<!tpu.dma_semaphore, #tpu.memory_space<semaphore_mem>>) src(%dma_wait3A_135 : memref<128x32xf32, #tpu.memory_space<vmem>>) dst(%dma_wait3A_131 : memref<128x32xf32, #tpu.memory_space<vmem_shared>>)
    %dma_wait3A_136 = arith.constant 0 : i32
    %dma_wait3A_137 = arith.constant 0 : i32
    %dma_wait3A_138 = arith.constant 0 : i32
    %dma_wait3A_139 = arith.constant 0 : i32
    %dma_wait3A_140 = tpu.memref_slice %arg7[%dma_wait3A_136, %dma_wait3A_138, %dma_wait3A_139] : memref<4x128x32xf32, #tpu.memory_space<vmem>> -> memref<1x128x32xf32, #tpu.memory_space<vmem>>
    %dma_wait3A_141 = tpu.memref_squeeze %dma_wait3A_140 : memref<1x128x32xf32, #tpu.memory_space<vmem>> -> memref<128x32xf32, #tpu.memory_space<vmem>>
    %dma_wait3A_142 = arith.constant 0 : i32
    %dma_wait3A_143 = tpu.memref_slice %arg8[%mul3A_2, %dma_wait3A_142] : memref<10240x32xf32, #tpu.memory_space<vmem_shared>> -> memref<128x32xf32, #tpu.memory_space<vmem_shared>>
    %dma_wait3A_144 = tpu.memref_slice %arg11[%dma_wait3A_137] : memref<3x!tpu.dma_semaphore, #tpu.memory_space<semaphore_mem>> -> memref<1x!tpu.dma_semaphore, #tpu.memory_space<semaphore_mem>>
    %dma_wait3A_145 = tpu.memref_squeeze %dma_wait3A_144 : memref<1x!tpu.dma_semaphore, #tpu.memory_space<semaphore_mem>> -> memref<!tpu.dma_semaphore, #tpu.memory_space<semaphore_mem>>
    %dma_wait3A_146 = arith.constant 0 : i32
    %dma_wait3A_147 = tpu.memref_slice %arg8[%mul3A_2, %dma_wait3A_146] : memref<10240x32xf32, #tpu.memory_space<vmem_shared>> -> memref<128x32xf32, #tpu.memory_space<vmem_shared>>
    %dma_wait3A_148 = arith.constant 0 : i32
    %dma_wait3A_149 = arith.constant 0 : i32
    %dma_wait3A_150 = tpu.memref_slice %arg7[%dma_wait3A_136, %dma_wait3A_148, %dma_wait3A_149] : memref<4x128x32xf32, #tpu.memory_space<vmem>> -> memref<1x128x32xf32, #tpu.memory_space<vmem>>
    %dma_wait3A_151 = tpu.memref_squeeze %dma_wait3A_150 : memref<1x128x32xf32, #tpu.memory_space<vmem>> -> memref<128x32xf32, #tpu.memory_space<vmem>>
    tpu.wait_dma2 semaphore(%dma_wait3A_145 : memref<!tpu.dma_semaphore, #tpu.memory_space<semaphore_mem>>) src(%dma_wait3A_151 : memref<128x32xf32, #tpu.memory_space<vmem>>) dst(%dma_wait3A_147 : memref<128x32xf32, #tpu.memory_space<vmem_shared>>)
    %dma_wait3A_152 = arith.constant 0 : i32
    %dma_wait3A_153 = arith.constant 0 : i32
    %dma_wait3A_154 = arith.constant 0 : i32
    %dma_wait3A_155 = arith.constant 0 : i32
    %dma_wait3A_156 = tpu.memref_slice %arg7[%dma_wait3A_152, %dma_wait3A_154, %dma_wait3A_155] : memref<4x128x32xf32, #tpu.memory_space<vmem>> -> memref<1x128x32xf32, #tpu.memory_space<vmem>>
    %dma_wait3A_157 = tpu.memref_squeeze %dma_wait3A_156 : memref<1x128x32xf32, #tpu.memory_space<vmem>> -> memref<128x32xf32, #tpu.memory_space<vmem>>
    %dma_wait3A_158 = arith.constant 0 : i32
    %dma_wait3A_159 = tpu.memref_slice %arg8[%mul3A_2, %dma_wait3A_158] : memref<10240x32xf32, #tpu.memory_space<vmem_shared>> -> memref<128x32xf32, #tpu.memory_space<vmem_shared>>
    %dma_wait3A_160 = tpu.memref_slice %arg11[%dma_wait3A_153] : memref<3x!tpu.dma_semaphore, #tpu.memory_space<semaphore_mem>> -> memref<1x!tpu.dma_semaphore, #tpu.memory_space<semaphore_mem>>
    %dma_wait3A_161 = tpu.memref_squeeze %dma_wait3A_160 : memref<1x!tpu.dma_semaphore, #tpu.memory_space<semaphore_mem>> -> memref<!tpu.dma_semaphore, #tpu.memory_space<semaphore_mem>>
    %dma_wait3A_162 = arith.constant 0 : i32
    %dma_wait3A_163 = tpu.memref_slice %arg8[%mul3A_2, %dma_wait3A_162] : memref<10240x32xf32, #tpu.memory_space<vmem_shared>> -> memref<128x32xf32, #tpu.memory_space<vmem_shared>>
    %dma_wait3A_164 = arith.constant 0 : i32
    %dma_wait3A_165 = arith.constant 0 : i32
    %dma_wait3A_166 = tpu.memref_slice %arg7[%dma_wait3A_152, %dma_wait3A_164, %dma_wait3A_165] : memref<4x128x32xf32, #tpu.memory_space<vmem>> -> memref<1x128x32xf32, #tpu.memory_space<vmem>>
    %dma_wait3A_167 = tpu.memref_squeeze %dma_wait3A_166 : memref<1x128x32xf32, #tpu.memory_space<vmem>> -> memref<128x32xf32, #tpu.memory_space<vmem>>
    tpu.wait_dma2 semaphore(%dma_wait3A_161 : memref<!tpu.dma_semaphore, #tpu.memory_space<semaphore_mem>>) src(%dma_wait3A_167 : memref<128x32xf32, #tpu.memory_space<vmem>>) dst(%dma_wait3A_163 : memref<128x32xf32, #tpu.memory_space<vmem_shared>>)
    %dma_wait3A_168 = arith.constant 0 : i32
    %dma_wait3A_169 = arith.constant 0 : i32
    %dma_wait3A_170 = arith.constant 0 : i32
    %dma_wait3A_171 = arith.constant 0 : i32
    %dma_wait3A_172 = tpu.memref_slice %arg7[%dma_wait3A_168, %dma_wait3A_170, %dma_wait3A_171] : memref<4x128x32xf32, #tpu.memory_space<vmem>> -> memref<1x128x32xf32, #tpu.memory_space<vmem>>
    %dma_wait3A_173 = tpu.memref_squeeze %dma_wait3A_172 : memref<1x128x32xf32, #tpu.memory_space<vmem>> -> memref<128x32xf32, #tpu.memory_space<vmem>>
    %dma_wait3A_174 = arith.constant 0 : i32
    %dma_wait3A_175 = tpu.memref_slice %arg8[%mul3A_2, %dma_wait3A_174] : memref<10240x32xf32, #tpu.memory_space<vmem_shared>> -> memref<128x32xf32, #tpu.memory_space<vmem_shared>>
    %dma_wait3A_176 = tpu.memref_slice %arg11[%dma_wait3A_169] : memref<3x!tpu.dma_semaphore, #tpu.memory_space<semaphore_mem>> -> memref<1x!tpu.dma_semaphore, #tpu.memory_space<semaphore_mem>>
    %dma_wait3A_177 = tpu.memref_squeeze %dma_wait3A_176 : memref<1x!tpu.dma_semaphore, #tpu.memory_space<semaphore_mem>> -> memref<!tpu.dma_semaphore, #tpu.memory_space<semaphore_mem>>
    %dma_wait3A_178 = arith.constant 0 : i32
    %dma_wait3A_179 = tpu.memref_slice %arg8[%mul3A_2, %dma_wait3A_178] : memref<10240x32xf32, #tpu.memory_space<vmem_shared>> -> memref<128x32xf32, #tpu.memory_space<vmem_shared>>
    %dma_wait3A_180 = arith.constant 0 : i32
    %dma_wait3A_181 = arith.constant 0 : i32
    %dma_wait3A_182 = tpu.memref_slice %arg7[%dma_wait3A_168, %dma_wait3A_180, %dma_wait3A_181] : memref<4x128x32xf32, #tpu.memory_space<vmem>> -> memref<1x128x32xf32, #tpu.memory_space<vmem>>
    %dma_wait3A_183 = tpu.memref_squeeze %dma_wait3A_182 : memref<1x128x32xf32, #tpu.memory_space<vmem>> -> memref<128x32xf32, #tpu.memory_space<vmem>>
    tpu.wait_dma2 semaphore(%dma_wait3A_177 : memref<!tpu.dma_semaphore, #tpu.memory_space<semaphore_mem>>) src(%dma_wait3A_183 : memref<128x32xf32, #tpu.memory_space<vmem>>) dst(%dma_wait3A_179 : memref<128x32xf32, #tpu.memory_space<vmem_shared>>)
    %dma_start3A_184 = arith.constant 0 : i32
    %dma_start3A_185 = arith.constant 0 : i32
    %dma_start3A_186 = arith.constant 0 : i32
    %dma_start3A_187 = arith.constant 0 : i32
    %dma_start3A_188 = arith.constant 0 : i32
    %dma_start3A_189 = tpu.memref_slice %arg7[%dma_start3A_185, %dma_start3A_187, %dma_start3A_188] : memref<4x128x32xf32, #tpu.memory_space<vmem>> -> memref<1x128x32xf32, #tpu.memory_space<vmem>>
    %dma_start3A_190 = tpu.memref_squeeze %dma_start3A_189 : memref<1x128x32xf32, #tpu.memory_space<vmem>> -> memref<128x32xf32, #tpu.memory_space<vmem>>
    %dma_start3A_191 = arith.constant 0 : i32
    %dma_start3A_192 = tpu.memref_slice %arg5[%dma_start3A_184, %dma_start3A_191] : memref<120x128xi32, #tpu.memory_space<vmem>> -> memref<1x128xi32, #tpu.memory_space<vmem>>
    %dma_start3A_193 = tpu.memref_squeeze %dma_start3A_192 : memref<1x128xi32, #tpu.memory_space<vmem>> -> memref<128xi32, #tpu.memory_space<vmem>>
    %dma_start3A_194 = arith.constant 0 : i32
    %dma_start3A_195 = arith.constant 0 : i32
    %dma_start3A_196 = tpu.memref_slice %arg3[%dma_start3A_194, %dma_start3A_195] : memref<10240x32xf32, #tpu.memory_space<hbm>> -> memref<10240x32xf32, #tpu.memory_space<hbm>>
    %dma_start3A_197 = tpu.memref_slice %arg9[%dma_start3A_186] : memref<4x!tpu.dma_semaphore, #tpu.memory_space<semaphore_mem>> -> memref<1x!tpu.dma_semaphore, #tpu.memory_space<semaphore_mem>>
    %dma_start3A_198 = tpu.memref_squeeze %dma_start3A_197 : memref<1x!tpu.dma_semaphore, #tpu.memory_space<semaphore_mem>> -> memref<!tpu.dma_semaphore, #tpu.memory_space<semaphore_mem>>
    tpu.enqueue_indirect_dma source(%dma_start3A_196 : memref<10240x32xf32, #tpu.memory_space<hbm>>) target(%dma_start3A_190 : memref<128x32xf32, #tpu.memory_space<vmem>>) offsets(%dma_start3A_193 : memref<128xi32, #tpu.memory_space<vmem>>) semaphore(%dma_start3A_198 : memref<!tpu.dma_semaphore, #tpu.memory_space<semaphore_mem>>)
    %dma_start3A_199 = arith.constant 1 : i32
    %dma_start3A_200 = arith.constant 1 : i32
    %dma_start3A_201 = arith.constant 1 : i32
    %dma_start3A_202 = arith.constant 0 : i32
    %dma_start3A_203 = arith.constant 0 : i32
    %dma_start3A_204 = tpu.memref_slice %arg7[%dma_start3A_200, %dma_start3A_202, %dma_start3A_203] : memref<4x128x32xf32, #tpu.memory_space<vmem>> -> memref<1x128x32xf32, #tpu.memory_space<vmem>>
    %dma_start3A_205 = tpu.memref_squeeze %dma_start3A_204 : memref<1x128x32xf32, #tpu.memory_space<vmem>> -> memref<128x32xf32, #tpu.memory_space<vmem>>
    %dma_start3A_206 = arith.constant 0 : i32
    %dma_start3A_207 = tpu.memref_slice %arg5[%dma_start3A_199, %dma_start3A_206] : memref<120x128xi32, #tpu.memory_space<vmem>> -> memref<1x128xi32, #tpu.memory_space<vmem>>
    %dma_start3A_208 = tpu.memref_squeeze %dma_start3A_207 : memref<1x128xi32, #tpu.memory_space<vmem>> -> memref<128xi32, #tpu.memory_space<vmem>>
    %dma_start3A_209 = arith.constant 0 : i32
    %dma_start3A_210 = arith.constant 0 : i32
    %dma_start3A_211 = tpu.memref_slice %arg3[%dma_start3A_209, %dma_start3A_210] : memref<10240x32xf32, #tpu.memory_space<hbm>> -> memref<10240x32xf32, #tpu.memory_space<hbm>>
    %dma_start3A_212 = tpu.memref_slice %arg9[%dma_start3A_201] : memref<4x!tpu.dma_semaphore, #tpu.memory_space<semaphore_mem>> -> memref<1x!tpu.dma_semaphore, #tpu.memory_space<semaphore_mem>>
    %dma_start3A_213 = tpu.memref_squeeze %dma_start3A_212 : memref<1x!tpu.dma_semaphore, #tpu.memory_space<semaphore_mem>> -> memref<!tpu.dma_semaphore, #tpu.memory_space<semaphore_mem>>
    tpu.enqueue_indirect_dma source(%dma_start3A_211 : memref<10240x32xf32, #tpu.memory_space<hbm>>) target(%dma_start3A_205 : memref<128x32xf32, #tpu.memory_space<vmem>>) offsets(%dma_start3A_208 : memref<128xi32, #tpu.memory_space<vmem>>) semaphore(%dma_start3A_213 : memref<!tpu.dma_semaphore, #tpu.memory_space<semaphore_mem>>)
    %dma_start3A_214 = arith.constant 2 : i32
    %dma_start3A_215 = arith.constant 2 : i32
    %dma_start3A_216 = arith.constant 2 : i32
    %dma_start3A_217 = arith.constant 0 : i32
    %dma_start3A_218 = arith.constant 0 : i32
    %dma_start3A_219 = tpu.memref_slice %arg7[%dma_start3A_215, %dma_start3A_217, %dma_start3A_218] : memref<4x128x32xf32, #tpu.memory_space<vmem>> -> memref<1x128x32xf32, #tpu.memory_space<vmem>>
    %dma_start3A_220 = tpu.memref_squeeze %dma_start3A_219 : memref<1x128x32xf32, #tpu.memory_space<vmem>> -> memref<128x32xf32, #tpu.memory_space<vmem>>
    %dma_start3A_221 = arith.constant 0 : i32
    %dma_start3A_222 = tpu.memref_slice %arg5[%dma_start3A_214, %dma_start3A_221] : memref<120x128xi32, #tpu.memory_space<vmem>> -> memref<1x128xi32, #tpu.memory_space<vmem>>
    %dma_start3A_223 = tpu.memref_squeeze %dma_start3A_222 : memref<1x128xi32, #tpu.memory_space<vmem>> -> memref<128xi32, #tpu.memory_space<vmem>>
    %dma_start3A_224 = arith.constant 0 : i32
    %dma_start3A_225 = arith.constant 0 : i32
    %dma_start3A_226 = tpu.memref_slice %arg3[%dma_start3A_224, %dma_start3A_225] : memref<10240x32xf32, #tpu.memory_space<hbm>> -> memref<10240x32xf32, #tpu.memory_space<hbm>>
    %dma_start3A_227 = tpu.memref_slice %arg9[%dma_start3A_216] : memref<4x!tpu.dma_semaphore, #tpu.memory_space<semaphore_mem>> -> memref<1x!tpu.dma_semaphore, #tpu.memory_space<semaphore_mem>>
    %dma_start3A_228 = tpu.memref_squeeze %dma_start3A_227 : memref<1x!tpu.dma_semaphore, #tpu.memory_space<semaphore_mem>> -> memref<!tpu.dma_semaphore, #tpu.memory_space<semaphore_mem>>
    tpu.enqueue_indirect_dma source(%dma_start3A_226 : memref<10240x32xf32, #tpu.memory_space<hbm>>) target(%dma_start3A_220 : memref<128x32xf32, #tpu.memory_space<vmem>>) offsets(%dma_start3A_223 : memref<128xi32, #tpu.memory_space<vmem>>) semaphore(%dma_start3A_228 : memref<!tpu.dma_semaphore, #tpu.memory_space<semaphore_mem>>)
    %dma_start3A_229 = arith.constant 3 : i32
    %dma_start3A_230 = arith.constant 3 : i32
    %dma_start3A_231 = arith.constant 3 : i32
    %dma_start3A_232 = arith.constant 0 : i32
    %dma_start3A_233 = arith.constant 0 : i32
    %dma_start3A_234 = tpu.memref_slice %arg7[%dma_start3A_230, %dma_start3A_232, %dma_start3A_233] : memref<4x128x32xf32, #tpu.memory_space<vmem>> -> memref<1x128x32xf32, #tpu.memory_space<vmem>>
    %dma_start3A_235 = tpu.memref_squeeze %dma_start3A_234 : memref<1x128x32xf32, #tpu.memory_space<vmem>> -> memref<128x32xf32, #tpu.memory_space<vmem>>
    %dma_start3A_236 = arith.constant 0 : i32
    %dma_start3A_237 = tpu.memref_slice %arg5[%dma_start3A_229, %dma_start3A_236] : memref<120x128xi32, #tpu.memory_space<vmem>> -> memref<1x128xi32, #tpu.memory_space<vmem>>
    %dma_start3A_238 = tpu.memref_squeeze %dma_start3A_237 : memref<1x128xi32, #tpu.memory_space<vmem>> -> memref<128xi32, #tpu.memory_space<vmem>>
    %dma_start3A_239 = arith.constant 0 : i32
    %dma_start3A_240 = arith.constant 0 : i32
    %dma_start3A_241 = tpu.memref_slice %arg3[%dma_start3A_239, %dma_start3A_240] : memref<10240x32xf32, #tpu.memory_space<hbm>> -> memref<10240x32xf32, #tpu.memory_space<hbm>>
    %dma_start3A_242 = tpu.memref_slice %arg9[%dma_start3A_231] : memref<4x!tpu.dma_semaphore, #tpu.memory_space<semaphore_mem>> -> memref<1x!tpu.dma_semaphore, #tpu.memory_space<semaphore_mem>>
    %dma_start3A_243 = tpu.memref_squeeze %dma_start3A_242 : memref<1x!tpu.dma_semaphore, #tpu.memory_space<semaphore_mem>> -> memref<!tpu.dma_semaphore, #tpu.memory_space<semaphore_mem>>
    tpu.enqueue_indirect_dma source(%dma_start3A_241 : memref<10240x32xf32, #tpu.memory_space<hbm>>) target(%dma_start3A_235 : memref<128x32xf32, #tpu.memory_space<vmem>>) offsets(%dma_start3A_238 : memref<128xi32, #tpu.memory_space<vmem>>) semaphore(%dma_start3A_243 : memref<!tpu.dma_semaphore, #tpu.memory_space<semaphore_mem>>)
    %barrier3A = arith.constant 0 : index
    tpu.barrier barrier_id(%barrier3A)
    %jit3A_244 = arith.constant 4 : i32
    %div3A = arith.divsi %select_n3A, %jit3A_244 : i32
    %sign3A = arith.constant 0 : i32
    %sign3A_245 = arith.cmpi sgt, %select_n3A, %sign3A : i32
    %sign3A_246 = arith.extui %sign3A_245 : i1 to i32
    %sign3A_247 = arith.constant 0 : i32
    %sign3A_248 = arith.cmpi slt, %select_n3A, %sign3A_247 : i32
    %sign3A_249 = arith.extui %sign3A_248 : i1 to i32
    %sign3A_250 = arith.subi %sign3A_246, %sign3A_249 : i32
    %sign3A_251 = arith.constant 0 : i32
    %sign3A_252 = arith.cmpi sgt, %jit3A_244, %sign3A_251 : i32
    %sign3A_253 = arith.extui %sign3A_252 : i1 to i32
    %sign3A_254 = arith.constant 0 : i32
    %sign3A_255 = arith.cmpi slt, %jit3A_244, %sign3A_254 : i32
    %sign3A_256 = arith.extui %sign3A_255 : i1 to i32
    %sign3A_257 = arith.subi %sign3A_253, %sign3A_256 : i32
    %ne3A = arith.cmpi ne, %sign3A_250, %sign3A_257 : i32
    %rem3A = arith.remsi %select_n3A, %jit3A_244 : i32
    %ne3A_258 = arith.constant 0 : i32
    %ne3A_259 = arith.cmpi ne, %rem3A, %ne3A_258 : i32
    %and3A = arith.andi %ne3A, %ne3A_259 : i1
    %sub3A = arith.constant 1 : i32
    %sub3A_260 = arith.subi %div3A, %sub3A : i32
    %select_n3A_261 = arith.select %and3A, %sub3A_260, %div3A : i32
    %while3A = arith.constant 0 : i32
    %while3A_262 = arith.constant 0 : i32
    %while3A_263 = arith.subi %select_n3A_261, %while3A_262 : i32
    %while3A_264 = arith.addi %while3A_262, %while3A_263 : i32
    %while3A_265 = arith.constant 1 : i32
    %while3A_266 = arith.divsi %while3A_263, %while3A_265 : i32
    %while3A_267 = arith.muli %while3A_266, %while3A_265 : i32
    %while3A_268 = arith.addi %while3A_262, %while3A_267 : i32
    %while3A_269 = arith.constant 1 : i32
    scf.for %while3A_272 = %while3A_262 to %while3A_268 step %while3A_269  : i32 {
      %mul3A_273 = arith.constant 4 : i32
      %mul3A_274 = arith.muli %while3A_272, %mul3A_273 : i32
      %add3A_275 = arith.constant 0 : i32
      %add3A_276 = arith.addi %mul3A_274, %add3A_275 : i32
      %dma_wait3A_277 = arith.constant 0 : i32
      %dma_wait3A_278 = arith.constant 0 : i32
      %dma_wait3A_279 = arith.constant 0 : i32
      %dma_wait3A_280 = arith.constant 0 : i32
      %dma_wait3A_281 = tpu.memref_slice %arg7[%dma_wait3A_277, %dma_wait3A_279, %dma_wait3A_280] : memref<4x128x32xf32, #tpu.memory_space<vmem>> -> memref<1x128x32xf32, #tpu.memory_space<vmem>>
      %dma_wait3A_282 = tpu.memref_squeeze %dma_wait3A_281 : memref<1x128x32xf32, #tpu.memory_space<vmem>> -> memref<128x32xf32, #tpu.memory_space<vmem>>
      %dma_wait3A_283 = arith.constant 0 : i32
      %dma_wait3A_284 = tpu.memref_slice %arg5[%add3A_276, %dma_wait3A_283] : memref<120x128xi32, #tpu.memory_space<vmem>> -> memref<1x128xi32, #tpu.memory_space<vmem>>
      %dma_wait3A_285 = tpu.memref_squeeze %dma_wait3A_284 : memref<1x128xi32, #tpu.memory_space<vmem>> -> memref<128xi32, #tpu.memory_space<vmem>>
      %dma_wait3A_286 = arith.constant 0 : i32
      %dma_wait3A_287 = arith.constant 0 : i32
      %dma_wait3A_288 = tpu.memref_slice %arg3[%dma_wait3A_286, %dma_wait3A_287] : memref<10240x32xf32, #tpu.memory_space<hbm>> -> memref<10240x32xf32, #tpu.memory_space<hbm>>
      %dma_wait3A_289 = tpu.memref_slice %arg9[%dma_wait3A_278] : memref<4x!tpu.dma_semaphore, #tpu.memory_space<semaphore_mem>> -> memref<1x!tpu.dma_semaphore, #tpu.memory_space<semaphore_mem>>
      %dma_wait3A_290 = tpu.memref_squeeze %dma_wait3A_289 : memref<1x!tpu.dma_semaphore, #tpu.memory_space<semaphore_mem>> -> memref<!tpu.dma_semaphore, #tpu.memory_space<semaphore_mem>>
      tpu.wait_indirect_dma semaphore(%dma_wait3A_290 : memref<!tpu.dma_semaphore, #tpu.memory_space<semaphore_mem>>) src(%dma_wait3A_288 : memref<10240x32xf32, #tpu.memory_space<hbm>>) dst(%dma_wait3A_282 : memref<128x32xf32, #tpu.memory_space<vmem>>)
      %dma_start3A_291 = arith.constant 0 : i32
      %dma_start3A_292 = arith.constant 0 : i32
      %dma_start3A_293 = arith.constant 0 : i32
      %dma_start3A_294 = arith.constant 0 : i32
      %dma_start3A_295 = tpu.memref_slice %arg7[%dma_start3A_291, %dma_start3A_293, %dma_start3A_294] : memref<4x128x32xf32, #tpu.memory_space<vmem>> -> memref<1x128x32xf32, #tpu.memory_space<vmem>>
      %dma_start3A_296 = tpu.memref_squeeze %dma_start3A_295 : memref<1x128x32xf32, #tpu.memory_space<vmem>> -> memref<128x32xf32, #tpu.memory_space<vmem>>
      %dma_start3A_297 = arith.constant 0 : i32
      %dma_start3A_298 = tpu.memref_slice %arg6[%add3A_276, %dma_start3A_297] : memref<120x128xi32, #tpu.memory_space<vmem>> -> memref<1x128xi32, #tpu.memory_space<vmem>>
      %dma_start3A_299 = tpu.memref_squeeze %dma_start3A_298 : memref<1x128xi32, #tpu.memory_space<vmem>> -> memref<128xi32, #tpu.memory_space<vmem>>
      %dma_start3A_300 = arith.constant 0 : i32
      %dma_start3A_301 = arith.constant 0 : i32
      %dma_start3A_302 = tpu.memref_slice %arg8[%dma_start3A_300, %dma_start3A_301] : memref<10240x32xf32, #tpu.memory_space<vmem_shared>> -> memref<10240x32xf32, #tpu.memory_space<vmem_shared>>
      %dma_start3A_303 = tpu.memref_slice %arg10[%dma_start3A_292] : memref<4x!tpu.dma_semaphore, #tpu.memory_space<semaphore_mem>> -> memref<1x!tpu.dma_semaphore, #tpu.memory_space<semaphore_mem>>
      %dma_start3A_304 = tpu.memref_squeeze %dma_start3A_303 : memref<1x!tpu.dma_semaphore, #tpu.memory_space<semaphore_mem>> -> memref<!tpu.dma_semaphore, #tpu.memory_space<semaphore_mem>>
      tpu.enqueue_indirect_dma source(%dma_start3A_296 : memref<128x32xf32, #tpu.memory_space<vmem>>) target(%dma_start3A_302 : memref<10240x32xf32, #tpu.memory_space<vmem_shared>>) offsets(%dma_start3A_299 : memref<128xi32, #tpu.memory_space<vmem>>) semaphore(%dma_start3A_304 : memref<!tpu.dma_semaphore, #tpu.memory_space<semaphore_mem>>) {add = true}
      %add3A_305 = arith.constant 1 : i32
      %add3A_306 = arith.addi %mul3A_274, %add3A_305 : i32
      %dma_wait3A_307 = arith.constant 1 : i32
      %dma_wait3A_308 = arith.constant 1 : i32
      %dma_wait3A_309 = arith.constant 0 : i32
      %dma_wait3A_310 = arith.constant 0 : i32
      %dma_wait3A_311 = tpu.memref_slice %arg7[%dma_wait3A_307, %dma_wait3A_309, %dma_wait3A_310] : memref<4x128x32xf32, #tpu.memory_space<vmem>> -> memref<1x128x32xf32, #tpu.memory_space<vmem>>
      %dma_wait3A_312 = tpu.memref_squeeze %dma_wait3A_311 : memref<1x128x32xf32, #tpu.memory_space<vmem>> -> memref<128x32xf32, #tpu.memory_space<vmem>>
      %dma_wait3A_313 = arith.constant 0 : i32
      %dma_wait3A_314 = tpu.memref_slice %arg5[%add3A_306, %dma_wait3A_313] : memref<120x128xi32, #tpu.memory_space<vmem>> -> memref<1x128xi32, #tpu.memory_space<vmem>>
      %dma_wait3A_315 = tpu.memref_squeeze %dma_wait3A_314 : memref<1x128xi32, #tpu.memory_space<vmem>> -> memref<128xi32, #tpu.memory_space<vmem>>
      %dma_wait3A_316 = arith.constant 0 : i32
      %dma_wait3A_317 = arith.constant 0 : i32
      %dma_wait3A_318 = tpu.memref_slice %arg3[%dma_wait3A_316, %dma_wait3A_317] : memref<10240x32xf32, #tpu.memory_space<hbm>> -> memref<10240x32xf32, #tpu.memory_space<hbm>>
      %dma_wait3A_319 = tpu.memref_slice %arg9[%dma_wait3A_308] : memref<4x!tpu.dma_semaphore, #tpu.memory_space<semaphore_mem>> -> memref<1x!tpu.dma_semaphore, #tpu.memory_space<semaphore_mem>>
      %dma_wait3A_320 = tpu.memref_squeeze %dma_wait3A_319 : memref<1x!tpu.dma_semaphore, #tpu.memory_space<semaphore_mem>> -> memref<!tpu.dma_semaphore, #tpu.memory_space<semaphore_mem>>
      tpu.wait_indirect_dma semaphore(%dma_wait3A_320 : memref<!tpu.dma_semaphore, #tpu.memory_space<semaphore_mem>>) src(%dma_wait3A_318 : memref<10240x32xf32, #tpu.memory_space<hbm>>) dst(%dma_wait3A_312 : memref<128x32xf32, #tpu.memory_space<vmem>>)
      %dma_start3A_321 = arith.constant 1 : i32
      %dma_start3A_322 = arith.constant 1 : i32
      %dma_start3A_323 = arith.constant 0 : i32
      %dma_start3A_324 = arith.constant 0 : i32
      %dma_start3A_325 = tpu.memref_slice %arg7[%dma_start3A_321, %dma_start3A_323, %dma_start3A_324] : memref<4x128x32xf32, #tpu.memory_space<vmem>> -> memref<1x128x32xf32, #tpu.memory_space<vmem>>
      %dma_start3A_326 = tpu.memref_squeeze %dma_start3A_325 : memref<1x128x32xf32, #tpu.memory_space<vmem>> -> memref<128x32xf32, #tpu.memory_space<vmem>>
      %dma_start3A_327 = arith.constant 0 : i32
      %dma_start3A_328 = tpu.memref_slice %arg6[%add3A_306, %dma_start3A_327] : memref<120x128xi32, #tpu.memory_space<vmem>> -> memref<1x128xi32, #tpu.memory_space<vmem>>
      %dma_start3A_329 = tpu.memref_squeeze %dma_start3A_328 : memref<1x128xi32, #tpu.memory_space<vmem>> -> memref<128xi32, #tpu.memory_space<vmem>>
      %dma_start3A_330 = arith.constant 0 : i32
      %dma_start3A_331 = arith.constant 0 : i32
      %dma_start3A_332 = tpu.memref_slice %arg8[%dma_start3A_330, %dma_start3A_331] : memref<10240x32xf32, #tpu.memory_space<vmem_shared>> -> memref<10240x32xf32, #tpu.memory_space<vmem_shared>>
      %dma_start3A_333 = tpu.memref_slice %arg10[%dma_start3A_322] : memref<4x!tpu.dma_semaphore, #tpu.memory_space<semaphore_mem>> -> memref<1x!tpu.dma_semaphore, #tpu.memory_space<semaphore_mem>>
      %dma_start3A_334 = tpu.memref_squeeze %dma_start3A_333 : memref<1x!tpu.dma_semaphore, #tpu.memory_space<semaphore_mem>> -> memref<!tpu.dma_semaphore, #tpu.memory_space<semaphore_mem>>
      tpu.enqueue_indirect_dma source(%dma_start3A_326 : memref<128x32xf32, #tpu.memory_space<vmem>>) target(%dma_start3A_332 : memref<10240x32xf32, #tpu.memory_space<vmem_shared>>) offsets(%dma_start3A_329 : memref<128xi32, #tpu.memory_space<vmem>>) semaphore(%dma_start3A_334 : memref<!tpu.dma_semaphore, #tpu.memory_space<semaphore_mem>>) {add = true}
      %add3A_335 = arith.constant 2 : i32
      %add3A_336 = arith.addi %mul3A_274, %add3A_335 : i32
      %dma_wait3A_337 = arith.constant 2 : i32
      %dma_wait3A_338 = arith.constant 2 : i32
      %dma_wait3A_339 = arith.constant 0 : i32
      %dma_wait3A_340 = arith.constant 0 : i32
      %dma_wait3A_341 = tpu.memref_slice %arg7[%dma_wait3A_337, %dma_wait3A_339, %dma_wait3A_340] : memref<4x128x32xf32, #tpu.memory_space<vmem>> -> memref<1x128x32xf32, #tpu.memory_space<vmem>>
      %dma_wait3A_342 = tpu.memref_squeeze %dma_wait3A_341 : memref<1x128x32xf32, #tpu.memory_space<vmem>> -> memref<128x32xf32, #tpu.memory_space<vmem>>
      %dma_wait3A_343 = arith.constant 0 : i32
      %dma_wait3A_344 = tpu.memref_slice %arg5[%add3A_336, %dma_wait3A_343] : memref<120x128xi32, #tpu.memory_space<vmem>> -> memref<1x128xi32, #tpu.memory_space<vmem>>
      %dma_wait3A_345 = tpu.memref_squeeze %dma_wait3A_344 : memref<1x128xi32, #tpu.memory_space<vmem>> -> memref<128xi32, #tpu.memory_space<vmem>>
      %dma_wait3A_346 = arith.constant 0 : i32
      %dma_wait3A_347 = arith.constant 0 : i32
      %dma_wait3A_348 = tpu.memref_slice %arg3[%dma_wait3A_346, %dma_wait3A_347] : memref<10240x32xf32, #tpu.memory_space<hbm>> -> memref<10240x32xf32, #tpu.memory_space<hbm>>
      %dma_wait3A_349 = tpu.memref_slice %arg9[%dma_wait3A_338] : memref<4x!tpu.dma_semaphore, #tpu.memory_space<semaphore_mem>> -> memref<1x!tpu.dma_semaphore, #tpu.memory_space<semaphore_mem>>
      %dma_wait3A_350 = tpu.memref_squeeze %dma_wait3A_349 : memref<1x!tpu.dma_semaphore, #tpu.memory_space<semaphore_mem>> -> memref<!tpu.dma_semaphore, #tpu.memory_space<semaphore_mem>>
      tpu.wait_indirect_dma semaphore(%dma_wait3A_350 : memref<!tpu.dma_semaphore, #tpu.memory_space<semaphore_mem>>) src(%dma_wait3A_348 : memref<10240x32xf32, #tpu.memory_space<hbm>>) dst(%dma_wait3A_342 : memref<128x32xf32, #tpu.memory_space<vmem>>)
      %dma_start3A_351 = arith.constant 2 : i32
      %dma_start3A_352 = arith.constant 2 : i32
      %dma_start3A_353 = arith.constant 0 : i32
      %dma_start3A_354 = arith.constant 0 : i32
      %dma_start3A_355 = tpu.memref_slice %arg7[%dma_start3A_351, %dma_start3A_353, %dma_start3A_354] : memref<4x128x32xf32, #tpu.memory_space<vmem>> -> memref<1x128x32xf32, #tpu.memory_space<vmem>>
      %dma_start3A_356 = tpu.memref_squeeze %dma_start3A_355 : memref<1x128x32xf32, #tpu.memory_space<vmem>> -> memref<128x32xf32, #tpu.memory_space<vmem>>
      %dma_start3A_357 = arith.constant 0 : i32
      %dma_start3A_358 = tpu.memref_slice %arg6[%add3A_336, %dma_start3A_357] : memref<120x128xi32, #tpu.memory_space<vmem>> -> memref<1x128xi32, #tpu.memory_space<vmem>>
      %dma_start3A_359 = tpu.memref_squeeze %dma_start3A_358 : memref<1x128xi32, #tpu.memory_space<vmem>> -> memref<128xi32, #tpu.memory_space<vmem>>
      %dma_start3A_360 = arith.constant 0 : i32
      %dma_start3A_361 = arith.constant 0 : i32
      %dma_start3A_362 = tpu.memref_slice %arg8[%dma_start3A_360, %dma_start3A_361] : memref<10240x32xf32, #tpu.memory_space<vmem_shared>> -> memref<10240x32xf32, #tpu.memory_space<vmem_shared>>
      %dma_start3A_363 = tpu.memref_slice %arg10[%dma_start3A_352] : memref<4x!tpu.dma_semaphore, #tpu.memory_space<semaphore_mem>> -> memref<1x!tpu.dma_semaphore, #tpu.memory_space<semaphore_mem>>
      %dma_start3A_364 = tpu.memref_squeeze %dma_start3A_363 : memref<1x!tpu.dma_semaphore, #tpu.memory_space<semaphore_mem>> -> memref<!tpu.dma_semaphore, #tpu.memory_space<semaphore_mem>>
      tpu.enqueue_indirect_dma source(%dma_start3A_356 : memref<128x32xf32, #tpu.memory_space<vmem>>) target(%dma_start3A_362 : memref<10240x32xf32, #tpu.memory_space<vmem_shared>>) offsets(%dma_start3A_359 : memref<128xi32, #tpu.memory_space<vmem>>) semaphore(%dma_start3A_364 : memref<!tpu.dma_semaphore, #tpu.memory_space<semaphore_mem>>) {add = true}
      %add3A_365 = arith.constant 3 : i32
      %add3A_366 = arith.addi %mul3A_274, %add3A_365 : i32
      %dma_wait3A_367 = arith.constant 3 : i32
      %dma_wait3A_368 = arith.constant 3 : i32
      %dma_wait3A_369 = arith.constant 0 : i32
      %dma_wait3A_370 = arith.constant 0 : i32
      %dma_wait3A_371 = tpu.memref_slice %arg7[%dma_wait3A_367, %dma_wait3A_369, %dma_wait3A_370] : memref<4x128x32xf32, #tpu.memory_space<vmem>> -> memref<1x128x32xf32, #tpu.memory_space<vmem>>
      %dma_wait3A_372 = tpu.memref_squeeze %dma_wait3A_371 : memref<1x128x32xf32, #tpu.memory_space<vmem>> -> memref<128x32xf32, #tpu.memory_space<vmem>>
      %dma_wait3A_373 = arith.constant 0 : i32
      %dma_wait3A_374 = tpu.memref_slice %arg5[%add3A_366, %dma_wait3A_373] : memref<120x128xi32, #tpu.memory_space<vmem>> -> memref<1x128xi32, #tpu.memory_space<vmem>>
      %dma_wait3A_375 = tpu.memref_squeeze %dma_wait3A_374 : memref<1x128xi32, #tpu.memory_space<vmem>> -> memref<128xi32, #tpu.memory_space<vmem>>
      %dma_wait3A_376 = arith.constant 0 : i32
      %dma_wait3A_377 = arith.constant 0 : i32
      %dma_wait3A_378 = tpu.memref_slice %arg3[%dma_wait3A_376, %dma_wait3A_377] : memref<10240x32xf32, #tpu.memory_space<hbm>> -> memref<10240x32xf32, #tpu.memory_space<hbm>>
      %dma_wait3A_379 = tpu.memref_slice %arg9[%dma_wait3A_368] : memref<4x!tpu.dma_semaphore, #tpu.memory_space<semaphore_mem>> -> memref<1x!tpu.dma_semaphore, #tpu.memory_space<semaphore_mem>>
      %dma_wait3A_380 = tpu.memref_squeeze %dma_wait3A_379 : memref<1x!tpu.dma_semaphore, #tpu.memory_space<semaphore_mem>> -> memref<!tpu.dma_semaphore, #tpu.memory_space<semaphore_mem>>
      tpu.wait_indirect_dma semaphore(%dma_wait3A_380 : memref<!tpu.dma_semaphore, #tpu.memory_space<semaphore_mem>>) src(%dma_wait3A_378 : memref<10240x32xf32, #tpu.memory_space<hbm>>) dst(%dma_wait3A_372 : memref<128x32xf32, #tpu.memory_space<vmem>>)
      %dma_start3A_381 = arith.constant 3 : i32
      %dma_start3A_382 = arith.constant 3 : i32
      %dma_start3A_383 = arith.constant 0 : i32
      %dma_start3A_384 = arith.constant 0 : i32
      %dma_start3A_385 = tpu.memref_slice %arg7[%dma_start3A_381, %dma_start3A_383, %dma_start3A_384] : memref<4x128x32xf32, #tpu.memory_space<vmem>> -> memref<1x128x32xf32, #tpu.memory_space<vmem>>
      %dma_start3A_386 = tpu.memref_squeeze %dma_start3A_385 : memref<1x128x32xf32, #tpu.memory_space<vmem>> -> memref<128x32xf32, #tpu.memory_space<vmem>>
      %dma_start3A_387 = arith.constant 0 : i32
      %dma_start3A_388 = tpu.memref_slice %arg6[%add3A_366, %dma_start3A_387] : memref<120x128xi32, #tpu.memory_space<vmem>> -> memref<1x128xi32, #tpu.memory_space<vmem>>
      %dma_start3A_389 = tpu.memref_squeeze %dma_start3A_388 : memref<1x128xi32, #tpu.memory_space<vmem>> -> memref<128xi32, #tpu.memory_space<vmem>>
      %dma_start3A_390 = arith.constant 0 : i32
      %dma_start3A_391 = arith.constant 0 : i32
      %dma_start3A_392 = tpu.memref_slice %arg8[%dma_start3A_390, %dma_start3A_391] : memref<10240x32xf32, #tpu.memory_space<vmem_shared>> -> memref<10240x32xf32, #tpu.memory_space<vmem_shared>>
      %dma_start3A_393 = tpu.memref_slice %arg10[%dma_start3A_382] : memref<4x!tpu.dma_semaphore, #tpu.memory_space<semaphore_mem>> -> memref<1x!tpu.dma_semaphore, #tpu.memory_space<semaphore_mem>>
      %dma_start3A_394 = tpu.memref_squeeze %dma_start3A_393 : memref<1x!tpu.dma_semaphore, #tpu.memory_space<semaphore_mem>> -> memref<!tpu.dma_semaphore, #tpu.memory_space<semaphore_mem>>
      tpu.enqueue_indirect_dma source(%dma_start3A_386 : memref<128x32xf32, #tpu.memory_space<vmem>>) target(%dma_start3A_392 : memref<10240x32xf32, #tpu.memory_space<vmem_shared>>) offsets(%dma_start3A_389 : memref<128xi32, #tpu.memory_space<vmem>>) semaphore(%dma_start3A_394 : memref<!tpu.dma_semaphore, #tpu.memory_space<semaphore_mem>>) {add = true}
      %add3A_395 = arith.constant 0 : i32
      %add3A_396 = arith.addi %mul3A_274, %add3A_395 : i32
      %dma_wait3A_397 = arith.constant 0 : i32
      %dma_wait3A_398 = arith.constant 0 : i32
      %dma_wait3A_399 = arith.constant 0 : i32
      %dma_wait3A_400 = arith.constant 0 : i32
      %dma_wait3A_401 = tpu.memref_slice %arg7[%dma_wait3A_397, %dma_wait3A_399, %dma_wait3A_400] : memref<4x128x32xf32, #tpu.memory_space<vmem>> -> memref<1x128x32xf32, #tpu.memory_space<vmem>>
      %dma_wait3A_402 = tpu.memref_squeeze %dma_wait3A_401 : memref<1x128x32xf32, #tpu.memory_space<vmem>> -> memref<128x32xf32, #tpu.memory_space<vmem>>
      %dma_wait3A_403 = arith.constant 0 : i32
      %dma_wait3A_404 = tpu.memref_slice %arg6[%add3A_396, %dma_wait3A_403] : memref<120x128xi32, #tpu.memory_space<vmem>> -> memref<1x128xi32, #tpu.memory_space<vmem>>
      %dma_wait3A_405 = tpu.memref_squeeze %dma_wait3A_404 : memref<1x128xi32, #tpu.memory_space<vmem>> -> memref<128xi32, #tpu.memory_space<vmem>>
      %dma_wait3A_406 = arith.constant 0 : i32
      %dma_wait3A_407 = arith.constant 0 : i32
      %dma_wait3A_408 = tpu.memref_slice %arg8[%dma_wait3A_406, %dma_wait3A_407] : memref<10240x32xf32, #tpu.memory_space<vmem_shared>> -> memref<10240x32xf32, #tpu.memory_space<vmem_shared>>
      %dma_wait3A_409 = tpu.memref_slice %arg10[%dma_wait3A_398] : memref<4x!tpu.dma_semaphore, #tpu.memory_space<semaphore_mem>> -> memref<1x!tpu.dma_semaphore, #tpu.memory_space<semaphore_mem>>
      %dma_wait3A_410 = tpu.memref_squeeze %dma_wait3A_409 : memref<1x!tpu.dma_semaphore, #tpu.memory_space<semaphore_mem>> -> memref<!tpu.dma_semaphore, #tpu.memory_space<semaphore_mem>>
      tpu.wait_indirect_dma semaphore(%dma_wait3A_410 : memref<!tpu.dma_semaphore, #tpu.memory_space<semaphore_mem>>) src(%dma_wait3A_402 : memref<128x32xf32, #tpu.memory_space<vmem>>) dst(%dma_wait3A_408 : memref<10240x32xf32, #tpu.memory_space<vmem_shared>>)
      %add3A_411 = arith.constant 4 : i32
      %add3A_412 = arith.addi %add3A_396, %add3A_411 : i32
      %lt3A = arith.cmpi slt, %add3A_412, %select_n3A : i32
      %convert_element_type3A_413 = arith.extui %lt3A : i1 to i32
      %cond3A_414 = arith.constant 0 : i32
      %cond3A_415 = arith.cmpi ne, %convert_element_type3A_413, %cond3A_414 : i32
      scf.if %cond3A_415 {
        %add3A_482 = arith.constant 4 : i32
        %add3A_483 = arith.addi %add3A_396, %add3A_482 : i32
        %dma_start3A_484 = arith.constant 0 : i32
        %dma_start3A_485 = arith.constant 0 : i32
        %dma_start3A_486 = arith.constant 0 : i32
        %dma_start3A_487 = arith.constant 0 : i32
        %dma_start3A_488 = tpu.memref_slice %arg7[%dma_start3A_484, %dma_start3A_486, %dma_start3A_487] : memref<4x128x32xf32, #tpu.memory_space<vmem>> -> memref<1x128x32xf32, #tpu.memory_space<vmem>>
        %dma_start3A_489 = tpu.memref_squeeze %dma_start3A_488 : memref<1x128x32xf32, #tpu.memory_space<vmem>> -> memref<128x32xf32, #tpu.memory_space<vmem>>
        %dma_start3A_490 = arith.constant 0 : i32
        %dma_start3A_491 = tpu.memref_slice %arg5[%add3A_483, %dma_start3A_490] : memref<120x128xi32, #tpu.memory_space<vmem>> -> memref<1x128xi32, #tpu.memory_space<vmem>>
        %dma_start3A_492 = tpu.memref_squeeze %dma_start3A_491 : memref<1x128xi32, #tpu.memory_space<vmem>> -> memref<128xi32, #tpu.memory_space<vmem>>
        %dma_start3A_493 = arith.constant 0 : i32
        %dma_start3A_494 = arith.constant 0 : i32
        %dma_start3A_495 = tpu.memref_slice %arg3[%dma_start3A_493, %dma_start3A_494] : memref<10240x32xf32, #tpu.memory_space<hbm>> -> memref<10240x32xf32, #tpu.memory_space<hbm>>
        %dma_start3A_496 = tpu.memref_slice %arg9[%dma_start3A_485] : memref<4x!tpu.dma_semaphore, #tpu.memory_space<semaphore_mem>> -> memref<1x!tpu.dma_semaphore, #tpu.memory_space<semaphore_mem>>
        %dma_start3A_497 = tpu.memref_squeeze %dma_start3A_496 : memref<1x!tpu.dma_semaphore, #tpu.memory_space<semaphore_mem>> -> memref<!tpu.dma_semaphore, #tpu.memory_space<semaphore_mem>>
        tpu.enqueue_indirect_dma source(%dma_start3A_495 : memref<10240x32xf32, #tpu.memory_space<hbm>>) target(%dma_start3A_489 : memref<128x32xf32, #tpu.memory_space<vmem>>) offsets(%dma_start3A_492 : memref<128xi32, #tpu.memory_space<vmem>>) semaphore(%dma_start3A_497 : memref<!tpu.dma_semaphore, #tpu.memory_space<semaphore_mem>>)
      } else {
      }
      %add3A_416 = arith.constant 1 : i32
      %add3A_417 = arith.addi %mul3A_274, %add3A_416 : i32
      %dma_wait3A_418 = arith.constant 1 : i32
      %dma_wait3A_419 = arith.constant 1 : i32
      %dma_wait3A_420 = arith.constant 0 : i32
      %dma_wait3A_421 = arith.constant 0 : i32
      %dma_wait3A_422 = tpu.memref_slice %arg7[%dma_wait3A_418, %dma_wait3A_420, %dma_wait3A_421] : memref<4x128x32xf32, #tpu.memory_space<vmem>> -> memref<1x128x32xf32, #tpu.memory_space<vmem>>
      %dma_wait3A_423 = tpu.memref_squeeze %dma_wait3A_422 : memref<1x128x32xf32, #tpu.memory_space<vmem>> -> memref<128x32xf32, #tpu.memory_space<vmem>>
      %dma_wait3A_424 = arith.constant 0 : i32
      %dma_wait3A_425 = tpu.memref_slice %arg6[%add3A_417, %dma_wait3A_424] : memref<120x128xi32, #tpu.memory_space<vmem>> -> memref<1x128xi32, #tpu.memory_space<vmem>>
      %dma_wait3A_426 = tpu.memref_squeeze %dma_wait3A_425 : memref<1x128xi32, #tpu.memory_space<vmem>> -> memref<128xi32, #tpu.memory_space<vmem>>
      %dma_wait3A_427 = arith.constant 0 : i32
      %dma_wait3A_428 = arith.constant 0 : i32
      %dma_wait3A_429 = tpu.memref_slice %arg8[%dma_wait3A_427, %dma_wait3A_428] : memref<10240x32xf32, #tpu.memory_space<vmem_shared>> -> memref<10240x32xf32, #tpu.memory_space<vmem_shared>>
      %dma_wait3A_430 = tpu.memref_slice %arg10[%dma_wait3A_419] : memref<4x!tpu.dma_semaphore, #tpu.memory_space<semaphore_mem>> -> memref<1x!tpu.dma_semaphore, #tpu.memory_space<semaphore_mem>>
      %dma_wait3A_431 = tpu.memref_squeeze %dma_wait3A_430 : memref<1x!tpu.dma_semaphore, #tpu.memory_space<semaphore_mem>> -> memref<!tpu.dma_semaphore, #tpu.memory_space<semaphore_mem>>
      tpu.wait_indirect_dma semaphore(%dma_wait3A_431 : memref<!tpu.dma_semaphore, #tpu.memory_space<semaphore_mem>>) src(%dma_wait3A_423 : memref<128x32xf32, #tpu.memory_space<vmem>>) dst(%dma_wait3A_429 : memref<10240x32xf32, #tpu.memory_space<vmem_shared>>)
      %add3A_432 = arith.constant 4 : i32
      %add3A_433 = arith.addi %add3A_417, %add3A_432 : i32
      %lt3A_434 = arith.cmpi slt, %add3A_433, %select_n3A : i32
      %convert_element_type3A_435 = arith.extui %lt3A_434 : i1 to i32
      %cond3A_436 = arith.constant 0 : i32
      %cond3A_437 = arith.cmpi ne, %convert_element_type3A_435, %cond3A_436 : i32
      scf.if %cond3A_437 {
        %add3A_482 = arith.constant 4 : i32
        %add3A_483 = arith.addi %add3A_417, %add3A_482 : i32
        %dma_start3A_484 = arith.constant 1 : i32
        %dma_start3A_485 = arith.constant 1 : i32
        %dma_start3A_486 = arith.constant 0 : i32
        %dma_start3A_487 = arith.constant 0 : i32
        %dma_start3A_488 = tpu.memref_slice %arg7[%dma_start3A_484, %dma_start3A_486, %dma_start3A_487] : memref<4x128x32xf32, #tpu.memory_space<vmem>> -> memref<1x128x32xf32, #tpu.memory_space<vmem>>
        %dma_start3A_489 = tpu.memref_squeeze %dma_start3A_488 : memref<1x128x32xf32, #tpu.memory_space<vmem>> -> memref<128x32xf32, #tpu.memory_space<vmem>>
        %dma_start3A_490 = arith.constant 0 : i32
        %dma_start3A_491 = tpu.memref_slice %arg5[%add3A_483, %dma_start3A_490] : memref<120x128xi32, #tpu.memory_space<vmem>> -> memref<1x128xi32, #tpu.memory_space<vmem>>
        %dma_start3A_492 = tpu.memref_squeeze %dma_start3A_491 : memref<1x128xi32, #tpu.memory_space<vmem>> -> memref<128xi32, #tpu.memory_space<vmem>>
        %dma_start3A_493 = arith.constant 0 : i32
        %dma_start3A_494 = arith.constant 0 : i32
        %dma_start3A_495 = tpu.memref_slice %arg3[%dma_start3A_493, %dma_start3A_494] : memref<10240x32xf32, #tpu.memory_space<hbm>> -> memref<10240x32xf32, #tpu.memory_space<hbm>>
        %dma_start3A_496 = tpu.memref_slice %arg9[%dma_start3A_485] : memref<4x!tpu.dma_semaphore, #tpu.memory_space<semaphore_mem>> -> memref<1x!tpu.dma_semaphore, #tpu.memory_space<semaphore_mem>>
        %dma_start3A_497 = tpu.memref_squeeze %dma_start3A_496 : memref<1x!tpu.dma_semaphore, #tpu.memory_space<semaphore_mem>> -> memref<!tpu.dma_semaphore, #tpu.memory_space<semaphore_mem>>
        tpu.enqueue_indirect_dma source(%dma_start3A_495 : memref<10240x32xf32, #tpu.memory_space<hbm>>) target(%dma_start3A_489 : memref<128x32xf32, #tpu.memory_space<vmem>>) offsets(%dma_start3A_492 : memref<128xi32, #tpu.memory_space<vmem>>) semaphore(%dma_start3A_497 : memref<!tpu.dma_semaphore, #tpu.memory_space<semaphore_mem>>)
      } else {
      }
      %add3A_438 = arith.constant 2 : i32
      %add3A_439 = arith.addi %mul3A_274, %add3A_438 : i32
      %dma_wait3A_440 = arith.constant 2 : i32
      %dma_wait3A_441 = arith.constant 2 : i32
      %dma_wait3A_442 = arith.constant 0 : i32
      %dma_wait3A_443 = arith.constant 0 : i32
      %dma_wait3A_444 = tpu.memref_slice %arg7[%dma_wait3A_440, %dma_wait3A_442, %dma_wait3A_443] : memref<4x128x32xf32, #tpu.memory_space<vmem>> -> memref<1x128x32xf32, #tpu.memory_space<vmem>>
      %dma_wait3A_445 = tpu.memref_squeeze %dma_wait3A_444 : memref<1x128x32xf32, #tpu.memory_space<vmem>> -> memref<128x32xf32, #tpu.memory_space<vmem>>
      %dma_wait3A_446 = arith.constant 0 : i32
      %dma_wait3A_447 = tpu.memref_slice %arg6[%add3A_439, %dma_wait3A_446] : memref<120x128xi32, #tpu.memory_space<vmem>> -> memref<1x128xi32, #tpu.memory_space<vmem>>
      %dma_wait3A_448 = tpu.memref_squeeze %dma_wait3A_447 : memref<1x128xi32, #tpu.memory_space<vmem>> -> memref<128xi32, #tpu.memory_space<vmem>>
      %dma_wait3A_449 = arith.constant 0 : i32
      %dma_wait3A_450 = arith.constant 0 : i32
      %dma_wait3A_451 = tpu.memref_slice %arg8[%dma_wait3A_449, %dma_wait3A_450] : memref<10240x32xf32, #tpu.memory_space<vmem_shared>> -> memref<10240x32xf32, #tpu.memory_space<vmem_shared>>
      %dma_wait3A_452 = tpu.memref_slice %arg10[%dma_wait3A_441] : memref<4x!tpu.dma_semaphore, #tpu.memory_space<semaphore_mem>> -> memref<1x!tpu.dma_semaphore, #tpu.memory_space<semaphore_mem>>
      %dma_wait3A_453 = tpu.memref_squeeze %dma_wait3A_452 : memref<1x!tpu.dma_semaphore, #tpu.memory_space<semaphore_mem>> -> memref<!tpu.dma_semaphore, #tpu.memory_space<semaphore_mem>>
      tpu.wait_indirect_dma semaphore(%dma_wait3A_453 : memref<!tpu.dma_semaphore, #tpu.memory_space<semaphore_mem>>) src(%dma_wait3A_445 : memref<128x32xf32, #tpu.memory_space<vmem>>) dst(%dma_wait3A_451 : memref<10240x32xf32, #tpu.memory_space<vmem_shared>>)
      %add3A_454 = arith.constant 4 : i32
      %add3A_455 = arith.addi %add3A_439, %add3A_454 : i32
      %lt3A_456 = arith.cmpi slt, %add3A_455, %select_n3A : i32
      %convert_element_type3A_457 = arith.extui %lt3A_456 : i1 to i32
      %cond3A_458 = arith.constant 0 : i32
      %cond3A_459 = arith.cmpi ne, %convert_element_type3A_457, %cond3A_458 : i32
      scf.if %cond3A_459 {
        %add3A_482 = arith.constant 4 : i32
        %add3A_483 = arith.addi %add3A_439, %add3A_482 : i32
        %dma_start3A_484 = arith.constant 2 : i32
        %dma_start3A_485 = arith.constant 2 : i32
        %dma_start3A_486 = arith.constant 0 : i32
        %dma_start3A_487 = arith.constant 0 : i32
        %dma_start3A_488 = tpu.memref_slice %arg7[%dma_start3A_484, %dma_start3A_486, %dma_start3A_487] : memref<4x128x32xf32, #tpu.memory_space<vmem>> -> memref<1x128x32xf32, #tpu.memory_space<vmem>>
        %dma_start3A_489 = tpu.memref_squeeze %dma_start3A_488 : memref<1x128x32xf32, #tpu.memory_space<vmem>> -> memref<128x32xf32, #tpu.memory_space<vmem>>
        %dma_start3A_490 = arith.constant 0 : i32
        %dma_start3A_491 = tpu.memref_slice %arg5[%add3A_483, %dma_start3A_490] : memref<120x128xi32, #tpu.memory_space<vmem>> -> memref<1x128xi32, #tpu.memory_space<vmem>>
        %dma_start3A_492 = tpu.memref_squeeze %dma_start3A_491 : memref<1x128xi32, #tpu.memory_space<vmem>> -> memref<128xi32, #tpu.memory_space<vmem>>
        %dma_start3A_493 = arith.constant 0 : i32
        %dma_start3A_494 = arith.constant 0 : i32
        %dma_start3A_495 = tpu.memref_slice %arg3[%dma_start3A_493, %dma_start3A_494] : memref<10240x32xf32, #tpu.memory_space<hbm>> -> memref<10240x32xf32, #tpu.memory_space<hbm>>
        %dma_start3A_496 = tpu.memref_slice %arg9[%dma_start3A_485] : memref<4x!tpu.dma_semaphore, #tpu.memory_space<semaphore_mem>> -> memref<1x!tpu.dma_semaphore, #tpu.memory_space<semaphore_mem>>
        %dma_start3A_497 = tpu.memref_squeeze %dma_start3A_496 : memref<1x!tpu.dma_semaphore, #tpu.memory_space<semaphore_mem>> -> memref<!tpu.dma_semaphore, #tpu.memory_space<semaphore_mem>>
        tpu.enqueue_indirect_dma source(%dma_start3A_495 : memref<10240x32xf32, #tpu.memory_space<hbm>>) target(%dma_start3A_489 : memref<128x32xf32, #tpu.memory_space<vmem>>) offsets(%dma_start3A_492 : memref<128xi32, #tpu.memory_space<vmem>>) semaphore(%dma_start3A_497 : memref<!tpu.dma_semaphore, #tpu.memory_space<semaphore_mem>>)
      } else {
      }
      %add3A_460 = arith.constant 3 : i32
      %add3A_461 = arith.addi %mul3A_274, %add3A_460 : i32
      %dma_wait3A_462 = arith.constant 3 : i32
      %dma_wait3A_463 = arith.constant 3 : i32
      %dma_wait3A_464 = arith.constant 0 : i32
      %dma_wait3A_465 = arith.constant 0 : i32
      %dma_wait3A_466 = tpu.memref_slice %arg7[%dma_wait3A_462, %dma_wait3A_464, %dma_wait3A_465] : memref<4x128x32xf32, #tpu.memory_space<vmem>> -> memref<1x128x32xf32, #tpu.memory_space<vmem>>
      %dma_wait3A_467 = tpu.memref_squeeze %dma_wait3A_466 : memref<1x128x32xf32, #tpu.memory_space<vmem>> -> memref<128x32xf32, #tpu.memory_space<vmem>>
      %dma_wait3A_468 = arith.constant 0 : i32
      %dma_wait3A_469 = tpu.memref_slice %arg6[%add3A_461, %dma_wait3A_468] : memref<120x128xi32, #tpu.memory_space<vmem>> -> memref<1x128xi32, #tpu.memory_space<vmem>>
      %dma_wait3A_470 = tpu.memref_squeeze %dma_wait3A_469 : memref<1x128xi32, #tpu.memory_space<vmem>> -> memref<128xi32, #tpu.memory_space<vmem>>
      %dma_wait3A_471 = arith.constant 0 : i32
      %dma_wait3A_472 = arith.constant 0 : i32
      %dma_wait3A_473 = tpu.memref_slice %arg8[%dma_wait3A_471, %dma_wait3A_472] : memref<10240x32xf32, #tpu.memory_space<vmem_shared>> -> memref<10240x32xf32, #tpu.memory_space<vmem_shared>>
      %dma_wait3A_474 = tpu.memref_slice %arg10[%dma_wait3A_463] : memref<4x!tpu.dma_semaphore, #tpu.memory_space<semaphore_mem>> -> memref<1x!tpu.dma_semaphore, #tpu.memory_space<semaphore_mem>>
      %dma_wait3A_475 = tpu.memref_squeeze %dma_wait3A_474 : memref<1x!tpu.dma_semaphore, #tpu.memory_space<semaphore_mem>> -> memref<!tpu.dma_semaphore, #tpu.memory_space<semaphore_mem>>
      tpu.wait_indirect_dma semaphore(%dma_wait3A_475 : memref<!tpu.dma_semaphore, #tpu.memory_space<semaphore_mem>>) src(%dma_wait3A_467 : memref<128x32xf32, #tpu.memory_space<vmem>>) dst(%dma_wait3A_473 : memref<10240x32xf32, #tpu.memory_space<vmem_shared>>)
      %add3A_476 = arith.constant 4 : i32
      %add3A_477 = arith.addi %add3A_461, %add3A_476 : i32
      %lt3A_478 = arith.cmpi slt, %add3A_477, %select_n3A : i32
      %convert_element_type3A_479 = arith.extui %lt3A_478 : i1 to i32
      %cond3A_480 = arith.constant 0 : i32
      %cond3A_481 = arith.cmpi ne, %convert_element_type3A_479, %cond3A_480 : i32
      scf.if %cond3A_481 {
        %add3A_482 = arith.constant 4 : i32
        %add3A_483 = arith.addi %add3A_461, %add3A_482 : i32
        %dma_start3A_484 = arith.constant 3 : i32
        %dma_start3A_485 = arith.constant 3 : i32
        %dma_start3A_486 = arith.constant 0 : i32
        %dma_start3A_487 = arith.constant 0 : i32
        %dma_start3A_488 = tpu.memref_slice %arg7[%dma_start3A_484, %dma_start3A_486, %dma_start3A_487] : memref<4x128x32xf32, #tpu.memory_space<vmem>> -> memref<1x128x32xf32, #tpu.memory_space<vmem>>
        %dma_start3A_489 = tpu.memref_squeeze %dma_start3A_488 : memref<1x128x32xf32, #tpu.memory_space<vmem>> -> memref<128x32xf32, #tpu.memory_space<vmem>>
        %dma_start3A_490 = arith.constant 0 : i32
        %dma_start3A_491 = tpu.memref_slice %arg5[%add3A_483, %dma_start3A_490] : memref<120x128xi32, #tpu.memory_space<vmem>> -> memref<1x128xi32, #tpu.memory_space<vmem>>
        %dma_start3A_492 = tpu.memref_squeeze %dma_start3A_491 : memref<1x128xi32, #tpu.memory_space<vmem>> -> memref<128xi32, #tpu.memory_space<vmem>>
        %dma_start3A_493 = arith.constant 0 : i32
        %dma_start3A_494 = arith.constant 0 : i32
        %dma_start3A_495 = tpu.memref_slice %arg3[%dma_start3A_493, %dma_start3A_494] : memref<10240x32xf32, #tpu.memory_space<hbm>> -> memref<10240x32xf32, #tpu.memory_space<hbm>>
        %dma_start3A_496 = tpu.memref_slice %arg9[%dma_start3A_485] : memref<4x!tpu.dma_semaphore, #tpu.memory_space<semaphore_mem>> -> memref<1x!tpu.dma_semaphore, #tpu.memory_space<semaphore_mem>>
        %dma_start3A_497 = tpu.memref_squeeze %dma_start3A_496 : memref<1x!tpu.dma_semaphore, #tpu.memory_space<semaphore_mem>> -> memref<!tpu.dma_semaphore, #tpu.memory_space<semaphore_mem>>
        tpu.enqueue_indirect_dma source(%dma_start3A_495 : memref<10240x32xf32, #tpu.memory_space<hbm>>) target(%dma_start3A_489 : memref<128x32xf32, #tpu.memory_space<vmem>>) offsets(%dma_start3A_492 : memref<128xi32, #tpu.memory_space<vmem>>) semaphore(%dma_start3A_497 : memref<!tpu.dma_semaphore, #tpu.memory_space<semaphore_mem>>)
      } else {
      }
    }
    %while3A_270 = arith.constant 1 : i32
    scf.for %while3A_272 = %while3A_268 to %while3A_264 step %while3A_270  : i32 {
      %mul3A_273 = arith.constant 4 : i32
      %mul3A_274 = arith.muli %while3A_272, %mul3A_273 : i32
      %add3A_275 = arith.constant 0 : i32
      %add3A_276 = arith.addi %mul3A_274, %add3A_275 : i32
      %dma_wait3A_277 = arith.constant 0 : i32
      %dma_wait3A_278 = arith.constant 0 : i32
      %dma_wait3A_279 = arith.constant 0 : i32
      %dma_wait3A_280 = arith.constant 0 : i32
      %dma_wait3A_281 = tpu.memref_slice %arg7[%dma_wait3A_277, %dma_wait3A_279, %dma_wait3A_280] : memref<4x128x32xf32, #tpu.memory_space<vmem>> -> memref<1x128x32xf32, #tpu.memory_space<vmem>>
      %dma_wait3A_282 = tpu.memref_squeeze %dma_wait3A_281 : memref<1x128x32xf32, #tpu.memory_space<vmem>> -> memref<128x32xf32, #tpu.memory_space<vmem>>
      %dma_wait3A_283 = arith.constant 0 : i32
      %dma_wait3A_284 = tpu.memref_slice %arg5[%add3A_276, %dma_wait3A_283] : memref<120x128xi32, #tpu.memory_space<vmem>> -> memref<1x128xi32, #tpu.memory_space<vmem>>
      %dma_wait3A_285 = tpu.memref_squeeze %dma_wait3A_284 : memref<1x128xi32, #tpu.memory_space<vmem>> -> memref<128xi32, #tpu.memory_space<vmem>>
      %dma_wait3A_286 = arith.constant 0 : i32
      %dma_wait3A_287 = arith.constant 0 : i32
      %dma_wait3A_288 = tpu.memref_slice %arg3[%dma_wait3A_286, %dma_wait3A_287] : memref<10240x32xf32, #tpu.memory_space<hbm>> -> memref<10240x32xf32, #tpu.memory_space<hbm>>
      %dma_wait3A_289 = tpu.memref_slice %arg9[%dma_wait3A_278] : memref<4x!tpu.dma_semaphore, #tpu.memory_space<semaphore_mem>> -> memref<1x!tpu.dma_semaphore, #tpu.memory_space<semaphore_mem>>
      %dma_wait3A_290 = tpu.memref_squeeze %dma_wait3A_289 : memref<1x!tpu.dma_semaphore, #tpu.memory_space<semaphore_mem>> -> memref<!tpu.dma_semaphore, #tpu.memory_space<semaphore_mem>>
      tpu.wait_indirect_dma semaphore(%dma_wait3A_290 : memref<!tpu.dma_semaphore, #tpu.memory_space<semaphore_mem>>) src(%dma_wait3A_288 : memref<10240x32xf32, #tpu.memory_space<hbm>>) dst(%dma_wait3A_282 : memref<128x32xf32, #tpu.memory_space<vmem>>)
      %dma_start3A_291 = arith.constant 0 : i32
      %dma_start3A_292 = arith.constant 0 : i32
      %dma_start3A_293 = arith.constant 0 : i32
      %dma_start3A_294 = arith.constant 0 : i32
      %dma_start3A_295 = tpu.memref_slice %arg7[%dma_start3A_291, %dma_start3A_293, %dma_start3A_294] : memref<4x128x32xf32, #tpu.memory_space<vmem>> -> memref<1x128x32xf32, #tpu.memory_space<vmem>>
      %dma_start3A_296 = tpu.memref_squeeze %dma_start3A_295 : memref<1x128x32xf32, #tpu.memory_space<vmem>> -> memref<128x32xf32, #tpu.memory_space<vmem>>
      %dma_start3A_297 = arith.constant 0 : i32
      %dma_start3A_298 = tpu.memref_slice %arg6[%add3A_276, %dma_start3A_297] : memref<120x128xi32, #tpu.memory_space<vmem>> -> memref<1x128xi32, #tpu.memory_space<vmem>>
      %dma_start3A_299 = tpu.memref_squeeze %dma_start3A_298 : memref<1x128xi32, #tpu.memory_space<vmem>> -> memref<128xi32, #tpu.memory_space<vmem>>
      %dma_start3A_300 = arith.constant 0 : i32
      %dma_start3A_301 = arith.constant 0 : i32
      %dma_start3A_302 = tpu.memref_slice %arg8[%dma_start3A_300, %dma_start3A_301] : memref<10240x32xf32, #tpu.memory_space<vmem_shared>> -> memref<10240x32xf32, #tpu.memory_space<vmem_shared>>
      %dma_start3A_303 = tpu.memref_slice %arg10[%dma_start3A_292] : memref<4x!tpu.dma_semaphore, #tpu.memory_space<semaphore_mem>> -> memref<1x!tpu.dma_semaphore, #tpu.memory_space<semaphore_mem>>
      %dma_start3A_304 = tpu.memref_squeeze %dma_start3A_303 : memref<1x!tpu.dma_semaphore, #tpu.memory_space<semaphore_mem>> -> memref<!tpu.dma_semaphore, #tpu.memory_space<semaphore_mem>>
      tpu.enqueue_indirect_dma source(%dma_start3A_296 : memref<128x32xf32, #tpu.memory_space<vmem>>) target(%dma_start3A_302 : memref<10240x32xf32, #tpu.memory_space<vmem_shared>>) offsets(%dma_start3A_299 : memref<128xi32, #tpu.memory_space<vmem>>) semaphore(%dma_start3A_304 : memref<!tpu.dma_semaphore, #tpu.memory_space<semaphore_mem>>) {add = true}
      %add3A_305 = arith.constant 1 : i32
      %add3A_306 = arith.addi %mul3A_274, %add3A_305 : i32
      %dma_wait3A_307 = arith.constant 1 : i32
      %dma_wait3A_308 = arith.constant 1 : i32
      %dma_wait3A_309 = arith.constant 0 : i32
      %dma_wait3A_310 = arith.constant 0 : i32
      %dma_wait3A_311 = tpu.memref_slice %arg7[%dma_wait3A_307, %dma_wait3A_309, %dma_wait3A_310] : memref<4x128x32xf32, #tpu.memory_space<vmem>> -> memref<1x128x32xf32, #tpu.memory_space<vmem>>
      %dma_wait3A_312 = tpu.memref_squeeze %dma_wait3A_311 : memref<1x128x32xf32, #tpu.memory_space<vmem>> -> memref<128x32xf32, #tpu.memory_space<vmem>>
      %dma_wait3A_313 = arith.constant 0 : i32
      %dma_wait3A_314 = tpu.memref_slice %arg5[%add3A_306, %dma_wait3A_313] : memref<120x128xi32, #tpu.memory_space<vmem>> -> memref<1x128xi32, #tpu.memory_space<vmem>>
      %dma_wait3A_315 = tpu.memref_squeeze %dma_wait3A_314 : memref<1x128xi32, #tpu.memory_space<vmem>> -> memref<128xi32, #tpu.memory_space<vmem>>
      %dma_wait3A_316 = arith.constant 0 : i32
      %dma_wait3A_317 = arith.constant 0 : i32
      %dma_wait3A_318 = tpu.memref_slice %arg3[%dma_wait3A_316, %dma_wait3A_317] : memref<10240x32xf32, #tpu.memory_space<hbm>> -> memref<10240x32xf32, #tpu.memory_space<hbm>>
      %dma_wait3A_319 = tpu.memref_slice %arg9[%dma_wait3A_308] : memref<4x!tpu.dma_semaphore, #tpu.memory_space<semaphore_mem>> -> memref<1x!tpu.dma_semaphore, #tpu.memory_space<semaphore_mem>>
      %dma_wait3A_320 = tpu.memref_squeeze %dma_wait3A_319 : memref<1x!tpu.dma_semaphore, #tpu.memory_space<semaphore_mem>> -> memref<!tpu.dma_semaphore, #tpu.memory_space<semaphore_mem>>
      tpu.wait_indirect_dma semaphore(%dma_wait3A_320 : memref<!tpu.dma_semaphore, #tpu.memory_space<semaphore_mem>>) src(%dma_wait3A_318 : memref<10240x32xf32, #tpu.memory_space<hbm>>) dst(%dma_wait3A_312 : memref<128x32xf32, #tpu.memory_space<vmem>>)
      %dma_start3A_321 = arith.constant 1 : i32
      %dma_start3A_322 = arith.constant 1 : i32
      %dma_start3A_323 = arith.constant 0 : i32
      %dma_start3A_324 = arith.constant 0 : i32
      %dma_start3A_325 = tpu.memref_slice %arg7[%dma_start3A_321, %dma_start3A_323, %dma_start3A_324] : memref<4x128x32xf32, #tpu.memory_space<vmem>> -> memref<1x128x32xf32, #tpu.memory_space<vmem>>
      %dma_start3A_326 = tpu.memref_squeeze %dma_start3A_325 : memref<1x128x32xf32, #tpu.memory_space<vmem>> -> memref<128x32xf32, #tpu.memory_space<vmem>>
      %dma_start3A_327 = arith.constant 0 : i32
      %dma_start3A_328 = tpu.memref_slice %arg6[%add3A_306, %dma_start3A_327] : memref<120x128xi32, #tpu.memory_space<vmem>> -> memref<1x128xi32, #tpu.memory_space<vmem>>
      %dma_start3A_329 = tpu.memref_squeeze %dma_start3A_328 : memref<1x128xi32, #tpu.memory_space<vmem>> -> memref<128xi32, #tpu.memory_space<vmem>>
      %dma_start3A_330 = arith.constant 0 : i32
      %dma_start3A_331 = arith.constant 0 : i32
      %dma_start3A_332 = tpu.memref_slice %arg8[%dma_start3A_330, %dma_start3A_331] : memref<10240x32xf32, #tpu.memory_space<vmem_shared>> -> memref<10240x32xf32, #tpu.memory_space<vmem_shared>>
      %dma_start3A_333 = tpu.memref_slice %arg10[%dma_start3A_322] : memref<4x!tpu.dma_semaphore, #tpu.memory_space<semaphore_mem>> -> memref<1x!tpu.dma_semaphore, #tpu.memory_space<semaphore_mem>>
      %dma_start3A_334 = tpu.memref_squeeze %dma_start3A_333 : memref<1x!tpu.dma_semaphore, #tpu.memory_space<semaphore_mem>> -> memref<!tpu.dma_semaphore, #tpu.memory_space<semaphore_mem>>
      tpu.enqueue_indirect_dma source(%dma_start3A_326 : memref<128x32xf32, #tpu.memory_space<vmem>>) target(%dma_start3A_332 : memref<10240x32xf32, #tpu.memory_space<vmem_shared>>) offsets(%dma_start3A_329 : memref<128xi32, #tpu.memory_space<vmem>>) semaphore(%dma_start3A_334 : memref<!tpu.dma_semaphore, #tpu.memory_space<semaphore_mem>>) {add = true}
      %add3A_335 = arith.constant 2 : i32
      %add3A_336 = arith.addi %mul3A_274, %add3A_335 : i32
      %dma_wait3A_337 = arith.constant 2 : i32
      %dma_wait3A_338 = arith.constant 2 : i32
      %dma_wait3A_339 = arith.constant 0 : i32
      %dma_wait3A_340 = arith.constant 0 : i32
      %dma_wait3A_341 = tpu.memref_slice %arg7[%dma_wait3A_337, %dma_wait3A_339, %dma_wait3A_340] : memref<4x128x32xf32, #tpu.memory_space<vmem>> -> memref<1x128x32xf32, #tpu.memory_space<vmem>>
      %dma_wait3A_342 = tpu.memref_squeeze %dma_wait3A_341 : memref<1x128x32xf32, #tpu.memory_space<vmem>> -> memref<128x32xf32, #tpu.memory_space<vmem>>
      %dma_wait3A_343 = arith.constant 0 : i32
      %dma_wait3A_344 = tpu.memref_slice %arg5[%add3A_336, %dma_wait3A_343] : memref<120x128xi32, #tpu.memory_space<vmem>> -> memref<1x128xi32, #tpu.memory_space<vmem>>
      %dma_wait3A_345 = tpu.memref_squeeze %dma_wait3A_344 : memref<1x128xi32, #tpu.memory_space<vmem>> -> memref<128xi32, #tpu.memory_space<vmem>>
      %dma_wait3A_346 = arith.constant 0 : i32
      %dma_wait3A_347 = arith.constant 0 : i32
      %dma_wait3A_348 = tpu.memref_slice %arg3[%dma_wait3A_346, %dma_wait3A_347] : memref<10240x32xf32, #tpu.memory_space<hbm>> -> memref<10240x32xf32, #tpu.memory_space<hbm>>
      %dma_wait3A_349 = tpu.memref_slice %arg9[%dma_wait3A_338] : memref<4x!tpu.dma_semaphore, #tpu.memory_space<semaphore_mem>> -> memref<1x!tpu.dma_semaphore, #tpu.memory_space<semaphore_mem>>
      %dma_wait3A_350 = tpu.memref_squeeze %dma_wait3A_349 : memref<1x!tpu.dma_semaphore, #tpu.memory_space<semaphore_mem>> -> memref<!tpu.dma_semaphore, #tpu.memory_space<semaphore_mem>>
      tpu.wait_indirect_dma semaphore(%dma_wait3A_350 : memref<!tpu.dma_semaphore, #tpu.memory_space<semaphore_mem>>) src(%dma_wait3A_348 : memref<10240x32xf32, #tpu.memory_space<hbm>>) dst(%dma_wait3A_342 : memref<128x32xf32, #tpu.memory_space<vmem>>)
      %dma_start3A_351 = arith.constant 2 : i32
      %dma_start3A_352 = arith.constant 2 : i32
      %dma_start3A_353 = arith.constant 0 : i32
      %dma_start3A_354 = arith.constant 0 : i32
      %dma_start3A_355 = tpu.memref_slice %arg7[%dma_start3A_351, %dma_start3A_353, %dma_start3A_354] : memref<4x128x32xf32, #tpu.memory_space<vmem>> -> memref<1x128x32xf32, #tpu.memory_space<vmem>>
      %dma_start3A_356 = tpu.memref_squeeze %dma_start3A_355 : memref<1x128x32xf32, #tpu.memory_space<vmem>> -> memref<128x32xf32, #tpu.memory_space<vmem>>
      %dma_start3A_357 = arith.constant 0 : i32
      %dma_start3A_358 = tpu.memref_slice %arg6[%add3A_336, %dma_start3A_357] : memref<120x128xi32, #tpu.memory_space<vmem>> -> memref<1x128xi32, #tpu.memory_space<vmem>>
      %dma_start3A_359 = tpu.memref_squeeze %dma_start3A_358 : memref<1x128xi32, #tpu.memory_space<vmem>> -> memref<128xi32, #tpu.memory_space<vmem>>
      %dma_start3A_360 = arith.constant 0 : i32
      %dma_start3A_361 = arith.constant 0 : i32
      %dma_start3A_362 = tpu.memref_slice %arg8[%dma_start3A_360, %dma_start3A_361] : memref<10240x32xf32, #tpu.memory_space<vmem_shared>> -> memref<10240x32xf32, #tpu.memory_space<vmem_shared>>
      %dma_start3A_363 = tpu.memref_slice %arg10[%dma_start3A_352] : memref<4x!tpu.dma_semaphore, #tpu.memory_space<semaphore_mem>> -> memref<1x!tpu.dma_semaphore, #tpu.memory_space<semaphore_mem>>
      %dma_start3A_364 = tpu.memref_squeeze %dma_start3A_363 : memref<1x!tpu.dma_semaphore, #tpu.memory_space<semaphore_mem>> -> memref<!tpu.dma_semaphore, #tpu.memory_space<semaphore_mem>>
      tpu.enqueue_indirect_dma source(%dma_start3A_356 : memref<128x32xf32, #tpu.memory_space<vmem>>) target(%dma_start3A_362 : memref<10240x32xf32, #tpu.memory_space<vmem_shared>>) offsets(%dma_start3A_359 : memref<128xi32, #tpu.memory_space<vmem>>) semaphore(%dma_start3A_364 : memref<!tpu.dma_semaphore, #tpu.memory_space<semaphore_mem>>) {add = true}
      %add3A_365 = arith.constant 3 : i32
      %add3A_366 = arith.addi %mul3A_274, %add3A_365 : i32
      %dma_wait3A_367 = arith.constant 3 : i32
      %dma_wait3A_368 = arith.constant 3 : i32
      %dma_wait3A_369 = arith.constant 0 : i32
      %dma_wait3A_370 = arith.constant 0 : i32
      %dma_wait3A_371 = tpu.memref_slice %arg7[%dma_wait3A_367, %dma_wait3A_369, %dma_wait3A_370] : memref<4x128x32xf32, #tpu.memory_space<vmem>> -> memref<1x128x32xf32, #tpu.memory_space<vmem>>
      %dma_wait3A_372 = tpu.memref_squeeze %dma_wait3A_371 : memref<1x128x32xf32, #tpu.memory_space<vmem>> -> memref<128x32xf32, #tpu.memory_space<vmem>>
      %dma_wait3A_373 = arith.constant 0 : i32
      %dma_wait3A_374 = tpu.memref_slice %arg5[%add3A_366, %dma_wait3A_373] : memref<120x128xi32, #tpu.memory_space<vmem>> -> memref<1x128xi32, #tpu.memory_space<vmem>>
      %dma_wait3A_375 = tpu.memref_squeeze %dma_wait3A_374 : memref<1x128xi32, #tpu.memory_space<vmem>> -> memref<128xi32, #tpu.memory_space<vmem>>
      %dma_wait3A_376 = arith.constant 0 : i32
      %dma_wait3A_377 = arith.constant 0 : i32
      %dma_wait3A_378 = tpu.memref_slice %arg3[%dma_wait3A_376, %dma_wait3A_377] : memref<10240x32xf32, #tpu.memory_space<hbm>> -> memref<10240x32xf32, #tpu.memory_space<hbm>>
      %dma_wait3A_379 = tpu.memref_slice %arg9[%dma_wait3A_368] : memref<4x!tpu.dma_semaphore, #tpu.memory_space<semaphore_mem>> -> memref<1x!tpu.dma_semaphore, #tpu.memory_space<semaphore_mem>>
      %dma_wait3A_380 = tpu.memref_squeeze %dma_wait3A_379 : memref<1x!tpu.dma_semaphore, #tpu.memory_space<semaphore_mem>> -> memref<!tpu.dma_semaphore, #tpu.memory_space<semaphore_mem>>
      tpu.wait_indirect_dma semaphore(%dma_wait3A_380 : memref<!tpu.dma_semaphore, #tpu.memory_space<semaphore_mem>>) src(%dma_wait3A_378 : memref<10240x32xf32, #tpu.memory_space<hbm>>) dst(%dma_wait3A_372 : memref<128x32xf32, #tpu.memory_space<vmem>>)
      %dma_start3A_381 = arith.constant 3 : i32
      %dma_start3A_382 = arith.constant 3 : i32
      %dma_start3A_383 = arith.constant 0 : i32
      %dma_start3A_384 = arith.constant 0 : i32
      %dma_start3A_385 = tpu.memref_slice %arg7[%dma_start3A_381, %dma_start3A_383, %dma_start3A_384] : memref<4x128x32xf32, #tpu.memory_space<vmem>> -> memref<1x128x32xf32, #tpu.memory_space<vmem>>
      %dma_start3A_386 = tpu.memref_squeeze %dma_start3A_385 : memref<1x128x32xf32, #tpu.memory_space<vmem>> -> memref<128x32xf32, #tpu.memory_space<vmem>>
      %dma_start3A_387 = arith.constant 0 : i32
      %dma_start3A_388 = tpu.memref_slice %arg6[%add3A_366, %dma_start3A_387] : memref<120x128xi32, #tpu.memory_space<vmem>> -> memref<1x128xi32, #tpu.memory_space<vmem>>
      %dma_start3A_389 = tpu.memref_squeeze %dma_start3A_388 : memref<1x128xi32, #tpu.memory_space<vmem>> -> memref<128xi32, #tpu.memory_space<vmem>>
      %dma_start3A_390 = arith.constant 0 : i32
      %dma_start3A_391 = arith.constant 0 : i32
      %dma_start3A_392 = tpu.memref_slice %arg8[%dma_start3A_390, %dma_start3A_391] : memref<10240x32xf32, #tpu.memory_space<vmem_shared>> -> memref<10240x32xf32, #tpu.memory_space<vmem_shared>>
      %dma_start3A_393 = tpu.memref_slice %arg10[%dma_start3A_382] : memref<4x!tpu.dma_semaphore, #tpu.memory_space<semaphore_mem>> -> memref<1x!tpu.dma_semaphore, #tpu.memory_space<semaphore_mem>>
      %dma_start3A_394 = tpu.memref_squeeze %dma_start3A_393 : memref<1x!tpu.dma_semaphore, #tpu.memory_space<semaphore_mem>> -> memref<!tpu.dma_semaphore, #tpu.memory_space<semaphore_mem>>
      tpu.enqueue_indirect_dma source(%dma_start3A_386 : memref<128x32xf32, #tpu.memory_space<vmem>>) target(%dma_start3A_392 : memref<10240x32xf32, #tpu.memory_space<vmem_shared>>) offsets(%dma_start3A_389 : memref<128xi32, #tpu.memory_space<vmem>>) semaphore(%dma_start3A_394 : memref<!tpu.dma_semaphore, #tpu.memory_space<semaphore_mem>>) {add = true}
      %add3A_395 = arith.constant 0 : i32
      %add3A_396 = arith.addi %mul3A_274, %add3A_395 : i32
      %dma_wait3A_397 = arith.constant 0 : i32
      %dma_wait3A_398 = arith.constant 0 : i32
      %dma_wait3A_399 = arith.constant 0 : i32
      %dma_wait3A_400 = arith.constant 0 : i32
      %dma_wait3A_401 = tpu.memref_slice %arg7[%dma_wait3A_397, %dma_wait3A_399, %dma_wait3A_400] : memref<4x128x32xf32, #tpu.memory_space<vmem>> -> memref<1x128x32xf32, #tpu.memory_space<vmem>>
      %dma_wait3A_402 = tpu.memref_squeeze %dma_wait3A_401 : memref<1x128x32xf32, #tpu.memory_space<vmem>> -> memref<128x32xf32, #tpu.memory_space<vmem>>
      %dma_wait3A_403 = arith.constant 0 : i32
      %dma_wait3A_404 = tpu.memref_slice %arg6[%add3A_396, %dma_wait3A_403] : memref<120x128xi32, #tpu.memory_space<vmem>> -> memref<1x128xi32, #tpu.memory_space<vmem>>
      %dma_wait3A_405 = tpu.memref_squeeze %dma_wait3A_404 : memref<1x128xi32, #tpu.memory_space<vmem>> -> memref<128xi32, #tpu.memory_space<vmem>>
      %dma_wait3A_406 = arith.constant 0 : i32
      %dma_wait3A_407 = arith.constant 0 : i32
      %dma_wait3A_408 = tpu.memref_slice %arg8[%dma_wait3A_406, %dma_wait3A_407] : memref<10240x32xf32, #tpu.memory_space<vmem_shared>> -> memref<10240x32xf32, #tpu.memory_space<vmem_shared>>
      %dma_wait3A_409 = tpu.memref_slice %arg10[%dma_wait3A_398] : memref<4x!tpu.dma_semaphore, #tpu.memory_space<semaphore_mem>> -> memref<1x!tpu.dma_semaphore, #tpu.memory_space<semaphore_mem>>
      %dma_wait3A_410 = tpu.memref_squeeze %dma_wait3A_409 : memref<1x!tpu.dma_semaphore, #tpu.memory_space<semaphore_mem>> -> memref<!tpu.dma_semaphore, #tpu.memory_space<semaphore_mem>>
      tpu.wait_indirect_dma semaphore(%dma_wait3A_410 : memref<!tpu.dma_semaphore, #tpu.memory_space<semaphore_mem>>) src(%dma_wait3A_402 : memref<128x32xf32, #tpu.memory_space<vmem>>) dst(%dma_wait3A_408 : memref<10240x32xf32, #tpu.memory_space<vmem_shared>>)
      %add3A_411 = arith.constant 4 : i32
      %add3A_412 = arith.addi %add3A_396, %add3A_411 : i32
      %lt3A = arith.cmpi slt, %add3A_412, %select_n3A : i32
      %convert_element_type3A_413 = arith.extui %lt3A : i1 to i32
      %cond3A_414 = arith.constant 0 : i32
      %cond3A_415 = arith.cmpi ne, %convert_element_type3A_413, %cond3A_414 : i32
      scf.if %cond3A_415 {
        %add3A_482 = arith.constant 4 : i32
        %add3A_483 = arith.addi %add3A_396, %add3A_482 : i32
        %dma_start3A_484 = arith.constant 0 : i32
        %dma_start3A_485 = arith.constant 0 : i32
        %dma_start3A_486 = arith.constant 0 : i32
        %dma_start3A_487 = arith.constant 0 : i32
        %dma_start3A_488 = tpu.memref_slice %arg7[%dma_start3A_484, %dma_start3A_486, %dma_start3A_487] : memref<4x128x32xf32, #tpu.memory_space<vmem>> -> memref<1x128x32xf32, #tpu.memory_space<vmem>>
        %dma_start3A_489 = tpu.memref_squeeze %dma_start3A_488 : memref<1x128x32xf32, #tpu.memory_space<vmem>> -> memref<128x32xf32, #tpu.memory_space<vmem>>
        %dma_start3A_490 = arith.constant 0 : i32
        %dma_start3A_491 = tpu.memref_slice %arg5[%add3A_483, %dma_start3A_490] : memref<120x128xi32, #tpu.memory_space<vmem>> -> memref<1x128xi32, #tpu.memory_space<vmem>>
        %dma_start3A_492 = tpu.memref_squeeze %dma_start3A_491 : memref<1x128xi32, #tpu.memory_space<vmem>> -> memref<128xi32, #tpu.memory_space<vmem>>
        %dma_start3A_493 = arith.constant 0 : i32
        %dma_start3A_494 = arith.constant 0 : i32
        %dma_start3A_495 = tpu.memref_slice %arg3[%dma_start3A_493, %dma_start3A_494] : memref<10240x32xf32, #tpu.memory_space<hbm>> -> memref<10240x32xf32, #tpu.memory_space<hbm>>
        %dma_start3A_496 = tpu.memref_slice %arg9[%dma_start3A_485] : memref<4x!tpu.dma_semaphore, #tpu.memory_space<semaphore_mem>> -> memref<1x!tpu.dma_semaphore, #tpu.memory_space<semaphore_mem>>
        %dma_start3A_497 = tpu.memref_squeeze %dma_start3A_496 : memref<1x!tpu.dma_semaphore, #tpu.memory_space<semaphore_mem>> -> memref<!tpu.dma_semaphore, #tpu.memory_space<semaphore_mem>>
        tpu.enqueue_indirect_dma source(%dma_start3A_495 : memref<10240x32xf32, #tpu.memory_space<hbm>>) target(%dma_start3A_489 : memref<128x32xf32, #tpu.memory_space<vmem>>) offsets(%dma_start3A_492 : memref<128xi32, #tpu.memory_space<vmem>>) semaphore(%dma_start3A_497 : memref<!tpu.dma_semaphore, #tpu.memory_space<semaphore_mem>>)
      } else {
      }
      %add3A_416 = arith.constant 1 : i32
      %add3A_417 = arith.addi %mul3A_274, %add3A_416 : i32
      %dma_wait3A_418 = arith.constant 1 : i32
      %dma_wait3A_419 = arith.constant 1 : i32
      %dma_wait3A_420 = arith.constant 0 : i32
      %dma_wait3A_421 = arith.constant 0 : i32
      %dma_wait3A_422 = tpu.memref_slice %arg7[%dma_wait3A_418, %dma_wait3A_420, %dma_wait3A_421] : memref<4x128x32xf32, #tpu.memory_space<vmem>> -> memref<1x128x32xf32, #tpu.memory_space<vmem>>
      %dma_wait3A_423 = tpu.memref_squeeze %dma_wait3A_422 : memref<1x128x32xf32, #tpu.memory_space<vmem>> -> memref<128x32xf32, #tpu.memory_space<vmem>>
      %dma_wait3A_424 = arith.constant 0 : i32
      %dma_wait3A_425 = tpu.memref_slice %arg6[%add3A_417, %dma_wait3A_424] : memref<120x128xi32, #tpu.memory_space<vmem>> -> memref<1x128xi32, #tpu.memory_space<vmem>>
      %dma_wait3A_426 = tpu.memref_squeeze %dma_wait3A_425 : memref<1x128xi32, #tpu.memory_space<vmem>> -> memref<128xi32, #tpu.memory_space<vmem>>
      %dma_wait3A_427 = arith.constant 0 : i32
      %dma_wait3A_428 = arith.constant 0 : i32
      %dma_wait3A_429 = tpu.memref_slice %arg8[%dma_wait3A_427, %dma_wait3A_428] : memref<10240x32xf32, #tpu.memory_space<vmem_shared>> -> memref<10240x32xf32, #tpu.memory_space<vmem_shared>>
      %dma_wait3A_430 = tpu.memref_slice %arg10[%dma_wait3A_419] : memref<4x!tpu.dma_semaphore, #tpu.memory_space<semaphore_mem>> -> memref<1x!tpu.dma_semaphore, #tpu.memory_space<semaphore_mem>>
      %dma_wait3A_431 = tpu.memref_squeeze %dma_wait3A_430 : memref<1x!tpu.dma_semaphore, #tpu.memory_space<semaphore_mem>> -> memref<!tpu.dma_semaphore, #tpu.memory_space<semaphore_mem>>
      tpu.wait_indirect_dma semaphore(%dma_wait3A_431 : memref<!tpu.dma_semaphore, #tpu.memory_space<semaphore_mem>>) src(%dma_wait3A_423 : memref<128x32xf32, #tpu.memory_space<vmem>>) dst(%dma_wait3A_429 : memref<10240x32xf32, #tpu.memory_space<vmem_shared>>)
      %add3A_432 = arith.constant 4 : i32
      %add3A_433 = arith.addi %add3A_417, %add3A_432 : i32
      %lt3A_434 = arith.cmpi slt, %add3A_433, %select_n3A : i32
      %convert_element_type3A_435 = arith.extui %lt3A_434 : i1 to i32
      %cond3A_436 = arith.constant 0 : i32
      %cond3A_437 = arith.cmpi ne, %convert_element_type3A_435, %cond3A_436 : i32
      scf.if %cond3A_437 {
        %add3A_482 = arith.constant 4 : i32
        %add3A_483 = arith.addi %add3A_417, %add3A_482 : i32
        %dma_start3A_484 = arith.constant 1 : i32
        %dma_start3A_485 = arith.constant 1 : i32
        %dma_start3A_486 = arith.constant 0 : i32
        %dma_start3A_487 = arith.constant 0 : i32
        %dma_start3A_488 = tpu.memref_slice %arg7[%dma_start3A_484, %dma_start3A_486, %dma_start3A_487] : memref<4x128x32xf32, #tpu.memory_space<vmem>> -> memref<1x128x32xf32, #tpu.memory_space<vmem>>
        %dma_start3A_489 = tpu.memref_squeeze %dma_start3A_488 : memref<1x128x32xf32, #tpu.memory_space<vmem>> -> memref<128x32xf32, #tpu.memory_space<vmem>>
        %dma_start3A_490 = arith.constant 0 : i32
        %dma_start3A_491 = tpu.memref_slice %arg5[%add3A_483, %dma_start3A_490] : memref<120x128xi32, #tpu.memory_space<vmem>> -> memref<1x128xi32, #tpu.memory_space<vmem>>
        %dma_start3A_492 = tpu.memref_squeeze %dma_start3A_491 : memref<1x128xi32, #tpu.memory_space<vmem>> -> memref<128xi32, #tpu.memory_space<vmem>>
        %dma_start3A_493 = arith.constant 0 : i32
        %dma_start3A_494 = arith.constant 0 : i32
        %dma_start3A_495 = tpu.memref_slice %arg3[%dma_start3A_493, %dma_start3A_494] : memref<10240x32xf32, #tpu.memory_space<hbm>> -> memref<10240x32xf32, #tpu.memory_space<hbm>>
        %dma_start3A_496 = tpu.memref_slice %arg9[%dma_start3A_485] : memref<4x!tpu.dma_semaphore, #tpu.memory_space<semaphore_mem>> -> memref<1x!tpu.dma_semaphore, #tpu.memory_space<semaphore_mem>>
        %dma_start3A_497 = tpu.memref_squeeze %dma_start3A_496 : memref<1x!tpu.dma_semaphore, #tpu.memory_space<semaphore_mem>> -> memref<!tpu.dma_semaphore, #tpu.memory_space<semaphore_mem>>
        tpu.enqueue_indirect_dma source(%dma_start3A_495 : memref<10240x32xf32, #tpu.memory_space<hbm>>) target(%dma_start3A_489 : memref<128x32xf32, #tpu.memory_space<vmem>>) offsets(%dma_start3A_492 : memref<128xi32, #tpu.memory_space<vmem>>) semaphore(%dma_start3A_497 : memref<!tpu.dma_semaphore, #tpu.memory_space<semaphore_mem>>)
      } else {
      }
      %add3A_438 = arith.constant 2 : i32
      %add3A_439 = arith.addi %mul3A_274, %add3A_438 : i32
      %dma_wait3A_440 = arith.constant 2 : i32
      %dma_wait3A_441 = arith.constant 2 : i32
      %dma_wait3A_442 = arith.constant 0 : i32
      %dma_wait3A_443 = arith.constant 0 : i32
      %dma_wait3A_444 = tpu.memref_slice %arg7[%dma_wait3A_440, %dma_wait3A_442, %dma_wait3A_443] : memref<4x128x32xf32, #tpu.memory_space<vmem>> -> memref<1x128x32xf32, #tpu.memory_space<vmem>>
      %dma_wait3A_445 = tpu.memref_squeeze %dma_wait3A_444 : memref<1x128x32xf32, #tpu.memory_space<vmem>> -> memref<128x32xf32, #tpu.memory_space<vmem>>
      %dma_wait3A_446 = arith.constant 0 : i32
      %dma_wait3A_447 = tpu.memref_slice %arg6[%add3A_439, %dma_wait3A_446] : memref<120x128xi32, #tpu.memory_space<vmem>> -> memref<1x128xi32, #tpu.memory_space<vmem>>
      %dma_wait3A_448 = tpu.memref_squeeze %dma_wait3A_447 : memref<1x128xi32, #tpu.memory_space<vmem>> -> memref<128xi32, #tpu.memory_space<vmem>>
      %dma_wait3A_449 = arith.constant 0 : i32
      %dma_wait3A_450 = arith.constant 0 : i32
      %dma_wait3A_451 = tpu.memref_slice %arg8[%dma_wait3A_449, %dma_wait3A_450] : memref<10240x32xf32, #tpu.memory_space<vmem_shared>> -> memref<10240x32xf32, #tpu.memory_space<vmem_shared>>
      %dma_wait3A_452 = tpu.memref_slice %arg10[%dma_wait3A_441] : memref<4x!tpu.dma_semaphore, #tpu.memory_space<semaphore_mem>> -> memref<1x!tpu.dma_semaphore, #tpu.memory_space<semaphore_mem>>
      %dma_wait3A_453 = tpu.memref_squeeze %dma_wait3A_452 : memref<1x!tpu.dma_semaphore, #tpu.memory_space<semaphore_mem>> -> memref<!tpu.dma_semaphore, #tpu.memory_space<semaphore_mem>>
      tpu.wait_indirect_dma semaphore(%dma_wait3A_453 : memref<!tpu.dma_semaphore, #tpu.memory_space<semaphore_mem>>) src(%dma_wait3A_445 : memref<128x32xf32, #tpu.memory_space<vmem>>) dst(%dma_wait3A_451 : memref<10240x32xf32, #tpu.memory_space<vmem_shared>>)
      %add3A_454 = arith.constant 4 : i32
      %add3A_455 = arith.addi %add3A_439, %add3A_454 : i32
      %lt3A_456 = arith.cmpi slt, %add3A_455, %select_n3A : i32
      %convert_element_type3A_457 = arith.extui %lt3A_456 : i1 to i32
      %cond3A_458 = arith.constant 0 : i32
      %cond3A_459 = arith.cmpi ne, %convert_element_type3A_457, %cond3A_458 : i32
      scf.if %cond3A_459 {
        %add3A_482 = arith.constant 4 : i32
        %add3A_483 = arith.addi %add3A_439, %add3A_482 : i32
        %dma_start3A_484 = arith.constant 2 : i32
        %dma_start3A_485 = arith.constant 2 : i32
        %dma_start3A_486 = arith.constant 0 : i32
        %dma_start3A_487 = arith.constant 0 : i32
        %dma_start3A_488 = tpu.memref_slice %arg7[%dma_start3A_484, %dma_start3A_486, %dma_start3A_487] : memref<4x128x32xf32, #tpu.memory_space<vmem>> -> memref<1x128x32xf32, #tpu.memory_space<vmem>>
        %dma_start3A_489 = tpu.memref_squeeze %dma_start3A_488 : memref<1x128x32xf32, #tpu.memory_space<vmem>> -> memref<128x32xf32, #tpu.memory_space<vmem>>
        %dma_start3A_490 = arith.constant 0 : i32
        %dma_start3A_491 = tpu.memref_slice %arg5[%add3A_483, %dma_start3A_490] : memref<120x128xi32, #tpu.memory_space<vmem>> -> memref<1x128xi32, #tpu.memory_space<vmem>>
        %dma_start3A_492 = tpu.memref_squeeze %dma_start3A_491 : memref<1x128xi32, #tpu.memory_space<vmem>> -> memref<128xi32, #tpu.memory_space<vmem>>
        %dma_start3A_493 = arith.constant 0 : i32
        %dma_start3A_494 = arith.constant 0 : i32
        %dma_start3A_495 = tpu.memref_slice %arg3[%dma_start3A_493, %dma_start3A_494] : memref<10240x32xf32, #tpu.memory_space<hbm>> -> memref<10240x32xf32, #tpu.memory_space<hbm>>
        %dma_start3A_496 = tpu.memref_slice %arg9[%dma_start3A_485] : memref<4x!tpu.dma_semaphore, #tpu.memory_space<semaphore_mem>> -> memref<1x!tpu.dma_semaphore, #tpu.memory_space<semaphore_mem>>
        %dma_start3A_497 = tpu.memref_squeeze %dma_start3A_496 : memref<1x!tpu.dma_semaphore, #tpu.memory_space<semaphore_mem>> -> memref<!tpu.dma_semaphore, #tpu.memory_space<semaphore_mem>>
        tpu.enqueue_indirect_dma source(%dma_start3A_495 : memref<10240x32xf32, #tpu.memory_space<hbm>>) target(%dma_start3A_489 : memref<128x32xf32, #tpu.memory_space<vmem>>) offsets(%dma_start3A_492 : memref<128xi32, #tpu.memory_space<vmem>>) semaphore(%dma_start3A_497 : memref<!tpu.dma_semaphore, #tpu.memory_space<semaphore_mem>>)
      } else {
      }
      %add3A_460 = arith.constant 3 : i32
      %add3A_461 = arith.addi %mul3A_274, %add3A_460 : i32
      %dma_wait3A_462 = arith.constant 3 : i32
      %dma_wait3A_463 = arith.constant 3 : i32
      %dma_wait3A_464 = arith.constant 0 : i32
      %dma_wait3A_465 = arith.constant 0 : i32
      %dma_wait3A_466 = tpu.memref_slice %arg7[%dma_wait3A_462, %dma_wait3A_464, %dma_wait3A_465] : memref<4x128x32xf32, #tpu.memory_space<vmem>> -> memref<1x128x32xf32, #tpu.memory_space<vmem>>
      %dma_wait3A_467 = tpu.memref_squeeze %dma_wait3A_466 : memref<1x128x32xf32, #tpu.memory_space<vmem>> -> memref<128x32xf32, #tpu.memory_space<vmem>>
      %dma_wait3A_468 = arith.constant 0 : i32
      %dma_wait3A_469 = tpu.memref_slice %arg6[%add3A_461, %dma_wait3A_468] : memref<120x128xi32, #tpu.memory_space<vmem>> -> memref<1x128xi32, #tpu.memory_space<vmem>>
      %dma_wait3A_470 = tpu.memref_squeeze %dma_wait3A_469 : memref<1x128xi32, #tpu.memory_space<vmem>> -> memref<128xi32, #tpu.memory_space<vmem>>
      %dma_wait3A_471 = arith.constant 0 : i32
      %dma_wait3A_472 = arith.constant 0 : i32
      %dma_wait3A_473 = tpu.memref_slice %arg8[%dma_wait3A_471, %dma_wait3A_472] : memref<10240x32xf32, #tpu.memory_space<vmem_shared>> -> memref<10240x32xf32, #tpu.memory_space<vmem_shared>>
      %dma_wait3A_474 = tpu.memref_slice %arg10[%dma_wait3A_463] : memref<4x!tpu.dma_semaphore, #tpu.memory_space<semaphore_mem>> -> memref<1x!tpu.dma_semaphore, #tpu.memory_space<semaphore_mem>>
      %dma_wait3A_475 = tpu.memref_squeeze %dma_wait3A_474 : memref<1x!tpu.dma_semaphore, #tpu.memory_space<semaphore_mem>> -> memref<!tpu.dma_semaphore, #tpu.memory_space<semaphore_mem>>
      tpu.wait_indirect_dma semaphore(%dma_wait3A_475 : memref<!tpu.dma_semaphore, #tpu.memory_space<semaphore_mem>>) src(%dma_wait3A_467 : memref<128x32xf32, #tpu.memory_space<vmem>>) dst(%dma_wait3A_473 : memref<10240x32xf32, #tpu.memory_space<vmem_shared>>)
      %add3A_476 = arith.constant 4 : i32
      %add3A_477 = arith.addi %add3A_461, %add3A_476 : i32
      %lt3A_478 = arith.cmpi slt, %add3A_477, %select_n3A : i32
      %convert_element_type3A_479 = arith.extui %lt3A_478 : i1 to i32
      %cond3A_480 = arith.constant 0 : i32
      %cond3A_481 = arith.cmpi ne, %convert_element_type3A_479, %cond3A_480 : i32
      scf.if %cond3A_481 {
        %add3A_482 = arith.constant 4 : i32
        %add3A_483 = arith.addi %add3A_461, %add3A_482 : i32
        %dma_start3A_484 = arith.constant 3 : i32
        %dma_start3A_485 = arith.constant 3 : i32
        %dma_start3A_486 = arith.constant 0 : i32
        %dma_start3A_487 = arith.constant 0 : i32
        %dma_start3A_488 = tpu.memref_slice %arg7[%dma_start3A_484, %dma_start3A_486, %dma_start3A_487] : memref<4x128x32xf32, #tpu.memory_space<vmem>> -> memref<1x128x32xf32, #tpu.memory_space<vmem>>
        %dma_start3A_489 = tpu.memref_squeeze %dma_start3A_488 : memref<1x128x32xf32, #tpu.memory_space<vmem>> -> memref<128x32xf32, #tpu.memory_space<vmem>>
        %dma_start3A_490 = arith.constant 0 : i32
        %dma_start3A_491 = tpu.memref_slice %arg5[%add3A_483, %dma_start3A_490] : memref<120x128xi32, #tpu.memory_space<vmem>> -> memref<1x128xi32, #tpu.memory_space<vmem>>
        %dma_start3A_492 = tpu.memref_squeeze %dma_start3A_491 : memref<1x128xi32, #tpu.memory_space<vmem>> -> memref<128xi32, #tpu.memory_space<vmem>>
        %dma_start3A_493 = arith.constant 0 : i32
        %dma_start3A_494 = arith.constant 0 : i32
        %dma_start3A_495 = tpu.memref_slice %arg3[%dma_start3A_493, %dma_start3A_494] : memref<10240x32xf32, #tpu.memory_space<hbm>> -> memref<10240x32xf32, #tpu.memory_space<hbm>>
        %dma_start3A_496 = tpu.memref_slice %arg9[%dma_start3A_485] : memref<4x!tpu.dma_semaphore, #tpu.memory_space<semaphore_mem>> -> memref<1x!tpu.dma_semaphore, #tpu.memory_space<semaphore_mem>>
        %dma_start3A_497 = tpu.memref_squeeze %dma_start3A_496 : memref<1x!tpu.dma_semaphore, #tpu.memory_space<semaphore_mem>> -> memref<!tpu.dma_semaphore, #tpu.memory_space<semaphore_mem>>
        tpu.enqueue_indirect_dma source(%dma_start3A_495 : memref<10240x32xf32, #tpu.memory_space<hbm>>) target(%dma_start3A_489 : memref<128x32xf32, #tpu.memory_space<vmem>>) offsets(%dma_start3A_492 : memref<128xi32, #tpu.memory_space<vmem>>) semaphore(%dma_start3A_497 : memref<!tpu.dma_semaphore, #tpu.memory_space<semaphore_mem>>)
      } else {
      }
    }
    %barrier3A_271 = arith.constant 0 : index
    tpu.barrier barrier_id(%barrier3A_271)
    "tpu.region"() ({
      %run_scoped3A = tpu.sem_alloc : memref<!tpu.dma_semaphore, #tpu.memory_space<semaphore_mem>>
      %dma_start3A_272 = arith.constant 0 : i32
      %dma_start3A_273 = tpu.memref_slice %arg4[%arg0, %mul3A_2, %dma_start3A_272] : memref<2x10240x32xf32, #tpu.memory_space<hbm>> -> memref<1x640x32xf32, #tpu.memory_space<hbm>>
      %dma_start3A_274 = tpu.memref_squeeze %dma_start3A_273 : memref<1x640x32xf32, #tpu.memory_space<hbm>> -> memref<640x32xf32, #tpu.memory_space<hbm>>
      %dma_start3A_275 = arith.constant 0 : i32
      %dma_start3A_276 = tpu.memref_slice %arg8[%mul3A_2, %dma_start3A_275] : memref<10240x32xf32, #tpu.memory_space<vmem_shared>> -> memref<640x32xf32, #tpu.memory_space<vmem_shared>>
      tpu.enqueue_dma source(%dma_start3A_276 : memref<640x32xf32, #tpu.memory_space<vmem_shared>>) target(%dma_start3A_274 : memref<640x32xf32, #tpu.memory_space<hbm>>) target_semaphore(%run_scoped3A : memref<!tpu.dma_semaphore, #tpu.memory_space<semaphore_mem>>)
      %dma_wait3A_277 = arith.constant 0 : i32
      %dma_wait3A_278 = tpu.memref_slice %arg4[%arg0, %mul3A_2, %dma_wait3A_277] : memref<2x10240x32xf32, #tpu.memory_space<hbm>> -> memref<1x640x32xf32, #tpu.memory_space<hbm>>
      %dma_wait3A_279 = tpu.memref_squeeze %dma_wait3A_278 : memref<1x640x32xf32, #tpu.memory_space<hbm>> -> memref<640x32xf32, #tpu.memory_space<hbm>>
      %dma_wait3A_280 = arith.constant 0 : i32
      %dma_wait3A_281 = tpu.memref_slice %arg8[%mul3A_2, %dma_wait3A_280] : memref<10240x32xf32, #tpu.memory_space<vmem_shared>> -> memref<640x32xf32, #tpu.memory_space<vmem_shared>>
      tpu.wait_dma2 semaphore(%run_scoped3A : memref<!tpu.dma_semaphore, #tpu.memory_space<semaphore_mem>>) src(%dma_wait3A_281 : memref<640x32xf32, #tpu.memory_space<vmem_shared>>) dst(%dma_wait3A_279 : memref<640x32xf32, #tpu.memory_space<hbm>>)
      tpu.yield
    }) : () -> ()
    return
  }
}

#map = affine_map<(d0, d1) -> (0, 0, 0)>
#map1 = affine_map<(d0, d1) -> (0, 0)>
module attributes {stable_mosaic.version = 14 : i64} {
  func.func @_seg_sum1(%arg0: i32, %arg1: i32, %arg2: memref<2x2560x128xi32, #tpu.memory_space<hbm>>, %arg3: memref<10240x64xf32, #tpu.memory_space<hbm>>, %arg4: memref<640x8xf32, #tpu.memory_space<hbm>>, %arg5: memref<128x8xf32, #tpu.memory_space<hbm>>, %arg6: memref<2x10240x64xf32, #tpu.memory_space<hbm>>, %arg7: memref<2x10240x8xf32, #tpu.memory_space<hbm>>, %arg8: memref<120x128xi32, #tpu.memory_space<vmem>>, %arg9: memref<120x128xi32, #tpu.memory_space<vmem>>, %arg10: memref<4x128x64xf32, #tpu.memory_space<vmem>>, %arg11: memref<128x8xf32, #tpu.memory_space<vmem>>, %arg12: memref<10240x64xf32, #tpu.memory_space<vmem_shared>>, %arg13: memref<10240x8xf32, #tpu.memory_space<vmem_shared>>, %arg14: memref<4x!tpu.dma_semaphore, #tpu.memory_space<semaphore_mem>>, %arg15: memref<4x!tpu.dma_semaphore, #tpu.memory_space<semaphore_mem>>, %arg16: memref<4x!tpu.dma_semaphore, #tpu.memory_space<semaphore_mem>>, %arg17: memref<5x!tpu.dma_semaphore, #tpu.memory_space<semaphore_mem>>) attributes {dimension_semantics = [#tpu.dimension_semantics<core_parallel>, #tpu.dimension_semantics<subcore_parallel>], iteration_bounds = array<i64: 2, 16>, scalar_prefetch = 0 : i64, scratch_operands = 10 : i64, tpu.core_type = #tpu.core_type<sc_vector_subcore>, window_params = [{transform_indices = #map}, {transform_indices = #map1}, {transform_indices = #map1}, {transform_indices = #map1}, {transform_indices = #map}, {transform_indices = #map}]} {
    %eq3A = arith.constant 0 : i32
    %eq3A_0 = arith.cmpi eq, %arg0, %eq3A : i32
    %jit3A = arith.constant 120 : i32
    %jit3A_1 = arith.constant 40 : i32
    %select_n3A = arith.select %eq3A_0, %jit3A, %jit3A_1 : i32
    %mul3A = arith.constant 640 : i32
    %mul3A_2 = arith.muli %arg1, %mul3A : i32
    %broadcast_in_dim3A = arith.constant 0.000000e+00 : f32
    %broadcast_in_dim3A_3 = vector.broadcast %broadcast_in_dim3A : f32 to vector<16xf32>
    %scan3A = arith.constant 0 : i32
    %scan3A_4 = arith.constant 0 : i32
    %scan3A_5 = arith.constant 128 : i32
    %scan3A_6 = arith.addi %scan3A_4, %scan3A_5 : i32
    %scan3A_7 = arith.constant 1 : i32
    scf.for %scan3A_320 = %scan3A_4 to %scan3A_6 step %scan3A_7  : i32 {
      %swap3A = arith.constant 0 : i32
      %swap3A_321 = arith.index_cast %swap3A : i32 to index
      %swap3A_322 = arith.index_cast %scan3A_320 : i32 to index
      %swap3A_323 = arith.constant 0 : index
      %swap3A_324 = tpu.vector_load %arg10[%swap3A_321, %swap3A_322, %swap3A_323] {strides = array<i32>} : memref<4x128x64xf32, #tpu.memory_space<vmem>>, vector<1x1x16xf32>,
      %swap3A_325 = vector.shape_cast %swap3A_324 : vector<1x1x16xf32> to vector<16xf32>
      %swap3A_326 = vector.shape_cast %broadcast_in_dim3A_3 : vector<16xf32> to vector<1x1x16xf32>
      tpu.vector_store %arg10[%swap3A_321, %swap3A_322, %swap3A_323], %swap3A_326 {strides = array<i32>} : memref<4x128x64xf32, #tpu.memory_space<vmem>>, vector<1x1x16xf32>,
      %swap3A_327 = arith.constant 0 : i32
      %swap3A_328 = arith.index_cast %swap3A_327 : i32 to index
      %swap3A_329 = arith.index_cast %scan3A_320 : i32 to index
      %swap3A_330 = arith.constant 16 : index
      %swap3A_331 = tpu.vector_load %arg10[%swap3A_328, %swap3A_329, %swap3A_330] {strides = array<i32>} : memref<4x128x64xf32, #tpu.memory_space<vmem>>, vector<1x1x16xf32>,
      %swap3A_332 = vector.shape_cast %swap3A_331 : vector<1x1x16xf32> to vector<16xf32>
      %swap3A_333 = vector.shape_cast %broadcast_in_dim3A_3 : vector<16xf32> to vector<1x1x16xf32>
      tpu.vector_store %arg10[%swap3A_328, %swap3A_329, %swap3A_330], %swap3A_333 {strides = array<i32>} : memref<4x128x64xf32, #tpu.memory_space<vmem>>, vector<1x1x16xf32>,
      %swap3A_334 = arith.constant 0 : i32
      %swap3A_335 = arith.index_cast %swap3A_334 : i32 to index
      %swap3A_336 = arith.index_cast %scan3A_320 : i32 to index
      %swap3A_337 = arith.constant 32 : index
      %swap3A_338 = tpu.vector_load %arg10[%swap3A_335, %swap3A_336, %swap3A_337] {strides = array<i32>} : memref<4x128x64xf32, #tpu.memory_space<vmem>>, vector<1x1x16xf32>,
      %swap3A_339 = vector.shape_cast %swap3A_338 : vector<1x1x16xf32> to vector<16xf32>
      %swap3A_340 = vector.shape_cast %broadcast_in_dim3A_3 : vector<16xf32> to vector<1x1x16xf32>
      tpu.vector_store %arg10[%swap3A_335, %swap3A_336, %swap3A_337], %swap3A_340 {strides = array<i32>} : memref<4x128x64xf32, #tpu.memory_space<vmem>>, vector<1x1x16xf32>,
      %swap3A_341 = arith.constant 0 : i32
      %swap3A_342 = arith.index_cast %swap3A_341 : i32 to index
      %swap3A_343 = arith.index_cast %scan3A_320 : i32 to index
      %swap3A_344 = arith.constant 48 : index
      %swap3A_345 = tpu.vector_load %arg10[%swap3A_342, %swap3A_343, %swap3A_344] {strides = array<i32>} : memref<4x128x64xf32, #tpu.memory_space<vmem>>, vector<1x1x16xf32>,
      %swap3A_346 = vector.shape_cast %swap3A_345 : vector<1x1x16xf32> to vector<16xf32>
      %swap3A_347 = vector.shape_cast %broadcast_in_dim3A_3 : vector<16xf32> to vector<1x1x16xf32>
      tpu.vector_store %arg10[%swap3A_342, %swap3A_343, %swap3A_344], %swap3A_347 {strides = array<i32>} : memref<4x128x64xf32, #tpu.memory_space<vmem>>, vector<1x1x16xf32>,
    }
    %scan3A_8 = arith.constant 128 : i32
    %add3A = arith.constant 0 : i32
    %add3A_9 = arith.addi %mul3A_2, %add3A : i32
    %dma_start3A = arith.constant 0 : i32
    %dma_start3A_10 = arith.constant 0 : i32
    %dma_start3A_11 = arith.constant 0 : i32
    %dma_start3A_12 = arith.constant 0 : i32
    %dma_start3A_13 = tpu.memref_slice %arg10[%dma_start3A, %dma_start3A_11, %dma_start3A_12] : memref<4x128x64xf32, #tpu.memory_space<vmem>> -> memref<1x128x64xf32, #tpu.memory_space<vmem>>
    %dma_start3A_14 = tpu.memref_squeeze %dma_start3A_13 : memref<1x128x64xf32, #tpu.memory_space<vmem>> -> memref<128x64xf32, #tpu.memory_space<vmem>>
    %dma_start3A_15 = arith.constant 0 : i32
    %dma_start3A_16 = tpu.memref_slice %arg12[%add3A_9, %dma_start3A_15] : memref<10240x64xf32, #tpu.memory_space<vmem_shared>> -> memref<128x64xf32, #tpu.memory_space<vmem_shared>>
    %dma_start3A_17 = tpu.memref_slice %arg17[%dma_start3A_10] : memref<5x!tpu.dma_semaphore, #tpu.memory_space<semaphore_mem>> -> memref<1x!tpu.dma_semaphore, #tpu.memory_space<semaphore_mem>>
    %dma_start3A_18 = tpu.memref_squeeze %dma_start3A_17 : memref<1x!tpu.dma_semaphore, #tpu.memory_space<semaphore_mem>> -> memref<!tpu.dma_semaphore, #tpu.memory_space<semaphore_mem>>
    %dma_start3A_19 = arith.constant 0 : i32
    %dma_start3A_20 = tpu.memref_slice %arg12[%add3A_9, %dma_start3A_19] : memref<10240x64xf32, #tpu.memory_space<vmem_shared>> -> memref<128x64xf32, #tpu.memory_space<vmem_shared>>
    %dma_start3A_21 = arith.constant 0 : i32
    %dma_start3A_22 = arith.constant 0 : i32
    %dma_start3A_23 = tpu.memref_slice %arg10[%dma_start3A, %dma_start3A_21, %dma_start3A_22] : memref<4x128x64xf32, #tpu.memory_space<vmem>> -> memref<1x128x64xf32, #tpu.memory_space<vmem>>
    %dma_start3A_24 = tpu.memref_squeeze %dma_start3A_23 : memref<1x128x64xf32, #tpu.memory_space<vmem>> -> memref<128x64xf32, #tpu.memory_space<vmem>>
    tpu.enqueue_dma source(%dma_start3A_24 : memref<128x64xf32, #tpu.memory_space<vmem>>) target(%dma_start3A_20 : memref<128x64xf32, #tpu.memory_space<vmem_shared>>) target_semaphore(%dma_start3A_18 : memref<!tpu.dma_semaphore, #tpu.memory_space<semaphore_mem>>)
    %add3A_25 = arith.constant 128 : i32
    %add3A_26 = arith.addi %mul3A_2, %add3A_25 : i32
    %dma_start3A_27 = arith.constant 0 : i32
    %dma_start3A_28 = arith.constant 0 : i32
    %dma_start3A_29 = arith.constant 0 : i32
    %dma_start3A_30 = arith.constant 0 : i32
    %dma_start3A_31 = tpu.memref_slice %arg10[%dma_start3A_27, %dma_start3A_29, %dma_start3A_30] : memref<4x128x64xf32, #tpu.memory_space<vmem>> -> memref<1x128x64xf32, #tpu.memory_space<vmem>>
    %dma_start3A_32 = tpu.memref_squeeze %dma_start3A_31 : memref<1x128x64xf32, #tpu.memory_space<vmem>> -> memref<128x64xf32, #tpu.memory_space<vmem>>
    %dma_start3A_33 = arith.constant 0 : i32
    %dma_start3A_34 = tpu.memref_slice %arg12[%add3A_26, %dma_start3A_33] : memref<10240x64xf32, #tpu.memory_space<vmem_shared>> -> memref<128x64xf32, #tpu.memory_space<vmem_shared>>
    %dma_start3A_35 = tpu.memref_slice %arg17[%dma_start3A_28] : memref<5x!tpu.dma_semaphore, #tpu.memory_space<semaphore_mem>> -> memref<1x!tpu.dma_semaphore, #tpu.memory_space<semaphore_mem>>
    %dma_start3A_36 = tpu.memref_squeeze %dma_start3A_35 : memref<1x!tpu.dma_semaphore, #tpu.memory_space<semaphore_mem>> -> memref<!tpu.dma_semaphore, #tpu.memory_space<semaphore_mem>>
    %dma_start3A_37 = arith.constant 0 : i32
    %dma_start3A_38 = tpu.memref_slice %arg12[%add3A_26, %dma_start3A_37] : memref<10240x64xf32, #tpu.memory_space<vmem_shared>> -> memref<128x64xf32, #tpu.memory_space<vmem_shared>>
    %dma_start3A_39 = arith.constant 0 : i32
    %dma_start3A_40 = arith.constant 0 : i32
    %dma_start3A_41 = tpu.memref_slice %arg10[%dma_start3A_27, %dma_start3A_39, %dma_start3A_40] : memref<4x128x64xf32, #tpu.memory_space<vmem>> -> memref<1x128x64xf32, #tpu.memory_space<vmem>>
    %dma_start3A_42 = tpu.memref_squeeze %dma_start3A_41 : memref<1x128x64xf32, #tpu.memory_space<vmem>> -> memref<128x64xf32, #tpu.memory_space<vmem>>
    tpu.enqueue_dma source(%dma_start3A_42 : memref<128x64xf32, #tpu.memory_space<vmem>>) target(%dma_start3A_38 : memref<128x64xf32, #tpu.memory_space<vmem_shared>>) target_semaphore(%dma_start3A_36 : memref<!tpu.dma_semaphore, #tpu.memory_space<semaphore_mem>>)
    %add3A_43 = arith.constant 256 : i32
    %add3A_44 = arith.addi %mul3A_2, %add3A_43 : i32
    %dma_start3A_45 = arith.constant 0 : i32
    %dma_start3A_46 = arith.constant 0 : i32
    %dma_start3A_47 = arith.constant 0 : i32
    %dma_start3A_48 = arith.constant 0 : i32
    %dma_start3A_49 = tpu.memref_slice %arg10[%dma_start3A_45, %dma_start3A_47, %dma_start3A_48] : memref<4x128x64xf32, #tpu.memory_space<vmem>> -> memref<1x128x64xf32, #tpu.memory_space<vmem>>
    %dma_start3A_50 = tpu.memref_squeeze %dma_start3A_49 : memref<1x128x64xf32, #tpu.memory_space<vmem>> -> memref<128x64xf32, #tpu.memory_space<vmem>>
    %dma_start3A_51 = arith.constant 0 : i32
    %dma_start3A_52 = tpu.memref_slice %arg12[%add3A_44, %dma_start3A_51] : memref<10240x64xf32, #tpu.memory_space<vmem_shared>> -> memref<128x64xf32, #tpu.memory_space<vmem_shared>>
    %dma_start3A_53 = tpu.memref_slice %arg17[%dma_start3A_46] : memref<5x!tpu.dma_semaphore, #tpu.memory_space<semaphore_mem>> -> memref<1x!tpu.dma_semaphore, #tpu.memory_space<semaphore_mem>>
    %dma_start3A_54 = tpu.memref_squeeze %dma_start3A_53 : memref<1x!tpu.dma_semaphore, #tpu.memory_space<semaphore_mem>> -> memref<!tpu.dma_semaphore, #tpu.memory_space<semaphore_mem>>
    %dma_start3A_55 = arith.constant 0 : i32
    %dma_start3A_56 = tpu.memref_slice %arg12[%add3A_44, %dma_start3A_55] : memref<10240x64xf32, #tpu.memory_space<vmem_shared>> -> memref<128x64xf32, #tpu.memory_space<vmem_shared>>
    %dma_start3A_57 = arith.constant 0 : i32
    %dma_start3A_58 = arith.constant 0 : i32
    %dma_start3A_59 = tpu.memref_slice %arg10[%dma_start3A_45, %dma_start3A_57, %dma_start3A_58] : memref<4x128x64xf32, #tpu.memory_space<vmem>> -> memref<1x128x64xf32, #tpu.memory_space<vmem>>
    %dma_start3A_60 = tpu.memref_squeeze %dma_start3A_59 : memref<1x128x64xf32, #tpu.memory_space<vmem>> -> memref<128x64xf32, #tpu.memory_space<vmem>>
    tpu.enqueue_dma source(%dma_start3A_60 : memref<128x64xf32, #tpu.memory_space<vmem>>) target(%dma_start3A_56 : memref<128x64xf32, #tpu.memory_space<vmem_shared>>) target_semaphore(%dma_start3A_54 : memref<!tpu.dma_semaphore, #tpu.memory_space<semaphore_mem>>)
    %add3A_61 = arith.constant 384 : i32
    %add3A_62 = arith.addi %mul3A_2, %add3A_61 : i32
    %dma_start3A_63 = arith.constant 0 : i32
    %dma_start3A_64 = arith.constant 0 : i32
    %dma_start3A_65 = arith.constant 0 : i32
    %dma_start3A_66 = arith.constant 0 : i32
    %dma_start3A_67 = tpu.memref_slice %arg10[%dma_start3A_63, %dma_start3A_65, %dma_start3A_66] : memref<4x128x64xf32, #tpu.memory_space<vmem>> -> memref<1x128x64xf32, #tpu.memory_space<vmem>>
    %dma_start3A_68 = tpu.memref_squeeze %dma_start3A_67 : memref<1x128x64xf32, #tpu.memory_space<vmem>> -> memref<128x64xf32, #tpu.memory_space<vmem>>
    %dma_start3A_69 = arith.constant 0 : i32
    %dma_start3A_70 = tpu.memref_slice %arg12[%add3A_62, %dma_start3A_69] : memref<10240x64xf32, #tpu.memory_space<vmem_shared>> -> memref<128x64xf32, #tpu.memory_space<vmem_shared>>
    %dma_start3A_71 = tpu.memref_slice %arg17[%dma_start3A_64] : memref<5x!tpu.dma_semaphore, #tpu.memory_space<semaphore_mem>> -> memref<1x!tpu.dma_semaphore, #tpu.memory_space<semaphore_mem>>
    %dma_start3A_72 = tpu.memref_squeeze %dma_start3A_71 : memref<1x!tpu.dma_semaphore, #tpu.memory_space<semaphore_mem>> -> memref<!tpu.dma_semaphore, #tpu.memory_space<semaphore_mem>>
    %dma_start3A_73 = arith.constant 0 : i32
    %dma_start3A_74 = tpu.memref_slice %arg12[%add3A_62, %dma_start3A_73] : memref<10240x64xf32, #tpu.memory_space<vmem_shared>> -> memref<128x64xf32, #tpu.memory_space<vmem_shared>>
    %dma_start3A_75 = arith.constant 0 : i32
    %dma_start3A_76 = arith.constant 0 : i32
    %dma_start3A_77 = tpu.memref_slice %arg10[%dma_start3A_63, %dma_start3A_75, %dma_start3A_76] : memref<4x128x64xf32, #tpu.memory_space<vmem>> -> memref<1x128x64xf32, #tpu.memory_space<vmem>>
    %dma_start3A_78 = tpu.memref_squeeze %dma_start3A_77 : memref<1x128x64xf32, #tpu.memory_space<vmem>> -> memref<128x64xf32, #tpu.memory_space<vmem>>
    tpu.enqueue_dma source(%dma_start3A_78 : memref<128x64xf32, #tpu.memory_space<vmem>>) target(%dma_start3A_74 : memref<128x64xf32, #tpu.memory_space<vmem_shared>>) target_semaphore(%dma_start3A_72 : memref<!tpu.dma_semaphore, #tpu.memory_space<semaphore_mem>>)
    %add3A_79 = arith.constant 512 : i32
    %add3A_80 = arith.addi %mul3A_2, %add3A_79 : i32
    %dma_start3A_81 = arith.constant 0 : i32
    %dma_start3A_82 = arith.constant 0 : i32
    %dma_start3A_83 = arith.constant 0 : i32
    %dma_start3A_84 = arith.constant 0 : i32
    %dma_start3A_85 = tpu.memref_slice %arg10[%dma_start3A_81, %dma_start3A_83, %dma_start3A_84] : memref<4x128x64xf32, #tpu.memory_space<vmem>> -> memref<1x128x64xf32, #tpu.memory_space<vmem>>
    %dma_start3A_86 = tpu.memref_squeeze %dma_start3A_85 : memref<1x128x64xf32, #tpu.memory_space<vmem>> -> memref<128x64xf32, #tpu.memory_space<vmem>>
    %dma_start3A_87 = arith.constant 0 : i32
    %dma_start3A_88 = tpu.memref_slice %arg12[%add3A_80, %dma_start3A_87] : memref<10240x64xf32, #tpu.memory_space<vmem_shared>> -> memref<128x64xf32, #tpu.memory_space<vmem_shared>>
    %dma_start3A_89 = tpu.memref_slice %arg17[%dma_start3A_82] : memref<5x!tpu.dma_semaphore, #tpu.memory_space<semaphore_mem>> -> memref<1x!tpu.dma_semaphore, #tpu.memory_space<semaphore_mem>>
    %dma_start3A_90 = tpu.memref_squeeze %dma_start3A_89 : memref<1x!tpu.dma_semaphore, #tpu.memory_space<semaphore_mem>> -> memref<!tpu.dma_semaphore, #tpu.memory_space<semaphore_mem>>
    %dma_start3A_91 = arith.constant 0 : i32
    %dma_start3A_92 = tpu.memref_slice %arg12[%add3A_80, %dma_start3A_91] : memref<10240x64xf32, #tpu.memory_space<vmem_shared>> -> memref<128x64xf32, #tpu.memory_space<vmem_shared>>
    %dma_start3A_93 = arith.constant 0 : i32
    %dma_start3A_94 = arith.constant 0 : i32
    %dma_start3A_95 = tpu.memref_slice %arg10[%dma_start3A_81, %dma_start3A_93, %dma_start3A_94] : memref<4x128x64xf32, #tpu.memory_space<vmem>> -> memref<1x128x64xf32, #tpu.memory_space<vmem>>
    %dma_start3A_96 = tpu.memref_squeeze %dma_start3A_95 : memref<1x128x64xf32, #tpu.memory_space<vmem>> -> memref<128x64xf32, #tpu.memory_space<vmem>>
    tpu.enqueue_dma source(%dma_start3A_96 : memref<128x64xf32, #tpu.memory_space<vmem>>) target(%dma_start3A_92 : memref<128x64xf32, #tpu.memory_space<vmem_shared>>) target_semaphore(%dma_start3A_90 : memref<!tpu.dma_semaphore, #tpu.memory_space<semaphore_mem>>)
    %dma_start3A_97 = arith.constant 1 : i32
    %dma_start3A_98 = tpu.memref_slice %arg17[%dma_start3A_97] : memref<5x!tpu.dma_semaphore, #tpu.memory_space<semaphore_mem>> -> memref<1x!tpu.dma_semaphore, #tpu.memory_space<semaphore_mem>>
    %dma_start3A_99 = tpu.memref_squeeze %dma_start3A_98 : memref<1x!tpu.dma_semaphore, #tpu.memory_space<semaphore_mem>> -> memref<!tpu.dma_semaphore, #tpu.memory_space<semaphore_mem>>
    %dma_start3A_100 = arith.constant 0 : i32
    %dma_start3A_101 = tpu.memref_slice %arg13[%mul3A_2, %dma_start3A_100] : memref<10240x8xf32, #tpu.memory_space<vmem_shared>> -> memref<640x8xf32, #tpu.memory_space<vmem_shared>>
    tpu.enqueue_dma source(%arg4 : memref<640x8xf32, #tpu.memory_space<hbm>>) target(%dma_start3A_101 : memref<640x8xf32, #tpu.memory_space<vmem_shared>>) target_semaphore(%dma_start3A_99 : memref<!tpu.dma_semaphore, #tpu.memory_space<semaphore_mem>>)
    %dma_start3A_102 = arith.constant 2 : i32
    %dma_start3A_103 = tpu.memref_slice %arg17[%dma_start3A_102] : memref<5x!tpu.dma_semaphore, #tpu.memory_space<semaphore_mem>> -> memref<1x!tpu.dma_semaphore, #tpu.memory_space<semaphore_mem>>
    %dma_start3A_104 = tpu.memref_squeeze %dma_start3A_103 : memref<1x!tpu.dma_semaphore, #tpu.memory_space<semaphore_mem>> -> memref<!tpu.dma_semaphore, #tpu.memory_space<semaphore_mem>>
    tpu.enqueue_dma source(%arg5 : memref<128x8xf32, #tpu.memory_space<hbm>>) target(%arg11 : memref<128x8xf32, #tpu.memory_space<vmem>>) target_semaphore(%dma_start3A_104 : memref<!tpu.dma_semaphore, #tpu.memory_space<semaphore_mem>>)
    %eq3A_105 = arith.constant 0 : i32
    %eq3A_106 = arith.cmpi eq, %arg0, %eq3A_105 : i32
    %convert_element_type3A = arith.extui %eq3A_106 : i1 to i32
    %cond3A = arith.constant 0 : i32
    %cond3A_107 = arith.cmpi ne, %convert_element_type3A, %cond3A : i32
    scf.if %cond3A_107 {
      %mul3A_320 = arith.constant 120 : i32
      %mul3A_321 = arith.muli %arg1, %mul3A_320 : i32
      %dma_start3A_322 = arith.constant 0 : i32
      %dma_start3A_323 = arith.constant 3 : i32
      %dma_start3A_324 = arith.constant 0 : i32
      %dma_start3A_325 = arith.constant 0 : i32
      %dma_start3A_326 = tpu.memref_slice %arg8[%dma_start3A_324, %dma_start3A_325] : memref<120x128xi32, #tpu.memory_space<vmem>> -> memref<120x128xi32, #tpu.memory_space<vmem>>
      %dma_start3A_327 = arith.constant 0 : i32
      %dma_start3A_328 = tpu.memref_slice %arg2[%dma_start3A_322, %mul3A_321, %dma_start3A_327] : memref<2x2560x128xi32, #tpu.memory_space<hbm>> -> memref<1x120x128xi32, #tpu.memory_space<hbm>>
      %dma_start3A_329 = tpu.memref_squeeze %dma_start3A_328 : memref<1x120x128xi32, #tpu.memory_space<hbm>> -> memref<120x128xi32, #tpu.memory_space<hbm>>
      %dma_start3A_330 = tpu.memref_slice %arg17[%dma_start3A_323] : memref<5x!tpu.dma_semaphore, #tpu.memory_space<semaphore_mem>> -> memref<1x!tpu.dma_semaphore, #tpu.memory_space<semaphore_mem>>
      %dma_start3A_331 = tpu.memref_squeeze %dma_start3A_330 : memref<1x!tpu.dma_semaphore, #tpu.memory_space<semaphore_mem>> -> memref<!tpu.dma_semaphore, #tpu.memory_space<semaphore_mem>>
      %dma_start3A_332 = arith.constant 0 : i32
      %dma_start3A_333 = arith.constant 0 : i32
      %dma_start3A_334 = tpu.memref_slice %arg8[%dma_start3A_332, %dma_start3A_333] : memref<120x128xi32, #tpu.memory_space<vmem>> -> memref<120x128xi32, #tpu.memory_space<vmem>>
      %dma_start3A_335 = arith.constant 0 : i32
      %dma_start3A_336 = tpu.memref_slice %arg2[%dma_start3A_322, %mul3A_321, %dma_start3A_335] : memref<2x2560x128xi32, #tpu.memory_space<hbm>> -> memref<1x120x128xi32, #tpu.memory_space<hbm>>
      %dma_start3A_337 = tpu.memref_squeeze %dma_start3A_336 : memref<1x120x128xi32, #tpu.memory_space<hbm>> -> memref<120x128xi32, #tpu.memory_space<hbm>>
      tpu.enqueue_dma source(%dma_start3A_337 : memref<120x128xi32, #tpu.memory_space<hbm>>) target(%dma_start3A_334 : memref<120x128xi32, #tpu.memory_space<vmem>>) target_semaphore(%dma_start3A_331 : memref<!tpu.dma_semaphore, #tpu.memory_space<semaphore_mem>>)
      %mul3A_338 = arith.constant 120 : i32
      %mul3A_339 = arith.muli %arg1, %mul3A_338 : i32
      %dma_start3A_340 = arith.constant 1 : i32
      %dma_start3A_341 = arith.constant 4 : i32
      %dma_start3A_342 = arith.constant 0 : i32
      %dma_start3A_343 = arith.constant 0 : i32
      %dma_start3A_344 = tpu.memref_slice %arg9[%dma_start3A_342, %dma_start3A_343] : memref<120x128xi32, #tpu.memory_space<vmem>> -> memref<120x128xi32, #tpu.memory_space<vmem>>
      %dma_start3A_345 = arith.constant 0 : i32
      %dma_start3A_346 = tpu.memref_slice %arg2[%dma_start3A_340, %mul3A_339, %dma_start3A_345] : memref<2x2560x128xi32, #tpu.memory_space<hbm>> -> memref<1x120x128xi32, #tpu.memory_space<hbm>>
      %dma_start3A_347 = tpu.memref_squeeze %dma_start3A_346 : memref<1x120x128xi32, #tpu.memory_space<hbm>> -> memref<120x128xi32, #tpu.memory_space<hbm>>
      %dma_start3A_348 = tpu.memref_slice %arg17[%dma_start3A_341] : memref<5x!tpu.dma_semaphore, #tpu.memory_space<semaphore_mem>> -> memref<1x!tpu.dma_semaphore, #tpu.memory_space<semaphore_mem>>
      %dma_start3A_349 = tpu.memref_squeeze %dma_start3A_348 : memref<1x!tpu.dma_semaphore, #tpu.memory_space<semaphore_mem>> -> memref<!tpu.dma_semaphore, #tpu.memory_space<semaphore_mem>>
      %dma_start3A_350 = arith.constant 0 : i32
      %dma_start3A_351 = arith.constant 0 : i32
      %dma_start3A_352 = tpu.memref_slice %arg9[%dma_start3A_350, %dma_start3A_351] : memref<120x128xi32, #tpu.memory_space<vmem>> -> memref<120x128xi32, #tpu.memory_space<vmem>>
      %dma_start3A_353 = arith.constant 0 : i32
      %dma_start3A_354 = tpu.memref_slice %arg2[%dma_start3A_340, %mul3A_339, %dma_start3A_353] : memref<2x2560x128xi32, #tpu.memory_space<hbm>> -> memref<1x120x128xi32, #tpu.memory_space<hbm>>
      %dma_start3A_355 = tpu.memref_squeeze %dma_start3A_354 : memref<1x120x128xi32, #tpu.memory_space<hbm>> -> memref<120x128xi32, #tpu.memory_space<hbm>>
      tpu.enqueue_dma source(%dma_start3A_355 : memref<120x128xi32, #tpu.memory_space<hbm>>) target(%dma_start3A_352 : memref<120x128xi32, #tpu.memory_space<vmem>>) target_semaphore(%dma_start3A_349 : memref<!tpu.dma_semaphore, #tpu.memory_space<semaphore_mem>>)
      %dma_wait3A_356 = arith.constant 0 : i32
      %dma_wait3A_357 = arith.constant 3 : i32
      %dma_wait3A_358 = arith.constant 0 : i32
      %dma_wait3A_359 = arith.constant 0 : i32
      %dma_wait3A_360 = tpu.memref_slice %arg8[%dma_wait3A_358, %dma_wait3A_359] : memref<120x128xi32, #tpu.memory_space<vmem>> -> memref<120x128xi32, #tpu.memory_space<vmem>>
      %dma_wait3A_361 = arith.constant 0 : i32
      %dma_wait3A_362 = arith.constant 0 : i32
      %dma_wait3A_363 = tpu.memref_slice %arg2[%dma_wait3A_356, %dma_wait3A_361, %dma_wait3A_362] : memref<2x2560x128xi32, #tpu.memory_space<hbm>> -> memref<1x120x128xi32, #tpu.memory_space<hbm>>
      %dma_wait3A_364 = tpu.memref_squeeze %dma_wait3A_363 : memref<1x120x128xi32, #tpu.memory_space<hbm>> -> memref<120x128xi32, #tpu.memory_space<hbm>>
      %dma_wait3A_365 = tpu.memref_slice %arg17[%dma_wait3A_357] : memref<5x!tpu.dma_semaphore, #tpu.memory_space<semaphore_mem>> -> memref<1x!tpu.dma_semaphore, #tpu.memory_space<semaphore_mem>>
      %dma_wait3A_366 = tpu.memref_squeeze %dma_wait3A_365 : memref<1x!tpu.dma_semaphore, #tpu.memory_space<semaphore_mem>> -> memref<!tpu.dma_semaphore, #tpu.memory_space<semaphore_mem>>
      %dma_wait3A_367 = arith.constant 0 : i32
      %dma_wait3A_368 = arith.constant 0 : i32
      %dma_wait3A_369 = tpu.memref_slice %arg8[%dma_wait3A_367, %dma_wait3A_368] : memref<120x128xi32, #tpu.memory_space<vmem>> -> memref<120x128xi32, #tpu.memory_space<vmem>>
      %dma_wait3A_370 = arith.constant 0 : i32
      %dma_wait3A_371 = arith.constant 0 : i32
      %dma_wait3A_372 = tpu.memref_slice %arg2[%dma_wait3A_356, %dma_wait3A_370, %dma_wait3A_371] : memref<2x2560x128xi32, #tpu.memory_space<hbm>> -> memref<1x120x128xi32, #tpu.memory_space<hbm>>
      %dma_wait3A_373 = tpu.memref_squeeze %dma_wait3A_372 : memref<1x120x128xi32, #tpu.memory_space<hbm>> -> memref<120x128xi32, #tpu.memory_space<hbm>>
      tpu.wait_dma2 semaphore(%dma_wait3A_366 : memref<!tpu.dma_semaphore, #tpu.memory_space<semaphore_mem>>) src(%dma_wait3A_373 : memref<120x128xi32, #tpu.memory_space<hbm>>) dst(%dma_wait3A_369 : memref<120x128xi32, #tpu.memory_space<vmem>>)
      %dma_wait3A_374 = arith.constant 1 : i32
      %dma_wait3A_375 = arith.constant 4 : i32
      %dma_wait3A_376 = arith.constant 0 : i32
      %dma_wait3A_377 = arith.constant 0 : i32
      %dma_wait3A_378 = tpu.memref_slice %arg9[%dma_wait3A_376, %dma_wait3A_377] : memref<120x128xi32, #tpu.memory_space<vmem>> -> memref<120x128xi32, #tpu.memory_space<vmem>>
      %dma_wait3A_379 = arith.constant 0 : i32
      %dma_wait3A_380 = arith.constant 0 : i32
      %dma_wait3A_381 = tpu.memref_slice %arg2[%dma_wait3A_374, %dma_wait3A_379, %dma_wait3A_380] : memref<2x2560x128xi32, #tpu.memory_space<hbm>> -> memref<1x120x128xi32, #tpu.memory_space<hbm>>
      %dma_wait3A_382 = tpu.memref_squeeze %dma_wait3A_381 : memref<1x120x128xi32, #tpu.memory_space<hbm>> -> memref<120x128xi32, #tpu.memory_space<hbm>>
      %dma_wait3A_383 = tpu.memref_slice %arg17[%dma_wait3A_375] : memref<5x!tpu.dma_semaphore, #tpu.memory_space<semaphore_mem>> -> memref<1x!tpu.dma_semaphore, #tpu.memory_space<semaphore_mem>>
      %dma_wait3A_384 = tpu.memref_squeeze %dma_wait3A_383 : memref<1x!tpu.dma_semaphore, #tpu.memory_space<semaphore_mem>> -> memref<!tpu.dma_semaphore, #tpu.memory_space<semaphore_mem>>
      %dma_wait3A_385 = arith.constant 0 : i32
      %dma_wait3A_386 = arith.constant 0 : i32
      %dma_wait3A_387 = tpu.memref_slice %arg9[%dma_wait3A_385, %dma_wait3A_386] : memref<120x128xi32, #tpu.memory_space<vmem>> -> memref<120x128xi32, #tpu.memory_space<vmem>>
      %dma_wait3A_388 = arith.constant 0 : i32
      %dma_wait3A_389 = arith.constant 0 : i32
      %dma_wait3A_390 = tpu.memref_slice %arg2[%dma_wait3A_374, %dma_wait3A_388, %dma_wait3A_389] : memref<2x2560x128xi32, #tpu.memory_space<hbm>> -> memref<1x120x128xi32, #tpu.memory_space<hbm>>
      %dma_wait3A_391 = tpu.memref_squeeze %dma_wait3A_390 : memref<1x120x128xi32, #tpu.memory_space<hbm>> -> memref<120x128xi32, #tpu.memory_space<hbm>>
      tpu.wait_dma2 semaphore(%dma_wait3A_384 : memref<!tpu.dma_semaphore, #tpu.memory_space<semaphore_mem>>) src(%dma_wait3A_391 : memref<120x128xi32, #tpu.memory_space<hbm>>) dst(%dma_wait3A_387 : memref<120x128xi32, #tpu.memory_space<vmem>>)
    } else {
    }
    %eq3A_108 = arith.constant 1 : i32
    %eq3A_109 = arith.cmpi eq, %arg0, %eq3A_108 : i32
    %convert_element_type3A_110 = arith.extui %eq3A_109 : i1 to i32
    %cond3A_111 = arith.constant 0 : i32
    %cond3A_112 = arith.cmpi ne, %convert_element_type3A_110, %cond3A_111 : i32
    scf.if %cond3A_112 {
      %mul3A_320 = arith.constant 40 : i32
      %mul3A_321 = arith.muli %arg1, %mul3A_320 : i32
      %add3A_322 = arith.constant 1920 : i32
      %add3A_323 = arith.addi %add3A_322, %mul3A_321 : i32
      %dma_start3A_324 = arith.constant 0 : i32
      %dma_start3A_325 = arith.constant 3 : i32
      %dma_start3A_326 = arith.constant 0 : i32
      %dma_start3A_327 = arith.constant 0 : i32
      %dma_start3A_328 = tpu.memref_slice %arg8[%dma_start3A_326, %dma_start3A_327] : memref<120x128xi32, #tpu.memory_space<vmem>> -> memref<40x128xi32, #tpu.memory_space<vmem>>
      %dma_start3A_329 = arith.constant 0 : i32
      %dma_start3A_330 = tpu.memref_slice %arg2[%dma_start3A_324, %add3A_323, %dma_start3A_329] : memref<2x2560x128xi32, #tpu.memory_space<hbm>> -> memref<1x40x128xi32, #tpu.memory_space<hbm>>
      %dma_start3A_331 = tpu.memref_squeeze %dma_start3A_330 : memref<1x40x128xi32, #tpu.memory_space<hbm>> -> memref<40x128xi32, #tpu.memory_space<hbm>>
      %dma_start3A_332 = tpu.memref_slice %arg17[%dma_start3A_325] : memref<5x!tpu.dma_semaphore, #tpu.memory_space<semaphore_mem>> -> memref<1x!tpu.dma_semaphore, #tpu.memory_space<semaphore_mem>>
      %dma_start3A_333 = tpu.memref_squeeze %dma_start3A_332 : memref<1x!tpu.dma_semaphore, #tpu.memory_space<semaphore_mem>> -> memref<!tpu.dma_semaphore, #tpu.memory_space<semaphore_mem>>
      %dma_start3A_334 = arith.constant 0 : i32
      %dma_start3A_335 = arith.constant 0 : i32
      %dma_start3A_336 = tpu.memref_slice %arg8[%dma_start3A_334, %dma_start3A_335] : memref<120x128xi32, #tpu.memory_space<vmem>> -> memref<40x128xi32, #tpu.memory_space<vmem>>
      %dma_start3A_337 = arith.constant 0 : i32
      %dma_start3A_338 = tpu.memref_slice %arg2[%dma_start3A_324, %add3A_323, %dma_start3A_337] : memref<2x2560x128xi32, #tpu.memory_space<hbm>> -> memref<1x40x128xi32, #tpu.memory_space<hbm>>
      %dma_start3A_339 = tpu.memref_squeeze %dma_start3A_338 : memref<1x40x128xi32, #tpu.memory_space<hbm>> -> memref<40x128xi32, #tpu.memory_space<hbm>>
      tpu.enqueue_dma source(%dma_start3A_339 : memref<40x128xi32, #tpu.memory_space<hbm>>) target(%dma_start3A_336 : memref<40x128xi32, #tpu.memory_space<vmem>>) target_semaphore(%dma_start3A_333 : memref<!tpu.dma_semaphore, #tpu.memory_space<semaphore_mem>>)
      %mul3A_340 = arith.constant 40 : i32
      %mul3A_341 = arith.muli %arg1, %mul3A_340 : i32
      %add3A_342 = arith.constant 1920 : i32
      %add3A_343 = arith.addi %add3A_342, %mul3A_341 : i32
      %dma_start3A_344 = arith.constant 1 : i32
      %dma_start3A_345 = arith.constant 4 : i32
      %dma_start3A_346 = arith.constant 0 : i32
      %dma_start3A_347 = arith.constant 0 : i32
      %dma_start3A_348 = tpu.memref_slice %arg9[%dma_start3A_346, %dma_start3A_347] : memref<120x128xi32, #tpu.memory_space<vmem>> -> memref<40x128xi32, #tpu.memory_space<vmem>>
      %dma_start3A_349 = arith.constant 0 : i32
      %dma_start3A_350 = tpu.memref_slice %arg2[%dma_start3A_344, %add3A_343, %dma_start3A_349] : memref<2x2560x128xi32, #tpu.memory_space<hbm>> -> memref<1x40x128xi32, #tpu.memory_space<hbm>>
      %dma_start3A_351 = tpu.memref_squeeze %dma_start3A_350 : memref<1x40x128xi32, #tpu.memory_space<hbm>> -> memref<40x128xi32, #tpu.memory_space<hbm>>
      %dma_start3A_352 = tpu.memref_slice %arg17[%dma_start3A_345] : memref<5x!tpu.dma_semaphore, #tpu.memory_space<semaphore_mem>> -> memref<1x!tpu.dma_semaphore, #tpu.memory_space<semaphore_mem>>
      %dma_start3A_353 = tpu.memref_squeeze %dma_start3A_352 : memref<1x!tpu.dma_semaphore, #tpu.memory_space<semaphore_mem>> -> memref<!tpu.dma_semaphore, #tpu.memory_space<semaphore_mem>>
      %dma_start3A_354 = arith.constant 0 : i32
      %dma_start3A_355 = arith.constant 0 : i32
      %dma_start3A_356 = tpu.memref_slice %arg9[%dma_start3A_354, %dma_start3A_355] : memref<120x128xi32, #tpu.memory_space<vmem>> -> memref<40x128xi32, #tpu.memory_space<vmem>>
      %dma_start3A_357 = arith.constant 0 : i32
      %dma_start3A_358 = tpu.memref_slice %arg2[%dma_start3A_344, %add3A_343, %dma_start3A_357] : memref<2x2560x128xi32, #tpu.memory_space<hbm>> -> memref<1x40x128xi32, #tpu.memory_space<hbm>>
      %dma_start3A_359 = tpu.memref_squeeze %dma_start3A_358 : memref<1x40x128xi32, #tpu.memory_space<hbm>> -> memref<40x128xi32, #tpu.memory_space<hbm>>
      tpu.enqueue_dma source(%dma_start3A_359 : memref<40x128xi32, #tpu.memory_space<hbm>>) target(%dma_start3A_356 : memref<40x128xi32, #tpu.memory_space<vmem>>) target_semaphore(%dma_start3A_353 : memref<!tpu.dma_semaphore, #tpu.memory_space<semaphore_mem>>)
      %dma_wait3A_360 = arith.constant 0 : i32
      %dma_wait3A_361 = arith.constant 3 : i32
      %dma_wait3A_362 = arith.constant 0 : i32
      %dma_wait3A_363 = arith.constant 0 : i32
      %dma_wait3A_364 = tpu.memref_slice %arg8[%dma_wait3A_362, %dma_wait3A_363] : memref<120x128xi32, #tpu.memory_space<vmem>> -> memref<40x128xi32, #tpu.memory_space<vmem>>
      %dma_wait3A_365 = arith.constant 0 : i32
      %dma_wait3A_366 = arith.constant 0 : i32
      %dma_wait3A_367 = tpu.memref_slice %arg2[%dma_wait3A_360, %dma_wait3A_365, %dma_wait3A_366] : memref<2x2560x128xi32, #tpu.memory_space<hbm>> -> memref<1x40x128xi32, #tpu.memory_space<hbm>>
      %dma_wait3A_368 = tpu.memref_squeeze %dma_wait3A_367 : memref<1x40x128xi32, #tpu.memory_space<hbm>> -> memref<40x128xi32, #tpu.memory_space<hbm>>
      %dma_wait3A_369 = tpu.memref_slice %arg17[%dma_wait3A_361] : memref<5x!tpu.dma_semaphore, #tpu.memory_space<semaphore_mem>> -> memref<1x!tpu.dma_semaphore, #tpu.memory_space<semaphore_mem>>
      %dma_wait3A_370 = tpu.memref_squeeze %dma_wait3A_369 : memref<1x!tpu.dma_semaphore, #tpu.memory_space<semaphore_mem>> -> memref<!tpu.dma_semaphore, #tpu.memory_space<semaphore_mem>>
      %dma_wait3A_371 = arith.constant 0 : i32
      %dma_wait3A_372 = arith.constant 0 : i32
      %dma_wait3A_373 = tpu.memref_slice %arg8[%dma_wait3A_371, %dma_wait3A_372] : memref<120x128xi32, #tpu.memory_space<vmem>> -> memref<40x128xi32, #tpu.memory_space<vmem>>
      %dma_wait3A_374 = arith.constant 0 : i32
      %dma_wait3A_375 = arith.constant 0 : i32
      %dma_wait3A_376 = tpu.memref_slice %arg2[%dma_wait3A_360, %dma_wait3A_374, %dma_wait3A_375] : memref<2x2560x128xi32, #tpu.memory_space<hbm>> -> memref<1x40x128xi32, #tpu.memory_space<hbm>>
      %dma_wait3A_377 = tpu.memref_squeeze %dma_wait3A_376 : memref<1x40x128xi32, #tpu.memory_space<hbm>> -> memref<40x128xi32, #tpu.memory_space<hbm>>
      tpu.wait_dma2 semaphore(%dma_wait3A_370 : memref<!tpu.dma_semaphore, #tpu.memory_space<semaphore_mem>>) src(%dma_wait3A_377 : memref<40x128xi32, #tpu.memory_space<hbm>>) dst(%dma_wait3A_373 : memref<40x128xi32, #tpu.memory_space<vmem>>)
      %dma_wait3A_378 = arith.constant 1 : i32
      %dma_wait3A_379 = arith.constant 4 : i32
      %dma_wait3A_380 = arith.constant 0 : i32
      %dma_wait3A_381 = arith.constant 0 : i32
      %dma_wait3A_382 = tpu.memref_slice %arg9[%dma_wait3A_380, %dma_wait3A_381] : memref<120x128xi32, #tpu.memory_space<vmem>> -> memref<40x128xi32, #tpu.memory_space<vmem>>
      %dma_wait3A_383 = arith.constant 0 : i32
      %dma_wait3A_384 = arith.constant 0 : i32
      %dma_wait3A_385 = tpu.memref_slice %arg2[%dma_wait3A_378, %dma_wait3A_383, %dma_wait3A_384] : memref<2x2560x128xi32, #tpu.memory_space<hbm>> -> memref<1x40x128xi32, #tpu.memory_space<hbm>>
      %dma_wait3A_386 = tpu.memref_squeeze %dma_wait3A_385 : memref<1x40x128xi32, #tpu.memory_space<hbm>> -> memref<40x128xi32, #tpu.memory_space<hbm>>
      %dma_wait3A_387 = tpu.memref_slice %arg17[%dma_wait3A_379] : memref<5x!tpu.dma_semaphore, #tpu.memory_space<semaphore_mem>> -> memref<1x!tpu.dma_semaphore, #tpu.memory_space<semaphore_mem>>
      %dma_wait3A_388 = tpu.memref_squeeze %dma_wait3A_387 : memref<1x!tpu.dma_semaphore, #tpu.memory_space<semaphore_mem>> -> memref<!tpu.dma_semaphore, #tpu.memory_space<semaphore_mem>>
      %dma_wait3A_389 = arith.constant 0 : i32
      %dma_wait3A_390 = arith.constant 0 : i32
      %dma_wait3A_391 = tpu.memref_slice %arg9[%dma_wait3A_389, %dma_wait3A_390] : memref<120x128xi32, #tpu.memory_space<vmem>> -> memref<40x128xi32, #tpu.memory_space<vmem>>
      %dma_wait3A_392 = arith.constant 0 : i32
      %dma_wait3A_393 = arith.constant 0 : i32
      %dma_wait3A_394 = tpu.memref_slice %arg2[%dma_wait3A_378, %dma_wait3A_392, %dma_wait3A_393] : memref<2x2560x128xi32, #tpu.memory_space<hbm>> -> memref<1x40x128xi32, #tpu.memory_space<hbm>>
      %dma_wait3A_395 = tpu.memref_squeeze %dma_wait3A_394 : memref<1x40x128xi32, #tpu.memory_space<hbm>> -> memref<40x128xi32, #tpu.memory_space<hbm>>
      tpu.wait_dma2 semaphore(%dma_wait3A_388 : memref<!tpu.dma_semaphore, #tpu.memory_space<semaphore_mem>>) src(%dma_wait3A_395 : memref<40x128xi32, #tpu.memory_space<hbm>>) dst(%dma_wait3A_391 : memref<40x128xi32, #tpu.memory_space<vmem>>)
    } else {
    }
    %dma_wait3A = arith.constant 0 : i32
    %dma_wait3A_113 = arith.constant 0 : i32
    %dma_wait3A_114 = arith.constant 0 : i32
    %dma_wait3A_115 = arith.constant 0 : i32
    %dma_wait3A_116 = tpu.memref_slice %arg10[%dma_wait3A, %dma_wait3A_114, %dma_wait3A_115] : memref<4x128x64xf32, #tpu.memory_space<vmem>> -> memref<1x128x64xf32, #tpu.memory_space<vmem>>
    %dma_wait3A_117 = tpu.memref_squeeze %dma_wait3A_116 : memref<1x128x64xf32, #tpu.memory_space<vmem>> -> memref<128x64xf32, #tpu.memory_space<vmem>>
    %dma_wait3A_118 = arith.constant 0 : i32
    %dma_wait3A_119 = tpu.memref_slice %arg12[%mul3A_2, %dma_wait3A_118] : memref<10240x64xf32, #tpu.memory_space<vmem_shared>> -> memref<128x64xf32, #tpu.memory_space<vmem_shared>>
    %dma_wait3A_120 = tpu.memref_slice %arg17[%dma_wait3A_113] : memref<5x!tpu.dma_semaphore, #tpu.memory_space<semaphore_mem>> -> memref<1x!tpu.dma_semaphore, #tpu.memory_space<semaphore_mem>>
    %dma_wait3A_121 = tpu.memref_squeeze %dma_wait3A_120 : memref<1x!tpu.dma_semaphore, #tpu.memory_space<semaphore_mem>> -> memref<!tpu.dma_semaphore, #tpu.memory_space<semaphore_mem>>
    %dma_wait3A_122 = arith.constant 0 : i32
    %dma_wait3A_123 = tpu.memref_slice %arg12[%mul3A_2, %dma_wait3A_122] : memref<10240x64xf32, #tpu.memory_space<vmem_shared>> -> memref<128x64xf32, #tpu.memory_space<vmem_shared>>
    %dma_wait3A_124 = arith.constant 0 : i32
    %dma_wait3A_125 = arith.constant 0 : i32
    %dma_wait3A_126 = tpu.memref_slice %arg10[%dma_wait3A, %dma_wait3A_124, %dma_wait3A_125] : memref<4x128x64xf32, #tpu.memory_space<vmem>> -> memref<1x128x64xf32, #tpu.memory_space<vmem>>
    %dma_wait3A_127 = tpu.memref_squeeze %dma_wait3A_126 : memref<1x128x64xf32, #tpu.memory_space<vmem>> -> memref<128x64xf32, #tpu.memory_space<vmem>>
    tpu.wait_dma2 semaphore(%dma_wait3A_121 : memref<!tpu.dma_semaphore, #tpu.memory_space<semaphore_mem>>) src(%dma_wait3A_127 : memref<128x64xf32, #tpu.memory_space<vmem>>) dst(%dma_wait3A_123 : memref<128x64xf32, #tpu.memory_space<vmem_shared>>)
    %dma_wait3A_128 = arith.constant 0 : i32
    %dma_wait3A_129 = arith.constant 0 : i32
    %dma_wait3A_130 = arith.constant 0 : i32
    %dma_wait3A_131 = arith.constant 0 : i32
    %dma_wait3A_132 = tpu.memref_slice %arg10[%dma_wait3A_128, %dma_wait3A_130, %dma_wait3A_131] : memref<4x128x64xf32, #tpu.memory_space<vmem>> -> memref<1x128x64xf32, #tpu.memory_space<vmem>>
    %dma_wait3A_133 = tpu.memref_squeeze %dma_wait3A_132 : memref<1x128x64xf32, #tpu.memory_space<vmem>> -> memref<128x64xf32, #tpu.memory_space<vmem>>
    %dma_wait3A_134 = arith.constant 0 : i32
    %dma_wait3A_135 = tpu.memref_slice %arg12[%mul3A_2, %dma_wait3A_134] : memref<10240x64xf32, #tpu.memory_space<vmem_shared>> -> memref<128x64xf32, #tpu.memory_space<vmem_shared>>
    %dma_wait3A_136 = tpu.memref_slice %arg17[%dma_wait3A_129] : memref<5x!tpu.dma_semaphore, #tpu.memory_space<semaphore_mem>> -> memref<1x!tpu.dma_semaphore, #tpu.memory_space<semaphore_mem>>
    %dma_wait3A_137 = tpu.memref_squeeze %dma_wait3A_136 : memref<1x!tpu.dma_semaphore, #tpu.memory_space<semaphore_mem>> -> memref<!tpu.dma_semaphore, #tpu.memory_space<semaphore_mem>>
    %dma_wait3A_138 = arith.constant 0 : i32
    %dma_wait3A_139 = tpu.memref_slice %arg12[%mul3A_2, %dma_wait3A_138] : memref<10240x64xf32, #tpu.memory_space<vmem_shared>> -> memref<128x64xf32, #tpu.memory_space<vmem_shared>>
    %dma_wait3A_140 = arith.constant 0 : i32
    %dma_wait3A_141 = arith.constant 0 : i32
    %dma_wait3A_142 = tpu.memref_slice %arg10[%dma_wait3A_128, %dma_wait3A_140, %dma_wait3A_141] : memref<4x128x64xf32, #tpu.memory_space<vmem>> -> memref<1x128x64xf32, #tpu.memory_space<vmem>>
    %dma_wait3A_143 = tpu.memref_squeeze %dma_wait3A_142 : memref<1x128x64xf32, #tpu.memory_space<vmem>> -> memref<128x64xf32, #tpu.memory_space<vmem>>
    tpu.wait_dma2 semaphore(%dma_wait3A_137 : memref<!tpu.dma_semaphore, #tpu.memory_space<semaphore_mem>>) src(%dma_wait3A_143 : memref<128x64xf32, #tpu.memory_space<vmem>>) dst(%dma_wait3A_139 : memref<128x64xf32, #tpu.memory_space<vmem_shared>>)
    %dma_wait3A_144 = arith.constant 0 : i32
    %dma_wait3A_145 = arith.constant 0 : i32
    %dma_wait3A_146 = arith.constant 0 : i32
    %dma_wait3A_147 = arith.constant 0 : i32
    %dma_wait3A_148 = tpu.memref_slice %arg10[%dma_wait3A_144, %dma_wait3A_146, %dma_wait3A_147] : memref<4x128x64xf32, #tpu.memory_space<vmem>> -> memref<1x128x64xf32, #tpu.memory_space<vmem>>
    %dma_wait3A_149 = tpu.memref_squeeze %dma_wait3A_148 : memref<1x128x64xf32, #tpu.memory_space<vmem>> -> memref<128x64xf32, #tpu.memory_space<vmem>>
    %dma_wait3A_150 = arith.constant 0 : i32
    %dma_wait3A_151 = tpu.memref_slice %arg12[%mul3A_2, %dma_wait3A_150] : memref<10240x64xf32, #tpu.memory_space<vmem_shared>> -> memref<128x64xf32, #tpu.memory_space<vmem_shared>>
    %dma_wait3A_152 = tpu.memref_slice %arg17[%dma_wait3A_145] : memref<5x!tpu.dma_semaphore, #tpu.memory_space<semaphore_mem>> -> memref<1x!tpu.dma_semaphore, #tpu.memory_space<semaphore_mem>>
    %dma_wait3A_153 = tpu.memref_squeeze %dma_wait3A_152 : memref<1x!tpu.dma_semaphore, #tpu.memory_space<semaphore_mem>> -> memref<!tpu.dma_semaphore, #tpu.memory_space<semaphore_mem>>
    %dma_wait3A_154 = arith.constant 0 : i32
    %dma_wait3A_155 = tpu.memref_slice %arg12[%mul3A_2, %dma_wait3A_154] : memref<10240x64xf32, #tpu.memory_space<vmem_shared>> -> memref<128x64xf32, #tpu.memory_space<vmem_shared>>
    %dma_wait3A_156 = arith.constant 0 : i32
    %dma_wait3A_157 = arith.constant 0 : i32
    %dma_wait3A_158 = tpu.memref_slice %arg10[%dma_wait3A_144, %dma_wait3A_156, %dma_wait3A_157] : memref<4x128x64xf32, #tpu.memory_space<vmem>> -> memref<1x128x64xf32, #tpu.memory_space<vmem>>
    %dma_wait3A_159 = tpu.memref_squeeze %dma_wait3A_158 : memref<1x128x64xf32, #tpu.memory_space<vmem>> -> memref<128x64xf32, #tpu.memory_space<vmem>>
    tpu.wait_dma2 semaphore(%dma_wait3A_153 : memref<!tpu.dma_semaphore, #tpu.memory_space<semaphore_mem>>) src(%dma_wait3A_159 : memref<128x64xf32, #tpu.memory_space<vmem>>) dst(%dma_wait3A_155 : memref<128x64xf32, #tpu.memory_space<vmem_shared>>)
    %dma_wait3A_160 = arith.constant 0 : i32
    %dma_wait3A_161 = arith.constant 0 : i32
    %dma_wait3A_162 = arith.constant 0 : i32
    %dma_wait3A_163 = arith.constant 0 : i32
    %dma_wait3A_164 = tpu.memref_slice %arg10[%dma_wait3A_160, %dma_wait3A_162, %dma_wait3A_163] : memref<4x128x64xf32, #tpu.memory_space<vmem>> -> memref<1x128x64xf32, #tpu.memory_space<vmem>>
    %dma_wait3A_165 = tpu.memref_squeeze %dma_wait3A_164 : memref<1x128x64xf32, #tpu.memory_space<vmem>> -> memref<128x64xf32, #tpu.memory_space<vmem>>
    %dma_wait3A_166 = arith.constant 0 : i32
    %dma_wait3A_167 = tpu.memref_slice %arg12[%mul3A_2, %dma_wait3A_166] : memref<10240x64xf32, #tpu.memory_space<vmem_shared>> -> memref<128x64xf32, #tpu.memory_space<vmem_shared>>
    %dma_wait3A_168 = tpu.memref_slice %arg17[%dma_wait3A_161] : memref<5x!tpu.dma_semaphore, #tpu.memory_space<semaphore_mem>> -> memref<1x!tpu.dma_semaphore, #tpu.memory_space<semaphore_mem>>
    %dma_wait3A_169 = tpu.memref_squeeze %dma_wait3A_168 : memref<1x!tpu.dma_semaphore, #tpu.memory_space<semaphore_mem>> -> memref<!tpu.dma_semaphore, #tpu.memory_space<semaphore_mem>>
    %dma_wait3A_170 = arith.constant 0 : i32
    %dma_wait3A_171 = tpu.memref_slice %arg12[%mul3A_2, %dma_wait3A_170] : memref<10240x64xf32, #tpu.memory_space<vmem_shared>> -> memref<128x64xf32, #tpu.memory_space<vmem_shared>>
    %dma_wait3A_172 = arith.constant 0 : i32
    %dma_wait3A_173 = arith.constant 0 : i32
    %dma_wait3A_174 = tpu.memref_slice %arg10[%dma_wait3A_160, %dma_wait3A_172, %dma_wait3A_173] : memref<4x128x64xf32, #tpu.memory_space<vmem>> -> memref<1x128x64xf32, #tpu.memory_space<vmem>>
    %dma_wait3A_175 = tpu.memref_squeeze %dma_wait3A_174 : memref<1x128x64xf32, #tpu.memory_space<vmem>> -> memref<128x64xf32, #tpu.memory_space<vmem>>
    tpu.wait_dma2 semaphore(%dma_wait3A_169 : memref<!tpu.dma_semaphore, #tpu.memory_space<semaphore_mem>>) src(%dma_wait3A_175 : memref<128x64xf32, #tpu.memory_space<vmem>>) dst(%dma_wait3A_171 : memref<128x64xf32, #tpu.memory_space<vmem_shared>>)
    %dma_wait3A_176 = arith.constant 0 : i32
    %dma_wait3A_177 = arith.constant 0 : i32
    %dma_wait3A_178 = arith.constant 0 : i32
    %dma_wait3A_179 = arith.constant 0 : i32
    %dma_wait3A_180 = tpu.memref_slice %arg10[%dma_wait3A_176, %dma_wait3A_178, %dma_wait3A_179] : memref<4x128x64xf32, #tpu.memory_space<vmem>> -> memref<1x128x64xf32, #tpu.memory_space<vmem>>
    %dma_wait3A_181 = tpu.memref_squeeze %dma_wait3A_180 : memref<1x128x64xf32, #tpu.memory_space<vmem>> -> memref<128x64xf32, #tpu.memory_space<vmem>>
    %dma_wait3A_182 = arith.constant 0 : i32
    %dma_wait3A_183 = tpu.memref_slice %arg12[%mul3A_2, %dma_wait3A_182] : memref<10240x64xf32, #tpu.memory_space<vmem_shared>> -> memref<128x64xf32, #tpu.memory_space<vmem_shared>>
    %dma_wait3A_184 = tpu.memref_slice %arg17[%dma_wait3A_177] : memref<5x!tpu.dma_semaphore, #tpu.memory_space<semaphore_mem>> -> memref<1x!tpu.dma_semaphore, #tpu.memory_space<semaphore_mem>>
    %dma_wait3A_185 = tpu.memref_squeeze %dma_wait3A_184 : memref<1x!tpu.dma_semaphore, #tpu.memory_space<semaphore_mem>> -> memref<!tpu.dma_semaphore, #tpu.memory_space<semaphore_mem>>
    %dma_wait3A_186 = arith.constant 0 : i32
    %dma_wait3A_187 = tpu.memref_slice %arg12[%mul3A_2, %dma_wait3A_186] : memref<10240x64xf32, #tpu.memory_space<vmem_shared>> -> memref<128x64xf32, #tpu.memory_space<vmem_shared>>
    %dma_wait3A_188 = arith.constant 0 : i32
    %dma_wait3A_189 = arith.constant 0 : i32
    %dma_wait3A_190 = tpu.memref_slice %arg10[%dma_wait3A_176, %dma_wait3A_188, %dma_wait3A_189] : memref<4x128x64xf32, #tpu.memory_space<vmem>> -> memref<1x128x64xf32, #tpu.memory_space<vmem>>
    %dma_wait3A_191 = tpu.memref_squeeze %dma_wait3A_190 : memref<1x128x64xf32, #tpu.memory_space<vmem>> -> memref<128x64xf32, #tpu.memory_space<vmem>>
    tpu.wait_dma2 semaphore(%dma_wait3A_185 : memref<!tpu.dma_semaphore, #tpu.memory_space<semaphore_mem>>) src(%dma_wait3A_191 : memref<128x64xf32, #tpu.memory_space<vmem>>) dst(%dma_wait3A_187 : memref<128x64xf32, #tpu.memory_space<vmem_shared>>)
    %dma_start3A_192 = arith.constant 0 : i32
    %dma_start3A_193 = arith.constant 0 : i32
    %dma_start3A_194 = arith.constant 0 : i32
    %dma_start3A_195 = arith.constant 0 : i32
    %dma_start3A_196 = arith.constant 0 : i32
    %dma_start3A_197 = tpu.memref_slice %arg10[%dma_start3A_193, %dma_start3A_195, %dma_start3A_196] : memref<4x128x64xf32, #tpu.memory_space<vmem>> -> memref<1x128x64xf32, #tpu.memory_space<vmem>>
    %dma_start3A_198 = tpu.memref_squeeze %dma_start3A_197 : memref<1x128x64xf32, #tpu.memory_space<vmem>> -> memref<128x64xf32, #tpu.memory_space<vmem>>
    %dma_start3A_199 = arith.constant 0 : i32
    %dma_start3A_200 = tpu.memref_slice %arg8[%dma_start3A_192, %dma_start3A_199] : memref<120x128xi32, #tpu.memory_space<vmem>> -> memref<1x128xi32, #tpu.memory_space<vmem>>
    %dma_start3A_201 = tpu.memref_squeeze %dma_start3A_200 : memref<1x128xi32, #tpu.memory_space<vmem>> -> memref<128xi32, #tpu.memory_space<vmem>>
    %dma_start3A_202 = arith.constant 0 : i32
    %dma_start3A_203 = arith.constant 0 : i32
    %dma_start3A_204 = tpu.memref_slice %arg3[%dma_start3A_202, %dma_start3A_203] : memref<10240x64xf32, #tpu.memory_space<hbm>> -> memref<10240x64xf32, #tpu.memory_space<hbm>>
    %dma_start3A_205 = tpu.memref_slice %arg14[%dma_start3A_194] : memref<4x!tpu.dma_semaphore, #tpu.memory_space<semaphore_mem>> -> memref<1x!tpu.dma_semaphore, #tpu.memory_space<semaphore_mem>>
    %dma_start3A_206 = tpu.memref_squeeze %dma_start3A_205 : memref<1x!tpu.dma_semaphore, #tpu.memory_space<semaphore_mem>> -> memref<!tpu.dma_semaphore, #tpu.memory_space<semaphore_mem>>
    tpu.enqueue_indirect_dma source(%dma_start3A_204 : memref<10240x64xf32, #tpu.memory_space<hbm>>) target(%dma_start3A_198 : memref<128x64xf32, #tpu.memory_space<vmem>>) offsets(%dma_start3A_201 : memref<128xi32, #tpu.memory_space<vmem>>) semaphore(%dma_start3A_206 : memref<!tpu.dma_semaphore, #tpu.memory_space<semaphore_mem>>)
    %dma_start3A_207 = arith.constant 1 : i32
    %dma_start3A_208 = arith.constant 1 : i32
    %dma_start3A_209 = arith.constant 1 : i32
    %dma_start3A_210 = arith.constant 0 : i32
    %dma_start3A_211 = arith.constant 0 : i32
    %dma_start3A_212 = tpu.memref_slice %arg10[%dma_start3A_208, %dma_start3A_210, %dma_start3A_211] : memref<4x128x64xf32, #tpu.memory_space<vmem>> -> memref<1x128x64xf32, #tpu.memory_space<vmem>>
    %dma_start3A_213 = tpu.memref_squeeze %dma_start3A_212 : memref<1x128x64xf32, #tpu.memory_space<vmem>> -> memref<128x64xf32, #tpu.memory_space<vmem>>
    %dma_start3A_214 = arith.constant 0 : i32
    %dma_start3A_215 = tpu.memref_slice %arg8[%dma_start3A_207, %dma_start3A_214] : memref<120x128xi32, #tpu.memory_space<vmem>> -> memref<1x128xi32, #tpu.memory_space<vmem>>
    %dma_start3A_216 = tpu.memref_squeeze %dma_start3A_215 : memref<1x128xi32, #tpu.memory_space<vmem>> -> memref<128xi32, #tpu.memory_space<vmem>>
    %dma_start3A_217 = arith.constant 0 : i32
    %dma_start3A_218 = arith.constant 0 : i32
    %dma_start3A_219 = tpu.memref_slice %arg3[%dma_start3A_217, %dma_start3A_218] : memref<10240x64xf32, #tpu.memory_space<hbm>> -> memref<10240x64xf32, #tpu.memory_space<hbm>>
    %dma_start3A_220 = tpu.memref_slice %arg14[%dma_start3A_209] : memref<4x!tpu.dma_semaphore, #tpu.memory_space<semaphore_mem>> -> memref<1x!tpu.dma_semaphore, #tpu.memory_space<semaphore_mem>>
    %dma_start3A_221 = tpu.memref_squeeze %dma_start3A_220 : memref<1x!tpu.dma_semaphore, #tpu.memory_space<semaphore_mem>> -> memref<!tpu.dma_semaphore, #tpu.memory_space<semaphore_mem>>
    tpu.enqueue_indirect_dma source(%dma_start3A_219 : memref<10240x64xf32, #tpu.memory_space<hbm>>) target(%dma_start3A_213 : memref<128x64xf32, #tpu.memory_space<vmem>>) offsets(%dma_start3A_216 : memref<128xi32, #tpu.memory_space<vmem>>) semaphore(%dma_start3A_221 : memref<!tpu.dma_semaphore, #tpu.memory_space<semaphore_mem>>)
    %dma_start3A_222 = arith.constant 2 : i32
    %dma_start3A_223 = arith.constant 2 : i32
    %dma_start3A_224 = arith.constant 2 : i32
    %dma_start3A_225 = arith.constant 0 : i32
    %dma_start3A_226 = arith.constant 0 : i32
    %dma_start3A_227 = tpu.memref_slice %arg10[%dma_start3A_223, %dma_start3A_225, %dma_start3A_226] : memref<4x128x64xf32, #tpu.memory_space<vmem>> -> memref<1x128x64xf32, #tpu.memory_space<vmem>>
    %dma_start3A_228 = tpu.memref_squeeze %dma_start3A_227 : memref<1x128x64xf32, #tpu.memory_space<vmem>> -> memref<128x64xf32, #tpu.memory_space<vmem>>
    %dma_start3A_229 = arith.constant 0 : i32
    %dma_start3A_230 = tpu.memref_slice %arg8[%dma_start3A_222, %dma_start3A_229] : memref<120x128xi32, #tpu.memory_space<vmem>> -> memref<1x128xi32, #tpu.memory_space<vmem>>
    %dma_start3A_231 = tpu.memref_squeeze %dma_start3A_230 : memref<1x128xi32, #tpu.memory_space<vmem>> -> memref<128xi32, #tpu.memory_space<vmem>>
    %dma_start3A_232 = arith.constant 0 : i32
    %dma_start3A_233 = arith.constant 0 : i32
    %dma_start3A_234 = tpu.memref_slice %arg3[%dma_start3A_232, %dma_start3A_233] : memref<10240x64xf32, #tpu.memory_space<hbm>> -> memref<10240x64xf32, #tpu.memory_space<hbm>>
    %dma_start3A_235 = tpu.memref_slice %arg14[%dma_start3A_224] : memref<4x!tpu.dma_semaphore, #tpu.memory_space<semaphore_mem>> -> memref<1x!tpu.dma_semaphore, #tpu.memory_space<semaphore_mem>>
    %dma_start3A_236 = tpu.memref_squeeze %dma_start3A_235 : memref<1x!tpu.dma_semaphore, #tpu.memory_space<semaphore_mem>> -> memref<!tpu.dma_semaphore, #tpu.memory_space<semaphore_mem>>
    tpu.enqueue_indirect_dma source(%dma_start3A_234 : memref<10240x64xf32, #tpu.memory_space<hbm>>) target(%dma_start3A_228 : memref<128x64xf32, #tpu.memory_space<vmem>>) offsets(%dma_start3A_231 : memref<128xi32, #tpu.memory_space<vmem>>) semaphore(%dma_start3A_236 : memref<!tpu.dma_semaphore, #tpu.memory_space<semaphore_mem>>)
    %dma_start3A_237 = arith.constant 3 : i32
    %dma_start3A_238 = arith.constant 3 : i32
    %dma_start3A_239 = arith.constant 3 : i32
    %dma_start3A_240 = arith.constant 0 : i32
    %dma_start3A_241 = arith.constant 0 : i32
    %dma_start3A_242 = tpu.memref_slice %arg10[%dma_start3A_238, %dma_start3A_240, %dma_start3A_241] : memref<4x128x64xf32, #tpu.memory_space<vmem>> -> memref<1x128x64xf32, #tpu.memory_space<vmem>>
    %dma_start3A_243 = tpu.memref_squeeze %dma_start3A_242 : memref<1x128x64xf32, #tpu.memory_space<vmem>> -> memref<128x64xf32, #tpu.memory_space<vmem>>
    %dma_start3A_244 = arith.constant 0 : i32
    %dma_start3A_245 = tpu.memref_slice %arg8[%dma_start3A_237, %dma_start3A_244] : memref<120x128xi32, #tpu.memory_space<vmem>> -> memref<1x128xi32, #tpu.memory_space<vmem>>
    %dma_start3A_246 = tpu.memref_squeeze %dma_start3A_245 : memref<1x128xi32, #tpu.memory_space<vmem>> -> memref<128xi32, #tpu.memory_space<vmem>>
    %dma_start3A_247 = arith.constant 0 : i32
    %dma_start3A_248 = arith.constant 0 : i32
    %dma_start3A_249 = tpu.memref_slice %arg3[%dma_start3A_247, %dma_start3A_248] : memref<10240x64xf32, #tpu.memory_space<hbm>> -> memref<10240x64xf32, #tpu.memory_space<hbm>>
    %dma_start3A_250 = tpu.memref_slice %arg14[%dma_start3A_239] : memref<4x!tpu.dma_semaphore, #tpu.memory_space<semaphore_mem>> -> memref<1x!tpu.dma_semaphore, #tpu.memory_space<semaphore_mem>>
    %dma_start3A_251 = tpu.memref_squeeze %dma_start3A_250 : memref<1x!tpu.dma_semaphore, #tpu.memory_space<semaphore_mem>> -> memref<!tpu.dma_semaphore, #tpu.memory_space<semaphore_mem>>
    tpu.enqueue_indirect_dma source(%dma_start3A_249 : memref<10240x64xf32, #tpu.memory_space<hbm>>) target(%dma_start3A_243 : memref<128x64xf32, #tpu.memory_space<vmem>>) offsets(%dma_start3A_246 : memref<128xi32, #tpu.memory_space<vmem>>) semaphore(%dma_start3A_251 : memref<!tpu.dma_semaphore, #tpu.memory_space<semaphore_mem>>)
    %dma_wait3A_252 = arith.constant 1 : i32
    %dma_wait3A_253 = tpu.memref_slice %arg17[%dma_wait3A_252] : memref<5x!tpu.dma_semaphore, #tpu.memory_space<semaphore_mem>> -> memref<1x!tpu.dma_semaphore, #tpu.memory_space<semaphore_mem>>
    %dma_wait3A_254 = tpu.memref_squeeze %dma_wait3A_253 : memref<1x!tpu.dma_semaphore, #tpu.memory_space<semaphore_mem>> -> memref<!tpu.dma_semaphore, #tpu.memory_space<semaphore_mem>>
    %dma_wait3A_255 = arith.constant 0 : i32
    %dma_wait3A_256 = tpu.memref_slice %arg13[%mul3A_2, %dma_wait3A_255] : memref<10240x8xf32, #tpu.memory_space<vmem_shared>> -> memref<640x8xf32, #tpu.memory_space<vmem_shared>>
    tpu.wait_dma2 semaphore(%dma_wait3A_254 : memref<!tpu.dma_semaphore, #tpu.memory_space<semaphore_mem>>) src(%arg4 : memref<640x8xf32, #tpu.memory_space<hbm>>) dst(%dma_wait3A_256 : memref<640x8xf32, #tpu.memory_space<vmem_shared>>)
    %dma_wait3A_257 = arith.constant 2 : i32
    %dma_wait3A_258 = tpu.memref_slice %arg17[%dma_wait3A_257] : memref<5x!tpu.dma_semaphore, #tpu.memory_space<semaphore_mem>> -> memref<1x!tpu.dma_semaphore, #tpu.memory_space<semaphore_mem>>
    %dma_wait3A_259 = tpu.memref_squeeze %dma_wait3A_258 : memref<1x!tpu.dma_semaphore, #tpu.memory_space<semaphore_mem>> -> memref<!tpu.dma_semaphore, #tpu.memory_space<semaphore_mem>>
    tpu.wait_dma2 semaphore(%dma_wait3A_259 : memref<!tpu.dma_semaphore, #tpu.memory_space<semaphore_mem>>) src(%arg5 : memref<128x8xf32, #tpu.memory_space<hbm>>) dst(%arg11 : memref<128x8xf32, #tpu.memory_space<vmem>>)
    %barrier3A = arith.constant 0 : index
    tpu.barrier barrier_id(%barrier3A)
    %jit3A_260 = arith.constant 4 : i32
    %div3A = arith.divsi %select_n3A, %jit3A_260 : i32
    %sign3A = arith.constant 0 : i32
    %sign3A_261 = arith.cmpi sgt, %select_n3A, %sign3A : i32
    %sign3A_262 = arith.extui %sign3A_261 : i1 to i32
    %sign3A_263 = arith.constant 0 : i32
    %sign3A_264 = arith.cmpi slt, %select_n3A, %sign3A_263 : i32
    %sign3A_265 = arith.extui %sign3A_264 : i1 to i32
    %sign3A_266 = arith.subi %sign3A_262, %sign3A_265 : i32
    %sign3A_267 = arith.constant 0 : i32
    %sign3A_268 = arith.cmpi sgt, %jit3A_260, %sign3A_267 : i32
    %sign3A_269 = arith.extui %sign3A_268 : i1 to i32
    %sign3A_270 = arith.constant 0 : i32
    %sign3A_271 = arith.cmpi slt, %jit3A_260, %sign3A_270 : i32
    %sign3A_272 = arith.extui %sign3A_271 : i1 to i32
    %sign3A_273 = arith.subi %sign3A_269, %sign3A_272 : i32
    %ne3A = arith.cmpi ne, %sign3A_266, %sign3A_273 : i32
    %rem3A = arith.remsi %select_n3A, %jit3A_260 : i32
    %ne3A_274 = arith.constant 0 : i32
    %ne3A_275 = arith.cmpi ne, %rem3A, %ne3A_274 : i32
    %and3A = arith.andi %ne3A, %ne3A_275 : i1
    %sub3A = arith.constant 1 : i32
    %sub3A_276 = arith.subi %div3A, %sub3A : i32
    %select_n3A_277 = arith.select %and3A, %sub3A_276, %div3A : i32
    %while3A = arith.constant 0 : i32
    %while3A_278 = arith.constant 0 : i32
    %while3A_279 = arith.subi %select_n3A_277, %while3A_278 : i32
    %while3A_280 = arith.addi %while3A_278, %while3A_279 : i32
    %while3A_281 = arith.constant 1 : i32
    %while3A_282 = arith.divsi %while3A_279, %while3A_281 : i32
    %while3A_283 = arith.muli %while3A_282, %while3A_281 : i32
    %while3A_284 = arith.addi %while3A_278, %while3A_283 : i32
    %while3A_285 = arith.constant 1 : i32
    scf.for %while3A_320 = %while3A_278 to %while3A_284 step %while3A_285  : i32 {
      %mul3A_321 = arith.constant 4 : i32
      %mul3A_322 = arith.muli %while3A_320, %mul3A_321 : i32
      %add3A_323 = arith.constant 0 : i32
      %add3A_324 = arith.addi %mul3A_322, %add3A_323 : i32
      %dma_wait3A_325 = arith.constant 0 : i32
      %dma_wait3A_326 = arith.constant 0 : i32
      %dma_wait3A_327 = arith.constant 0 : i32
      %dma_wait3A_328 = arith.constant 0 : i32
      %dma_wait3A_329 = tpu.memref_slice %arg10[%dma_wait3A_325, %dma_wait3A_327, %dma_wait3A_328] : memref<4x128x64xf32, #tpu.memory_space<vmem>> -> memref<1x128x64xf32, #tpu.memory_space<vmem>>
      %dma_wait3A_330 = tpu.memref_squeeze %dma_wait3A_329 : memref<1x128x64xf32, #tpu.memory_space<vmem>> -> memref<128x64xf32, #tpu.memory_space<vmem>>
      %dma_wait3A_331 = arith.constant 0 : i32
      %dma_wait3A_332 = tpu.memref_slice %arg8[%add3A_324, %dma_wait3A_331] : memref<120x128xi32, #tpu.memory_space<vmem>> -> memref<1x128xi32, #tpu.memory_space<vmem>>
      %dma_wait3A_333 = tpu.memref_squeeze %dma_wait3A_332 : memref<1x128xi32, #tpu.memory_space<vmem>> -> memref<128xi32, #tpu.memory_space<vmem>>
      %dma_wait3A_334 = arith.constant 0 : i32
      %dma_wait3A_335 = arith.constant 0 : i32
      %dma_wait3A_336 = tpu.memref_slice %arg3[%dma_wait3A_334, %dma_wait3A_335] : memref<10240x64xf32, #tpu.memory_space<hbm>> -> memref<10240x64xf32, #tpu.memory_space<hbm>>
      %dma_wait3A_337 = tpu.memref_slice %arg14[%dma_wait3A_326] : memref<4x!tpu.dma_semaphore, #tpu.memory_space<semaphore_mem>> -> memref<1x!tpu.dma_semaphore, #tpu.memory_space<semaphore_mem>>
      %dma_wait3A_338 = tpu.memref_squeeze %dma_wait3A_337 : memref<1x!tpu.dma_semaphore, #tpu.memory_space<semaphore_mem>> -> memref<!tpu.dma_semaphore, #tpu.memory_space<semaphore_mem>>
      tpu.wait_indirect_dma semaphore(%dma_wait3A_338 : memref<!tpu.dma_semaphore, #tpu.memory_space<semaphore_mem>>) src(%dma_wait3A_336 : memref<10240x64xf32, #tpu.memory_space<hbm>>) dst(%dma_wait3A_330 : memref<128x64xf32, #tpu.memory_space<vmem>>)
      %dma_start3A_339 = arith.constant 0 : i32
      %dma_start3A_340 = arith.constant 0 : i32
      %dma_start3A_341 = arith.constant 0 : i32
      %dma_start3A_342 = arith.constant 0 : i32
      %dma_start3A_343 = tpu.memref_slice %arg10[%dma_start3A_339, %dma_start3A_341, %dma_start3A_342] : memref<4x128x64xf32, #tpu.memory_space<vmem>> -> memref<1x128x64xf32, #tpu.memory_space<vmem>>
      %dma_start3A_344 = tpu.memref_squeeze %dma_start3A_343 : memref<1x128x64xf32, #tpu.memory_space<vmem>> -> memref<128x64xf32, #tpu.memory_space<vmem>>
      %dma_start3A_345 = arith.constant 0 : i32
      %dma_start3A_346 = tpu.memref_slice %arg9[%add3A_324, %dma_start3A_345] : memref<120x128xi32, #tpu.memory_space<vmem>> -> memref<1x128xi32, #tpu.memory_space<vmem>>
      %dma_start3A_347 = tpu.memref_squeeze %dma_start3A_346 : memref<1x128xi32, #tpu.memory_space<vmem>> -> memref<128xi32, #tpu.memory_space<vmem>>
      %dma_start3A_348 = arith.constant 0 : i32
      %dma_start3A_349 = arith.constant 0 : i32
      %dma_start3A_350 = tpu.memref_slice %arg12[%dma_start3A_348, %dma_start3A_349] : memref<10240x64xf32, #tpu.memory_space<vmem_shared>> -> memref<10240x64xf32, #tpu.memory_space<vmem_shared>>
      %dma_start3A_351 = tpu.memref_slice %arg15[%dma_start3A_340] : memref<4x!tpu.dma_semaphore, #tpu.memory_space<semaphore_mem>> -> memref<1x!tpu.dma_semaphore, #tpu.memory_space<semaphore_mem>>
      %dma_start3A_352 = tpu.memref_squeeze %dma_start3A_351 : memref<1x!tpu.dma_semaphore, #tpu.memory_space<semaphore_mem>> -> memref<!tpu.dma_semaphore, #tpu.memory_space<semaphore_mem>>
      tpu.enqueue_indirect_dma source(%dma_start3A_344 : memref<128x64xf32, #tpu.memory_space<vmem>>) target(%dma_start3A_350 : memref<10240x64xf32, #tpu.memory_space<vmem_shared>>) offsets(%dma_start3A_347 : memref<128xi32, #tpu.memory_space<vmem>>) semaphore(%dma_start3A_352 : memref<!tpu.dma_semaphore, #tpu.memory_space<semaphore_mem>>) {add = true}
      %dma_start3A_353 = arith.constant 0 : i32
      %dma_start3A_354 = arith.constant 0 : i32
      %dma_start3A_355 = tpu.memref_slice %arg9[%add3A_324, %dma_start3A_354] : memref<120x128xi32, #tpu.memory_space<vmem>> -> memref<1x128xi32, #tpu.memory_space<vmem>>
      %dma_start3A_356 = tpu.memref_squeeze %dma_start3A_355 : memref<1x128xi32, #tpu.memory_space<vmem>> -> memref<128xi32, #tpu.memory_space<vmem>>
      %dma_start3A_357 = arith.constant 0 : i32
      %dma_start3A_358 = arith.constant 0 : i32
      %dma_start3A_359 = tpu.memref_slice %arg13[%dma_start3A_357, %dma_start3A_358] : memref<10240x8xf32, #tpu.memory_space<vmem_shared>> -> memref<10240x8xf32, #tpu.memory_space<vmem_shared>>
      %dma_start3A_360 = tpu.memref_slice %arg16[%dma_start3A_353] : memref<4x!tpu.dma_semaphore, #tpu.memory_space<semaphore_mem>> -> memref<1x!tpu.dma_semaphore, #tpu.memory_space<semaphore_mem>>
      %dma_start3A_361 = tpu.memref_squeeze %dma_start3A_360 : memref<1x!tpu.dma_semaphore, #tpu.memory_space<semaphore_mem>> -> memref<!tpu.dma_semaphore, #tpu.memory_space<semaphore_mem>>
      tpu.enqueue_indirect_dma source(%arg11 : memref<128x8xf32, #tpu.memory_space<vmem>>) target(%dma_start3A_359 : memref<10240x8xf32, #tpu.memory_space<vmem_shared>>) offsets(%dma_start3A_356 : memref<128xi32, #tpu.memory_space<vmem>>) semaphore(%dma_start3A_361 : memref<!tpu.dma_semaphore, #tpu.memory_space<semaphore_mem>>) {add = true}
      %add3A_362 = arith.constant 1 : i32
      %add3A_363 = arith.addi %mul3A_322, %add3A_362 : i32
      %dma_wait3A_364 = arith.constant 1 : i32
      %dma_wait3A_365 = arith.constant 1 : i32
      %dma_wait3A_366 = arith.constant 0 : i32
      %dma_wait3A_367 = arith.constant 0 : i32
      %dma_wait3A_368 = tpu.memref_slice %arg10[%dma_wait3A_364, %dma_wait3A_366, %dma_wait3A_367] : memref<4x128x64xf32, #tpu.memory_space<vmem>> -> memref<1x128x64xf32, #tpu.memory_space<vmem>>
      %dma_wait3A_369 = tpu.memref_squeeze %dma_wait3A_368 : memref<1x128x64xf32, #tpu.memory_space<vmem>> -> memref<128x64xf32, #tpu.memory_space<vmem>>
      %dma_wait3A_370 = arith.constant 0 : i32
      %dma_wait3A_371 = tpu.memref_slice %arg8[%add3A_363, %dma_wait3A_370] : memref<120x128xi32, #tpu.memory_space<vmem>> -> memref<1x128xi32, #tpu.memory_space<vmem>>
      %dma_wait3A_372 = tpu.memref_squeeze %dma_wait3A_371 : memref<1x128xi32, #tpu.memory_space<vmem>> -> memref<128xi32, #tpu.memory_space<vmem>>
      %dma_wait3A_373 = arith.constant 0 : i32
      %dma_wait3A_374 = arith.constant 0 : i32
      %dma_wait3A_375 = tpu.memref_slice %arg3[%dma_wait3A_373, %dma_wait3A_374] : memref<10240x64xf32, #tpu.memory_space<hbm>> -> memref<10240x64xf32, #tpu.memory_space<hbm>>
      %dma_wait3A_376 = tpu.memref_slice %arg14[%dma_wait3A_365] : memref<4x!tpu.dma_semaphore, #tpu.memory_space<semaphore_mem>> -> memref<1x!tpu.dma_semaphore, #tpu.memory_space<semaphore_mem>>
      %dma_wait3A_377 = tpu.memref_squeeze %dma_wait3A_376 : memref<1x!tpu.dma_semaphore, #tpu.memory_space<semaphore_mem>> -> memref<!tpu.dma_semaphore, #tpu.memory_space<semaphore_mem>>
      tpu.wait_indirect_dma semaphore(%dma_wait3A_377 : memref<!tpu.dma_semaphore, #tpu.memory_space<semaphore_mem>>) src(%dma_wait3A_375 : memref<10240x64xf32, #tpu.memory_space<hbm>>) dst(%dma_wait3A_369 : memref<128x64xf32, #tpu.memory_space<vmem>>)
      %dma_start3A_378 = arith.constant 1 : i32
      %dma_start3A_379 = arith.constant 1 : i32
      %dma_start3A_380 = arith.constant 0 : i32
      %dma_start3A_381 = arith.constant 0 : i32
      %dma_start3A_382 = tpu.memref_slice %arg10[%dma_start3A_378, %dma_start3A_380, %dma_start3A_381] : memref<4x128x64xf32, #tpu.memory_space<vmem>> -> memref<1x128x64xf32, #tpu.memory_space<vmem>>
      %dma_start3A_383 = tpu.memref_squeeze %dma_start3A_382 : memref<1x128x64xf32, #tpu.memory_space<vmem>> -> memref<128x64xf32, #tpu.memory_space<vmem>>
      %dma_start3A_384 = arith.constant 0 : i32
      %dma_start3A_385 = tpu.memref_slice %arg9[%add3A_363, %dma_start3A_384] : memref<120x128xi32, #tpu.memory_space<vmem>> -> memref<1x128xi32, #tpu.memory_space<vmem>>
      %dma_start3A_386 = tpu.memref_squeeze %dma_start3A_385 : memref<1x128xi32, #tpu.memory_space<vmem>> -> memref<128xi32, #tpu.memory_space<vmem>>
      %dma_start3A_387 = arith.constant 0 : i32
      %dma_start3A_388 = arith.constant 0 : i32
      %dma_start3A_389 = tpu.memref_slice %arg12[%dma_start3A_387, %dma_start3A_388] : memref<10240x64xf32, #tpu.memory_space<vmem_shared>> -> memref<10240x64xf32, #tpu.memory_space<vmem_shared>>
      %dma_start3A_390 = tpu.memref_slice %arg15[%dma_start3A_379] : memref<4x!tpu.dma_semaphore, #tpu.memory_space<semaphore_mem>> -> memref<1x!tpu.dma_semaphore, #tpu.memory_space<semaphore_mem>>
      %dma_start3A_391 = tpu.memref_squeeze %dma_start3A_390 : memref<1x!tpu.dma_semaphore, #tpu.memory_space<semaphore_mem>> -> memref<!tpu.dma_semaphore, #tpu.memory_space<semaphore_mem>>
      tpu.enqueue_indirect_dma source(%dma_start3A_383 : memref<128x64xf32, #tpu.memory_space<vmem>>) target(%dma_start3A_389 : memref<10240x64xf32, #tpu.memory_space<vmem_shared>>) offsets(%dma_start3A_386 : memref<128xi32, #tpu.memory_space<vmem>>) semaphore(%dma_start3A_391 : memref<!tpu.dma_semaphore, #tpu.memory_space<semaphore_mem>>) {add = true}
      %dma_start3A_392 = arith.constant 1 : i32
      %dma_start3A_393 = arith.constant 0 : i32
      %dma_start3A_394 = tpu.memref_slice %arg9[%add3A_363, %dma_start3A_393] : memref<120x128xi32, #tpu.memory_space<vmem>> -> memref<1x128xi32, #tpu.memory_space<vmem>>
      %dma_start3A_395 = tpu.memref_squeeze %dma_start3A_394 : memref<1x128xi32, #tpu.memory_space<vmem>> -> memref<128xi32, #tpu.memory_space<vmem>>
      %dma_start3A_396 = arith.constant 0 : i32
      %dma_start3A_397 = arith.constant 0 : i32
      %dma_start3A_398 = tpu.memref_slice %arg13[%dma_start3A_396, %dma_start3A_397] : memref<10240x8xf32, #tpu.memory_space<vmem_shared>> -> memref<10240x8xf32, #tpu.memory_space<vmem_shared>>
      %dma_start3A_399 = tpu.memref_slice %arg16[%dma_start3A_392] : memref<4x!tpu.dma_semaphore, #tpu.memory_space<semaphore_mem>> -> memref<1x!tpu.dma_semaphore, #tpu.memory_space<semaphore_mem>>
      %dma_start3A_400 = tpu.memref_squeeze %dma_start3A_399 : memref<1x!tpu.dma_semaphore, #tpu.memory_space<semaphore_mem>> -> memref<!tpu.dma_semaphore, #tpu.memory_space<semaphore_mem>>
      tpu.enqueue_indirect_dma source(%arg11 : memref<128x8xf32, #tpu.memory_space<vmem>>) target(%dma_start3A_398 : memref<10240x8xf32, #tpu.memory_space<vmem_shared>>) offsets(%dma_start3A_395 : memref<128xi32, #tpu.memory_space<vmem>>) semaphore(%dma_start3A_400 : memref<!tpu.dma_semaphore, #tpu.memory_space<semaphore_mem>>) {add = true}
      %add3A_401 = arith.constant 2 : i32
      %add3A_402 = arith.addi %mul3A_322, %add3A_401 : i32
      %dma_wait3A_403 = arith.constant 2 : i32
      %dma_wait3A_404 = arith.constant 2 : i32
      %dma_wait3A_405 = arith.constant 0 : i32
      %dma_wait3A_406 = arith.constant 0 : i32
      %dma_wait3A_407 = tpu.memref_slice %arg10[%dma_wait3A_403, %dma_wait3A_405, %dma_wait3A_406] : memref<4x128x64xf32, #tpu.memory_space<vmem>> -> memref<1x128x64xf32, #tpu.memory_space<vmem>>
      %dma_wait3A_408 = tpu.memref_squeeze %dma_wait3A_407 : memref<1x128x64xf32, #tpu.memory_space<vmem>> -> memref<128x64xf32, #tpu.memory_space<vmem>>
      %dma_wait3A_409 = arith.constant 0 : i32
      %dma_wait3A_410 = tpu.memref_slice %arg8[%add3A_402, %dma_wait3A_409] : memref<120x128xi32, #tpu.memory_space<vmem>> -> memref<1x128xi32, #tpu.memory_space<vmem>>
      %dma_wait3A_411 = tpu.memref_squeeze %dma_wait3A_410 : memref<1x128xi32, #tpu.memory_space<vmem>> -> memref<128xi32, #tpu.memory_space<vmem>>
      %dma_wait3A_412 = arith.constant 0 : i32
      %dma_wait3A_413 = arith.constant 0 : i32
      %dma_wait3A_414 = tpu.memref_slice %arg3[%dma_wait3A_412, %dma_wait3A_413] : memref<10240x64xf32, #tpu.memory_space<hbm>> -> memref<10240x64xf32, #tpu.memory_space<hbm>>
      %dma_wait3A_415 = tpu.memref_slice %arg14[%dma_wait3A_404] : memref<4x!tpu.dma_semaphore, #tpu.memory_space<semaphore_mem>> -> memref<1x!tpu.dma_semaphore, #tpu.memory_space<semaphore_mem>>
      %dma_wait3A_416 = tpu.memref_squeeze %dma_wait3A_415 : memref<1x!tpu.dma_semaphore, #tpu.memory_space<semaphore_mem>> -> memref<!tpu.dma_semaphore, #tpu.memory_space<semaphore_mem>>
      tpu.wait_indirect_dma semaphore(%dma_wait3A_416 : memref<!tpu.dma_semaphore, #tpu.memory_space<semaphore_mem>>) src(%dma_wait3A_414 : memref<10240x64xf32, #tpu.memory_space<hbm>>) dst(%dma_wait3A_408 : memref<128x64xf32, #tpu.memory_space<vmem>>)
      %dma_start3A_417 = arith.constant 2 : i32
      %dma_start3A_418 = arith.constant 2 : i32
      %dma_start3A_419 = arith.constant 0 : i32
      %dma_start3A_420 = arith.constant 0 : i32
      %dma_start3A_421 = tpu.memref_slice %arg10[%dma_start3A_417, %dma_start3A_419, %dma_start3A_420] : memref<4x128x64xf32, #tpu.memory_space<vmem>> -> memref<1x128x64xf32, #tpu.memory_space<vmem>>
      %dma_start3A_422 = tpu.memref_squeeze %dma_start3A_421 : memref<1x128x64xf32, #tpu.memory_space<vmem>> -> memref<128x64xf32, #tpu.memory_space<vmem>>
      %dma_start3A_423 = arith.constant 0 : i32
      %dma_start3A_424 = tpu.memref_slice %arg9[%add3A_402, %dma_start3A_423] : memref<120x128xi32, #tpu.memory_space<vmem>> -> memref<1x128xi32, #tpu.memory_space<vmem>>
      %dma_start3A_425 = tpu.memref_squeeze %dma_start3A_424 : memref<1x128xi32, #tpu.memory_space<vmem>> -> memref<128xi32, #tpu.memory_space<vmem>>
      %dma_start3A_426 = arith.constant 0 : i32
      %dma_start3A_427 = arith.constant 0 : i32
      %dma_start3A_428 = tpu.memref_slice %arg12[%dma_start3A_426, %dma_start3A_427] : memref<10240x64xf32, #tpu.memory_space<vmem_shared>> -> memref<10240x64xf32, #tpu.memory_space<vmem_shared>>
      %dma_start3A_429 = tpu.memref_slice %arg15[%dma_start3A_418] : memref<4x!tpu.dma_semaphore, #tpu.memory_space<semaphore_mem>> -> memref<1x!tpu.dma_semaphore, #tpu.memory_space<semaphore_mem>>
      %dma_start3A_430 = tpu.memref_squeeze %dma_start3A_429 : memref<1x!tpu.dma_semaphore, #tpu.memory_space<semaphore_mem>> -> memref<!tpu.dma_semaphore, #tpu.memory_space<semaphore_mem>>
      tpu.enqueue_indirect_dma source(%dma_start3A_422 : memref<128x64xf32, #tpu.memory_space<vmem>>) target(%dma_start3A_428 : memref<10240x64xf32, #tpu.memory_space<vmem_shared>>) offsets(%dma_start3A_425 : memref<128xi32, #tpu.memory_space<vmem>>) semaphore(%dma_start3A_430 : memref<!tpu.dma_semaphore, #tpu.memory_space<semaphore_mem>>) {add = true}
      %dma_start3A_431 = arith.constant 2 : i32
      %dma_start3A_432 = arith.constant 0 : i32
      %dma_start3A_433 = tpu.memref_slice %arg9[%add3A_402, %dma_start3A_432] : memref<120x128xi32, #tpu.memory_space<vmem>> -> memref<1x128xi32, #tpu.memory_space<vmem>>
      %dma_start3A_434 = tpu.memref_squeeze %dma_start3A_433 : memref<1x128xi32, #tpu.memory_space<vmem>> -> memref<128xi32, #tpu.memory_space<vmem>>
      %dma_start3A_435 = arith.constant 0 : i32
      %dma_start3A_436 = arith.constant 0 : i32
      %dma_start3A_437 = tpu.memref_slice %arg13[%dma_start3A_435, %dma_start3A_436] : memref<10240x8xf32, #tpu.memory_space<vmem_shared>> -> memref<10240x8xf32, #tpu.memory_space<vmem_shared>>
      %dma_start3A_438 = tpu.memref_slice %arg16[%dma_start3A_431] : memref<4x!tpu.dma_semaphore, #tpu.memory_space<semaphore_mem>> -> memref<1x!tpu.dma_semaphore, #tpu.memory_space<semaphore_mem>>
      %dma_start3A_439 = tpu.memref_squeeze %dma_start3A_438 : memref<1x!tpu.dma_semaphore, #tpu.memory_space<semaphore_mem>> -> memref<!tpu.dma_semaphore, #tpu.memory_space<semaphore_mem>>
      tpu.enqueue_indirect_dma source(%arg11 : memref<128x8xf32, #tpu.memory_space<vmem>>) target(%dma_start3A_437 : memref<10240x8xf32, #tpu.memory_space<vmem_shared>>) offsets(%dma_start3A_434 : memref<128xi32, #tpu.memory_space<vmem>>) semaphore(%dma_start3A_439 : memref<!tpu.dma_semaphore, #tpu.memory_space<semaphore_mem>>) {add = true}
      %add3A_440 = arith.constant 3 : i32
      %add3A_441 = arith.addi %mul3A_322, %add3A_440 : i32
      %dma_wait3A_442 = arith.constant 3 : i32
      %dma_wait3A_443 = arith.constant 3 : i32
      %dma_wait3A_444 = arith.constant 0 : i32
      %dma_wait3A_445 = arith.constant 0 : i32
      %dma_wait3A_446 = tpu.memref_slice %arg10[%dma_wait3A_442, %dma_wait3A_444, %dma_wait3A_445] : memref<4x128x64xf32, #tpu.memory_space<vmem>> -> memref<1x128x64xf32, #tpu.memory_space<vmem>>
      %dma_wait3A_447 = tpu.memref_squeeze %dma_wait3A_446 : memref<1x128x64xf32, #tpu.memory_space<vmem>> -> memref<128x64xf32, #tpu.memory_space<vmem>>
      %dma_wait3A_448 = arith.constant 0 : i32
      %dma_wait3A_449 = tpu.memref_slice %arg8[%add3A_441, %dma_wait3A_448] : memref<120x128xi32, #tpu.memory_space<vmem>> -> memref<1x128xi32, #tpu.memory_space<vmem>>
      %dma_wait3A_450 = tpu.memref_squeeze %dma_wait3A_449 : memref<1x128xi32, #tpu.memory_space<vmem>> -> memref<128xi32, #tpu.memory_space<vmem>>
      %dma_wait3A_451 = arith.constant 0 : i32
      %dma_wait3A_452 = arith.constant 0 : i32
      %dma_wait3A_453 = tpu.memref_slice %arg3[%dma_wait3A_451, %dma_wait3A_452] : memref<10240x64xf32, #tpu.memory_space<hbm>> -> memref<10240x64xf32, #tpu.memory_space<hbm>>
      %dma_wait3A_454 = tpu.memref_slice %arg14[%dma_wait3A_443] : memref<4x!tpu.dma_semaphore, #tpu.memory_space<semaphore_mem>> -> memref<1x!tpu.dma_semaphore, #tpu.memory_space<semaphore_mem>>
      %dma_wait3A_455 = tpu.memref_squeeze %dma_wait3A_454 : memref<1x!tpu.dma_semaphore, #tpu.memory_space<semaphore_mem>> -> memref<!tpu.dma_semaphore, #tpu.memory_space<semaphore_mem>>
      tpu.wait_indirect_dma semaphore(%dma_wait3A_455 : memref<!tpu.dma_semaphore, #tpu.memory_space<semaphore_mem>>) src(%dma_wait3A_453 : memref<10240x64xf32, #tpu.memory_space<hbm>>) dst(%dma_wait3A_447 : memref<128x64xf32, #tpu.memory_space<vmem>>)
      %dma_start3A_456 = arith.constant 3 : i32
      %dma_start3A_457 = arith.constant 3 : i32
      %dma_start3A_458 = arith.constant 0 : i32
      %dma_start3A_459 = arith.constant 0 : i32
      %dma_start3A_460 = tpu.memref_slice %arg10[%dma_start3A_456, %dma_start3A_458, %dma_start3A_459] : memref<4x128x64xf32, #tpu.memory_space<vmem>> -> memref<1x128x64xf32, #tpu.memory_space<vmem>>
      %dma_start3A_461 = tpu.memref_squeeze %dma_start3A_460 : memref<1x128x64xf32, #tpu.memory_space<vmem>> -> memref<128x64xf32, #tpu.memory_space<vmem>>
      %dma_start3A_462 = arith.constant 0 : i32
      %dma_start3A_463 = tpu.memref_slice %arg9[%add3A_441, %dma_start3A_462] : memref<120x128xi32, #tpu.memory_space<vmem>> -> memref<1x128xi32, #tpu.memory_space<vmem>>
      %dma_start3A_464 = tpu.memref_squeeze %dma_start3A_463 : memref<1x128xi32, #tpu.memory_space<vmem>> -> memref<128xi32, #tpu.memory_space<vmem>>
      %dma_start3A_465 = arith.constant 0 : i32
      %dma_start3A_466 = arith.constant 0 : i32
      %dma_start3A_467 = tpu.memref_slice %arg12[%dma_start3A_465, %dma_start3A_466] : memref<10240x64xf32, #tpu.memory_space<vmem_shared>> -> memref<10240x64xf32, #tpu.memory_space<vmem_shared>>
      %dma_start3A_468 = tpu.memref_slice %arg15[%dma_start3A_457] : memref<4x!tpu.dma_semaphore, #tpu.memory_space<semaphore_mem>> -> memref<1x!tpu.dma_semaphore, #tpu.memory_space<semaphore_mem>>
      %dma_start3A_469 = tpu.memref_squeeze %dma_start3A_468 : memref<1x!tpu.dma_semaphore, #tpu.memory_space<semaphore_mem>> -> memref<!tpu.dma_semaphore, #tpu.memory_space<semaphore_mem>>
      tpu.enqueue_indirect_dma source(%dma_start3A_461 : memref<128x64xf32, #tpu.memory_space<vmem>>) target(%dma_start3A_467 : memref<10240x64xf32, #tpu.memory_space<vmem_shared>>) offsets(%dma_start3A_464 : memref<128xi32, #tpu.memory_space<vmem>>) semaphore(%dma_start3A_469 : memref<!tpu.dma_semaphore, #tpu.memory_space<semaphore_mem>>) {add = true}
      %dma_start3A_470 = arith.constant 3 : i32
      %dma_start3A_471 = arith.constant 0 : i32
      %dma_start3A_472 = tpu.memref_slice %arg9[%add3A_441, %dma_start3A_471] : memref<120x128xi32, #tpu.memory_space<vmem>> -> memref<1x128xi32, #tpu.memory_space<vmem>>
      %dma_start3A_473 = tpu.memref_squeeze %dma_start3A_472 : memref<1x128xi32, #tpu.memory_space<vmem>> -> memref<128xi32, #tpu.memory_space<vmem>>
      %dma_start3A_474 = arith.constant 0 : i32
      %dma_start3A_475 = arith.constant 0 : i32
      %dma_start3A_476 = tpu.memref_slice %arg13[%dma_start3A_474, %dma_start3A_475] : memref<10240x8xf32, #tpu.memory_space<vmem_shared>> -> memref<10240x8xf32, #tpu.memory_space<vmem_shared>>
      %dma_start3A_477 = tpu.memref_slice %arg16[%dma_start3A_470] : memref<4x!tpu.dma_semaphore, #tpu.memory_space<semaphore_mem>> -> memref<1x!tpu.dma_semaphore, #tpu.memory_space<semaphore_mem>>
      %dma_start3A_478 = tpu.memref_squeeze %dma_start3A_477 : memref<1x!tpu.dma_semaphore, #tpu.memory_space<semaphore_mem>> -> memref<!tpu.dma_semaphore, #tpu.memory_space<semaphore_mem>>
      tpu.enqueue_indirect_dma source(%arg11 : memref<128x8xf32, #tpu.memory_space<vmem>>) target(%dma_start3A_476 : memref<10240x8xf32, #tpu.memory_space<vmem_shared>>) offsets(%dma_start3A_473 : memref<128xi32, #tpu.memory_space<vmem>>) semaphore(%dma_start3A_478 : memref<!tpu.dma_semaphore, #tpu.memory_space<semaphore_mem>>) {add = true}
      %add3A_479 = arith.constant 0 : i32
      %add3A_480 = arith.addi %mul3A_322, %add3A_479 : i32
      %dma_wait3A_481 = arith.constant 0 : i32
      %dma_wait3A_482 = arith.constant 0 : i32
      %dma_wait3A_483 = arith.constant 0 : i32
      %dma_wait3A_484 = arith.constant 0 : i32
      %dma_wait3A_485 = tpu.memref_slice %arg10[%dma_wait3A_481, %dma_wait3A_483, %dma_wait3A_484] : memref<4x128x64xf32, #tpu.memory_space<vmem>> -> memref<1x128x64xf32, #tpu.memory_space<vmem>>
      %dma_wait3A_486 = tpu.memref_squeeze %dma_wait3A_485 : memref<1x128x64xf32, #tpu.memory_space<vmem>> -> memref<128x64xf32, #tpu.memory_space<vmem>>
      %dma_wait3A_487 = arith.constant 0 : i32
      %dma_wait3A_488 = tpu.memref_slice %arg9[%add3A_480, %dma_wait3A_487] : memref<120x128xi32, #tpu.memory_space<vmem>> -> memref<1x128xi32, #tpu.memory_space<vmem>>
      %dma_wait3A_489 = tpu.memref_squeeze %dma_wait3A_488 : memref<1x128xi32, #tpu.memory_space<vmem>> -> memref<128xi32, #tpu.memory_space<vmem>>
      %dma_wait3A_490 = arith.constant 0 : i32
      %dma_wait3A_491 = arith.constant 0 : i32
      %dma_wait3A_492 = tpu.memref_slice %arg12[%dma_wait3A_490, %dma_wait3A_491] : memref<10240x64xf32, #tpu.memory_space<vmem_shared>> -> memref<10240x64xf32, #tpu.memory_space<vmem_shared>>
      %dma_wait3A_493 = tpu.memref_slice %arg15[%dma_wait3A_482] : memref<4x!tpu.dma_semaphore, #tpu.memory_space<semaphore_mem>> -> memref<1x!tpu.dma_semaphore, #tpu.memory_space<semaphore_mem>>
      %dma_wait3A_494 = tpu.memref_squeeze %dma_wait3A_493 : memref<1x!tpu.dma_semaphore, #tpu.memory_space<semaphore_mem>> -> memref<!tpu.dma_semaphore, #tpu.memory_space<semaphore_mem>>
      tpu.wait_indirect_dma semaphore(%dma_wait3A_494 : memref<!tpu.dma_semaphore, #tpu.memory_space<semaphore_mem>>) src(%dma_wait3A_486 : memref<128x64xf32, #tpu.memory_space<vmem>>) dst(%dma_wait3A_492 : memref<10240x64xf32, #tpu.memory_space<vmem_shared>>)
      %dma_wait3A_495 = arith.constant 0 : i32
      %dma_wait3A_496 = arith.constant 0 : i32
      %dma_wait3A_497 = tpu.memref_slice %arg9[%add3A_480, %dma_wait3A_496] : memref<120x128xi32, #tpu.memory_space<vmem>> -> memref<1x128xi32, #tpu.memory_space<vmem>>
      %dma_wait3A_498 = tpu.memref_squeeze %dma_wait3A_497 : memref<1x128xi32, #tpu.memory_space<vmem>> -> memref<128xi32, #tpu.memory_space<vmem>>
      %dma_wait3A_499 = arith.constant 0 : i32
      %dma_wait3A_500 = arith.constant 0 : i32
      %dma_wait3A_501 = tpu.memref_slice %arg13[%dma_wait3A_499, %dma_wait3A_500] : memref<10240x8xf32, #tpu.memory_space<vmem_shared>> -> memref<10240x8xf32, #tpu.memory_space<vmem_shared>>
      %dma_wait3A_502 = tpu.memref_slice %arg16[%dma_wait3A_495] : memref<4x!tpu.dma_semaphore, #tpu.memory_space<semaphore_mem>> -> memref<1x!tpu.dma_semaphore, #tpu.memory_space<semaphore_mem>>
      %dma_wait3A_503 = tpu.memref_squeeze %dma_wait3A_502 : memref<1x!tpu.dma_semaphore, #tpu.memory_space<semaphore_mem>> -> memref<!tpu.dma_semaphore, #tpu.memory_space<semaphore_mem>>
      tpu.wait_indirect_dma semaphore(%dma_wait3A_503 : memref<!tpu.dma_semaphore, #tpu.memory_space<semaphore_mem>>) src(%arg11 : memref<128x8xf32, #tpu.memory_space<vmem>>) dst(%dma_wait3A_501 : memref<10240x8xf32, #tpu.memory_space<vmem_shared>>)
      %add3A_504 = arith.constant 4 : i32
      %add3A_505 = arith.addi %add3A_480, %add3A_504 : i32
      %lt3A = arith.cmpi slt, %add3A_505, %select_n3A : i32
      %convert_element_type3A_506 = arith.extui %lt3A : i1 to i32
      %cond3A_507 = arith.constant 0 : i32
      %cond3A_508 = arith.cmpi ne, %convert_element_type3A_506, %cond3A_507 : i32
      scf.if %cond3A_508 {
        %add3A_602 = arith.constant 4 : i32
        %add3A_603 = arith.addi %add3A_480, %add3A_602 : i32
        %dma_start3A_604 = arith.constant 0 : i32
        %dma_start3A_605 = arith.constant 0 : i32
        %dma_start3A_606 = arith.constant 0 : i32
        %dma_start3A_607 = arith.constant 0 : i32
        %dma_start3A_608 = tpu.memref_slice %arg10[%dma_start3A_604, %dma_start3A_606, %dma_start3A_607] : memref<4x128x64xf32, #tpu.memory_space<vmem>> -> memref<1x128x64xf32, #tpu.memory_space<vmem>>
        %dma_start3A_609 = tpu.memref_squeeze %dma_start3A_608 : memref<1x128x64xf32, #tpu.memory_space<vmem>> -> memref<128x64xf32, #tpu.memory_space<vmem>>
        %dma_start3A_610 = arith.constant 0 : i32
        %dma_start3A_611 = tpu.memref_slice %arg8[%add3A_603, %dma_start3A_610] : memref<120x128xi32, #tpu.memory_space<vmem>> -> memref<1x128xi32, #tpu.memory_space<vmem>>
        %dma_start3A_612 = tpu.memref_squeeze %dma_start3A_611 : memref<1x128xi32, #tpu.memory_space<vmem>> -> memref<128xi32, #tpu.memory_space<vmem>>
        %dma_start3A_613 = arith.constant 0 : i32
        %dma_start3A_614 = arith.constant 0 : i32
        %dma_start3A_615 = tpu.memref_slice %arg3[%dma_start3A_613, %dma_start3A_614] : memref<10240x64xf32, #tpu.memory_space<hbm>> -> memref<10240x64xf32, #tpu.memory_space<hbm>>
        %dma_start3A_616 = tpu.memref_slice %arg14[%dma_start3A_605] : memref<4x!tpu.dma_semaphore, #tpu.memory_space<semaphore_mem>> -> memref<1x!tpu.dma_semaphore, #tpu.memory_space<semaphore_mem>>
        %dma_start3A_617 = tpu.memref_squeeze %dma_start3A_616 : memref<1x!tpu.dma_semaphore, #tpu.memory_space<semaphore_mem>> -> memref<!tpu.dma_semaphore, #tpu.memory_space<semaphore_mem>>
        tpu.enqueue_indirect_dma source(%dma_start3A_615 : memref<10240x64xf32, #tpu.memory_space<hbm>>) target(%dma_start3A_609 : memref<128x64xf32, #tpu.memory_space<vmem>>) offsets(%dma_start3A_612 : memref<128xi32, #tpu.memory_space<vmem>>) semaphore(%dma_start3A_617 : memref<!tpu.dma_semaphore, #tpu.memory_space<semaphore_mem>>)
      } else {
      }
      %add3A_509 = arith.constant 1 : i32
      %add3A_510 = arith.addi %mul3A_322, %add3A_509 : i32
      %dma_wait3A_511 = arith.constant 1 : i32
      %dma_wait3A_512 = arith.constant 1 : i32
      %dma_wait3A_513 = arith.constant 0 : i32
      %dma_wait3A_514 = arith.constant 0 : i32
      %dma_wait3A_515 = tpu.memref_slice %arg10[%dma_wait3A_511, %dma_wait3A_513, %dma_wait3A_514] : memref<4x128x64xf32, #tpu.memory_space<vmem>> -> memref<1x128x64xf32, #tpu.memory_space<vmem>>
      %dma_wait3A_516 = tpu.memref_squeeze %dma_wait3A_515 : memref<1x128x64xf32, #tpu.memory_space<vmem>> -> memref<128x64xf32, #tpu.memory_space<vmem>>
      %dma_wait3A_517 = arith.constant 0 : i32
      %dma_wait3A_518 = tpu.memref_slice %arg9[%add3A_510, %dma_wait3A_517] : memref<120x128xi32, #tpu.memory_space<vmem>> -> memref<1x128xi32, #tpu.memory_space<vmem>>
      %dma_wait3A_519 = tpu.memref_squeeze %dma_wait3A_518 : memref<1x128xi32, #tpu.memory_space<vmem>> -> memref<128xi32, #tpu.memory_space<vmem>>
      %dma_wait3A_520 = arith.constant 0 : i32
      %dma_wait3A_521 = arith.constant 0 : i32
      %dma_wait3A_522 = tpu.memref_slice %arg12[%dma_wait3A_520, %dma_wait3A_521] : memref<10240x64xf32, #tpu.memory_space<vmem_shared>> -> memref<10240x64xf32, #tpu.memory_space<vmem_shared>>
      %dma_wait3A_523 = tpu.memref_slice %arg15[%dma_wait3A_512] : memref<4x!tpu.dma_semaphore, #tpu.memory_space<semaphore_mem>> -> memref<1x!tpu.dma_semaphore, #tpu.memory_space<semaphore_mem>>
      %dma_wait3A_524 = tpu.memref_squeeze %dma_wait3A_523 : memref<1x!tpu.dma_semaphore, #tpu.memory_space<semaphore_mem>> -> memref<!tpu.dma_semaphore, #tpu.memory_space<semaphore_mem>>
      tpu.wait_indirect_dma semaphore(%dma_wait3A_524 : memref<!tpu.dma_semaphore, #tpu.memory_space<semaphore_mem>>) src(%dma_wait3A_516 : memref<128x64xf32, #tpu.memory_space<vmem>>) dst(%dma_wait3A_522 : memref<10240x64xf32, #tpu.memory_space<vmem_shared>>)
      %dma_wait3A_525 = arith.constant 1 : i32
      %dma_wait3A_526 = arith.constant 0 : i32
      %dma_wait3A_527 = tpu.memref_slice %arg9[%add3A_510, %dma_wait3A_526] : memref<120x128xi32, #tpu.memory_space<vmem>> -> memref<1x128xi32, #tpu.memory_space<vmem>>
      %dma_wait3A_528 = tpu.memref_squeeze %dma_wait3A_527 : memref<1x128xi32, #tpu.memory_space<vmem>> -> memref<128xi32, #tpu.memory_space<vmem>>
      %dma_wait3A_529 = arith.constant 0 : i32
      %dma_wait3A_530 = arith.constant 0 : i32
      %dma_wait3A_531 = tpu.memref_slice %arg13[%dma_wait3A_529, %dma_wait3A_530] : memref<10240x8xf32, #tpu.memory_space<vmem_shared>> -> memref<10240x8xf32, #tpu.memory_space<vmem_shared>>
      %dma_wait3A_532 = tpu.memref_slice %arg16[%dma_wait3A_525] : memref<4x!tpu.dma_semaphore, #tpu.memory_space<semaphore_mem>> -> memref<1x!tpu.dma_semaphore, #tpu.memory_space<semaphore_mem>>
      %dma_wait3A_533 = tpu.memref_squeeze %dma_wait3A_532 : memref<1x!tpu.dma_semaphore, #tpu.memory_space<semaphore_mem>> -> memref<!tpu.dma_semaphore, #tpu.memory_space<semaphore_mem>>
      tpu.wait_indirect_dma semaphore(%dma_wait3A_533 : memref<!tpu.dma_semaphore, #tpu.memory_space<semaphore_mem>>) src(%arg11 : memref<128x8xf32, #tpu.memory_space<vmem>>) dst(%dma_wait3A_531 : memref<10240x8xf32, #tpu.memory_space<vmem_shared>>)
      %add3A_534 = arith.constant 4 : i32
      %add3A_535 = arith.addi %add3A_510, %add3A_534 : i32
      %lt3A_536 = arith.cmpi slt, %add3A_535, %select_n3A : i32
      %convert_element_type3A_537 = arith.extui %lt3A_536 : i1 to i32
      %cond3A_538 = arith.constant 0 : i32
      %cond3A_539 = arith.cmpi ne, %convert_element_type3A_537, %cond3A_538 : i32
      scf.if %cond3A_539 {
        %add3A_602 = arith.constant 4 : i32
        %add3A_603 = arith.addi %add3A_510, %add3A_602 : i32
        %dma_start3A_604 = arith.constant 1 : i32
        %dma_start3A_605 = arith.constant 1 : i32
        %dma_start3A_606 = arith.constant 0 : i32
        %dma_start3A_607 = arith.constant 0 : i32
        %dma_start3A_608 = tpu.memref_slice %arg10[%dma_start3A_604, %dma_start3A_606, %dma_start3A_607] : memref<4x128x64xf32, #tpu.memory_space<vmem>> -> memref<1x128x64xf32, #tpu.memory_space<vmem>>
        %dma_start3A_609 = tpu.memref_squeeze %dma_start3A_608 : memref<1x128x64xf32, #tpu.memory_space<vmem>> -> memref<128x64xf32, #tpu.memory_space<vmem>>
        %dma_start3A_610 = arith.constant 0 : i32
        %dma_start3A_611 = tpu.memref_slice %arg8[%add3A_603, %dma_start3A_610] : memref<120x128xi32, #tpu.memory_space<vmem>> -> memref<1x128xi32, #tpu.memory_space<vmem>>
        %dma_start3A_612 = tpu.memref_squeeze %dma_start3A_611 : memref<1x128xi32, #tpu.memory_space<vmem>> -> memref<128xi32, #tpu.memory_space<vmem>>
        %dma_start3A_613 = arith.constant 0 : i32
        %dma_start3A_614 = arith.constant 0 : i32
        %dma_start3A_615 = tpu.memref_slice %arg3[%dma_start3A_613, %dma_start3A_614] : memref<10240x64xf32, #tpu.memory_space<hbm>> -> memref<10240x64xf32, #tpu.memory_space<hbm>>
        %dma_start3A_616 = tpu.memref_slice %arg14[%dma_start3A_605] : memref<4x!tpu.dma_semaphore, #tpu.memory_space<semaphore_mem>> -> memref<1x!tpu.dma_semaphore, #tpu.memory_space<semaphore_mem>>
        %dma_start3A_617 = tpu.memref_squeeze %dma_start3A_616 : memref<1x!tpu.dma_semaphore, #tpu.memory_space<semaphore_mem>> -> memref<!tpu.dma_semaphore, #tpu.memory_space<semaphore_mem>>
        tpu.enqueue_indirect_dma source(%dma_start3A_615 : memref<10240x64xf32, #tpu.memory_space<hbm>>) target(%dma_start3A_609 : memref<128x64xf32, #tpu.memory_space<vmem>>) offsets(%dma_start3A_612 : memref<128xi32, #tpu.memory_space<vmem>>) semaphore(%dma_start3A_617 : memref<!tpu.dma_semaphore, #tpu.memory_space<semaphore_mem>>)
      } else {
      }
      %add3A_540 = arith.constant 2 : i32
      %add3A_541 = arith.addi %mul3A_322, %add3A_540 : i32
      %dma_wait3A_542 = arith.constant 2 : i32
      %dma_wait3A_543 = arith.constant 2 : i32
      %dma_wait3A_544 = arith.constant 0 : i32
      %dma_wait3A_545 = arith.constant 0 : i32
      %dma_wait3A_546 = tpu.memref_slice %arg10[%dma_wait3A_542, %dma_wait3A_544, %dma_wait3A_545] : memref<4x128x64xf32, #tpu.memory_space<vmem>> -> memref<1x128x64xf32, #tpu.memory_space<vmem>>
      %dma_wait3A_547 = tpu.memref_squeeze %dma_wait3A_546 : memref<1x128x64xf32, #tpu.memory_space<vmem>> -> memref<128x64xf32, #tpu.memory_space<vmem>>
      %dma_wait3A_548 = arith.constant 0 : i32
      %dma_wait3A_549 = tpu.memref_slice %arg9[%add3A_541, %dma_wait3A_548] : memref<120x128xi32, #tpu.memory_space<vmem>> -> memref<1x128xi32, #tpu.memory_space<vmem>>
      %dma_wait3A_550 = tpu.memref_squeeze %dma_wait3A_549 : memref<1x128xi32, #tpu.memory_space<vmem>> -> memref<128xi32, #tpu.memory_space<vmem>>
      %dma_wait3A_551 = arith.constant 0 : i32
      %dma_wait3A_552 = arith.constant 0 : i32
      %dma_wait3A_553 = tpu.memref_slice %arg12[%dma_wait3A_551, %dma_wait3A_552] : memref<10240x64xf32, #tpu.memory_space<vmem_shared>> -> memref<10240x64xf32, #tpu.memory_space<vmem_shared>>
      %dma_wait3A_554 = tpu.memref_slice %arg15[%dma_wait3A_543] : memref<4x!tpu.dma_semaphore, #tpu.memory_space<semaphore_mem>> -> memref<1x!tpu.dma_semaphore, #tpu.memory_space<semaphore_mem>>
      %dma_wait3A_555 = tpu.memref_squeeze %dma_wait3A_554 : memref<1x!tpu.dma_semaphore, #tpu.memory_space<semaphore_mem>> -> memref<!tpu.dma_semaphore, #tpu.memory_space<semaphore_mem>>
      tpu.wait_indirect_dma semaphore(%dma_wait3A_555 : memref<!tpu.dma_semaphore, #tpu.memory_space<semaphore_mem>>) src(%dma_wait3A_547 : memref<128x64xf32, #tpu.memory_space<vmem>>) dst(%dma_wait3A_553 : memref<10240x64xf32, #tpu.memory_space<vmem_shared>>)
      %dma_wait3A_556 = arith.constant 2 : i32
      %dma_wait3A_557 = arith.constant 0 : i32
      %dma_wait3A_558 = tpu.memref_slice %arg9[%add3A_541, %dma_wait3A_557] : memref<120x128xi32, #tpu.memory_space<vmem>> -> memref<1x128xi32, #tpu.memory_space<vmem>>
      %dma_wait3A_559 = tpu.memref_squeeze %dma_wait3A_558 : memref<1x128xi32, #tpu.memory_space<vmem>> -> memref<128xi32, #tpu.memory_space<vmem>>
      %dma_wait3A_560 = arith.constant 0 : i32
      %dma_wait3A_561 = arith.constant 0 : i32
      %dma_wait3A_562 = tpu.memref_slice %arg13[%dma_wait3A_560, %dma_wait3A_561] : memref<10240x8xf32, #tpu.memory_space<vmem_shared>> -> memref<10240x8xf32, #tpu.memory_space<vmem_shared>>
      %dma_wait3A_563 = tpu.memref_slice %arg16[%dma_wait3A_556] : memref<4x!tpu.dma_semaphore, #tpu.memory_space<semaphore_mem>> -> memref<1x!tpu.dma_semaphore, #tpu.memory_space<semaphore_mem>>
      %dma_wait3A_564 = tpu.memref_squeeze %dma_wait3A_563 : memref<1x!tpu.dma_semaphore, #tpu.memory_space<semaphore_mem>> -> memref<!tpu.dma_semaphore, #tpu.memory_space<semaphore_mem>>
      tpu.wait_indirect_dma semaphore(%dma_wait3A_564 : memref<!tpu.dma_semaphore, #tpu.memory_space<semaphore_mem>>) src(%arg11 : memref<128x8xf32, #tpu.memory_space<vmem>>) dst(%dma_wait3A_562 : memref<10240x8xf32, #tpu.memory_space<vmem_shared>>)
      %add3A_565 = arith.constant 4 : i32
      %add3A_566 = arith.addi %add3A_541, %add3A_565 : i32
      %lt3A_567 = arith.cmpi slt, %add3A_566, %select_n3A : i32
      %convert_element_type3A_568 = arith.extui %lt3A_567 : i1 to i32
      %cond3A_569 = arith.constant 0 : i32
      %cond3A_570 = arith.cmpi ne, %convert_element_type3A_568, %cond3A_569 : i32
      scf.if %cond3A_570 {
        %add3A_602 = arith.constant 4 : i32
        %add3A_603 = arith.addi %add3A_541, %add3A_602 : i32
        %dma_start3A_604 = arith.constant 2 : i32
        %dma_start3A_605 = arith.constant 2 : i32
        %dma_start3A_606 = arith.constant 0 : i32
        %dma_start3A_607 = arith.constant 0 : i32
        %dma_start3A_608 = tpu.memref_slice %arg10[%dma_start3A_604, %dma_start3A_606, %dma_start3A_607] : memref<4x128x64xf32, #tpu.memory_space<vmem>> -> memref<1x128x64xf32, #tpu.memory_space<vmem>>
        %dma_start3A_609 = tpu.memref_squeeze %dma_start3A_608 : memref<1x128x64xf32, #tpu.memory_space<vmem>> -> memref<128x64xf32, #tpu.memory_space<vmem>>
        %dma_start3A_610 = arith.constant 0 : i32
        %dma_start3A_611 = tpu.memref_slice %arg8[%add3A_603, %dma_start3A_610] : memref<120x128xi32, #tpu.memory_space<vmem>> -> memref<1x128xi32, #tpu.memory_space<vmem>>
        %dma_start3A_612 = tpu.memref_squeeze %dma_start3A_611 : memref<1x128xi32, #tpu.memory_space<vmem>> -> memref<128xi32, #tpu.memory_space<vmem>>
        %dma_start3A_613 = arith.constant 0 : i32
        %dma_start3A_614 = arith.constant 0 : i32
        %dma_start3A_615 = tpu.memref_slice %arg3[%dma_start3A_613, %dma_start3A_614] : memref<10240x64xf32, #tpu.memory_space<hbm>> -> memref<10240x64xf32, #tpu.memory_space<hbm>>
        %dma_start3A_616 = tpu.memref_slice %arg14[%dma_start3A_605] : memref<4x!tpu.dma_semaphore, #tpu.memory_space<semaphore_mem>> -> memref<1x!tpu.dma_semaphore, #tpu.memory_space<semaphore_mem>>
        %dma_start3A_617 = tpu.memref_squeeze %dma_start3A_616 : memref<1x!tpu.dma_semaphore, #tpu.memory_space<semaphore_mem>> -> memref<!tpu.dma_semaphore, #tpu.memory_space<semaphore_mem>>
        tpu.enqueue_indirect_dma source(%dma_start3A_615 : memref<10240x64xf32, #tpu.memory_space<hbm>>) target(%dma_start3A_609 : memref<128x64xf32, #tpu.memory_space<vmem>>) offsets(%dma_start3A_612 : memref<128xi32, #tpu.memory_space<vmem>>) semaphore(%dma_start3A_617 : memref<!tpu.dma_semaphore, #tpu.memory_space<semaphore_mem>>)
      } else {
      }
      %add3A_571 = arith.constant 3 : i32
      %add3A_572 = arith.addi %mul3A_322, %add3A_571 : i32
      %dma_wait3A_573 = arith.constant 3 : i32
      %dma_wait3A_574 = arith.constant 3 : i32
      %dma_wait3A_575 = arith.constant 0 : i32
      %dma_wait3A_576 = arith.constant 0 : i32
      %dma_wait3A_577 = tpu.memref_slice %arg10[%dma_wait3A_573, %dma_wait3A_575, %dma_wait3A_576] : memref<4x128x64xf32, #tpu.memory_space<vmem>> -> memref<1x128x64xf32, #tpu.memory_space<vmem>>
      %dma_wait3A_578 = tpu.memref_squeeze %dma_wait3A_577 : memref<1x128x64xf32, #tpu.memory_space<vmem>> -> memref<128x64xf32, #tpu.memory_space<vmem>>
      %dma_wait3A_579 = arith.constant 0 : i32
      %dma_wait3A_580 = tpu.memref_slice %arg9[%add3A_572, %dma_wait3A_579] : memref<120x128xi32, #tpu.memory_space<vmem>> -> memref<1x128xi32, #tpu.memory_space<vmem>>
      %dma_wait3A_581 = tpu.memref_squeeze %dma_wait3A_580 : memref<1x128xi32, #tpu.memory_space<vmem>> -> memref<128xi32, #tpu.memory_space<vmem>>
      %dma_wait3A_582 = arith.constant 0 : i32
      %dma_wait3A_583 = arith.constant 0 : i32
      %dma_wait3A_584 = tpu.memref_slice %arg12[%dma_wait3A_582, %dma_wait3A_583] : memref<10240x64xf32, #tpu.memory_space<vmem_shared>> -> memref<10240x64xf32, #tpu.memory_space<vmem_shared>>
      %dma_wait3A_585 = tpu.memref_slice %arg15[%dma_wait3A_574] : memref<4x!tpu.dma_semaphore, #tpu.memory_space<semaphore_mem>> -> memref<1x!tpu.dma_semaphore, #tpu.memory_space<semaphore_mem>>
      %dma_wait3A_586 = tpu.memref_squeeze %dma_wait3A_585 : memref<1x!tpu.dma_semaphore, #tpu.memory_space<semaphore_mem>> -> memref<!tpu.dma_semaphore, #tpu.memory_space<semaphore_mem>>
      tpu.wait_indirect_dma semaphore(%dma_wait3A_586 : memref<!tpu.dma_semaphore, #tpu.memory_space<semaphore_mem>>) src(%dma_wait3A_578 : memref<128x64xf32, #tpu.memory_space<vmem>>) dst(%dma_wait3A_584 : memref<10240x64xf32, #tpu.memory_space<vmem_shared>>)
      %dma_wait3A_587 = arith.constant 3 : i32
      %dma_wait3A_588 = arith.constant 0 : i32
      %dma_wait3A_589 = tpu.memref_slice %arg9[%add3A_572, %dma_wait3A_588] : memref<120x128xi32, #tpu.memory_space<vmem>> -> memref<1x128xi32, #tpu.memory_space<vmem>>
      %dma_wait3A_590 = tpu.memref_squeeze %dma_wait3A_589 : memref<1x128xi32, #tpu.memory_space<vmem>> -> memref<128xi32, #tpu.memory_space<vmem>>
      %dma_wait3A_591 = arith.constant 0 : i32
      %dma_wait3A_592 = arith.constant 0 : i32
      %dma_wait3A_593 = tpu.memref_slice %arg13[%dma_wait3A_591, %dma_wait3A_592] : memref<10240x8xf32, #tpu.memory_space<vmem_shared>> -> memref<10240x8xf32, #tpu.memory_space<vmem_shared>>
      %dma_wait3A_594 = tpu.memref_slice %arg16[%dma_wait3A_587] : memref<4x!tpu.dma_semaphore, #tpu.memory_space<semaphore_mem>> -> memref<1x!tpu.dma_semaphore, #tpu.memory_space<semaphore_mem>>
      %dma_wait3A_595 = tpu.memref_squeeze %dma_wait3A_594 : memref<1x!tpu.dma_semaphore, #tpu.memory_space<semaphore_mem>> -> memref<!tpu.dma_semaphore, #tpu.memory_space<semaphore_mem>>
      tpu.wait_indirect_dma semaphore(%dma_wait3A_595 : memref<!tpu.dma_semaphore, #tpu.memory_space<semaphore_mem>>) src(%arg11 : memref<128x8xf32, #tpu.memory_space<vmem>>) dst(%dma_wait3A_593 : memref<10240x8xf32, #tpu.memory_space<vmem_shared>>)
      %add3A_596 = arith.constant 4 : i32
      %add3A_597 = arith.addi %add3A_572, %add3A_596 : i32
      %lt3A_598 = arith.cmpi slt, %add3A_597, %select_n3A : i32
      %convert_element_type3A_599 = arith.extui %lt3A_598 : i1 to i32
      %cond3A_600 = arith.constant 0 : i32
      %cond3A_601 = arith.cmpi ne, %convert_element_type3A_599, %cond3A_600 : i32
      scf.if %cond3A_601 {
        %add3A_602 = arith.constant 4 : i32
        %add3A_603 = arith.addi %add3A_572, %add3A_602 : i32
        %dma_start3A_604 = arith.constant 3 : i32
        %dma_start3A_605 = arith.constant 3 : i32
        %dma_start3A_606 = arith.constant 0 : i32
        %dma_start3A_607 = arith.constant 0 : i32
        %dma_start3A_608 = tpu.memref_slice %arg10[%dma_start3A_604, %dma_start3A_606, %dma_start3A_607] : memref<4x128x64xf32, #tpu.memory_space<vmem>> -> memref<1x128x64xf32, #tpu.memory_space<vmem>>
        %dma_start3A_609 = tpu.memref_squeeze %dma_start3A_608 : memref<1x128x64xf32, #tpu.memory_space<vmem>> -> memref<128x64xf32, #tpu.memory_space<vmem>>
        %dma_start3A_610 = arith.constant 0 : i32
        %dma_start3A_611 = tpu.memref_slice %arg8[%add3A_603, %dma_start3A_610] : memref<120x128xi32, #tpu.memory_space<vmem>> -> memref<1x128xi32, #tpu.memory_space<vmem>>
        %dma_start3A_612 = tpu.memref_squeeze %dma_start3A_611 : memref<1x128xi32, #tpu.memory_space<vmem>> -> memref<128xi32, #tpu.memory_space<vmem>>
        %dma_start3A_613 = arith.constant 0 : i32
        %dma_start3A_614 = arith.constant 0 : i32
        %dma_start3A_615 = tpu.memref_slice %arg3[%dma_start3A_613, %dma_start3A_614] : memref<10240x64xf32, #tpu.memory_space<hbm>> -> memref<10240x64xf32, #tpu.memory_space<hbm>>
        %dma_start3A_616 = tpu.memref_slice %arg14[%dma_start3A_605] : memref<4x!tpu.dma_semaphore, #tpu.memory_space<semaphore_mem>> -> memref<1x!tpu.dma_semaphore, #tpu.memory_space<semaphore_mem>>
        %dma_start3A_617 = tpu.memref_squeeze %dma_start3A_616 : memref<1x!tpu.dma_semaphore, #tpu.memory_space<semaphore_mem>> -> memref<!tpu.dma_semaphore, #tpu.memory_space<semaphore_mem>>
        tpu.enqueue_indirect_dma source(%dma_start3A_615 : memref<10240x64xf32, #tpu.memory_space<hbm>>) target(%dma_start3A_609 : memref<128x64xf32, #tpu.memory_space<vmem>>) offsets(%dma_start3A_612 : memref<128xi32, #tpu.memory_space<vmem>>) semaphore(%dma_start3A_617 : memref<!tpu.dma_semaphore, #tpu.memory_space<semaphore_mem>>)
      } else {
      }
    }
    %while3A_286 = arith.constant 1 : i32
    scf.for %while3A_320 = %while3A_284 to %while3A_280 step %while3A_286  : i32 {
      %mul3A_321 = arith.constant 4 : i32
      %mul3A_322 = arith.muli %while3A_320, %mul3A_321 : i32
      %add3A_323 = arith.constant 0 : i32
      %add3A_324 = arith.addi %mul3A_322, %add3A_323 : i32
      %dma_wait3A_325 = arith.constant 0 : i32
      %dma_wait3A_326 = arith.constant 0 : i32
      %dma_wait3A_327 = arith.constant 0 : i32
      %dma_wait3A_328 = arith.constant 0 : i32
      %dma_wait3A_329 = tpu.memref_slice %arg10[%dma_wait3A_325, %dma_wait3A_327, %dma_wait3A_328] : memref<4x128x64xf32, #tpu.memory_space<vmem>> -> memref<1x128x64xf32, #tpu.memory_space<vmem>>
      %dma_wait3A_330 = tpu.memref_squeeze %dma_wait3A_329 : memref<1x128x64xf32, #tpu.memory_space<vmem>> -> memref<128x64xf32, #tpu.memory_space<vmem>>
      %dma_wait3A_331 = arith.constant 0 : i32
      %dma_wait3A_332 = tpu.memref_slice %arg8[%add3A_324, %dma_wait3A_331] : memref<120x128xi32, #tpu.memory_space<vmem>> -> memref<1x128xi32, #tpu.memory_space<vmem>>
      %dma_wait3A_333 = tpu.memref_squeeze %dma_wait3A_332 : memref<1x128xi32, #tpu.memory_space<vmem>> -> memref<128xi32, #tpu.memory_space<vmem>>
      %dma_wait3A_334 = arith.constant 0 : i32
      %dma_wait3A_335 = arith.constant 0 : i32
      %dma_wait3A_336 = tpu.memref_slice %arg3[%dma_wait3A_334, %dma_wait3A_335] : memref<10240x64xf32, #tpu.memory_space<hbm>> -> memref<10240x64xf32, #tpu.memory_space<hbm>>
      %dma_wait3A_337 = tpu.memref_slice %arg14[%dma_wait3A_326] : memref<4x!tpu.dma_semaphore, #tpu.memory_space<semaphore_mem>> -> memref<1x!tpu.dma_semaphore, #tpu.memory_space<semaphore_mem>>
      %dma_wait3A_338 = tpu.memref_squeeze %dma_wait3A_337 : memref<1x!tpu.dma_semaphore, #tpu.memory_space<semaphore_mem>> -> memref<!tpu.dma_semaphore, #tpu.memory_space<semaphore_mem>>
      tpu.wait_indirect_dma semaphore(%dma_wait3A_338 : memref<!tpu.dma_semaphore, #tpu.memory_space<semaphore_mem>>) src(%dma_wait3A_336 : memref<10240x64xf32, #tpu.memory_space<hbm>>) dst(%dma_wait3A_330 : memref<128x64xf32, #tpu.memory_space<vmem>>)
      %dma_start3A_339 = arith.constant 0 : i32
      %dma_start3A_340 = arith.constant 0 : i32
      %dma_start3A_341 = arith.constant 0 : i32
      %dma_start3A_342 = arith.constant 0 : i32
      %dma_start3A_343 = tpu.memref_slice %arg10[%dma_start3A_339, %dma_start3A_341, %dma_start3A_342] : memref<4x128x64xf32, #tpu.memory_space<vmem>> -> memref<1x128x64xf32, #tpu.memory_space<vmem>>
      %dma_start3A_344 = tpu.memref_squeeze %dma_start3A_343 : memref<1x128x64xf32, #tpu.memory_space<vmem>> -> memref<128x64xf32, #tpu.memory_space<vmem>>
      %dma_start3A_345 = arith.constant 0 : i32
      %dma_start3A_346 = tpu.memref_slice %arg9[%add3A_324, %dma_start3A_345] : memref<120x128xi32, #tpu.memory_space<vmem>> -> memref<1x128xi32, #tpu.memory_space<vmem>>
      %dma_start3A_347 = tpu.memref_squeeze %dma_start3A_346 : memref<1x128xi32, #tpu.memory_space<vmem>> -> memref<128xi32, #tpu.memory_space<vmem>>
      %dma_start3A_348 = arith.constant 0 : i32
      %dma_start3A_349 = arith.constant 0 : i32
      %dma_start3A_350 = tpu.memref_slice %arg12[%dma_start3A_348, %dma_start3A_349] : memref<10240x64xf32, #tpu.memory_space<vmem_shared>> -> memref<10240x64xf32, #tpu.memory_space<vmem_shared>>
      %dma_start3A_351 = tpu.memref_slice %arg15[%dma_start3A_340] : memref<4x!tpu.dma_semaphore, #tpu.memory_space<semaphore_mem>> -> memref<1x!tpu.dma_semaphore, #tpu.memory_space<semaphore_mem>>
      %dma_start3A_352 = tpu.memref_squeeze %dma_start3A_351 : memref<1x!tpu.dma_semaphore, #tpu.memory_space<semaphore_mem>> -> memref<!tpu.dma_semaphore, #tpu.memory_space<semaphore_mem>>
      tpu.enqueue_indirect_dma source(%dma_start3A_344 : memref<128x64xf32, #tpu.memory_space<vmem>>) target(%dma_start3A_350 : memref<10240x64xf32, #tpu.memory_space<vmem_shared>>) offsets(%dma_start3A_347 : memref<128xi32, #tpu.memory_space<vmem>>) semaphore(%dma_start3A_352 : memref<!tpu.dma_semaphore, #tpu.memory_space<semaphore_mem>>) {add = true}
      %dma_start3A_353 = arith.constant 0 : i32
      %dma_start3A_354 = arith.constant 0 : i32
      %dma_start3A_355 = tpu.memref_slice %arg9[%add3A_324, %dma_start3A_354] : memref<120x128xi32, #tpu.memory_space<vmem>> -> memref<1x128xi32, #tpu.memory_space<vmem>>
      %dma_start3A_356 = tpu.memref_squeeze %dma_start3A_355 : memref<1x128xi32, #tpu.memory_space<vmem>> -> memref<128xi32, #tpu.memory_space<vmem>>
      %dma_start3A_357 = arith.constant 0 : i32
      %dma_start3A_358 = arith.constant 0 : i32
      %dma_start3A_359 = tpu.memref_slice %arg13[%dma_start3A_357, %dma_start3A_358] : memref<10240x8xf32, #tpu.memory_space<vmem_shared>> -> memref<10240x8xf32, #tpu.memory_space<vmem_shared>>
      %dma_start3A_360 = tpu.memref_slice %arg16[%dma_start3A_353] : memref<4x!tpu.dma_semaphore, #tpu.memory_space<semaphore_mem>> -> memref<1x!tpu.dma_semaphore, #tpu.memory_space<semaphore_mem>>
      %dma_start3A_361 = tpu.memref_squeeze %dma_start3A_360 : memref<1x!tpu.dma_semaphore, #tpu.memory_space<semaphore_mem>> -> memref<!tpu.dma_semaphore, #tpu.memory_space<semaphore_mem>>
      tpu.enqueue_indirect_dma source(%arg11 : memref<128x8xf32, #tpu.memory_space<vmem>>) target(%dma_start3A_359 : memref<10240x8xf32, #tpu.memory_space<vmem_shared>>) offsets(%dma_start3A_356 : memref<128xi32, #tpu.memory_space<vmem>>) semaphore(%dma_start3A_361 : memref<!tpu.dma_semaphore, #tpu.memory_space<semaphore_mem>>) {add = true}
      %add3A_362 = arith.constant 1 : i32
      %add3A_363 = arith.addi %mul3A_322, %add3A_362 : i32
      %dma_wait3A_364 = arith.constant 1 : i32
      %dma_wait3A_365 = arith.constant 1 : i32
      %dma_wait3A_366 = arith.constant 0 : i32
      %dma_wait3A_367 = arith.constant 0 : i32
      %dma_wait3A_368 = tpu.memref_slice %arg10[%dma_wait3A_364, %dma_wait3A_366, %dma_wait3A_367] : memref<4x128x64xf32, #tpu.memory_space<vmem>> -> memref<1x128x64xf32, #tpu.memory_space<vmem>>
      %dma_wait3A_369 = tpu.memref_squeeze %dma_wait3A_368 : memref<1x128x64xf32, #tpu.memory_space<vmem>> -> memref<128x64xf32, #tpu.memory_space<vmem>>
      %dma_wait3A_370 = arith.constant 0 : i32
      %dma_wait3A_371 = tpu.memref_slice %arg8[%add3A_363, %dma_wait3A_370] : memref<120x128xi32, #tpu.memory_space<vmem>> -> memref<1x128xi32, #tpu.memory_space<vmem>>
      %dma_wait3A_372 = tpu.memref_squeeze %dma_wait3A_371 : memref<1x128xi32, #tpu.memory_space<vmem>> -> memref<128xi32, #tpu.memory_space<vmem>>
      %dma_wait3A_373 = arith.constant 0 : i32
      %dma_wait3A_374 = arith.constant 0 : i32
      %dma_wait3A_375 = tpu.memref_slice %arg3[%dma_wait3A_373, %dma_wait3A_374] : memref<10240x64xf32, #tpu.memory_space<hbm>> -> memref<10240x64xf32, #tpu.memory_space<hbm>>
      %dma_wait3A_376 = tpu.memref_slice %arg14[%dma_wait3A_365] : memref<4x!tpu.dma_semaphore, #tpu.memory_space<semaphore_mem>> -> memref<1x!tpu.dma_semaphore, #tpu.memory_space<semaphore_mem>>
      %dma_wait3A_377 = tpu.memref_squeeze %dma_wait3A_376 : memref<1x!tpu.dma_semaphore, #tpu.memory_space<semaphore_mem>> -> memref<!tpu.dma_semaphore, #tpu.memory_space<semaphore_mem>>
      tpu.wait_indirect_dma semaphore(%dma_wait3A_377 : memref<!tpu.dma_semaphore, #tpu.memory_space<semaphore_mem>>) src(%dma_wait3A_375 : memref<10240x64xf32, #tpu.memory_space<hbm>>) dst(%dma_wait3A_369 : memref<128x64xf32, #tpu.memory_space<vmem>>)
      %dma_start3A_378 = arith.constant 1 : i32
      %dma_start3A_379 = arith.constant 1 : i32
      %dma_start3A_380 = arith.constant 0 : i32
      %dma_start3A_381 = arith.constant 0 : i32
      %dma_start3A_382 = tpu.memref_slice %arg10[%dma_start3A_378, %dma_start3A_380, %dma_start3A_381] : memref<4x128x64xf32, #tpu.memory_space<vmem>> -> memref<1x128x64xf32, #tpu.memory_space<vmem>>
      %dma_start3A_383 = tpu.memref_squeeze %dma_start3A_382 : memref<1x128x64xf32, #tpu.memory_space<vmem>> -> memref<128x64xf32, #tpu.memory_space<vmem>>
      %dma_start3A_384 = arith.constant 0 : i32
      %dma_start3A_385 = tpu.memref_slice %arg9[%add3A_363, %dma_start3A_384] : memref<120x128xi32, #tpu.memory_space<vmem>> -> memref<1x128xi32, #tpu.memory_space<vmem>>
      %dma_start3A_386 = tpu.memref_squeeze %dma_start3A_385 : memref<1x128xi32, #tpu.memory_space<vmem>> -> memref<128xi32, #tpu.memory_space<vmem>>
      %dma_start3A_387 = arith.constant 0 : i32
      %dma_start3A_388 = arith.constant 0 : i32
      %dma_start3A_389 = tpu.memref_slice %arg12[%dma_start3A_387, %dma_start3A_388] : memref<10240x64xf32, #tpu.memory_space<vmem_shared>> -> memref<10240x64xf32, #tpu.memory_space<vmem_shared>>
      %dma_start3A_390 = tpu.memref_slice %arg15[%dma_start3A_379] : memref<4x!tpu.dma_semaphore, #tpu.memory_space<semaphore_mem>> -> memref<1x!tpu.dma_semaphore, #tpu.memory_space<semaphore_mem>>
      %dma_start3A_391 = tpu.memref_squeeze %dma_start3A_390 : memref<1x!tpu.dma_semaphore, #tpu.memory_space<semaphore_mem>> -> memref<!tpu.dma_semaphore, #tpu.memory_space<semaphore_mem>>
      tpu.enqueue_indirect_dma source(%dma_start3A_383 : memref<128x64xf32, #tpu.memory_space<vmem>>) target(%dma_start3A_389 : memref<10240x64xf32, #tpu.memory_space<vmem_shared>>) offsets(%dma_start3A_386 : memref<128xi32, #tpu.memory_space<vmem>>) semaphore(%dma_start3A_391 : memref<!tpu.dma_semaphore, #tpu.memory_space<semaphore_mem>>) {add = true}
      %dma_start3A_392 = arith.constant 1 : i32
      %dma_start3A_393 = arith.constant 0 : i32
      %dma_start3A_394 = tpu.memref_slice %arg9[%add3A_363, %dma_start3A_393] : memref<120x128xi32, #tpu.memory_space<vmem>> -> memref<1x128xi32, #tpu.memory_space<vmem>>
      %dma_start3A_395 = tpu.memref_squeeze %dma_start3A_394 : memref<1x128xi32, #tpu.memory_space<vmem>> -> memref<128xi32, #tpu.memory_space<vmem>>
      %dma_start3A_396 = arith.constant 0 : i32
      %dma_start3A_397 = arith.constant 0 : i32
      %dma_start3A_398 = tpu.memref_slice %arg13[%dma_start3A_396, %dma_start3A_397] : memref<10240x8xf32, #tpu.memory_space<vmem_shared>> -> memref<10240x8xf32, #tpu.memory_space<vmem_shared>>
      %dma_start3A_399 = tpu.memref_slice %arg16[%dma_start3A_392] : memref<4x!tpu.dma_semaphore, #tpu.memory_space<semaphore_mem>> -> memref<1x!tpu.dma_semaphore, #tpu.memory_space<semaphore_mem>>
      %dma_start3A_400 = tpu.memref_squeeze %dma_start3A_399 : memref<1x!tpu.dma_semaphore, #tpu.memory_space<semaphore_mem>> -> memref<!tpu.dma_semaphore, #tpu.memory_space<semaphore_mem>>
      tpu.enqueue_indirect_dma source(%arg11 : memref<128x8xf32, #tpu.memory_space<vmem>>) target(%dma_start3A_398 : memref<10240x8xf32, #tpu.memory_space<vmem_shared>>) offsets(%dma_start3A_395 : memref<128xi32, #tpu.memory_space<vmem>>) semaphore(%dma_start3A_400 : memref<!tpu.dma_semaphore, #tpu.memory_space<semaphore_mem>>) {add = true}
      %add3A_401 = arith.constant 2 : i32
      %add3A_402 = arith.addi %mul3A_322, %add3A_401 : i32
      %dma_wait3A_403 = arith.constant 2 : i32
      %dma_wait3A_404 = arith.constant 2 : i32
      %dma_wait3A_405 = arith.constant 0 : i32
      %dma_wait3A_406 = arith.constant 0 : i32
      %dma_wait3A_407 = tpu.memref_slice %arg10[%dma_wait3A_403, %dma_wait3A_405, %dma_wait3A_406] : memref<4x128x64xf32, #tpu.memory_space<vmem>> -> memref<1x128x64xf32, #tpu.memory_space<vmem>>
      %dma_wait3A_408 = tpu.memref_squeeze %dma_wait3A_407 : memref<1x128x64xf32, #tpu.memory_space<vmem>> -> memref<128x64xf32, #tpu.memory_space<vmem>>
      %dma_wait3A_409 = arith.constant 0 : i32
      %dma_wait3A_410 = tpu.memref_slice %arg8[%add3A_402, %dma_wait3A_409] : memref<120x128xi32, #tpu.memory_space<vmem>> -> memref<1x128xi32, #tpu.memory_space<vmem>>
      %dma_wait3A_411 = tpu.memref_squeeze %dma_wait3A_410 : memref<1x128xi32, #tpu.memory_space<vmem>> -> memref<128xi32, #tpu.memory_space<vmem>>
      %dma_wait3A_412 = arith.constant 0 : i32
      %dma_wait3A_413 = arith.constant 0 : i32
      %dma_wait3A_414 = tpu.memref_slice %arg3[%dma_wait3A_412, %dma_wait3A_413] : memref<10240x64xf32, #tpu.memory_space<hbm>> -> memref<10240x64xf32, #tpu.memory_space<hbm>>
      %dma_wait3A_415 = tpu.memref_slice %arg14[%dma_wait3A_404] : memref<4x!tpu.dma_semaphore, #tpu.memory_space<semaphore_mem>> -> memref<1x!tpu.dma_semaphore, #tpu.memory_space<semaphore_mem>>
      %dma_wait3A_416 = tpu.memref_squeeze %dma_wait3A_415 : memref<1x!tpu.dma_semaphore, #tpu.memory_space<semaphore_mem>> -> memref<!tpu.dma_semaphore, #tpu.memory_space<semaphore_mem>>
      tpu.wait_indirect_dma semaphore(%dma_wait3A_416 : memref<!tpu.dma_semaphore, #tpu.memory_space<semaphore_mem>>) src(%dma_wait3A_414 : memref<10240x64xf32, #tpu.memory_space<hbm>>) dst(%dma_wait3A_408 : memref<128x64xf32, #tpu.memory_space<vmem>>)
      %dma_start3A_417 = arith.constant 2 : i32
      %dma_start3A_418 = arith.constant 2 : i32
      %dma_start3A_419 = arith.constant 0 : i32
      %dma_start3A_420 = arith.constant 0 : i32
      %dma_start3A_421 = tpu.memref_slice %arg10[%dma_start3A_417, %dma_start3A_419, %dma_start3A_420] : memref<4x128x64xf32, #tpu.memory_space<vmem>> -> memref<1x128x64xf32, #tpu.memory_space<vmem>>
      %dma_start3A_422 = tpu.memref_squeeze %dma_start3A_421 : memref<1x128x64xf32, #tpu.memory_space<vmem>> -> memref<128x64xf32, #tpu.memory_space<vmem>>
      %dma_start3A_423 = arith.constant 0 : i32
      %dma_start3A_424 = tpu.memref_slice %arg9[%add3A_402, %dma_start3A_423] : memref<120x128xi32, #tpu.memory_space<vmem>> -> memref<1x128xi32, #tpu.memory_space<vmem>>
      %dma_start3A_425 = tpu.memref_squeeze %dma_start3A_424 : memref<1x128xi32, #tpu.memory_space<vmem>> -> memref<128xi32, #tpu.memory_space<vmem>>
      %dma_start3A_426 = arith.constant 0 : i32
      %dma_start3A_427 = arith.constant 0 : i32
      %dma_start3A_428 = tpu.memref_slice %arg12[%dma_start3A_426, %dma_start3A_427] : memref<10240x64xf32, #tpu.memory_space<vmem_shared>> -> memref<10240x64xf32, #tpu.memory_space<vmem_shared>>
      %dma_start3A_429 = tpu.memref_slice %arg15[%dma_start3A_418] : memref<4x!tpu.dma_semaphore, #tpu.memory_space<semaphore_mem>> -> memref<1x!tpu.dma_semaphore, #tpu.memory_space<semaphore_mem>>
      %dma_start3A_430 = tpu.memref_squeeze %dma_start3A_429 : memref<1x!tpu.dma_semaphore, #tpu.memory_space<semaphore_mem>> -> memref<!tpu.dma_semaphore, #tpu.memory_space<semaphore_mem>>
      tpu.enqueue_indirect_dma source(%dma_start3A_422 : memref<128x64xf32, #tpu.memory_space<vmem>>) target(%dma_start3A_428 : memref<10240x64xf32, #tpu.memory_space<vmem_shared>>) offsets(%dma_start3A_425 : memref<128xi32, #tpu.memory_space<vmem>>) semaphore(%dma_start3A_430 : memref<!tpu.dma_semaphore, #tpu.memory_space<semaphore_mem>>) {add = true}
      %dma_start3A_431 = arith.constant 2 : i32
      %dma_start3A_432 = arith.constant 0 : i32
      %dma_start3A_433 = tpu.memref_slice %arg9[%add3A_402, %dma_start3A_432] : memref<120x128xi32, #tpu.memory_space<vmem>> -> memref<1x128xi32, #tpu.memory_space<vmem>>
      %dma_start3A_434 = tpu.memref_squeeze %dma_start3A_433 : memref<1x128xi32, #tpu.memory_space<vmem>> -> memref<128xi32, #tpu.memory_space<vmem>>
      %dma_start3A_435 = arith.constant 0 : i32
      %dma_start3A_436 = arith.constant 0 : i32
      %dma_start3A_437 = tpu.memref_slice %arg13[%dma_start3A_435, %dma_start3A_436] : memref<10240x8xf32, #tpu.memory_space<vmem_shared>> -> memref<10240x8xf32, #tpu.memory_space<vmem_shared>>
      %dma_start3A_438 = tpu.memref_slice %arg16[%dma_start3A_431] : memref<4x!tpu.dma_semaphore, #tpu.memory_space<semaphore_mem>> -> memref<1x!tpu.dma_semaphore, #tpu.memory_space<semaphore_mem>>
      %dma_start3A_439 = tpu.memref_squeeze %dma_start3A_438 : memref<1x!tpu.dma_semaphore, #tpu.memory_space<semaphore_mem>> -> memref<!tpu.dma_semaphore, #tpu.memory_space<semaphore_mem>>
      tpu.enqueue_indirect_dma source(%arg11 : memref<128x8xf32, #tpu.memory_space<vmem>>) target(%dma_start3A_437 : memref<10240x8xf32, #tpu.memory_space<vmem_shared>>) offsets(%dma_start3A_434 : memref<128xi32, #tpu.memory_space<vmem>>) semaphore(%dma_start3A_439 : memref<!tpu.dma_semaphore, #tpu.memory_space<semaphore_mem>>) {add = true}
      %add3A_440 = arith.constant 3 : i32
      %add3A_441 = arith.addi %mul3A_322, %add3A_440 : i32
      %dma_wait3A_442 = arith.constant 3 : i32
      %dma_wait3A_443 = arith.constant 3 : i32
      %dma_wait3A_444 = arith.constant 0 : i32
      %dma_wait3A_445 = arith.constant 0 : i32
      %dma_wait3A_446 = tpu.memref_slice %arg10[%dma_wait3A_442, %dma_wait3A_444, %dma_wait3A_445] : memref<4x128x64xf32, #tpu.memory_space<vmem>> -> memref<1x128x64xf32, #tpu.memory_space<vmem>>
      %dma_wait3A_447 = tpu.memref_squeeze %dma_wait3A_446 : memref<1x128x64xf32, #tpu.memory_space<vmem>> -> memref<128x64xf32, #tpu.memory_space<vmem>>
      %dma_wait3A_448 = arith.constant 0 : i32
      %dma_wait3A_449 = tpu.memref_slice %arg8[%add3A_441, %dma_wait3A_448] : memref<120x128xi32, #tpu.memory_space<vmem>> -> memref<1x128xi32, #tpu.memory_space<vmem>>
      %dma_wait3A_450 = tpu.memref_squeeze %dma_wait3A_449 : memref<1x128xi32, #tpu.memory_space<vmem>> -> memref<128xi32, #tpu.memory_space<vmem>>
      %dma_wait3A_451 = arith.constant 0 : i32
      %dma_wait3A_452 = arith.constant 0 : i32
      %dma_wait3A_453 = tpu.memref_slice %arg3[%dma_wait3A_451, %dma_wait3A_452] : memref<10240x64xf32, #tpu.memory_space<hbm>> -> memref<10240x64xf32, #tpu.memory_space<hbm>>
      %dma_wait3A_454 = tpu.memref_slice %arg14[%dma_wait3A_443] : memref<4x!tpu.dma_semaphore, #tpu.memory_space<semaphore_mem>> -> memref<1x!tpu.dma_semaphore, #tpu.memory_space<semaphore_mem>>
      %dma_wait3A_455 = tpu.memref_squeeze %dma_wait3A_454 : memref<1x!tpu.dma_semaphore, #tpu.memory_space<semaphore_mem>> -> memref<!tpu.dma_semaphore, #tpu.memory_space<semaphore_mem>>
      tpu.wait_indirect_dma semaphore(%dma_wait3A_455 : memref<!tpu.dma_semaphore, #tpu.memory_space<semaphore_mem>>) src(%dma_wait3A_453 : memref<10240x64xf32, #tpu.memory_space<hbm>>) dst(%dma_wait3A_447 : memref<128x64xf32, #tpu.memory_space<vmem>>)
      %dma_start3A_456 = arith.constant 3 : i32
      %dma_start3A_457 = arith.constant 3 : i32
      %dma_start3A_458 = arith.constant 0 : i32
      %dma_start3A_459 = arith.constant 0 : i32
      %dma_start3A_460 = tpu.memref_slice %arg10[%dma_start3A_456, %dma_start3A_458, %dma_start3A_459] : memref<4x128x64xf32, #tpu.memory_space<vmem>> -> memref<1x128x64xf32, #tpu.memory_space<vmem>>
      %dma_start3A_461 = tpu.memref_squeeze %dma_start3A_460 : memref<1x128x64xf32, #tpu.memory_space<vmem>> -> memref<128x64xf32, #tpu.memory_space<vmem>>
      %dma_start3A_462 = arith.constant 0 : i32
      %dma_start3A_463 = tpu.memref_slice %arg9[%add3A_441, %dma_start3A_462] : memref<120x128xi32, #tpu.memory_space<vmem>> -> memref<1x128xi32, #tpu.memory_space<vmem>>
      %dma_start3A_464 = tpu.memref_squeeze %dma_start3A_463 : memref<1x128xi32, #tpu.memory_space<vmem>> -> memref<128xi32, #tpu.memory_space<vmem>>
      %dma_start3A_465 = arith.constant 0 : i32
      %dma_start3A_466 = arith.constant 0 : i32
      %dma_start3A_467 = tpu.memref_slice %arg12[%dma_start3A_465, %dma_start3A_466] : memref<10240x64xf32, #tpu.memory_space<vmem_shared>> -> memref<10240x64xf32, #tpu.memory_space<vmem_shared>>
      %dma_start3A_468 = tpu.memref_slice %arg15[%dma_start3A_457] : memref<4x!tpu.dma_semaphore, #tpu.memory_space<semaphore_mem>> -> memref<1x!tpu.dma_semaphore, #tpu.memory_space<semaphore_mem>>
      %dma_start3A_469 = tpu.memref_squeeze %dma_start3A_468 : memref<1x!tpu.dma_semaphore, #tpu.memory_space<semaphore_mem>> -> memref<!tpu.dma_semaphore, #tpu.memory_space<semaphore_mem>>
      tpu.enqueue_indirect_dma source(%dma_start3A_461 : memref<128x64xf32, #tpu.memory_space<vmem>>) target(%dma_start3A_467 : memref<10240x64xf32, #tpu.memory_space<vmem_shared>>) offsets(%dma_start3A_464 : memref<128xi32, #tpu.memory_space<vmem>>) semaphore(%dma_start3A_469 : memref<!tpu.dma_semaphore, #tpu.memory_space<semaphore_mem>>) {add = true}
      %dma_start3A_470 = arith.constant 3 : i32
      %dma_start3A_471 = arith.constant 0 : i32
      %dma_start3A_472 = tpu.memref_slice %arg9[%add3A_441, %dma_start3A_471] : memref<120x128xi32, #tpu.memory_space<vmem>> -> memref<1x128xi32, #tpu.memory_space<vmem>>
      %dma_start3A_473 = tpu.memref_squeeze %dma_start3A_472 : memref<1x128xi32, #tpu.memory_space<vmem>> -> memref<128xi32, #tpu.memory_space<vmem>>
      %dma_start3A_474 = arith.constant 0 : i32
      %dma_start3A_475 = arith.constant 0 : i32
      %dma_start3A_476 = tpu.memref_slice %arg13[%dma_start3A_474, %dma_start3A_475] : memref<10240x8xf32, #tpu.memory_space<vmem_shared>> -> memref<10240x8xf32, #tpu.memory_space<vmem_shared>>
      %dma_start3A_477 = tpu.memref_slice %arg16[%dma_start3A_470] : memref<4x!tpu.dma_semaphore, #tpu.memory_space<semaphore_mem>> -> memref<1x!tpu.dma_semaphore, #tpu.memory_space<semaphore_mem>>
      %dma_start3A_478 = tpu.memref_squeeze %dma_start3A_477 : memref<1x!tpu.dma_semaphore, #tpu.memory_space<semaphore_mem>> -> memref<!tpu.dma_semaphore, #tpu.memory_space<semaphore_mem>>
      tpu.enqueue_indirect_dma source(%arg11 : memref<128x8xf32, #tpu.memory_space<vmem>>) target(%dma_start3A_476 : memref<10240x8xf32, #tpu.memory_space<vmem_shared>>) offsets(%dma_start3A_473 : memref<128xi32, #tpu.memory_space<vmem>>) semaphore(%dma_start3A_478 : memref<!tpu.dma_semaphore, #tpu.memory_space<semaphore_mem>>) {add = true}
      %add3A_479 = arith.constant 0 : i32
      %add3A_480 = arith.addi %mul3A_322, %add3A_479 : i32
      %dma_wait3A_481 = arith.constant 0 : i32
      %dma_wait3A_482 = arith.constant 0 : i32
      %dma_wait3A_483 = arith.constant 0 : i32
      %dma_wait3A_484 = arith.constant 0 : i32
      %dma_wait3A_485 = tpu.memref_slice %arg10[%dma_wait3A_481, %dma_wait3A_483, %dma_wait3A_484] : memref<4x128x64xf32, #tpu.memory_space<vmem>> -> memref<1x128x64xf32, #tpu.memory_space<vmem>>
      %dma_wait3A_486 = tpu.memref_squeeze %dma_wait3A_485 : memref<1x128x64xf32, #tpu.memory_space<vmem>> -> memref<128x64xf32, #tpu.memory_space<vmem>>
      %dma_wait3A_487 = arith.constant 0 : i32
      %dma_wait3A_488 = tpu.memref_slice %arg9[%add3A_480, %dma_wait3A_487] : memref<120x128xi32, #tpu.memory_space<vmem>> -> memref<1x128xi32, #tpu.memory_space<vmem>>
      %dma_wait3A_489 = tpu.memref_squeeze %dma_wait3A_488 : memref<1x128xi32, #tpu.memory_space<vmem>> -> memref<128xi32, #tpu.memory_space<vmem>>
      %dma_wait3A_490 = arith.constant 0 : i32
      %dma_wait3A_491 = arith.constant 0 : i32
      %dma_wait3A_492 = tpu.memref_slice %arg12[%dma_wait3A_490, %dma_wait3A_491] : memref<10240x64xf32, #tpu.memory_space<vmem_shared>> -> memref<10240x64xf32, #tpu.memory_space<vmem_shared>>
      %dma_wait3A_493 = tpu.memref_slice %arg15[%dma_wait3A_482] : memref<4x!tpu.dma_semaphore, #tpu.memory_space<semaphore_mem>> -> memref<1x!tpu.dma_semaphore, #tpu.memory_space<semaphore_mem>>
      %dma_wait3A_494 = tpu.memref_squeeze %dma_wait3A_493 : memref<1x!tpu.dma_semaphore, #tpu.memory_space<semaphore_mem>> -> memref<!tpu.dma_semaphore, #tpu.memory_space<semaphore_mem>>
      tpu.wait_indirect_dma semaphore(%dma_wait3A_494 : memref<!tpu.dma_semaphore, #tpu.memory_space<semaphore_mem>>) src(%dma_wait3A_486 : memref<128x64xf32, #tpu.memory_space<vmem>>) dst(%dma_wait3A_492 : memref<10240x64xf32, #tpu.memory_space<vmem_shared>>)
      %dma_wait3A_495 = arith.constant 0 : i32
      %dma_wait3A_496 = arith.constant 0 : i32
      %dma_wait3A_497 = tpu.memref_slice %arg9[%add3A_480, %dma_wait3A_496] : memref<120x128xi32, #tpu.memory_space<vmem>> -> memref<1x128xi32, #tpu.memory_space<vmem>>
      %dma_wait3A_498 = tpu.memref_squeeze %dma_wait3A_497 : memref<1x128xi32, #tpu.memory_space<vmem>> -> memref<128xi32, #tpu.memory_space<vmem>>
      %dma_wait3A_499 = arith.constant 0 : i32
      %dma_wait3A_500 = arith.constant 0 : i32
      %dma_wait3A_501 = tpu.memref_slice %arg13[%dma_wait3A_499, %dma_wait3A_500] : memref<10240x8xf32, #tpu.memory_space<vmem_shared>> -> memref<10240x8xf32, #tpu.memory_space<vmem_shared>>
      %dma_wait3A_502 = tpu.memref_slice %arg16[%dma_wait3A_495] : memref<4x!tpu.dma_semaphore, #tpu.memory_space<semaphore_mem>> -> memref<1x!tpu.dma_semaphore, #tpu.memory_space<semaphore_mem>>
      %dma_wait3A_503 = tpu.memref_squeeze %dma_wait3A_502 : memref<1x!tpu.dma_semaphore, #tpu.memory_space<semaphore_mem>> -> memref<!tpu.dma_semaphore, #tpu.memory_space<semaphore_mem>>
      tpu.wait_indirect_dma semaphore(%dma_wait3A_503 : memref<!tpu.dma_semaphore, #tpu.memory_space<semaphore_mem>>) src(%arg11 : memref<128x8xf32, #tpu.memory_space<vmem>>) dst(%dma_wait3A_501 : memref<10240x8xf32, #tpu.memory_space<vmem_shared>>)
      %add3A_504 = arith.constant 4 : i32
      %add3A_505 = arith.addi %add3A_480, %add3A_504 : i32
      %lt3A = arith.cmpi slt, %add3A_505, %select_n3A : i32
      %convert_element_type3A_506 = arith.extui %lt3A : i1 to i32
      %cond3A_507 = arith.constant 0 : i32
      %cond3A_508 = arith.cmpi ne, %convert_element_type3A_506, %cond3A_507 : i32
      scf.if %cond3A_508 {
        %add3A_602 = arith.constant 4 : i32
        %add3A_603 = arith.addi %add3A_480, %add3A_602 : i32
        %dma_start3A_604 = arith.constant 0 : i32
        %dma_start3A_605 = arith.constant 0 : i32
        %dma_start3A_606 = arith.constant 0 : i32
        %dma_start3A_607 = arith.constant 0 : i32
        %dma_start3A_608 = tpu.memref_slice %arg10[%dma_start3A_604, %dma_start3A_606, %dma_start3A_607] : memref<4x128x64xf32, #tpu.memory_space<vmem>> -> memref<1x128x64xf32, #tpu.memory_space<vmem>>
        %dma_start3A_609 = tpu.memref_squeeze %dma_start3A_608 : memref<1x128x64xf32, #tpu.memory_space<vmem>> -> memref<128x64xf32, #tpu.memory_space<vmem>>
        %dma_start3A_610 = arith.constant 0 : i32
        %dma_start3A_611 = tpu.memref_slice %arg8[%add3A_603, %dma_start3A_610] : memref<120x128xi32, #tpu.memory_space<vmem>> -> memref<1x128xi32, #tpu.memory_space<vmem>>
        %dma_start3A_612 = tpu.memref_squeeze %dma_start3A_611 : memref<1x128xi32, #tpu.memory_space<vmem>> -> memref<128xi32, #tpu.memory_space<vmem>>
        %dma_start3A_613 = arith.constant 0 : i32
        %dma_start3A_614 = arith.constant 0 : i32
        %dma_start3A_615 = tpu.memref_slice %arg3[%dma_start3A_613, %dma_start3A_614] : memref<10240x64xf32, #tpu.memory_space<hbm>> -> memref<10240x64xf32, #tpu.memory_space<hbm>>
        %dma_start3A_616 = tpu.memref_slice %arg14[%dma_start3A_605] : memref<4x!tpu.dma_semaphore, #tpu.memory_space<semaphore_mem>> -> memref<1x!tpu.dma_semaphore, #tpu.memory_space<semaphore_mem>>
        %dma_start3A_617 = tpu.memref_squeeze %dma_start3A_616 : memref<1x!tpu.dma_semaphore, #tpu.memory_space<semaphore_mem>> -> memref<!tpu.dma_semaphore, #tpu.memory_space<semaphore_mem>>
        tpu.enqueue_indirect_dma source(%dma_start3A_615 : memref<10240x64xf32, #tpu.memory_space<hbm>>) target(%dma_start3A_609 : memref<128x64xf32, #tpu.memory_space<vmem>>) offsets(%dma_start3A_612 : memref<128xi32, #tpu.memory_space<vmem>>) semaphore(%dma_start3A_617 : memref<!tpu.dma_semaphore, #tpu.memory_space<semaphore_mem>>)
      } else {
      }
      %add3A_509 = arith.constant 1 : i32
      %add3A_510 = arith.addi %mul3A_322, %add3A_509 : i32
      %dma_wait3A_511 = arith.constant 1 : i32
      %dma_wait3A_512 = arith.constant 1 : i32
      %dma_wait3A_513 = arith.constant 0 : i32
      %dma_wait3A_514 = arith.constant 0 : i32
      %dma_wait3A_515 = tpu.memref_slice %arg10[%dma_wait3A_511, %dma_wait3A_513, %dma_wait3A_514] : memref<4x128x64xf32, #tpu.memory_space<vmem>> -> memref<1x128x64xf32, #tpu.memory_space<vmem>>
      %dma_wait3A_516 = tpu.memref_squeeze %dma_wait3A_515 : memref<1x128x64xf32, #tpu.memory_space<vmem>> -> memref<128x64xf32, #tpu.memory_space<vmem>>
      %dma_wait3A_517 = arith.constant 0 : i32
      %dma_wait3A_518 = tpu.memref_slice %arg9[%add3A_510, %dma_wait3A_517] : memref<120x128xi32, #tpu.memory_space<vmem>> -> memref<1x128xi32, #tpu.memory_space<vmem>>
      %dma_wait3A_519 = tpu.memref_squeeze %dma_wait3A_518 : memref<1x128xi32, #tpu.memory_space<vmem>> -> memref<128xi32, #tpu.memory_space<vmem>>
      %dma_wait3A_520 = arith.constant 0 : i32
      %dma_wait3A_521 = arith.constant 0 : i32
      %dma_wait3A_522 = tpu.memref_slice %arg12[%dma_wait3A_520, %dma_wait3A_521] : memref<10240x64xf32, #tpu.memory_space<vmem_shared>> -> memref<10240x64xf32, #tpu.memory_space<vmem_shared>>
      %dma_wait3A_523 = tpu.memref_slice %arg15[%dma_wait3A_512] : memref<4x!tpu.dma_semaphore, #tpu.memory_space<semaphore_mem>> -> memref<1x!tpu.dma_semaphore, #tpu.memory_space<semaphore_mem>>
      %dma_wait3A_524 = tpu.memref_squeeze %dma_wait3A_523 : memref<1x!tpu.dma_semaphore, #tpu.memory_space<semaphore_mem>> -> memref<!tpu.dma_semaphore, #tpu.memory_space<semaphore_mem>>
      tpu.wait_indirect_dma semaphore(%dma_wait3A_524 : memref<!tpu.dma_semaphore, #tpu.memory_space<semaphore_mem>>) src(%dma_wait3A_516 : memref<128x64xf32, #tpu.memory_space<vmem>>) dst(%dma_wait3A_522 : memref<10240x64xf32, #tpu.memory_space<vmem_shared>>)
      %dma_wait3A_525 = arith.constant 1 : i32
      %dma_wait3A_526 = arith.constant 0 : i32
      %dma_wait3A_527 = tpu.memref_slice %arg9[%add3A_510, %dma_wait3A_526] : memref<120x128xi32, #tpu.memory_space<vmem>> -> memref<1x128xi32, #tpu.memory_space<vmem>>
      %dma_wait3A_528 = tpu.memref_squeeze %dma_wait3A_527 : memref<1x128xi32, #tpu.memory_space<vmem>> -> memref<128xi32, #tpu.memory_space<vmem>>
      %dma_wait3A_529 = arith.constant 0 : i32
      %dma_wait3A_530 = arith.constant 0 : i32
      %dma_wait3A_531 = tpu.memref_slice %arg13[%dma_wait3A_529, %dma_wait3A_530] : memref<10240x8xf32, #tpu.memory_space<vmem_shared>> -> memref<10240x8xf32, #tpu.memory_space<vmem_shared>>
      %dma_wait3A_532 = tpu.memref_slice %arg16[%dma_wait3A_525] : memref<4x!tpu.dma_semaphore, #tpu.memory_space<semaphore_mem>> -> memref<1x!tpu.dma_semaphore, #tpu.memory_space<semaphore_mem>>
      %dma_wait3A_533 = tpu.memref_squeeze %dma_wait3A_532 : memref<1x!tpu.dma_semaphore, #tpu.memory_space<semaphore_mem>> -> memref<!tpu.dma_semaphore, #tpu.memory_space<semaphore_mem>>
      tpu.wait_indirect_dma semaphore(%dma_wait3A_533 : memref<!tpu.dma_semaphore, #tpu.memory_space<semaphore_mem>>) src(%arg11 : memref<128x8xf32, #tpu.memory_space<vmem>>) dst(%dma_wait3A_531 : memref<10240x8xf32, #tpu.memory_space<vmem_shared>>)
      %add3A_534 = arith.constant 4 : i32
      %add3A_535 = arith.addi %add3A_510, %add3A_534 : i32
      %lt3A_536 = arith.cmpi slt, %add3A_535, %select_n3A : i32
      %convert_element_type3A_537 = arith.extui %lt3A_536 : i1 to i32
      %cond3A_538 = arith.constant 0 : i32
      %cond3A_539 = arith.cmpi ne, %convert_element_type3A_537, %cond3A_538 : i32
      scf.if %cond3A_539 {
        %add3A_602 = arith.constant 4 : i32
        %add3A_603 = arith.addi %add3A_510, %add3A_602 : i32
        %dma_start3A_604 = arith.constant 1 : i32
        %dma_start3A_605 = arith.constant 1 : i32
        %dma_start3A_606 = arith.constant 0 : i32
        %dma_start3A_607 = arith.constant 0 : i32
        %dma_start3A_608 = tpu.memref_slice %arg10[%dma_start3A_604, %dma_start3A_606, %dma_start3A_607] : memref<4x128x64xf32, #tpu.memory_space<vmem>> -> memref<1x128x64xf32, #tpu.memory_space<vmem>>
        %dma_start3A_609 = tpu.memref_squeeze %dma_start3A_608 : memref<1x128x64xf32, #tpu.memory_space<vmem>> -> memref<128x64xf32, #tpu.memory_space<vmem>>
        %dma_start3A_610 = arith.constant 0 : i32
        %dma_start3A_611 = tpu.memref_slice %arg8[%add3A_603, %dma_start3A_610] : memref<120x128xi32, #tpu.memory_space<vmem>> -> memref<1x128xi32, #tpu.memory_space<vmem>>
        %dma_start3A_612 = tpu.memref_squeeze %dma_start3A_611 : memref<1x128xi32, #tpu.memory_space<vmem>> -> memref<128xi32, #tpu.memory_space<vmem>>
        %dma_start3A_613 = arith.constant 0 : i32
        %dma_start3A_614 = arith.constant 0 : i32
        %dma_start3A_615 = tpu.memref_slice %arg3[%dma_start3A_613, %dma_start3A_614] : memref<10240x64xf32, #tpu.memory_space<hbm>> -> memref<10240x64xf32, #tpu.memory_space<hbm>>
        %dma_start3A_616 = tpu.memref_slice %arg14[%dma_start3A_605] : memref<4x!tpu.dma_semaphore, #tpu.memory_space<semaphore_mem>> -> memref<1x!tpu.dma_semaphore, #tpu.memory_space<semaphore_mem>>
        %dma_start3A_617 = tpu.memref_squeeze %dma_start3A_616 : memref<1x!tpu.dma_semaphore, #tpu.memory_space<semaphore_mem>> -> memref<!tpu.dma_semaphore, #tpu.memory_space<semaphore_mem>>
        tpu.enqueue_indirect_dma source(%dma_start3A_615 : memref<10240x64xf32, #tpu.memory_space<hbm>>) target(%dma_start3A_609 : memref<128x64xf32, #tpu.memory_space<vmem>>) offsets(%dma_start3A_612 : memref<128xi32, #tpu.memory_space<vmem>>) semaphore(%dma_start3A_617 : memref<!tpu.dma_semaphore, #tpu.memory_space<semaphore_mem>>)
      } else {
      }
      %add3A_540 = arith.constant 2 : i32
      %add3A_541 = arith.addi %mul3A_322, %add3A_540 : i32
      %dma_wait3A_542 = arith.constant 2 : i32
      %dma_wait3A_543 = arith.constant 2 : i32
      %dma_wait3A_544 = arith.constant 0 : i32
      %dma_wait3A_545 = arith.constant 0 : i32
      %dma_wait3A_546 = tpu.memref_slice %arg10[%dma_wait3A_542, %dma_wait3A_544, %dma_wait3A_545] : memref<4x128x64xf32, #tpu.memory_space<vmem>> -> memref<1x128x64xf32, #tpu.memory_space<vmem>>
      %dma_wait3A_547 = tpu.memref_squeeze %dma_wait3A_546 : memref<1x128x64xf32, #tpu.memory_space<vmem>> -> memref<128x64xf32, #tpu.memory_space<vmem>>
      %dma_wait3A_548 = arith.constant 0 : i32
      %dma_wait3A_549 = tpu.memref_slice %arg9[%add3A_541, %dma_wait3A_548] : memref<120x128xi32, #tpu.memory_space<vmem>> -> memref<1x128xi32, #tpu.memory_space<vmem>>
      %dma_wait3A_550 = tpu.memref_squeeze %dma_wait3A_549 : memref<1x128xi32, #tpu.memory_space<vmem>> -> memref<128xi32, #tpu.memory_space<vmem>>
      %dma_wait3A_551 = arith.constant 0 : i32
      %dma_wait3A_552 = arith.constant 0 : i32
      %dma_wait3A_553 = tpu.memref_slice %arg12[%dma_wait3A_551, %dma_wait3A_552] : memref<10240x64xf32, #tpu.memory_space<vmem_shared>> -> memref<10240x64xf32, #tpu.memory_space<vmem_shared>>
      %dma_wait3A_554 = tpu.memref_slice %arg15[%dma_wait3A_543] : memref<4x!tpu.dma_semaphore, #tpu.memory_space<semaphore_mem>> -> memref<1x!tpu.dma_semaphore, #tpu.memory_space<semaphore_mem>>
      %dma_wait3A_555 = tpu.memref_squeeze %dma_wait3A_554 : memref<1x!tpu.dma_semaphore, #tpu.memory_space<semaphore_mem>> -> memref<!tpu.dma_semaphore, #tpu.memory_space<semaphore_mem>>
      tpu.wait_indirect_dma semaphore(%dma_wait3A_555 : memref<!tpu.dma_semaphore, #tpu.memory_space<semaphore_mem>>) src(%dma_wait3A_547 : memref<128x64xf32, #tpu.memory_space<vmem>>) dst(%dma_wait3A_553 : memref<10240x64xf32, #tpu.memory_space<vmem_shared>>)
      %dma_wait3A_556 = arith.constant 2 : i32
      %dma_wait3A_557 = arith.constant 0 : i32
      %dma_wait3A_558 = tpu.memref_slice %arg9[%add3A_541, %dma_wait3A_557] : memref<120x128xi32, #tpu.memory_space<vmem>> -> memref<1x128xi32, #tpu.memory_space<vmem>>
      %dma_wait3A_559 = tpu.memref_squeeze %dma_wait3A_558 : memref<1x128xi32, #tpu.memory_space<vmem>> -> memref<128xi32, #tpu.memory_space<vmem>>
      %dma_wait3A_560 = arith.constant 0 : i32
      %dma_wait3A_561 = arith.constant 0 : i32
      %dma_wait3A_562 = tpu.memref_slice %arg13[%dma_wait3A_560, %dma_wait3A_561] : memref<10240x8xf32, #tpu.memory_space<vmem_shared>> -> memref<10240x8xf32, #tpu.memory_space<vmem_shared>>
      %dma_wait3A_563 = tpu.memref_slice %arg16[%dma_wait3A_556] : memref<4x!tpu.dma_semaphore, #tpu.memory_space<semaphore_mem>> -> memref<1x!tpu.dma_semaphore, #tpu.memory_space<semaphore_mem>>
      %dma_wait3A_564 = tpu.memref_squeeze %dma_wait3A_563 : memref<1x!tpu.dma_semaphore, #tpu.memory_space<semaphore_mem>> -> memref<!tpu.dma_semaphore, #tpu.memory_space<semaphore_mem>>
      tpu.wait_indirect_dma semaphore(%dma_wait3A_564 : memref<!tpu.dma_semaphore, #tpu.memory_space<semaphore_mem>>) src(%arg11 : memref<128x8xf32, #tpu.memory_space<vmem>>) dst(%dma_wait3A_562 : memref<10240x8xf32, #tpu.memory_space<vmem_shared>>)
      %add3A_565 = arith.constant 4 : i32
      %add3A_566 = arith.addi %add3A_541, %add3A_565 : i32
      %lt3A_567 = arith.cmpi slt, %add3A_566, %select_n3A : i32
      %convert_element_type3A_568 = arith.extui %lt3A_567 : i1 to i32
      %cond3A_569 = arith.constant 0 : i32
      %cond3A_570 = arith.cmpi ne, %convert_element_type3A_568, %cond3A_569 : i32
      scf.if %cond3A_570 {
        %add3A_602 = arith.constant 4 : i32
        %add3A_603 = arith.addi %add3A_541, %add3A_602 : i32
        %dma_start3A_604 = arith.constant 2 : i32
        %dma_start3A_605 = arith.constant 2 : i32
        %dma_start3A_606 = arith.constant 0 : i32
        %dma_start3A_607 = arith.constant 0 : i32
        %dma_start3A_608 = tpu.memref_slice %arg10[%dma_start3A_604, %dma_start3A_606, %dma_start3A_607] : memref<4x128x64xf32, #tpu.memory_space<vmem>> -> memref<1x128x64xf32, #tpu.memory_space<vmem>>
        %dma_start3A_609 = tpu.memref_squeeze %dma_start3A_608 : memref<1x128x64xf32, #tpu.memory_space<vmem>> -> memref<128x64xf32, #tpu.memory_space<vmem>>
        %dma_start3A_610 = arith.constant 0 : i32
        %dma_start3A_611 = tpu.memref_slice %arg8[%add3A_603, %dma_start3A_610] : memref<120x128xi32, #tpu.memory_space<vmem>> -> memref<1x128xi32, #tpu.memory_space<vmem>>
        %dma_start3A_612 = tpu.memref_squeeze %dma_start3A_611 : memref<1x128xi32, #tpu.memory_space<vmem>> -> memref<128xi32, #tpu.memory_space<vmem>>
        %dma_start3A_613 = arith.constant 0 : i32
        %dma_start3A_614 = arith.constant 0 : i32
        %dma_start3A_615 = tpu.memref_slice %arg3[%dma_start3A_613, %dma_start3A_614] : memref<10240x64xf32, #tpu.memory_space<hbm>> -> memref<10240x64xf32, #tpu.memory_space<hbm>>
        %dma_start3A_616 = tpu.memref_slice %arg14[%dma_start3A_605] : memref<4x!tpu.dma_semaphore, #tpu.memory_space<semaphore_mem>> -> memref<1x!tpu.dma_semaphore, #tpu.memory_space<semaphore_mem>>
        %dma_start3A_617 = tpu.memref_squeeze %dma_start3A_616 : memref<1x!tpu.dma_semaphore, #tpu.memory_space<semaphore_mem>> -> memref<!tpu.dma_semaphore, #tpu.memory_space<semaphore_mem>>
        tpu.enqueue_indirect_dma source(%dma_start3A_615 : memref<10240x64xf32, #tpu.memory_space<hbm>>) target(%dma_start3A_609 : memref<128x64xf32, #tpu.memory_space<vmem>>) offsets(%dma_start3A_612 : memref<128xi32, #tpu.memory_space<vmem>>) semaphore(%dma_start3A_617 : memref<!tpu.dma_semaphore, #tpu.memory_space<semaphore_mem>>)
      } else {
      }
      %add3A_571 = arith.constant 3 : i32
      %add3A_572 = arith.addi %mul3A_322, %add3A_571 : i32
      %dma_wait3A_573 = arith.constant 3 : i32
      %dma_wait3A_574 = arith.constant 3 : i32
      %dma_wait3A_575 = arith.constant 0 : i32
      %dma_wait3A_576 = arith.constant 0 : i32
      %dma_wait3A_577 = tpu.memref_slice %arg10[%dma_wait3A_573, %dma_wait3A_575, %dma_wait3A_576] : memref<4x128x64xf32, #tpu.memory_space<vmem>> -> memref<1x128x64xf32, #tpu.memory_space<vmem>>
      %dma_wait3A_578 = tpu.memref_squeeze %dma_wait3A_577 : memref<1x128x64xf32, #tpu.memory_space<vmem>> -> memref<128x64xf32, #tpu.memory_space<vmem>>
      %dma_wait3A_579 = arith.constant 0 : i32
      %dma_wait3A_580 = tpu.memref_slice %arg9[%add3A_572, %dma_wait3A_579] : memref<120x128xi32, #tpu.memory_space<vmem>> -> memref<1x128xi32, #tpu.memory_space<vmem>>
      %dma_wait3A_581 = tpu.memref_squeeze %dma_wait3A_580 : memref<1x128xi32, #tpu.memory_space<vmem>> -> memref<128xi32, #tpu.memory_space<vmem>>
      %dma_wait3A_582 = arith.constant 0 : i32
      %dma_wait3A_583 = arith.constant 0 : i32
      %dma_wait3A_584 = tpu.memref_slice %arg12[%dma_wait3A_582, %dma_wait3A_583] : memref<10240x64xf32, #tpu.memory_space<vmem_shared>> -> memref<10240x64xf32, #tpu.memory_space<vmem_shared>>
      %dma_wait3A_585 = tpu.memref_slice %arg15[%dma_wait3A_574] : memref<4x!tpu.dma_semaphore, #tpu.memory_space<semaphore_mem>> -> memref<1x!tpu.dma_semaphore, #tpu.memory_space<semaphore_mem>>
      %dma_wait3A_586 = tpu.memref_squeeze %dma_wait3A_585 : memref<1x!tpu.dma_semaphore, #tpu.memory_space<semaphore_mem>> -> memref<!tpu.dma_semaphore, #tpu.memory_space<semaphore_mem>>
      tpu.wait_indirect_dma semaphore(%dma_wait3A_586 : memref<!tpu.dma_semaphore, #tpu.memory_space<semaphore_mem>>) src(%dma_wait3A_578 : memref<128x64xf32, #tpu.memory_space<vmem>>) dst(%dma_wait3A_584 : memref<10240x64xf32, #tpu.memory_space<vmem_shared>>)
      %dma_wait3A_587 = arith.constant 3 : i32
      %dma_wait3A_588 = arith.constant 0 : i32
      %dma_wait3A_589 = tpu.memref_slice %arg9[%add3A_572, %dma_wait3A_588] : memref<120x128xi32, #tpu.memory_space<vmem>> -> memref<1x128xi32, #tpu.memory_space<vmem>>
      %dma_wait3A_590 = tpu.memref_squeeze %dma_wait3A_589 : memref<1x128xi32, #tpu.memory_space<vmem>> -> memref<128xi32, #tpu.memory_space<vmem>>
      %dma_wait3A_591 = arith.constant 0 : i32
      %dma_wait3A_592 = arith.constant 0 : i32
      %dma_wait3A_593 = tpu.memref_slice %arg13[%dma_wait3A_591, %dma_wait3A_592] : memref<10240x8xf32, #tpu.memory_space<vmem_shared>> -> memref<10240x8xf32, #tpu.memory_space<vmem_shared>>
      %dma_wait3A_594 = tpu.memref_slice %arg16[%dma_wait3A_587] : memref<4x!tpu.dma_semaphore, #tpu.memory_space<semaphore_mem>> -> memref<1x!tpu.dma_semaphore, #tpu.memory_space<semaphore_mem>>
      %dma_wait3A_595 = tpu.memref_squeeze %dma_wait3A_594 : memref<1x!tpu.dma_semaphore, #tpu.memory_space<semaphore_mem>> -> memref<!tpu.dma_semaphore, #tpu.memory_space<semaphore_mem>>
      tpu.wait_indirect_dma semaphore(%dma_wait3A_595 : memref<!tpu.dma_semaphore, #tpu.memory_space<semaphore_mem>>) src(%arg11 : memref<128x8xf32, #tpu.memory_space<vmem>>) dst(%dma_wait3A_593 : memref<10240x8xf32, #tpu.memory_space<vmem_shared>>)
      %add3A_596 = arith.constant 4 : i32
      %add3A_597 = arith.addi %add3A_572, %add3A_596 : i32
      %lt3A_598 = arith.cmpi slt, %add3A_597, %select_n3A : i32
      %convert_element_type3A_599 = arith.extui %lt3A_598 : i1 to i32
      %cond3A_600 = arith.constant 0 : i32
      %cond3A_601 = arith.cmpi ne, %convert_element_type3A_599, %cond3A_600 : i32
      scf.if %cond3A_601 {
        %add3A_602 = arith.constant 4 : i32
        %add3A_603 = arith.addi %add3A_572, %add3A_602 : i32
        %dma_start3A_604 = arith.constant 3 : i32
        %dma_start3A_605 = arith.constant 3 : i32
        %dma_start3A_606 = arith.constant 0 : i32
        %dma_start3A_607 = arith.constant 0 : i32
        %dma_start3A_608 = tpu.memref_slice %arg10[%dma_start3A_604, %dma_start3A_606, %dma_start3A_607] : memref<4x128x64xf32, #tpu.memory_space<vmem>> -> memref<1x128x64xf32, #tpu.memory_space<vmem>>
        %dma_start3A_609 = tpu.memref_squeeze %dma_start3A_608 : memref<1x128x64xf32, #tpu.memory_space<vmem>> -> memref<128x64xf32, #tpu.memory_space<vmem>>
        %dma_start3A_610 = arith.constant 0 : i32
        %dma_start3A_611 = tpu.memref_slice %arg8[%add3A_603, %dma_start3A_610] : memref<120x128xi32, #tpu.memory_space<vmem>> -> memref<1x128xi32, #tpu.memory_space<vmem>>
        %dma_start3A_612 = tpu.memref_squeeze %dma_start3A_611 : memref<1x128xi32, #tpu.memory_space<vmem>> -> memref<128xi32, #tpu.memory_space<vmem>>
        %dma_start3A_613 = arith.constant 0 : i32
        %dma_start3A_614 = arith.constant 0 : i32
        %dma_start3A_615 = tpu.memref_slice %arg3[%dma_start3A_613, %dma_start3A_614] : memref<10240x64xf32, #tpu.memory_space<hbm>> -> memref<10240x64xf32, #tpu.memory_space<hbm>>
        %dma_start3A_616 = tpu.memref_slice %arg14[%dma_start3A_605] : memref<4x!tpu.dma_semaphore, #tpu.memory_space<semaphore_mem>> -> memref<1x!tpu.dma_semaphore, #tpu.memory_space<semaphore_mem>>
        %dma_start3A_617 = tpu.memref_squeeze %dma_start3A_616 : memref<1x!tpu.dma_semaphore, #tpu.memory_space<semaphore_mem>> -> memref<!tpu.dma_semaphore, #tpu.memory_space<semaphore_mem>>
        tpu.enqueue_indirect_dma source(%dma_start3A_615 : memref<10240x64xf32, #tpu.memory_space<hbm>>) target(%dma_start3A_609 : memref<128x64xf32, #tpu.memory_space<vmem>>) offsets(%dma_start3A_612 : memref<128xi32, #tpu.memory_space<vmem>>) semaphore(%dma_start3A_617 : memref<!tpu.dma_semaphore, #tpu.memory_space<semaphore_mem>>)
      } else {
      }
    }
    %barrier3A_287 = arith.constant 0 : index
    tpu.barrier barrier_id(%barrier3A_287)
    %dma_start3A_288 = arith.constant 0 : i32
    %dma_start3A_289 = tpu.memref_slice %arg17[%dma_start3A_288] : memref<5x!tpu.dma_semaphore, #tpu.memory_space<semaphore_mem>> -> memref<1x!tpu.dma_semaphore, #tpu.memory_space<semaphore_mem>>
    %dma_start3A_290 = tpu.memref_squeeze %dma_start3A_289 : memref<1x!tpu.dma_semaphore, #tpu.memory_space<semaphore_mem>> -> memref<!tpu.dma_semaphore, #tpu.memory_space<semaphore_mem>>
    %dma_start3A_291 = arith.constant 0 : i32
    %dma_start3A_292 = tpu.memref_slice %arg6[%arg0, %mul3A_2, %dma_start3A_291] : memref<2x10240x64xf32, #tpu.memory_space<hbm>> -> memref<1x640x64xf32, #tpu.memory_space<hbm>>
    %dma_start3A_293 = tpu.memref_squeeze %dma_start3A_292 : memref<1x640x64xf32, #tpu.memory_space<hbm>> -> memref<640x64xf32, #tpu.memory_space<hbm>>
    %dma_start3A_294 = arith.constant 0 : i32
    %dma_start3A_295 = tpu.memref_slice %arg12[%mul3A_2, %dma_start3A_294] : memref<10240x64xf32, #tpu.memory_space<vmem_shared>> -> memref<640x64xf32, #tpu.memory_space<vmem_shared>>
    tpu.enqueue_dma source(%dma_start3A_295 : memref<640x64xf32, #tpu.memory_space<vmem_shared>>) target(%dma_start3A_293 : memref<640x64xf32, #tpu.memory_space<hbm>>) target_semaphore(%dma_start3A_290 : memref<!tpu.dma_semaphore, #tpu.memory_space<semaphore_mem>>)
    %dma_start3A_296 = arith.constant 1 : i32
    %dma_start3A_297 = tpu.memref_slice %arg17[%dma_start3A_296] : memref<5x!tpu.dma_semaphore, #tpu.memory_space<semaphore_mem>> -> memref<1x!tpu.dma_semaphore, #tpu.memory_space<semaphore_mem>>
    %dma_start3A_298 = tpu.memref_squeeze %dma_start3A_297 : memref<1x!tpu.dma_semaphore, #tpu.memory_space<semaphore_mem>> -> memref<!tpu.dma_semaphore, #tpu.memory_space<semaphore_mem>>
    %dma_start3A_299 = arith.constant 0 : i32
    %dma_start3A_300 = tpu.memref_slice %arg7[%arg0, %mul3A_2, %dma_start3A_299] : memref<2x10240x8xf32, #tpu.memory_space<hbm>> -> memref<1x640x8xf32, #tpu.memory_space<hbm>>
    %dma_start3A_301 = tpu.memref_squeeze %dma_start3A_300 : memref<1x640x8xf32, #tpu.memory_space<hbm>> -> memref<640x8xf32, #tpu.memory_space<hbm>>
    %dma_start3A_302 = arith.constant 0 : i32
    %dma_start3A_303 = tpu.memref_slice %arg13[%mul3A_2, %dma_start3A_302] : memref<10240x8xf32, #tpu.memory_space<vmem_shared>> -> memref<640x8xf32, #tpu.memory_space<vmem_shared>>
    tpu.enqueue_dma source(%dma_start3A_303 : memref<640x8xf32, #tpu.memory_space<vmem_shared>>) target(%dma_start3A_301 : memref<640x8xf32, #tpu.memory_space<hbm>>) target_semaphore(%dma_start3A_298 : memref<!tpu.dma_semaphore, #tpu.memory_space<semaphore_mem>>)
    %dma_wait3A_304 = arith.constant 0 : i32
    %dma_wait3A_305 = tpu.memref_slice %arg17[%dma_wait3A_304] : memref<5x!tpu.dma_semaphore, #tpu.memory_space<semaphore_mem>> -> memref<1x!tpu.dma_semaphore, #tpu.memory_space<semaphore_mem>>
    %dma_wait3A_306 = tpu.memref_squeeze %dma_wait3A_305 : memref<1x!tpu.dma_semaphore, #tpu.memory_space<semaphore_mem>> -> memref<!tpu.dma_semaphore, #tpu.memory_space<semaphore_mem>>
    %dma_wait3A_307 = arith.constant 0 : i32
    %dma_wait3A_308 = tpu.memref_slice %arg6[%arg0, %mul3A_2, %dma_wait3A_307] : memref<2x10240x64xf32, #tpu.memory_space<hbm>> -> memref<1x640x64xf32, #tpu.memory_space<hbm>>
    %dma_wait3A_309 = tpu.memref_squeeze %dma_wait3A_308 : memref<1x640x64xf32, #tpu.memory_space<hbm>> -> memref<640x64xf32, #tpu.memory_space<hbm>>
    %dma_wait3A_310 = arith.constant 0 : i32
    %dma_wait3A_311 = tpu.memref_slice %arg12[%mul3A_2, %dma_wait3A_310] : memref<10240x64xf32, #tpu.memory_space<vmem_shared>> -> memref<640x64xf32, #tpu.memory_space<vmem_shared>>
    tpu.wait_dma2 semaphore(%dma_wait3A_306 : memref<!tpu.dma_semaphore, #tpu.memory_space<semaphore_mem>>) src(%dma_wait3A_311 : memref<640x64xf32, #tpu.memory_space<vmem_shared>>) dst(%dma_wait3A_309 : memref<640x64xf32, #tpu.memory_space<hbm>>)
    %dma_wait3A_312 = arith.constant 1 : i32
    %dma_wait3A_313 = tpu.memref_slice %arg17[%dma_wait3A_312] : memref<5x!tpu.dma_semaphore, #tpu.memory_space<semaphore_mem>> -> memref<1x!tpu.dma_semaphore, #tpu.memory_space<semaphore_mem>>
    %dma_wait3A_314 = tpu.memref_squeeze %dma_wait3A_313 : memref<1x!tpu.dma_semaphore, #tpu.memory_space<semaphore_mem>> -> memref<!tpu.dma_semaphore, #tpu.memory_space<semaphore_mem>>
    %dma_wait3A_315 = arith.constant 0 : i32
    %dma_wait3A_316 = tpu.memref_slice %arg7[%arg0, %mul3A_2, %dma_wait3A_315] : memref<2x10240x8xf32, #tpu.memory_space<hbm>> -> memref<1x640x8xf32, #tpu.memory_space<hbm>>
    %dma_wait3A_317 = tpu.memref_squeeze %dma_wait3A_316 : memref<1x640x8xf32, #tpu.memory_space<hbm>> -> memref<640x8xf32, #tpu.memory_space<hbm>>
    %dma_wait3A_318 = arith.constant 0 : i32
    %dma_wait3A_319 = tpu.memref_slice %arg13[%mul3A_2, %dma_wait3A_318] : memref<10240x8xf32, #tpu.memory_space<vmem_shared>> -> memref<640x8xf32, #tpu.memory_space<vmem_shared>>
    tpu.wait_dma2 semaphore(%dma_wait3A_314 : memref<!tpu.dma_semaphore, #tpu.memory_space<semaphore_mem>>) src(%dma_wait3A_319 : memref<640x8xf32, #tpu.memory_space<vmem_shared>>) dst(%dma_wait3A_317 : memref<640x8xf32, #tpu.memory_space<hbm>>)
    return
  }
}

module attributes {stable_mosaic.version = 14 : i64} {
  func.func @_mm_body(%arg0: i32, %arg1: memref<1024x128xf32, #tpu.memory_space<vmem>>, %arg2: memref<128x64xf32, #tpu.memory_space<vmem>>, %arg3: memref<1024x64xf32, #tpu.memory_space<vmem>>) attributes {dimension_semantics = [#tpu.dimension_semantics<arbitrary>], iteration_bounds = array<i64: 10>, scalar_prefetch = 0 : i64, scratch_operands = 0 : i64, tpu.core_type = #tpu.core_type<tc>, window_params = [{transform_indices = @transform_0, window_bounds = array<i64: 1024, 128>}, {pipeline_mode = #tpu.pipeline_mode<synchronous>, transform_indices = @transform_1, window_bounds = array<i64: 128, 64>}, {transform_indices = @transform_2, window_bounds = array<i64: 1024, 64>}]} {
    %get3A = arith.constant 0 : index
    %get3A_0 = arith.constant 0 : index
    %get3A_1 = vector.load %arg1[%get3A, %get3A_0] : memref<1024x128xf32, #tpu.memory_space<vmem>>, vector<1024x128xf32>
    %get3A_2 = arith.constant 0 : index
    %get3A_3 = arith.constant 0 : index
    %get3A_4 = vector.load %arg2[%get3A_2, %get3A_3] : memref<128x64xf32, #tpu.memory_space<vmem>>, vector<128x64xf32>
    %dot_general3A = arith.constant dense<0.000000e+00> : vector<1024x64xf32>
    %dot_general3A_5 = tpu.matmul %get3A_1, %get3A_4, %dot_general3A {dimension_numbers = #tpu.dot_dimension_numbers<[1], [0], [0], [1], [0, 0, 1, 1], [], []>, transpose_lhs_hint = false} : vector<1024x128xf32>, vector<128x64xf32>, vector<1024x64xf32> -> vector<1024x64xf32>
    %swap3A = arith.constant 0 : index
    %swap3A_6 = arith.constant 0 : index
    %swap3A_7 = vector.load %arg3[%swap3A, %swap3A_6] : memref<1024x64xf32, #tpu.memory_space<vmem>>, vector<1024x64xf32>
    tpu.vector_store %arg3[%swap3A, %swap3A_6], %dot_general3A_5 {strides = array<i32>} : memref<1024x64xf32, #tpu.memory_space<vmem>>, vector<1024x64xf32>,
    return
  }
  func.func @transform_0(%arg0: i32) -> (i32, i32) {
    %c0_i32 = arith.constant 0 : i32
    %c0_i32_0 = arith.constant 0 : i32
    return %arg0, %c0_i32 : i32, i32
  }
  func.func @transform_1(%arg0: i32) -> (i32, i32) {
    %c0_i32 = arith.constant 0 : i32
    %c0_i32_0 = arith.constant 0 : i32
    %c0_i32_1 = arith.constant 0 : i32
    return %c0_i32, %c0_i32_0 : i32, i32
  }
  func.func @transform_2(%arg0: i32) -> (i32, i32) {
    %c0_i32 = arith.constant 0 : i32
    %c0_i32_0 = arith.constant 0 : i32
    return %arg0, %c0_i32 : i32, i32
  }
}

module attributes {stable_mosaic.version = 14 : i64} {
  func.func @_mid_body(%arg0: i32, %arg1: memref<2x1024x64xf32, #tpu.memory_space<vmem>>, %arg2: memref<2x1024x8xf32, #tpu.memory_space<vmem>>, %arg3: memref<64x32xf32, #tpu.memory_space<vmem>>, %arg4: memref<1x64xf32, #tpu.memory_space<vmem>>, %arg5: memref<1024x32xf32, #tpu.memory_space<vmem>>) attributes {dimension_semantics = [#tpu.dimension_semantics<arbitrary>], iteration_bounds = array<i64: 10>, scalar_prefetch = 0 : i64, scratch_operands = 0 : i64, tpu.core_type = #tpu.core_type<tc>, window_params = [{transform_indices = @transform_0, window_bounds = array<i64: 2, 1024, 64>}, {transform_indices = @transform_1, window_bounds = array<i64: 2, 1024, 8>}, {pipeline_mode = #tpu.pipeline_mode<synchronous>, transform_indices = @transform_2, window_bounds = array<i64: 64, 32>}, {pipeline_mode = #tpu.pipeline_mode<synchronous>, transform_indices = @transform_3, window_bounds = array<i64: 1, 64>}, {transform_indices = @transform_4, window_bounds = array<i64: 1024, 32>}]} {
    %get3A = arith.constant 0 : index
    %get3A_0 = arith.constant 0 : index
    %get3A_1 = arith.constant 0 : index
    %get3A_2 = vector.load %arg1[%get3A, %get3A_0, %get3A_1] : memref<2x1024x64xf32, #tpu.memory_space<vmem>>, vector<2x1024x64xf32>
    %get3A_3 = arith.constant 0 : index
    %get3A_4 = arith.constant 0 : index
    %get3A_5 = arith.constant 0 : index
    %get3A_6 = vector.load %arg2[%get3A_3, %get3A_4, %get3A_5] : memref<2x1024x8xf32, #tpu.memory_space<vmem>>, vector<2x1024x8xf32>
    %slice3A = vector.extract_strided_slice %get3A_6 {offsets = [0, 0, 0], sizes = [1, 1024, 1], strides = [1, 1, 1]} : vector<2x1024x8xf32> to vector<1x1024x1xf32>
    %squeeze3A = vector.shape_cast %slice3A : vector<1x1024x1xf32> to vector<1024xf32>
    %slice3A_7 = vector.extract_strided_slice %get3A_6 {offsets = [1, 0, 0], sizes = [1, 1024, 1], strides = [1, 1, 1]} : vector<2x1024x8xf32> to vector<1x1024x1xf32>
    %squeeze3A_8 = vector.shape_cast %slice3A_7 : vector<1x1024x1xf32> to vector<1024xf32>
    %add3A = arith.addf %squeeze3A, %squeeze3A_8 : vector<1024xf32>
    %max3A = arith.constant 1.000000e+00 : f32
    %max3A_9 = vector.broadcast %max3A : f32 to vector<1024xf32>
    %max3A_10 = arith.maximumf %add3A, %max3A_9 : vector<1024xf32>
    %slice3A_11 = vector.extract_strided_slice %get3A_2 {offsets = [0, 0, 0], sizes = [1, 1024, 64], strides = [1, 1, 1]} : vector<2x1024x64xf32> to vector<1x1024x64xf32>
    %squeeze3A_12 = vector.shape_cast %slice3A_11 : vector<1x1024x64xf32> to vector<1024x64xf32>
    %slice3A_13 = vector.extract_strided_slice %get3A_2 {offsets = [1, 0, 0], sizes = [1, 1024, 64], strides = [1, 1, 1]} : vector<2x1024x64xf32> to vector<1x1024x64xf32>
    %squeeze3A_14 = vector.shape_cast %slice3A_13 : vector<1x1024x64xf32> to vector<1024x64xf32>
    %add3A_15 = arith.addf %squeeze3A_12, %squeeze3A_14 : vector<1024x64xf32>
    %broadcast_in_dim3A = vector.shape_cast %max3A_10 : vector<1024xf32> to vector<1024x1xf32>
    %div3A = vector.broadcast %broadcast_in_dim3A : vector<1024x1xf32> to vector<1024x64xf32>
    %div3A_16 = arith.divf %add3A_15, %div3A : vector<1024x64xf32>
    %get3A_17 = arith.constant 0 : index
    %get3A_18 = arith.constant 0 : index
    %get3A_19 = vector.load %arg4[%get3A_17, %get3A_18] : memref<1x64xf32, #tpu.memory_space<vmem>>, vector<1x64xf32>
    %add3A_20 = vector.broadcast %get3A_19 : vector<1x64xf32> to vector<1024x64xf32>
    %add3A_21 = arith.addf %div3A_16, %add3A_20 : vector<1024x64xf32>
    %max3A_22 = arith.constant 0.000000e+00 : f32
    %max3A_23 = vector.broadcast %max3A_22 : f32 to vector<1024x64xf32>
    %max3A_24 = arith.maximumf %add3A_21, %max3A_23 : vector<1024x64xf32>
    %mul3A = arith.constant 1024 : i32
    %mul3A_25 = arith.muli %arg0, %mul3A : i32
    %iota3A = tpu.iota {dimensions = array<i32: 0>} : vector<1024x1xi32>
    %add3A_26 = vector.broadcast %mul3A_25 : i32 to vector<1024x1xi32>
    %add3A_27 = arith.addi %add3A_26, %iota3A : vector<1024x1xi32>
    %lt3A = arith.constant 10000 : i32
    %lt3A_28 = vector.broadcast %lt3A : i32 to vector<1024x1xi32>
    %lt3A_29 = arith.cmpi slt, %add3A_27, %lt3A_28 : vector<1024x1xi32>
    %jit3A = arith.constant 0.000000e+00 : f32
    %broadcast_in_dim3A_30 = vector.shape_cast %lt3A_29 : vector<1024x1xi1> to vector<1024x1xi1>
    %broadcast_in_dim3A_31 = vector.broadcast %broadcast_in_dim3A_30 : vector<1024x1xi1> to vector<1024x64xi1>
    %broadcast_in_dim3A_32 = vector.broadcast %jit3A : f32 to vector<1024x64xf32>
    %select_n3A = arith.select %broadcast_in_dim3A_31, %max3A_24, %broadcast_in_dim3A_32 : vector<1024x64xi1>, vector<1024x64xf32>
    %get3A_33 = arith.constant 0 : index
    %get3A_34 = arith.constant 0 : index
    %get3A_35 = vector.load %arg3[%get3A_33, %get3A_34] : memref<64x32xf32, #tpu.memory_space<vmem>>, vector<64x32xf32>
    %dot_general3A = arith.constant dense<0.000000e+00> : vector<1024x32xf32>
    %dot_general3A_36 = tpu.matmul %select_n3A, %get3A_35, %dot_general3A {dimension_numbers = #tpu.dot_dimension_numbers<[1], [0], [0], [1], [0, 0, 1, 1], [], []>, transpose_lhs_hint = false} : vector<1024x64xf32>, vector<64x32xf32>, vector<1024x32xf32> -> vector<1024x32xf32>
    %swap3A = arith.constant 0 : index
    %swap3A_37 = arith.constant 0 : index
    %swap3A_38 = vector.load %arg5[%swap3A, %swap3A_37] : memref<1024x32xf32, #tpu.memory_space<vmem>>, vector<1024x32xf32>
    tpu.vector_store %arg5[%swap3A, %swap3A_37], %dot_general3A_36 {strides = array<i32>} : memref<1024x32xf32, #tpu.memory_space<vmem>>, vector<1024x32xf32>,
    return
  }
  func.func @transform_0(%arg0: i32) -> (i32, i32, i32) {
    %c0_i32 = arith.constant 0 : i32
    %c0_i32_0 = arith.constant 0 : i32
    %c0_i32_1 = arith.constant 0 : i32
    return %c0_i32, %arg0, %c0_i32_0 : i32, i32, i32
  }
  func.func @transform_1(%arg0: i32) -> (i32, i32, i32) {
    %c0_i32 = arith.constant 0 : i32
    %c0_i32_0 = arith.constant 0 : i32
    %c0_i32_1 = arith.constant 0 : i32
    return %c0_i32, %arg0, %c0_i32_0 : i32, i32, i32
  }
  func.func @transform_2(%arg0: i32) -> (i32, i32) {
    %c0_i32 = arith.constant 0 : i32
    %c0_i32_0 = arith.constant 0 : i32
    %c0_i32_1 = arith.constant 0 : i32
    return %c0_i32, %c0_i32_0 : i32, i32
  }
  func.func @transform_3(%arg0: i32) -> (i32, i32) {
    %c0_i32 = arith.constant 0 : i32
    %c0_i32_0 = arith.constant 0 : i32
    %c0_i32_1 = arith.constant 0 : i32
    return %c0_i32, %c0_i32_0 : i32, i32
  }
  func.func @transform_4(%arg0: i32) -> (i32, i32) {
    %c0_i32 = arith.constant 0 : i32
    %c0_i32_0 = arith.constant 0 : i32
    return %arg0, %c0_i32 : i32, i32
  }
}

module attributes {stable_mosaic.version = 14 : i64} {
  func.func @_head_body(%arg0: i32, %arg1: memref<2x1024x32xf32, #tpu.memory_space<vmem>>, %arg2: memref<2x1024x8xf32, #tpu.memory_space<vmem>>, %arg3: memref<1x32xf32, #tpu.memory_space<vmem>>, %arg4: memref<1x1xf32, #tpu.memory_space<vmem>>, %arg5: memref<1x1xf32, #tpu.memory_space<vmem>>, %arg6: memref<1024x1xf32, #tpu.memory_space<vmem>>) attributes {dimension_semantics = [#tpu.dimension_semantics<arbitrary>], iteration_bounds = array<i64: 10>, scalar_prefetch = 0 : i64, scratch_operands = 0 : i64, tpu.core_type = #tpu.core_type<tc>, window_params = [{transform_indices = @transform_0, window_bounds = array<i64: 2, 1024, 32>}, {transform_indices = @transform_1, window_bounds = array<i64: 2, 1024, 8>}, {pipeline_mode = #tpu.pipeline_mode<synchronous>, transform_indices = @transform_2, window_bounds = array<i64: 1, 32>}, {pipeline_mode = #tpu.pipeline_mode<synchronous>, transform_indices = @transform_3, window_bounds = array<i64: 1, 1>}, {pipeline_mode = #tpu.pipeline_mode<synchronous>, transform_indices = @transform_4, window_bounds = array<i64: 1, 1>}, {transform_indices = @transform_5, window_bounds = array<i64: 1024, 1>}]} {
    %get3A = arith.constant 0 : index
    %get3A_0 = arith.constant 0 : index
    %get3A_1 = arith.constant 0 : index
    %get3A_2 = vector.load %arg1[%get3A, %get3A_0, %get3A_1] : memref<2x1024x32xf32, #tpu.memory_space<vmem>>, vector<2x1024x32xf32>
    %get3A_3 = arith.constant 0 : index
    %get3A_4 = arith.constant 0 : index
    %get3A_5 = arith.constant 0 : index
    %get3A_6 = vector.load %arg2[%get3A_3, %get3A_4, %get3A_5] : memref<2x1024x8xf32, #tpu.memory_space<vmem>>, vector<2x1024x8xf32>
    %slice3A = vector.extract_strided_slice %get3A_6 {offsets = [0, 0, 0], sizes = [1, 1024, 1], strides = [1, 1, 1]} : vector<2x1024x8xf32> to vector<1x1024x1xf32>
    %squeeze3A = vector.shape_cast %slice3A : vector<1x1024x1xf32> to vector<1024xf32>
    %slice3A_7 = vector.extract_strided_slice %get3A_6 {offsets = [1, 0, 0], sizes = [1, 1024, 1], strides = [1, 1, 1]} : vector<2x1024x8xf32> to vector<1x1024x1xf32>
    %squeeze3A_8 = vector.shape_cast %slice3A_7 : vector<1x1024x1xf32> to vector<1024xf32>
    %add3A = arith.addf %squeeze3A, %squeeze3A_8 : vector<1024xf32>
    %max3A = arith.constant 1.000000e+00 : f32
    %max3A_9 = vector.broadcast %max3A : f32 to vector<1024xf32>
    %max3A_10 = arith.maximumf %add3A, %max3A_9 : vector<1024xf32>
    %slice3A_11 = vector.extract_strided_slice %get3A_2 {offsets = [0, 0, 0], sizes = [1, 1024, 32], strides = [1, 1, 1]} : vector<2x1024x32xf32> to vector<1x1024x32xf32>
    %squeeze3A_12 = vector.shape_cast %slice3A_11 : vector<1x1024x32xf32> to vector<1024x32xf32>
    %slice3A_13 = vector.extract_strided_slice %get3A_2 {offsets = [1, 0, 0], sizes = [1, 1024, 32], strides = [1, 1, 1]} : vector<2x1024x32xf32> to vector<1x1024x32xf32>
    %squeeze3A_14 = vector.shape_cast %slice3A_13 : vector<1x1024x32xf32> to vector<1024x32xf32>
    %add3A_15 = arith.addf %squeeze3A_12, %squeeze3A_14 : vector<1024x32xf32>
    %broadcast_in_dim3A = vector.shape_cast %max3A_10 : vector<1024xf32> to vector<1024x1xf32>
    %div3A = vector.broadcast %broadcast_in_dim3A : vector<1024x1xf32> to vector<1024x32xf32>
    %div3A_16 = arith.divf %add3A_15, %div3A : vector<1024x32xf32>
    %get3A_17 = arith.constant 0 : index
    %get3A_18 = arith.constant 0 : index
    %get3A_19 = vector.load %arg3[%get3A_17, %get3A_18] : memref<1x32xf32, #tpu.memory_space<vmem>>, vector<1x32xf32>
    %add3A_20 = vector.broadcast %get3A_19 : vector<1x32xf32> to vector<1024x32xf32>
    %add3A_21 = arith.addf %div3A_16, %add3A_20 : vector<1024x32xf32>
    %max3A_22 = arith.constant 0.000000e+00 : f32
    %max3A_23 = vector.broadcast %max3A_22 : f32 to vector<1024x32xf32>
    %max3A_24 = arith.maximumf %add3A_21, %max3A_23 : vector<1024x32xf32>
    %reduce_sum3A = arith.constant dense<0.000000e+00> : vector<1024xf32>
    %reduce_sum3A_25 = vector.multi_reduction <add>, %max3A_24, %reduce_sum3A [1] : vector<1024x32xf32> to vector<1024xf32>
    %broadcast_in_dim3A_26 = vector.shape_cast %reduce_sum3A_25 : vector<1024xf32> to vector<1024x1xf32>
    %div3A_27 = arith.constant 3.200000e+01 : f32
    %div3A_28 = vector.broadcast %div3A_27 : f32 to vector<1024x1xf32>
    %div3A_29 = arith.divf %broadcast_in_dim3A_26, %div3A_28 : vector<1024x1xf32>
    %get3A_30 = arith.constant 0 : index
    %get3A_31 = arith.constant 0 : index
    %get3A_32 = vector.load %arg4[%get3A_30, %get3A_31] : memref<1x1xf32, #tpu.memory_space<vmem>>, vector<1x1xf32>
    %mul3A = vector.broadcast %get3A_32 : vector<1x1xf32> to vector<1024x1xf32>
    %mul3A_33 = arith.mulf %div3A_29, %mul3A : vector<1024x1xf32>
    %get3A_34 = arith.constant 0 : index
    %get3A_35 = arith.constant 0 : index
    %get3A_36 = vector.load %arg5[%get3A_34, %get3A_35] : memref<1x1xf32, #tpu.memory_space<vmem>>, vector<1x1xf32>
    %add3A_37 = vector.broadcast %get3A_36 : vector<1x1xf32> to vector<1024x1xf32>
    %add3A_38 = arith.addf %mul3A_33, %add3A_37 : vector<1024x1xf32>
    %neg3A = arith.constant 0.000000e+00 : f32
    %neg3A_39 = vector.broadcast %neg3A : f32 to vector<1024x1xf32>
    %neg3A_40 = arith.subf %neg3A_39, %add3A_38 : vector<1024x1xf32>
    %exp3A = math.exp %neg3A_40 : vector<1024x1xf32>
    %add3A_41 = arith.constant 1.000000e+00 : f32
    %add3A_42 = vector.broadcast %add3A_41 : f32 to vector<1024x1xf32>
    %add3A_43 = arith.addf %add3A_42, %exp3A : vector<1024x1xf32>
    %div3A_44 = arith.constant 1.000000e+00 : f32
    %div3A_45 = vector.broadcast %div3A_44 : f32 to vector<1024x1xf32>
    %div3A_46 = arith.divf %div3A_45, %add3A_43 : vector<1024x1xf32>
    %swap3A = arith.constant 0 : index
    %swap3A_47 = arith.constant 0 : index
    %swap3A_48 = vector.load %arg6[%swap3A, %swap3A_47] : memref<1024x1xf32, #tpu.memory_space<vmem>>, vector<1024x1xf32>
    tpu.vector_store %arg6[%swap3A, %swap3A_47], %div3A_46 {strides = array<i32>} : memref<1024x1xf32, #tpu.memory_space<vmem>>, vector<1024x1xf32>,
    return
  }
  func.func @transform_0(%arg0: i32) -> (i32, i32, i32) {
    %c0_i32 = arith.constant 0 : i32
    %c0_i32_0 = arith.constant 0 : i32
    %c0_i32_1 = arith.constant 0 : i32
    return %c0_i32, %arg0, %c0_i32_0 : i32, i32, i32
  }
  func.func @transform_1(%arg0: i32) -> (i32, i32, i32) {
    %c0_i32 = arith.constant 0 : i32
    %c0_i32_0 = arith.constant 0 : i32
    %c0_i32_1 = arith.constant 0 : i32
    return %c0_i32, %arg0, %c0_i32_0 : i32, i32, i32
  }
  func.func @transform_2(%arg0: i32) -> (i32, i32) {
    %c0_i32 = arith.constant 0 : i32
    %c0_i32_0 = arith.constant 0 : i32
    %c0_i32_1 = arith.constant 0 : i32
    return %c0_i32, %c0_i32_0 : i32, i32
  }
  func.func @transform_3(%arg0: i32) -> (i32, i32) {
    %c0_i32 = arith.constant 0 : i32
    %c0_i32_0 = arith.constant 0 : i32
    %c0_i32_1 = arith.constant 0 : i32
    return %c0_i32, %c0_i32_0 : i32, i32
  }
  func.func @transform_4(%arg0: i32) -> (i32, i32) {
    %c0_i32 = arith.constant 0 : i32
    %c0_i32_0 = arith.constant 0 : i32
    %c0_i32_1 = arith.constant 0 : i32
    return %c0_i32, %c0_i32_0 : i32, i32
  }
  func.func @transform_5(%arg0: i32) -> (i32, i32) {
    %c0_i32 = arith.constant 0 : i32
    %c0_i32_0 = arith.constant 0 : i32
    return %arg0, %c0_i32 : i32, i32
  }
}

</mosaic_0001>

<sc_bundles>
// kernel: kernel.10.cloned.1.call-start
scs
__scs_entry_jumppad:
0x0: {  	(pc) =	sbr.rel $0x88, $3  }
0x1: {  	(tag) =	ssettag $0x0;
	lr =	simm.s32 $0x1  }
0x2: {  	[smem:$0x3F99] =	sst lr;
	_ =	strace $0xD0000000  }
0x3: {  	_ = 	snop  }
0x4: {  	_ = 	snop  }
0x5: {  	_ = 	snop  }
0x6: {  	_ = 	snop  }
0x7: {  	_ = 	snop  }
__scs_overlays_trampoline_lowered:
0x8: {  	[smem:$0x3FA8] =	sst s0  }
0x9: {  	[smem:$0x3FA9] =	sst s1  }
0xa: {  	[smem:$0x3FAA] =	sst s2  }
0xb: {  	[smem:$0x3FAB] =	sst s3  }
0xc: {  	[smem:$0x3FAC] =	sst s4  }
0xd: {  	[smem:$0x3FAD] =	sst s5  }
0xe: {  	[smem:$0x3FAE] =	sst s6  }
0xf: {  	[smem:$0x3FAF] =	sst s7  }
0x10: {  	[smem:$0x3FB0] =	sst s8  }
0x11: {  	[smem:$0x3FB1] =	sst s9;
	s0 =	simm.s32 @!p0 $0x0  }
0x12: {  	s1 =	sld [smem:$0x3F97];
	s0 =	simm.s32 @p0 $0x1  }
0x13: {  	[smem:$0x3FB2] =	sst s0;
	s0 =	simm.s32 @!p1 $0x0  }
0x14: {  	s2 =	sld [smem:$0x3F96];
	s0 =	simm.s32 @p1 $0x1  }
0x15: {  	[smem:$0x3FB3] =	sst s0;
	s0 =	simm.s32 @!p2 $0x0  }
0x16: {  	s3 =	sld [smem:$0x3FDB];
	s0 =	simm.s32 @p2 $0x1  }
0x17: {  	s4 =	simm.s32 $0x1BF5;
	[smem:$0x3FB5] =	sst s0  }
0x18: {  	s0 =	sld [smem:$0x3F98];
	_ =	swait.ge [sflag:s4], $0x0  }
0x19: {  	s7 =	sld [smem:$0x3F99]  }
0x1a: {  	s8 =	sadd.s32 $0xFFFFE003, lr  }
0x1b: {  	s9 =	sadd.s32 $0xFFFFFEF7, lr;
	s5 =	simm.s32 $0xFFFFFFFF;
	p2 =	slt.u32 s8, $0xFFFFF086  }
0x1c: {  	p1 =	slt.u32 s9, $0xF7A;
	s5 =	simm.s32 @!p2 $0x0  }
0x1d: {  	s5 =	simm.s32 @p1 $0x1;
	p0 =	seq.s32 s7, s2  }
0x1e: {  	s7 =	smul.u32 @!p0 $0xF7A, s2;
	p2 =	seq.s32 @!p0 s5, $0x0  }
0x1f: {  	s9 =	smul.u32 $0xF7A, s1;
	s8 =	simm.s32 @!p0 $0x1BF5;
	p2 =	por !p2, p0  }
0x20: {  	[sflag:s8] =	ssyncset.s32 @!p0 $0xFFFFF086;
	s6 =	sadd.s32 @!p0 s3, s7;
	s7 =	simm.s32 @!p0 $0x108  }
0x21: {  	s3 =	sadd.s32 s3, s9;
	s6 =	sadd.s32 @!p0 $0x88, s6;
	s7 =	simm.s32 @p2 $0x1082  }
0x22: {  	[simem:s7], [sflag:s8] =	dma.local @!p0 [hbm:s6], $0xF7A  }
0x23: {  	s9 =	sor.u32 $0xD0000000, s2;
	s6 =	simm.s32 $0x108;
	_ =	swait.ge @!p0 [sflag:s8], $0x0  }
0x24: {  	s3 =	sadd.s32 $0x88, s3;
	s6 =	simm.s32 @!p1 $0x1082;
	[sflag:s4] =	ssyncset.s32 $0xFFFFF086  }
0x25: {  	[simem:s6], [sflag:s4] =	dma.local [hbm:s3], $0xF7A  }
0x26: {  	[smem:$0x3F99] =	sst s1;
	(tag) =	ssettag s2;
	_ =	strace s9  }
0x27: {  	s1 =	sld [smem:$0x3FA9]  }
0x28: {  	s2 =	sld [smem:$0x3FAA]  }
0x29: {  	s4 =	sld [smem:$0x3FAC]  }
0x2a: {  	p0 =	seq.s32 s5, $0x0;
	s5 =	sld [smem:$0x3FAD]  }
0x2b: {  	s6 =	sld [smem:$0x3FAE]  }
0x2c: {  	s7 =	sld [smem:$0x3FAF]  }
0x2d: {  	s3 =	simm.s32 $0x108;
	s8 =	sld [smem:$0x3FB0]  }
0x2e: {  	s3 =	simm.s32 @!p0 $0x1082;
	s9 =	sld [smem:$0x3FB1]  }
0x2f: {  	lr =	sadd.s32 s0, s3;
	s0 =	sld [smem:$0x3FA8]  }
0x30: {  	s3 =	sld [smem:$0x3FAB]  }
0x31: {  	[smem:$0x3FB4] =	sst s10  }
0x32: {  	s10 =	sld [smem:$0x3FB2];
	_ =	sdelay $0x3  }
0x33: {  	p0 =	seq.s32 s10, $0x1;
	s10 =	sld [smem:$0x3FB4];
	_ =	sdelay $0x3  }
0x34: {  	[smem:$0x3FB4] =	sst s10  }
0x35: {  	s10 =	sld [smem:$0x3FB3];
	_ =	sdelay $0x3  }
0x36: {  	p1 =	seq.s32 s10, $0x1;
	s10 =	sld [smem:$0x3FB4];
	_ =	sdelay $0x3  }
0x37: {  	[smem:$0x3FB4] =	sst s10  }
0x38: {  	s10 =	sld [smem:$0x3FB5]  }
0x39: {  	_ = 	snop;
	(pc) =	sbr.ind lr, $3  }
0x3a: {  	_ = 	snop  }
0x3b: {  	_ = 	snop  }
0x3c: {  	p2 =	seq.s32 s10, $0x1;
	s10 =	sld [smem:$0x3FB4]  }
0x3d: {  	_ =	shalt  }
0x3e: {  	_ =	shalt  }
0x3f: {  	_ =	shalt  }
0x40: {  	_ =	shalt  }
0x41: {  	_ =	shalt  }
0x42: {  	_ =	shalt  }
0x43: {  	_ =	shalt  }
0x44: {  	_ =	shalt  }
0x45: {  	_ =	shalt  }
0x46: {  	_ =	shalt  }
0x47: {  	_ =	shalt  }
0x48: {  	_ =	shalt  }
0x49: {  	_ =	shalt  }
0x4a: {  	_ =	shalt  }
0x4b: {  	_ =	shalt  }
0x4c: {  	_ =	shalt  }
0x4d: {  	_ =	shalt  }
0x4e: {  	_ =	shalt  }
0x4f: {  	_ =	shalt  }
0x50: {  	_ =	shalt  }
0x51: {  	_ =	shalt  }
0x52: {  	_ =	shalt  }
0x53: {  	_ =	shalt  }
0x54: {  	_ =	shalt  }
0x55: {  	_ =	shalt  }
0x56: {  	_ =	shalt  }
0x57: {  	_ =	shalt  }
0x58: {  	_ =	shalt  }
0x59: {  	_ =	shalt  }
0x5a: {  	_ =	shalt  }
0x5b: {  	_ =	shalt  }
0x5c: {  	_ =	shalt  }
0x5d: {  	_ =	shalt  }
0x5e: {  	_ =	shalt  }
0x5f: {  	_ =	shalt  }
0x60: {  	_ =	shalt  }
0x61: {  	_ =	shalt  }
0x62: {  	_ =	shalt  }
0x63: {  	_ =	shalt  }
0x64: {  	_ =	shalt  }
0x65: {  	_ =	shalt  }
0x66: {  	_ =	shalt  }
0x67: {  	_ =	shalt  }
0x68: {  	_ =	shalt  }
0x69: {  	_ =	shalt  }
0x6a: {  	_ =	shalt  }
0x6b: {  	_ =	shalt  }
0x6c: {  	_ =	shalt  }
0x6d: {  	_ =	shalt  }
0x6e: {  	_ =	shalt  }
0x6f: {  	_ =	shalt  }
0x70: {  	_ =	shalt  }
0x71: {  	_ =	shalt  }
0x72: {  	_ =	shalt  }
0x73: {  	_ =	shalt  }
0x74: {  	_ =	shalt  }
0x75: {  	_ =	shalt  }
0x76: {  	_ =	shalt  }
0x77: {  	_ =	shalt  }
0x78: {  	_ =	shalt  }
0x79: {  	_ =	shalt  }
0x7a: {  	_ =	shalt  }
0x7b: {  	_ =	shalt  }
0x7c: {  	_ =	shalt  }
0x7d: {  	_ =	shalt  }
0x7e: {  	_ =	shalt  }
0x7f: {  	_ =	shalt  }
0x80: {  	_ =	shalt  }
0x81: {  	_ =	shalt  }
0x82: {  	_ =	shalt  }
0x83: {  	_ =	shalt  }
0x84: {  	_ =	shalt  }
0x85: {  	_ =	shalt  }
0x86: {  	_ =	shalt  }
0x87: {  	_ =	shalt  }
.Lfunc_end0:
.L_simem_size_0:
called_computation.1_lowered:
.L_overlay_start_0:
0x88: {  	s2 =	sld [smem:$0x3FD9]  }
0x89: {  	s3 =	sld [smem:$0x3FFE];
	_ =	sdelay $0x1  }
0x8a: {  	s1 =	srdreg.scid  }
0x8b: {  	s0 =	sand.u32 $0x1, s1  }
0x8c: {  	s16 =	sshll.u32 s0, $0xA;
	s2 =	sadd.s32 s3, s2  }
0x8d: {  	s2 =	sadd.s32 s2, s16  }
0x8e: {  	[smem:$0x3FC0] =	sst s2  }
0x8f: {  	_ = 	snop  }
0x90: {  	(tm) =	ssettm $0x1  }
0x91: {  	s17 =	sld [smem:$0x3FFB];
	_ =	sdelay $0x3  }
0x92: {  	_ =	strace s17  }
0x93: {  	s2 =	sld [smem:$0x3FFC];
	_ =	sdelay $0x3  }
0x94: {  	_ =	strace s2  }
0x95: {  	s2 =	sld [smem:$0x3FFD];
	_ =	sdelay $0x3  }
0x96: {  	_ =	strace s2  }
0x97: {  	_ =	strace $0x8FFFFFFF  }
0x98: {  	s18 =	sld [smem:$0x3FDB];
	_ =	sdelay $0x1  }
0x99: {  	s19 =	simm.s32 $_scs_section_size  }
0x9a: {  	s4 =	simm.s32 $_size__tile_overlayer_lowered;
	s5 =	simm.s32 $_tile_overlayer_lowered  }
0x9b: {  	s22 =	simm.s32 $0x1BFF;
	s21 =	sshll.u32 s5, $0x1;
	s2 =	sadd.s32 s19, s18  }
0x9c: {  	s6 =	simm.s32 $0x0;
	s20 =	sshll.u32 s4, $0x1;
	s4 =	sadd.s32 s21, s2  }
0x9d: {  	[timem:s6], [sflag:s22] =	dma.local [hbm:s4], s20  }
0x9e: {  	_ =	swait.ge [sflag:s22], s20  }
0x9f: {  	s3 =	ssub.s32 $0x0, s20;
	[sflag:s22] =	ssyncset.done $0x0  }
0xa0: {  	[sflag:s22] =	ssyncadd.s32 s3;
	_ =	sdelay $0x1  }
0xa1: {  	s23 =	simm.s32 $0x1B8B  }
0xa2: {  	_ =	swait.ge [sflag:s23], $0x1  }
0xa3: {  	[sflag:s23] =	ssyncset.done $0x0  }
0xa4: {  	s25 =	simm.s32 $0x1B8E;
	s24 =	sld [smem:$0x3FFE];
	[sflag:s23] =	ssyncadd.s32 $0xFFFFFFFF  }
0xa5: {  	s26 =	simm.s32 $execute0_lowered;
	[smem:$0x3FD2] =	sst s25  }
0xa6: {  	s4 =	sshll.u32 s26, $0x1;
	_ =	strace $0x80000049;
	[dreg:$0x1] =	wrdreg $0xFFFFFFFF  }
0xa7: {  	s28 =	simm.s32 $_size_execute0_lowered;
	s2 =	sadd.s32 s2, s4;
	[dreg:$0x0] =	wrdreg $0x0  }
0xa8: {  	s4 =	sshll.u32 s28, $0x1;
	[dreg:$0x2] =	wrdreg s2  }
0xa9: {  	[dreg:$0x3] =	wrdreg s4  }
0xaa: {  	[dreg:$0x4] =	wrdreg $0xC0  }
0xab: {  	_ =	task [dreg:s6], $0x5FFFF  }
0xac: {  	[dreg:$0x1] =	wrdreg $0xFFFFFFFF  }
0xad: {  	[dreg:$0x0] =	wrdreg $0x60  }
0xae: {  	[dreg:$0x2] =	wrdreg s24  }
0xaf: {  	[dreg:$0x3] =	wrdreg $0xB8000  }
0xb0: {  	[dreg:$0x4] =	wrdreg $0x9  }
0xb1: {  	_ =	task.clear_ibuf [dreg:s6], $0x5FFFF;
	_ =	strace $0x90000049  }
0xb2: {  	s29 =	simm.s32 $0x9;
	_ =	strace $0x8000004B  }
0xb3: {  	_ =	swait.ge [sflag:s29], $0x1  }
0xb4: {  	[sflag:s29] =	ssyncadd.s32 $0xFFFFFFFF  }
0xb5: {  	_ =	strace $0x9000004B  }
0xb6: {  	_ =	sfence  }
0xb7: {  	s30 =	sld [smem:$0x0];
	_ =	sdelay $0x2  }
0xb8: {  	s31 =	sshll.u32 s1, $0xD;
	s1 =	sshrl.u32 s1, $0x2  }
0xb9: {  	s3 =	sand.u32 $0x4000, s31;
	s1 =	sadd.s32 s1, s30  }
0xba: {  	s0 =	sor.u32 s3, s0;
	s1 =	sshll.u32 s1, $0x11  }
0xbb: {  	s0 =	sor.u32 s1, s0  }
0xbc: {  	s0 =	sadd.s32 $0x8F2B, s0  }
0xbd: {  	[sflag:s0] =	ssyncadd.remote.s32 $0x1  }
0xbe: {  	_ =	sfence.sel $0xFFFF  }
0xbf: {  	[dreg:$0x0] =	wrdreg $0xFFFFFFFF;
	(pc) =	sbr.abs _section_cstart, $3  }
0xc0: {  	[dreg:$0x1] =	wrdreg $0xFFFFFFFF  }
0xc1: {  	_ =	task.clear_ibuf [dreg:s6], $0x2FFFF;
	_ =	strace $0x9FFFFFFF  }
0xc2: {  	(tm) =	ssettm $0x7FFFFFFF  }
0xc3: {  	_ =	shalt  }
tec
execute0_lowered:
.L_overlay_start_1:
0x0: {  	(tag) =	ssettag $0x1  }
0x1: {  	s0 =	rddreg [dreg:$0x0]  }
0x2: {  	s2 =	rddreg [dreg:$0x1]  }
0x3: {  	s1 =	srdreg.scid;
	s12 =	stileid.u32  }
0x4: {  	s3 =	simm.s32 $0x0;
	s17 =	simm.s32 $0x7800;
	s18 =	simm.s32 $0x9  }
0x5: {  	s19 =	simm.s32 $0x80;
	s20 =	simm.s32 $0x8800;
	s6 =	smul.u32 $0x5000, s12  }
0x6: {  	s28 =	simm.s32 $0x3;
	s29 =	simm.s32 $0x4;
	s10 =	smul.u32 $0x14000, s12  }
0x7: {  	s30 =	simm.s32 $0x5;
	s31 =	simm.s32 $0x6;
	s11 =	smul.u32 $0x1400, s12  }
0x8: {  	s1 =	sand.u32 $0x1, s1;
	[smem:$0x7FF] =	sst s3;
	s12 =	smul.u32 $0x3C00, s12  }
0x9: {  	s7 =	sadd.s32 $0x15000, s0;
	s4 =	smul.u32 $0x50000, s1;
	s5 =	ssub.s32 $0x2, s1  }
0xa: {  	_ =	strace $0x8000004A;
	p0 =	seq.s32 s1, $0x0;
	s9 =	sshrl.u32 s5, $0x1  }
0xb: {  	s21 =	sshrl.u32 s10, $0x2;
	s11 =	sshrl.u32 s11, $0x3;
	s12 =	sshrl.u32 s12, $0x3  }
0xc: {  	s4 =	sadd.s32 s6, s4;
	s16 =	ssub.s32 s5, s9;
	s5 =	simm.s32 $0x78  }
0xd: {  	s10 =	sadd.s32 s21, s2;
	s6 =	sadd.s32 s6, s2;
	s13 =	sadd.s32 s7, s11  }
0xe: {  	s12 =	sadd.s32 s7, s12;
	s21 =	simm.s32 $0xC;
	s8 =	sshrl.u32 s4, $0x3  }
0xf: {  	s4 =	sadd.s32 $0x1000, s0;
	s5 =	simm.s32 @!p0 $0x28;
	s22 =	sadd.s32 $0x2000, s10  }
0x10: {  	s23 =	sadd.s32 $0x3000, s10;
	s24 =	sadd.s32 $0x4000, s10;
	s25 =	sadd.s32 $0x7800, s13  }
0x11: {  	s13 =	sadd.s32 $0x11800, s13;
	s14 =	sadd.s32 $0xA000, s12;
	[dreg:$0x5] =	wrdreg s22  }
0x12: {  	s16 =	smax.u32 s16, $0x1;
	p0 =	sne.s32 s1, $0x0;
	[dreg:$0x6] =	wrdreg s23  }
0x13: {  	s1 =	simm.s32 $0x8;
	s0 =	sadd.s32 s8, s0;
	[dreg:$0x7] =	wrdreg s24  }
0x14: {  	s8 =	sadd.s32 $0x1000, s10;
	[dreg:$0x8] =	wrdreg s25;
	s26 =	sshll.u32 s5, $0x9  }
0x15: {  	s22 =	simm.s32 $0x9800;
	s24 =	simm.s32 $0xA800;
	s25 =	simm.s32 $0x1  }
0x16: {  	[dreg:$0x4] =	wrdreg s8;
	s7 =	sadd.s32 $0xFFFFF800, s26;
	s15 =	sadd.s32 $0x29000, s0  }
0x17: {  	v0 =	vimm.f32 $0.0e+00;
	s26 =	simm.s32 $0x2;
	s0 =	simm.s32 $0x7;
	[dreg:$0x3] =	wrdreg s7  }
.LBB2_1:
0x18: {  	s7 =	simm.s32 $0x80;
	s23 =	simm.s32 $0x0  }
.LBB2_2:
0x19: {  	p1 =	sne.s32 s7, $0x3F80;
	[tilespmem:s23+$0x7800] =	vst v0;
	s8 =	smov.u32 s7;
	s7 =	sadd.s32 $0x80, s7  }
.Ltmp0:
0x1a: {  	[tilespmem:s23+$0x7810] =	vst v0;
	(pc) =	sbr.rel @p1 .LBB2_2-.Ltmp0, $2  }
0x1b: {  	_ =	sdelay $0x2  }
0x1c: {  	s23 =	sshra.s32 s8, $0x2  }
0x1d: {  	[tilespmem:s23+$0x7800] =	vst v0  }
0x1e: {  	[tilespmem:s23+$0x7810] =	vst v0  }
0x1f: {  	[spmem:s6] =	stream.linear.scatter [tilespmem:s17], [sflag:$0x9], $0x1000, $0x38;
	[tilespmem:$0x10800] =	vst v63  }
0x20: {  	s7 =	rddreg [dreg:$0x4]  }
0x21: {  	[spmem:s7] =	stream.linear.scatter [tilespmem:s17], [sflag:$0x9], $0x1000, $0x38;
	[tilespmem:$0x10800] =	vst v63  }
0x22: {  	s23 =	rddreg [dreg:$0x5]  }
0x23: {  	[spmem:s23] =	stream.linear.scatter [tilespmem:s17], [sflag:$0x9], $0x1000, $0x38;
	[tilespmem:$0x10800] =	vst v63  }
0x24: {  	s8 =	rddreg [dreg:$0x6]  }
0x25: {  	[spmem:s8] =	stream.linear.scatter [tilespmem:s17], [sflag:$0x9], $0x1000, $0x38;
	[tilespmem:$0x10800] =	vst v63  }
0x26: {  	s9 =	rddreg [dreg:$0x7]  }
0x27: {  	[spmem:s9] =	stream.linear.scatter [tilespmem:s17], [sflag:$0x9], $0x1000, $0x38;
	[tilespmem:$0x10800] =	vst v63  }
0x28: {  	s7 =	simm.s32 @p0 $0x0;
	s8 =	rddreg [dreg:$0x8]  }
0x29: {  	[tilespmem:s7], [sflag:$0xA] =	stream.linear.gather @p0 [hbm4b:s8+s7], $0x1400, $0x38;
	[tilespmem:$0x10800] =	vst v63  }
0x2a: {  	s8 =	simm.s32 @p0 $0x3C00  }
0x2b: {  	[tilespmem:s8], [sflag:$0xB] =	stream.linear.gather @p0 [hbm4b:s13+s7], $0x1400, $0x38;
	[tilespmem:$0x10800] =	vst v63  }
0x2c: {  	s7 =	simm.s32 @p0 $0xA  }
0x2d: {  	_ =	swait.ge @p0 [sflag:s7], $0x1400  }
0x2e: {  	[sflag:s7] =	ssyncset.done @p0 $0x0  }
0x2f: {  	[sflag:s7] =	ssyncadd.s32 @p0 $0xFFFFEC00;
	s7 =	simm.s32 @p0 $0xB  }
0x30: {  	_ =	swait.ge @p0 [sflag:s7], $0x1400  }
0x31: {  	[sflag:s7] =	ssyncset.done @p0 $0x0  }
0x32: {  	[sflag:s7] =	ssyncadd.s32 @p0 $0xFFFFEC00;
	s7 =	simm.s32 @!p0 $0x0  }
0x33: {  	[tilespmem:s7], [sflag:$0xA] =	stream.linear.gather @!p0 [hbm4b:s12+s7], $0x3C00, $0x38;
	[tilespmem:$0x10800] =	vst v63  }
0x34: {  	s8 =	simm.s32 @!p0 $0x3C00  }
0x35: {  	[tilespmem:s8], [sflag:$0xB] =	stream.linear.gather @!p0 [hbm4b:s14+s7], $0x3C00, $0x38;
	[tilespmem:$0x10800] =	vst v63  }
0x36: {  	s7 =	simm.s32 @!p0 $0xA  }
0x37: {  	_ =	swait.ge @!p0 [sflag:s7], $0x3C00  }
0x38: {  	[sflag:s7] =	ssyncset.done @!p0 $0x0  }
0x39: {  	[sflag:s7] =	ssyncadd.s32 @!p0 $0xFFFFC400;
	s7 =	simm.s32 @!p0 $0xB  }
0x3a: {  	_ =	swait.ge @!p0 [sflag:s7], $0x3C00  }
0x3b: {  	[sflag:s7] =	ssyncset.done @!p0 $0x0  }
0x3c: {  	[sflag:s7] =	ssyncadd.s32 @!p0 $0xFFFFC400  }
0x3d: {  	_ =	swait.ge [sflag:s18], $0x1000  }
0x3e: {  	[sflag:s18] =	ssyncset.done $0x0  }
0x3f: {  	[sflag:s18] =	ssyncadd.s32 $0xFFFFF000  }
0x40: {  	_ =	swait.ge [sflag:s18], $0x1000  }
0x41: {  	[sflag:s18] =	ssyncset.done $0x0  }
0x42: {  	[sflag:s18] =	ssyncadd.s32 $0xFFFFF000  }
0x43: {  	_ =	swait.ge [sflag:s18], $0x1000  }
0x44: {  	[sflag:s18] =	ssyncset.done $0x0  }
0x45: {  	[sflag:s18] =	ssyncadd.s32 $0xFFFFF000  }
0x46: {  	_ =	swait.ge [sflag:s18], $0x1000  }
0x47: {  	[sflag:s18] =	ssyncset.done $0x0  }
0x48: {  	[sflag:s18] =	ssyncadd.s32 $0xFFFFF000  }
0x49: {  	_ =	swait.ge [sflag:s18], $0x1000  }
0x4a: {  	[sflag:s18] =	ssyncset.done $0x0  }
0x4b: {  	s23 =	simm.s32 $0x0;
	[sflag:s18] =	ssyncadd.s32 $0xFFFFF000  }
0x4c: {  	[tilespmem:s17], [sflag:$0x1] =	stream.indirect.gather [hbm4b:s4+s19], $0x20, s23, s19, $0xb8;
	[tilespmem:$0x10800] =	vst v63  }
0x4d: {  	_ = 	snop  }
0x4e: {  	[tilespmem:s20], [sflag:$0x2] =	stream.indirect.gather [hbm4b:s4+s19], $0x20, s19, s19, $0xb8;
	[tilespmem:$0x10800] =	vst v63  }
0x4f: {  	s10 =	simm.s32 $0x100  }
0x50: {  	[tilespmem:s22], [sflag:$0x3] =	stream.indirect.gather [hbm4b:s4+s19], $0x20, s10, s19, $0xb8;
	[tilespmem:$0x10800] =	vst v63  }
0x51: {  	s11 =	simm.s32 $0x180  }
0x52: {  	[tilespmem:s24], [sflag:$0x4] =	stream.indirect.gather [hbm4b:s4+s19], $0x20, s11, s19, $0xb8;
	[tilespmem:$0x10800] =	vst v63  }
0x53: {  	s7 =	simm.s32 $0x7;
	[bflag:$0x0] =	sbarrier.arrive $0xFFFF  }
.LBB2_4:
0x54: {  	_ =	swait.ge [sflag:s25], $0x1000  }
0x55: {  	s8 =	sshra.s32 s23, $0x2;
	[sflag:s25] =	ssyncset.done $0x0  }
0x56: {  	s9 =	sadd.s32 $0x3C00, s8;
	[sflag:s25] =	ssyncadd.s32 $0xFFFFF000  }
0x57: {  	[spmem:s2] =	stream.indirect.scatter.add.f32 [tilespmem:s17], [sflag:$0x5], $0x20, s9, s19, $0xb8;
	[tilespmem:$0x10800] =	vst v63  }
0x58: {  	_ =	swait.ge [sflag:s26], $0x1000  }
0x59: {  	[sflag:s26] =	ssyncset.done $0x0  }
0x5a: {  	s10 =	sadd.s32 $0x3C80, s8;
	[sflag:s26] =	ssyncadd.s32 $0xFFFFF000  }
0x5b: {  	[spmem:s2] =	stream.indirect.scatter.add.f32 [tilespmem:s20], [sflag:$0x6], $0x20, s10, s19, $0xb8;
	[tilespmem:$0x10800] =	vst v63  }
0x5c: {  	_ =	swait.ge [sflag:s28], $0x1000  }
0x5d: {  	[sflag:s28] =	ssyncset.done $0x0  }
0x5e: {  	s11 =	sadd.s32 $0x3D00, s8;
	[sflag:s28] =	ssyncadd.s32 $0xFFFFF000  }
0x5f: {  	[spmem:s2] =	stream.indirect.scatter.add.f32 [tilespmem:s22], [sflag:$0x7], $0x20, s11, s19, $0xb8;
	[tilespmem:$0x10800] =	vst v63  }
0x60: {  	_ =	swait.ge [sflag:s29], $0x1000  }
0x61: {  	[sflag:s29] =	ssyncset.done $0x0  }
0x62: {  	s8 =	sadd.s32 $0x3D80, s8;
	s9 =	sadd.s32 $0xFFFFFFFD, s7;
	[sflag:s29] =	ssyncadd.s32 $0xFFFFF000  }
0x63: {  	[spmem:s2] =	stream.indirect.scatter.add.f32 [tilespmem:s24], [sflag:$0x8], $0x20, s8, s19, $0xb8;
	[tilespmem:$0x10800] =	vst v63  }
0x64: {  	p1 =	sge.u32 s9, s5;
	_ =	swait.ge [sflag:s30], $0x1000  }
0x65: {  	s9 =	simm.s32 @!p1 $0x80;
	s8 =	sshra.s32 @!p1 s23, $0x2;
	[sflag:s30] =	ssyncset.done $0x0  }
0x66: {  	s10 =	simm.s32 @!p1 $0x7800;
	s8 =	sadd.s32 @!p1 $0x200, s8;
	[sflag:s30] =	ssyncadd.s32 $0xFFFFF000  }
0x67: {  	[tilespmem:s10], [sflag:$0x1] =	stream.indirect.gather @!p1 [hbm4b:s4+s9], $0x20, s8, s9, $0xb8;
	[tilespmem:$0x10800] =	vst v63  }
0x68: {  	s10 =	sadd.s32 $0xFFFFFFFE, s7  }
0x69: {  	s11 =	sadd.s32 $0xFFFFFFFF, s7;
	_ =	swait.ge [sflag:s31], $0x1000;
	p1 =	sge.u32 s10, s5  }
0x6a: {  	[sflag:s31] =	ssyncset.done $0x0;
	s8 =	sshra.s32 @!p1 s23, $0x2;
	s9 =	simm.s32 @!p1 $0x80  }
0x6b: {  	s10 =	simm.s32 @!p1 $0x8800;
	[sflag:s31] =	ssyncadd.s32 $0xFFFFF000;
	s8 =	sadd.s32 @!p1 $0x280, s8  }
0x6c: {  	[tilespmem:s10], [sflag:$0x2] =	stream.indirect.gather @!p1 [hbm4b:s4+s9], $0x20, s8, s9, $0xb8;
	[tilespmem:$0x10800] =	vst v63  }
0x6d: {  	p1 =	sge.u32 s11, s5;
	_ =	swait.ge [sflag:s0], $0x1000  }
0x6e: {  	s8 =	sshra.s32 @!p1 s23, $0x2;
	s9 =	simm.s32 @!p1 $0x80;
	[sflag:s0] =	ssyncset.done $0x0  }
0x6f: {  	s10 =	simm.s32 @!p1 $0x9800;
	s8 =	sadd.s32 @!p1 $0x300, s8;
	[sflag:s0] =	ssyncadd.s32 $0xFFFFF000  }
0x70: {  	[tilespmem:s10], [sflag:$0x3] =	stream.indirect.gather @!p1 [hbm4b:s4+s9], $0x20, s8, s9, $0xb8;
	[tilespmem:$0x10800] =	vst v63  }
0x71: {  	p1 =	sge.u32 s7, s5  }
0x72: {  	_ =	swait.ge [sflag:s1], $0x1000;
	s8 =	sshra.s32 @!p1 s23, $0x2;
	s9 =	simm.s32 @!p1 $0x80  }
0x73: {  	s10 =	simm.s32 @!p1 $0xA800;
	s23 =	sadd.s32 $0x800, s23;
	[sflag:s1] =	ssyncset.done $0x0  }
0x74: {  	s8 =	sadd.s32 @!p1 $0x380, s8;
	s11 =	rddreg [dreg:$0x3];
	[sflag:s1] =	ssyncadd.s32 $0xFFFFF000  }
0x75: {  	[tilespmem:s10], [sflag:$0x4] =	stream.indirect.gather @!p1 [hbm4b:s4+s9], $0x20, s8, s9, $0xb8;
	[tilespmem:$0x10800] =	vst v63  }
0x76: {  	p1 =	sne.s32 s11, s23  }
.Ltmp1:
0x77: {  	_ = 	snop;
	(pc) =	sbr.rel @p1 .LBB2_4-.Ltmp1, $2  }
0x78: {  	_ =	sdelay $0x2  }
0x79: {  	s7 =	sadd.s32 $0x4, s7  }
0x7a: {  	_ =	swait.ge [sflag:s25], $0x1000  }
0x7b: {  	s8 =	sshra.s32 s23, $0x2;
	[sflag:s25] =	ssyncset.done $0x0  }
0x7c: {  	s9 =	sadd.s32 $0x3C00, s8;
	[sflag:s25] =	ssyncadd.s32 $0xFFFFF000  }
0x7d: {  	[spmem:s2] =	stream.indirect.scatter.add.f32 [tilespmem:s17], [sflag:$0x5], $0x20, s9, s19, $0xb8;
	[tilespmem:$0x10800] =	vst v63  }
0x7e: {  	_ =	swait.ge [sflag:s26], $0x1000  }
0x7f: {  	[sflag:s26] =	ssyncset.done $0x0  }
0x80: {  	s11 =	sadd.s32 $0x3C80, s8;
	[sflag:s26] =	ssyncadd.s32 $0xFFFFF000  }
0x81: {  	[spmem:s2] =	stream.indirect.scatter.add.f32 [tilespmem:s20], [sflag:$0x6], $0x20, s11, s19, $0xb8;
	[tilespmem:$0x10800] =	vst v63  }
0x82: {  	_ =	swait.ge [sflag:s28], $0x1000  }
0x83: {  	[sflag:s28] =	ssyncset.done $0x0  }
0x84: {  	s10 =	sadd.s32 $0x3D00, s8;
	[sflag:s28] =	ssyncadd.s32 $0xFFFFF000  }
0x85: {  	[spmem:s2] =	stream.indirect.scatter.add.f32 [tilespmem:s22], [sflag:$0x7], $0x20, s10, s19, $0xb8;
	[tilespmem:$0x10800] =	vst v63  }
0x86: {  	_ =	swait.ge [sflag:s29], $0x1000  }
0x87: {  	[sflag:s29] =	ssyncset.done $0x0  }
0x88: {  	s8 =	sadd.s32 $0x3D80, s8;
	s11 =	sadd.s32 $0xFFFFFFFD, s7;
	[sflag:s29] =	ssyncadd.s32 $0xFFFFF000  }
0x89: {  	[spmem:s2] =	stream.indirect.scatter.add.f32 [tilespmem:s24], [sflag:$0x8], $0x20, s8, s19, $0xb8;
	[tilespmem:$0x10800] =	vst v63  }
0x8a: {  	p1 =	sge.u32 s11, s5;
	_ =	swait.ge [sflag:s30], $0x1000  }
0x8b: {  	s9 =	simm.s32 @!p1 $0x80;
	s8 =	sshra.s32 @!p1 s23, $0x2;
	[sflag:s30] =	ssyncset.done $0x0  }
0x8c: {  	s10 =	simm.s32 @!p1 $0x7800;
	s8 =	sadd.s32 @!p1 $0x200, s8;
	[sflag:s30] =	ssyncadd.s32 $0xFFFFF000  }
0x8d: {  	[tilespmem:s10], [sflag:$0x1] =	stream.indirect.gather @!p1 [hbm4b:s4+s9], $0x20, s8, s9, $0xb8;
	[tilespmem:$0x10800] =	vst v63  }
0x8e: {  	s9 =	sadd.s32 $0xFFFFFFFE, s7  }
0x8f: {  	_ =	swait.ge [sflag:s31], $0x1000;
	p1 =	sge.u32 s9, s5  }
0x90: {  	[sflag:s31] =	ssyncset.done $0x0;
	s8 =	sshra.s32 @!p1 s23, $0x2;
	s9 =	simm.s32 @!p1 $0x80  }
0x91: {  	s10 =	simm.s32 @!p1 $0x8800;
	[sflag:s31] =	ssyncadd.s32 $0xFFFFF000;
	s8 =	sadd.s32 @!p1 $0x280, s8  }
0x92: {  	[tilespmem:s10], [sflag:$0x2] =	stream.indirect.gather @!p1 [hbm4b:s4+s9], $0x20, s8, s9, $0xb8;
	[tilespmem:$0x10800] =	vst v63  }
0x93: {  	s10 =	sadd.s32 $0xFFFFFFFF, s7  }
0x94: {  	s3 =	sadd.s32 $0x1, s3;
	_ =	swait.ge [sflag:s0], $0x1000;
	p1 =	sge.u32 s10, s5  }
0x95: {  	[sflag:s0] =	ssyncset.done $0x0;
	s8 =	sshra.s32 @!p1 s23, $0x2;
	s9 =	simm.s32 @!p1 $0x80  }
0x96: {  	s10 =	simm.s32 @!p1 $0x9800;
	[sflag:s0] =	ssyncadd.s32 $0xFFFFF000;
	s8 =	sadd.s32 @!p1 $0x300, s8  }
0x97: {  	[tilespmem:s10], [sflag:$0x3] =	stream.indirect.gather @!p1 [hbm4b:s4+s9], $0x20, s8, s9, $0xb8;
	[tilespmem:$0x10800] =	vst v63  }
0x98: {  	s11 =	stileid.u32;
	p1 =	sge.u32 s7, s5;
	_ =	swait.ge [sflag:s1], $0x1000  }
0x99: {  	s7 =	sshra.s32 @!p1 s23, $0x2;
	s8 =	simm.s32 @!p1 $0x80;
	[sflag:s1] =	ssyncset.done $0x0  }
0x9a: {  	s9 =	simm.s32 @!p1 $0xA800;
	s7 =	sadd.s32 @!p1 $0x380, s7;
	[sflag:s1] =	ssyncadd.s32 $0xFFFFF000  }
0x9b: {  	[tilespmem:s9], [sflag:$0x4] =	stream.indirect.gather @!p1 [hbm4b:s4+s8], $0x20, s7, s8, $0xb8;
	[tilespmem:$0x10800] =	vst v63  }
0x9c: {  	s23 =	sshrl.u32 s6, $0x3;
	s7 =	sshll.u32 s11, $0x6;
	p1 =	sne.s32 s3, s16  }
.Ltmp2:
0x9d: {  	[bflag:$0x0] =	sbarrier.arrive $0xFFFF;
	s7 =	sor.u32 $0x1C0C, s7;
	(pc) =	sbr.rel @p1 .LBB2_1-.Ltmp2, $4  }
0x9e: {  	[hbm:s15], [sflag:s7] =	dma.local [spmem:s23], $0xA00  }
0x9f: {  	_ =	swait.ge [sflag:s21], $0xA00  }
0xa0: {  	[sflag:s21] =	ssyncset.done $0x0  }
0xa1: {  	[sflag:s21] =	ssyncadd.s32 $0xFFFFF600  }
0xa2: {  	_ =	sfence.sel $0x180000  }
0xa3: {  	[bflag:$0x0] =	sbarrier.arrive $0xFFFF  }
0xa4: {  	_ =	strace $0x9000004A  }
0xa5: {  	s0 =	stileid.u32;
	[bflag:$0x2] =	sbarrier.arrive $0xFFFF  }
0xa6: {  	p0 =	sne.s32 s0, $0x0;
	s0 =	rddreg [dreg:$0x2]  }
0xa7: {  	s0 =	sadd.s32 @!p0 $0x100000, s0  }
0xa8: {  	[sflag:s0] =	ssyncadd.tile.s32 @!p0 $0x1;
	_ =	shalt  }
.Lfunc_end2:
_tile_overlayer_lowered:
.L_overlay_start_2:
0xa9: {  	(tag) =	ssettag $0x2  }
0xaa: {  	s0 =	rddreg [dreg:$0x0];
	s2 =	stileid.u32  }
0xab: {  	s1 =	rddreg [dreg:$0x1];
	p0 =	sne.s32 s2, $0x0  }
0xac: {  	s3 =	rddreg [dreg:$0x2];
	[bflag:$0x3] =	sbarrier.arrive $0xFFFF;
	s2 =	simm.s32 @!p0 $0x1C0C  }
0xad: {  	[timem:s3], [sflag:s2] =	dma.local @!p0 [hbm:s0], s1  }
0xae: {  	s0 =	simm.s32 @!p0 $0xC  }
0xaf: {  	_ =	swait.ge @!p0 [sflag:s0], s1  }
0xb0: {  	s1 =	ssub.s32 @!p0 $0x0, s1;
	[sflag:s0] =	ssyncset.done @!p0 $0x0  }
0xb1: {  	[sflag:s0] =	ssyncadd.s32 @!p0 s1  }
0xb2: {  	[bflag:$0x3] =	sbarrier.arrive $0xFFFF  }
0xb3: {  	_ =	shalt  }

// kernel: kernel.7.cloned.1.call-start
scs
__scs_entry_jumppad:
0x0: {  	(pc) =	sbr.rel $0x88, $3  }
0x1: {  	(tag) =	ssettag $0x0;
	lr =	simm.s32 $0x1  }
0x2: {  	[smem:$0x3F99] =	sst lr;
	_ =	strace $0xD0000000  }
0x3: {  	_ = 	snop  }
0x4: {  	_ = 	snop  }
0x5: {  	_ = 	snop  }
0x6: {  	_ = 	snop  }
0x7: {  	_ = 	snop  }
__scs_overlays_trampoline_lowered:
0x8: {  	[smem:$0x3FA8] =	sst s0  }
0x9: {  	[smem:$0x3FA9] =	sst s1  }
0xa: {  	[smem:$0x3FAA] =	sst s2  }
0xb: {  	[smem:$0x3FAB] =	sst s3  }
0xc: {  	[smem:$0x3FAC] =	sst s4  }
0xd: {  	[smem:$0x3FAD] =	sst s5  }
0xe: {  	[smem:$0x3FAE] =	sst s6  }
0xf: {  	[smem:$0x3FAF] =	sst s7  }
0x10: {  	[smem:$0x3FB0] =	sst s8  }
0x11: {  	[smem:$0x3FB1] =	sst s9;
	s0 =	simm.s32 @!p0 $0x0  }
0x12: {  	s1 =	sld [smem:$0x3F97];
	s0 =	simm.s32 @p0 $0x1  }
0x13: {  	[smem:$0x3FB2] =	sst s0;
	s0 =	simm.s32 @!p1 $0x0  }
0x14: {  	s2 =	sld [smem:$0x3F96];
	s0 =	simm.s32 @p1 $0x1  }
0x15: {  	[smem:$0x3FB3] =	sst s0;
	s0 =	simm.s32 @!p2 $0x0  }
0x16: {  	s3 =	sld [smem:$0x3FDB];
	s0 =	simm.s32 @p2 $0x1  }
0x17: {  	s4 =	simm.s32 $0x1BF5;
	[smem:$0x3FB5] =	sst s0  }
0x18: {  	s0 =	sld [smem:$0x3F98];
	_ =	swait.ge [sflag:s4], $0x0  }
0x19: {  	s7 =	sld [smem:$0x3F99]  }
0x1a: {  	s8 =	sadd.s32 $0xFFFFE003, lr  }
0x1b: {  	s9 =	sadd.s32 $0xFFFFFEF7, lr;
	s5 =	simm.s32 $0xFFFFFFFF;
	p2 =	slt.u32 s8, $0xFFFFF086  }
0x1c: {  	p1 =	slt.u32 s9, $0xF7A;
	s5 =	simm.s32 @!p2 $0x0  }
0x1d: {  	s5 =	simm.s32 @p1 $0x1;
	p0 =	seq.s32 s7, s2  }
0x1e: {  	s7 =	smul.u32 @!p0 $0xF7A, s2;
	p2 =	seq.s32 @!p0 s5, $0x0  }
0x1f: {  	s9 =	smul.u32 $0xF7A, s1;
	s8 =	simm.s32 @!p0 $0x1BF5;
	p2 =	por !p2, p0  }
0x20: {  	[sflag:s8] =	ssyncset.s32 @!p0 $0xFFFFF086;
	s6 =	sadd.s32 @!p0 s3, s7;
	s7 =	simm.s32 @!p0 $0x108  }
0x21: {  	s3 =	sadd.s32 s3, s9;
	s6 =	sadd.s32 @!p0 $0x88, s6;
	s7 =	simm.s32 @p2 $0x1082  }
0x22: {  	[simem:s7], [sflag:s8] =	dma.local @!p0 [hbm:s6], $0xF7A  }
0x23: {  	s9 =	sor.u32 $0xD0000000, s2;
	s6 =	simm.s32 $0x108;
	_ =	swait.ge @!p0 [sflag:s8], $0x0  }
0x24: {  	s3 =	sadd.s32 $0x88, s3;
	s6 =	simm.s32 @!p1 $0x1082;
	[sflag:s4] =	ssyncset.s32 $0xFFFFF086  }
0x25: {  	[simem:s6], [sflag:s4] =	dma.local [hbm:s3], $0xF7A  }
0x26: {  	[smem:$0x3F99] =	sst s1;
	(tag) =	ssettag s2;
	_ =	strace s9  }
0x27: {  	s1 =	sld [smem:$0x3FA9]  }
0x28: {  	s2 =	sld [smem:$0x3FAA]  }
0x29: {  	s4 =	sld [smem:$0x3FAC]  }
0x2a: {  	p0 =	seq.s32 s5, $0x0;
	s5 =	sld [smem:$0x3FAD]  }
0x2b: {  	s6 =	sld [smem:$0x3FAE]  }
0x2c: {  	s7 =	sld [smem:$0x3FAF]  }
0x2d: {  	s3 =	simm.s32 $0x108;
	s8 =	sld [smem:$0x3FB0]  }
0x2e: {  	s3 =	simm.s32 @!p0 $0x1082;
	s9 =	sld [smem:$0x3FB1]  }
0x2f: {  	lr =	sadd.s32 s0, s3;
	s0 =	sld [smem:$0x3FA8]  }
0x30: {  	s3 =	sld [smem:$0x3FAB]  }
0x31: {  	[smem:$0x3FB4] =	sst s10  }
0x32: {  	s10 =	sld [smem:$0x3FB2];
	_ =	sdelay $0x3  }
0x33: {  	p0 =	seq.s32 s10, $0x1;
	s10 =	sld [smem:$0x3FB4];
	_ =	sdelay $0x3  }
0x34: {  	[smem:$0x3FB4] =	sst s10  }
0x35: {  	s10 =	sld [smem:$0x3FB3];
	_ =	sdelay $0x3  }
0x36: {  	p1 =	seq.s32 s10, $0x1;
	s10 =	sld [smem:$0x3FB4];
	_ =	sdelay $0x3  }
0x37: {  	[smem:$0x3FB4] =	sst s10  }
0x38: {  	s10 =	sld [smem:$0x3FB5]  }
0x39: {  	_ = 	snop;
	(pc) =	sbr.ind lr, $3  }
0x3a: {  	_ = 	snop  }
0x3b: {  	_ = 	snop  }
0x3c: {  	p2 =	seq.s32 s10, $0x1;
	s10 =	sld [smem:$0x3FB4]  }
0x3d: {  	_ =	shalt  }
0x3e: {  	_ =	shalt  }
0x3f: {  	_ =	shalt  }
0x40: {  	_ =	shalt  }
0x41: {  	_ =	shalt  }
0x42: {  	_ =	shalt  }
0x43: {  	_ =	shalt  }
0x44: {  	_ =	shalt  }
0x45: {  	_ =	shalt  }
0x46: {  	_ =	shalt  }
0x47: {  	_ =	shalt  }
0x48: {  	_ =	shalt  }
0x49: {  	_ =	shalt  }
0x4a: {  	_ =	shalt  }
0x4b: {  	_ =	shalt  }
0x4c: {  	_ =	shalt  }
0x4d: {  	_ =	shalt  }
0x4e: {  	_ =	shalt  }
0x4f: {  	_ =	shalt  }
0x50: {  	_ =	shalt  }
0x51: {  	_ =	shalt  }
0x52: {  	_ =	shalt  }
0x53: {  	_ =	shalt  }
0x54: {  	_ =	shalt  }
0x55: {  	_ =	shalt  }
0x56: {  	_ =	shalt  }
0x57: {  	_ =	shalt  }
0x58: {  	_ =	shalt  }
0x59: {  	_ =	shalt  }
0x5a: {  	_ =	shalt  }
0x5b: {  	_ =	shalt  }
0x5c: {  	_ =	shalt  }
0x5d: {  	_ =	shalt  }
0x5e: {  	_ =	shalt  }
0x5f: {  	_ =	shalt  }
0x60: {  	_ =	shalt  }
0x61: {  	_ =	shalt  }
0x62: {  	_ =	shalt  }
0x63: {  	_ =	shalt  }
0x64: {  	_ =	shalt  }
0x65: {  	_ =	shalt  }
0x66: {  	_ =	shalt  }
0x67: {  	_ =	shalt  }
0x68: {  	_ =	shalt  }
0x69: {  	_ =	shalt  }
0x6a: {  	_ =	shalt  }
0x6b: {  	_ =	shalt  }
0x6c: {  	_ =	shalt  }
0x6d: {  	_ =	shalt  }
0x6e: {  	_ =	shalt  }
0x6f: {  	_ =	shalt  }
0x70: {  	_ =	shalt  }
0x71: {  	_ =	shalt  }
0x72: {  	_ =	shalt  }
0x73: {  	_ =	shalt  }
0x74: {  	_ =	shalt  }
0x75: {  	_ =	shalt  }
0x76: {  	_ =	shalt  }
0x77: {  	_ =	shalt  }
0x78: {  	_ =	shalt  }
0x79: {  	_ =	shalt  }
0x7a: {  	_ =	shalt  }
0x7b: {  	_ =	shalt  }
0x7c: {  	_ =	shalt  }
0x7d: {  	_ =	shalt  }
0x7e: {  	_ =	shalt  }
0x7f: {  	_ =	shalt  }
0x80: {  	_ =	shalt  }
0x81: {  	_ =	shalt  }
0x82: {  	_ =	shalt  }
0x83: {  	_ =	shalt  }
0x84: {  	_ =	shalt  }
0x85: {  	_ =	shalt  }
0x86: {  	_ =	shalt  }
0x87: {  	_ =	shalt  }
.Lfunc_end0:
.L_simem_size_0:
called_computation_lowered:
.L_overlay_start_0:
0x88: {  	s2 =	sld [smem:$0x3FD9]  }
0x89: {  	s3 =	sld [smem:$0x3FFE];
	_ =	sdelay $0x1  }
0x8a: {  	s1 =	srdreg.scid  }
0x8b: {  	s0 =	sand.u32 $0x1, s1  }
0x8c: {  	s17 =	sshll.u32 s0, $0xA;
	s2 =	sadd.s32 s3, s2  }
0x8d: {  	s2 =	sadd.s32 s2, s17  }
0x8e: {  	[smem:$0x3FC0] =	sst s2  }
0x8f: {  	_ = 	snop  }
0x90: {  	s2 =	sld [smem:$0x3FD0];
	(tm) =	ssettm $0x1  }
0x91: {  	s18 =	sld [smem:$0x3FFB];
	_ =	sdelay $0x3  }
0x92: {  	_ =	strace s18  }
0x93: {  	s3 =	sld [smem:$0x3FFC];
	_ =	sdelay $0x3  }
0x94: {  	_ =	strace s3  }
0x95: {  	s3 =	sld [smem:$0x3FFD];
	_ =	sdelay $0x3  }
0x96: {  	_ =	strace s3  }
0x97: {  	_ =	strace $0x8FFFFFFF  }
0x98: {  	s19 =	sld [smem:$0x3FDB];
	_ =	sdelay $0x1  }
0x99: {  	s4 =	simm.s32 $_scs_section_size  }
0x9a: {  	s5 =	simm.s32 $_size__tile_overlayer_lowered;
	s6 =	simm.s32 $_tile_overlayer_lowered  }
0x9b: {  	s22 =	simm.s32 $0x1BFF;
	s21 =	sshll.u32 s6, $0x1;
	s3 =	sadd.s32 s4, s19  }
0x9c: {  	s7 =	simm.s32 $0x0;
	s20 =	sshll.u32 s5, $0x1;
	s5 =	sadd.s32 s21, s3  }
0x9d: {  	[timem:s7], [sflag:s22] =	dma.local [hbm:s5], s20  }
0x9e: {  	_ =	swait.ge [sflag:s22], s20  }
0x9f: {  	s4 =	ssub.s32 $0x0, s20;
	[sflag:s22] =	ssyncset.done $0x0  }
0xa0: {  	[sflag:s22] =	ssyncadd.s32 s4;
	_ =	sdelay $0x1  }
0xa1: {  	s23 =	simm.s32 $0x1B8B  }
0xa2: {  	_ =	swait.ge [sflag:s23], $0x1  }
0xa3: {  	[sflag:s23] =	ssyncset.done $0x0  }
0xa4: {  	s25 =	simm.s32 $0x1B8E;
	s24 =	sld [smem:$0x3FFE];
	[sflag:s23] =	ssyncadd.s32 $0xFFFFFFFF  }
0xa5: {  	s26 =	simm.s32 $execute0_lowered;
	[smem:$0x3FD2] =	sst s25  }
0xa6: {  	s5 =	sshll.u32 s26, $0x1;
	_ =	strace $0x80000046;
	[dreg:$0x1] =	wrdreg $0xFFFFFFFF  }
0xa7: {  	s28 =	simm.s32 $_size_execute0_lowered;
	s3 =	sadd.s32 s3, s5;
	[dreg:$0x0] =	wrdreg $0x0  }
0xa8: {  	s5 =	sshll.u32 s28, $0x1;
	[dreg:$0x2] =	wrdreg s3  }
0xa9: {  	[dreg:$0x3] =	wrdreg s5  }
0xaa: {  	[dreg:$0x4] =	wrdreg $0xC0  }
0xab: {  	_ =	task [dreg:s7], $0x5FFFF  }
0xac: {  	[dreg:$0x1] =	wrdreg $0xFFFFFFFF  }
0xad: {  	[dreg:$0x0] =	wrdreg $0x60  }
0xae: {  	[dreg:$0x2] =	wrdreg s24  }
0xaf: {  	[dreg:$0x3] =	wrdreg s2  }
0xb0: {  	[dreg:$0x4] =	wrdreg $0xFC000  }
0xb1: {  	[dreg:$0x5] =	wrdreg $0x19C000  }
0xb2: {  	[dreg:$0x6] =	wrdreg $0x9  }
0xb3: {  	_ =	task.clear_ibuf [dreg:s7], $0x7FFFF;
	_ =	strace $0x90000046  }
0xb4: {  	s29 =	simm.s32 $0x9;
	_ =	strace $0x80000048  }
0xb5: {  	_ =	swait.ge [sflag:s29], $0x1  }
0xb6: {  	[sflag:s29] =	ssyncadd.s32 $0xFFFFFFFF  }
0xb7: {  	_ =	strace $0x90000048  }
0xb8: {  	_ =	sfence  }
0xb9: {  	s30 =	sld [smem:$0x0];
	_ =	sdelay $0x2  }
0xba: {  	s31 =	sshll.u32 s1, $0xD;
	s1 =	sshrl.u32 s1, $0x2  }
0xbb: {  	s3 =	sand.u32 $0x4000, s31;
	s1 =	sadd.s32 s1, s30  }
0xbc: {  	s0 =	sor.u32 s3, s0;
	s1 =	sshll.u32 s1, $0x11  }
0xbd: {  	s0 =	sor.u32 s1, s0  }
0xbe: {  	s0 =	sadd.s32 $0x8F2B, s0  }
0xbf: {  	[sflag:s0] =	ssyncadd.remote.s32 $0x1  }
0xc0: {  	_ =	sfence.sel $0xFFFF  }
0xc1: {  	[dreg:$0x0] =	wrdreg $0xFFFFFFFF;
	(pc) =	sbr.abs _section_cstart, $3  }
0xc2: {  	[dreg:$0x1] =	wrdreg $0xFFFFFFFF  }
0xc3: {  	_ =	task.clear_ibuf [dreg:s7], $0x2FFFF;
	_ =	strace $0x9FFFFFFF  }
0xc4: {  	(tm) =	ssettm $0x7FFFFFFF  }
0xc5: {  	_ =	shalt  }
tec
execute0_lowered:
.L_overlay_start_1:
0x0: {  	(tag) =	ssettag $0x1  }
0x1: {  	s0 =	rddreg [dreg:$0x0]  }
0x2: {  	s3 =	rddreg [dreg:$0x2]  }
0x3: {  	s4 =	rddreg [dreg:$0x3]  }
0x4: {  	s1 =	srdreg.scid;
	s13 =	stileid.u32;
	s5 =	simm.s32 $0x0  }
0x5: {  	s28 =	simm.s32 $0x80;
	s29 =	simm.s32 $0x9800;
	s2 =	smul.u32 $0xA000, s13  }
0x6: {  	s31 =	simm.s32 $0xB800;
	s30 =	simm.s32 $0x1;
	s7 =	smul.u32 $0x1400, s13  }
0x7: {  	s1 =	sand.u32 $0x1, s1;
	[smem:$0x7FF] =	sst s5;
	s11 =	smul.u32 $0x28000, s13  }
0x8: {  	s10 =	sadd.s32 $0x15000, s0;
	s6 =	sadd.s32 $0x1000, s0;
	s20 =	smul.u32 $0x3C00, s13  }
0x9: {  	s9 =	sadd.s32 $0x29000, s0;
	s22 =	sshll.u32 s13, $0x6;
	s14 =	smul.u32 $0xA0000, s1  }
0xa: {  	s13 =	simm.s32 $0x6;
	_ =	strace $0x80000047;
	s8 =	smul.u32 $0x14000, s1  }
0xb: {  	[dreg:$0x6] =	wrdreg s9;
	s15 =	ssub.s32 $0x2, s1;
	p0 =	seq.s32 s1, $0x0  }
0xc: {  	[dreg:$0xd] =	wrdreg s22;
	s12 =	sshrl.u32 s15, $0x1;
	s16 =	sshrl.u32 s11, $0x2  }
0xd: {  	s9 =	sadd.s32 s2, s3;
	s21 =	sadd.s32 s7, s4;
	s5 =	sadd.s32 s2, s14  }
0xe: {  	s8 =	sadd.s32 s7, s8;
	s12 =	ssub.s32 s15, s12;
	s11 =	sadd.s32 s16, s3  }
0xf: {  	[dreg:$0xc] =	wrdreg s21;
	s7 =	sshrl.u32 s7, $0x3;
	s2 =	sshrl.u32 s20, $0x3  }
0x10: {  	s16 =	sor.u32 $0x1C0E, s22;
	s14 =	simm.s32 $0xA;
	s20 =	simm.s32 $0x8  }
0x11: {  	s21 =	simm.s32 $0xC;
	s15 =	simm.s32 $0x0;
	[dreg:$0x7] =	wrdreg s9  }
0x12: {  	s5 =	sshrl.u32 s5, $0x3;
	s8 =	sshrl.u32 s8, $0x3;
	s17 =	sadd.s32 $0x2000, s11  }
0x13: {  	s18 =	sadd.s32 $0x4000, s11;
	s19 =	sadd.s32 $0x6000, s11;
	[dreg:$0xe] =	wrdreg s16  }
0x14: {  	s11 =	sadd.s32 $0x8000, s11;
	s7 =	sadd.s32 s10, s7;
	[dreg:$0x8] =	wrdreg s17  }
0x15: {  	s2 =	sadd.s32 s10, s2;
	s26 =	smax.u32 s12, $0x1;
	[dreg:$0x9] =	wrdreg s18  }
0x16: {  	s10 =	simm.s32 $0x4;
	s12 =	simm.s32 $0x9;
	[dreg:$0xa] =	wrdreg s19  }
0x17: {  	s5 =	sadd.s32 s5, s0;
	s0 =	sadd.s32 s8, s0;
	[dreg:$0xb] =	wrdreg s11  }
0x18: {  	s8 =	simm.s32 $0x78;
	s23 =	sadd.s32 $0x7800, s7;
	[dreg:$0x10] =	wrdreg s2  }
0x19: {  	s7 =	sadd.s32 $0x11800, s7;
	s2 =	sadd.s32 $0xA000, s2;
	[dreg:$0x15] =	wrdreg s26  }
0x1a: {  	s26 =	simm.s32 $0xD;
	s11 =	simm.s32 $0x5;
	[dreg:$0xf] =	wrdreg s23  }
0x1b: {  	s17 =	simm.s32 $0x7;
	s19 =	simm.s32 $0xB;
	[dreg:$0x11] =	wrdreg s7  }
0x1c: {  	s8 =	simm.s32 @!p0 $0x28;
	[dreg:$0x12] =	wrdreg s2;
	s5 =	sadd.s32 $0x2E200, s5  }
0x1d: {  	s0 =	sadd.s32 $0x29200, s0;
	p0 =	sne.s32 s1, $0x0;
	s2 =	simm.s32 $0xD800  }
0x1e: {  	s7 =	simm.s32 $0x3;
	s24 =	sshll.u32 s8, $0x9;
	[dreg:$0x13] =	wrdreg s5  }
0x1f: {  	[dreg:$0x14] =	wrdreg s0;
	s0 =	simm.s32 $0x2;
	s25 =	sadd.s32 $0xFFFFF800, s24  }
0x20: {  	v0 =	vimm.f32 $0.0e+00;
	s24 =	simm.s32 $0x7800;
	[dreg:$0x5] =	wrdreg s25;
	s25 =	simm.s32 $0xF800  }
.LBB2_1:
0x21: {  	s22 =	simm.s32 $0x100;
	s18 =	simm.s32 $0x0  }
.LBB2_2:
0x22: {  	p1 =	sne.s32 s22, $0x7F00;
	[tilespmem:s18+$0x7830] =	vst v0;
	s23 =	smov.u32 s22;
	s22 =	sadd.s32 $0x100, s22  }
.Ltmp0:
0x23: {  	[tilespmem:s18+$0x7820] =	vst v0;
	(pc) =	sbr.rel @p1 .LBB2_2-.Ltmp0, $3  }
0x24: {  	[tilespmem:s18+$0x7800] =	vst v0  }
0x25: {  	[tilespmem:s18+$0x7810] =	vst v0;
	_ =	sdelay $0x1  }
0x26: {  	s18 =	sshra.s32 s23, $0x2  }
0x27: {  	[tilespmem:s18+$0x7830] =	vst v0  }
0x28: {  	[tilespmem:s18+$0x7820] =	vst v0  }
0x29: {  	[tilespmem:s18+$0x7800] =	vst v0;
	s1 =	rddreg [dreg:$0x8]  }
0x2a: {  	[tilespmem:s18+$0x7810] =	vst v0;
	s22 =	rddreg [dreg:$0x9]  }
0x2b: {  	[spmem:s9] =	stream.linear.scatter [tilespmem:s24], [sflag:$0xD], $0x2000, $0x38;
	[tilespmem:$0x1B000] =	vst v63  }
0x2c: {  	s23 =	rddreg [dreg:$0xa]  }
0x2d: {  	[spmem:s1] =	stream.linear.scatter [tilespmem:s24], [sflag:$0xD], $0x2000, $0x38;
	[tilespmem:$0x1B000] =	vst v63  }
0x2e: {  	s5 =	rddreg [dreg:$0xb]  }
0x2f: {  	[spmem:s22] =	stream.linear.scatter [tilespmem:s24], [sflag:$0xD], $0x2000, $0x38;
	[tilespmem:$0x1B000] =	vst v63  }
0x30: {  	s9 =	rddreg [dreg:$0xc]  }
0x31: {  	[spmem:s23] =	stream.linear.scatter [tilespmem:s24], [sflag:$0xD], $0x2000, $0x38;
	[tilespmem:$0x1B000] =	vst v63  }
0x32: {  	s18 =	rddreg [dreg:$0x1];
	s22 =	sshrl.u32 s9, $0x3  }
0x33: {  	[spmem:s5] =	stream.linear.scatter [tilespmem:s24], [sflag:$0xD], $0x2000, $0x38;
	[tilespmem:$0x1B000] =	vst v63  }
0x34: {  	[spmem:s22], [sflag:s16] =	dma.local [hbm:s18], $0x280  }
0x35: {  	s23 =	simm.s32 $0x0;
	s5 =	rddreg [dreg:$0x6]  }
0x36: {  	[tilespmem:s25], [sflag:$0xF] =	stream.linear.gather [hbm4b:s5+s23], $0x400, $0x38;
	[tilespmem:$0x1B000] =	vst v63  }
0x37: {  	s18 =	simm.s32 @p0 $0x0;
	s1 =	rddreg [dreg:$0xf]  }
0x38: {  	[tilespmem:s18], [sflag:$0x10] =	stream.linear.gather @p0 [hbm4b:s1+s18], $0x1400, $0x38;
	[tilespmem:$0x1B000] =	vst v63  }
0x39: {  	s23 =	simm.s32 @p0 $0x3C00;
	s1 =	rddreg [dreg:$0x11]  }
0x3a: {  	[tilespmem:s23], [sflag:$0x11] =	stream.linear.gather @p0 [hbm4b:s1+s18], $0x1400, $0x38;
	[tilespmem:$0x1B000] =	vst v63  }
0x3b: {  	s18 =	simm.s32 @p0 $0x10  }
0x3c: {  	_ =	swait.ge @p0 [sflag:s18], $0x1400  }
0x3d: {  	[sflag:s18] =	ssyncset.done @p0 $0x0  }
0x3e: {  	[sflag:s18] =	ssyncadd.s32 @p0 $0xFFFFEC00;
	s18 =	simm.s32 @p0 $0x11  }
0x3f: {  	_ =	swait.ge @p0 [sflag:s18], $0x1400  }
0x40: {  	[sflag:s18] =	ssyncset.done @p0 $0x0  }
0x41: {  	s1 =	rddreg [dreg:$0x10];
	[sflag:s18] =	ssyncadd.s32 @p0 $0xFFFFEC00;
	s18 =	simm.s32 @!p0 $0x0  }
0x42: {  	[tilespmem:s18], [sflag:$0x10] =	stream.linear.gather @!p0 [hbm4b:s1+s18], $0x3C00, $0x38;
	[tilespmem:$0x1B000] =	vst v63  }
0x43: {  	s23 =	simm.s32 @!p0 $0x3C00;
	s1 =	rddreg [dreg:$0x12]  }
0x44: {  	[tilespmem:s23], [sflag:$0x11] =	stream.linear.gather @!p0 [hbm4b:s1+s18], $0x3C00, $0x38;
	[tilespmem:$0x1B000] =	vst v63  }
0x45: {  	s18 =	simm.s32 @!p0 $0x10  }
0x46: {  	_ =	swait.ge @!p0 [sflag:s18], $0x3C00  }
0x47: {  	[sflag:s18] =	ssyncset.done @!p0 $0x0  }
0x48: {  	[sflag:s18] =	ssyncadd.s32 @!p0 $0xFFFFC400;
	s18 =	simm.s32 @!p0 $0x11  }
0x49: {  	_ =	swait.ge @!p0 [sflag:s18], $0x3C00  }
0x4a: {  	[sflag:s18] =	ssyncset.done @!p0 $0x0  }
0x4b: {  	[sflag:s18] =	ssyncadd.s32 @!p0 $0xFFFFC400  }
0x4c: {  	_ =	swait.ge [sflag:s26], $0x2000  }
0x4d: {  	[sflag:s26] =	ssyncset.done $0x0  }
0x4e: {  	[sflag:s26] =	ssyncadd.s32 $0xFFFFE000  }
0x4f: {  	_ =	swait.ge [sflag:s26], $0x2000  }
0x50: {  	[sflag:s26] =	ssyncset.done $0x0  }
0x51: {  	[sflag:s26] =	ssyncadd.s32 $0xFFFFE000  }
0x52: {  	_ =	swait.ge [sflag:s26], $0x2000  }
0x53: {  	[sflag:s26] =	ssyncset.done $0x0  }
0x54: {  	[sflag:s26] =	ssyncadd.s32 $0xFFFFE000  }
0x55: {  	_ =	swait.ge [sflag:s26], $0x2000  }
0x56: {  	[sflag:s26] =	ssyncset.done $0x0  }
0x57: {  	[sflag:s26] =	ssyncadd.s32 $0xFFFFE000  }
0x58: {  	_ =	swait.ge [sflag:s26], $0x2000  }
0x59: {  	[sflag:s26] =	ssyncset.done $0x0  }
0x5a: {  	s23 =	simm.s32 $0x0;
	[sflag:s26] =	ssyncadd.s32 $0xFFFFE000  }
0x5b: {  	[tilespmem:s24], [sflag:$0x1] =	stream.indirect.gather [hbm4b:s6+s28], $0x40, s23, s28, $0xb8;
	[tilespmem:$0x1B000] =	vst v63  }
0x5c: {  	_ = 	snop  }
0x5d: {  	[tilespmem:s29], [sflag:$0x2] =	stream.indirect.gather [hbm4b:s6+s28], $0x40, s28, s28, $0xb8;
	[tilespmem:$0x1B000] =	vst v63  }
0x5e: {  	s5 =	simm.s32 $0x100  }
0x5f: {  	[tilespmem:s31], [sflag:$0x3] =	stream.indirect.gather [hbm4b:s6+s28], $0x40, s5, s28, $0xb8;
	[tilespmem:$0x1B000] =	vst v63  }
0x60: {  	s9 =	simm.s32 $0x180;
	s16 =	simm.s32 $0xE  }
0x61: {  	[tilespmem:s2], [sflag:$0x4] =	stream.indirect.gather [hbm4b:s6+s28], $0x40, s9, s28, $0xb8;
	[tilespmem:$0x1B000] =	vst v63  }
0x62: {  	_ =	swait.ge [sflag:s16], $0x280  }
0x63: {  	[sflag:s16] =	ssyncset.done $0x0  }
0x64: {  	s18 =	simm.s32 $0xF;
	[sflag:s16] =	ssyncadd.s32 $0xFFFFFD80  }
0x65: {  	_ =	swait.ge [sflag:s18], $0x400  }
0x66: {  	[sflag:s18] =	ssyncset.done $0x0  }
0x67: {  	[sflag:s18] =	ssyncadd.s32 $0xFFFFFC00  }
0x68: {  	s18 =	simm.s32 $0x7;
	[bflag:$0x0] =	sbarrier.arrive $0xFFFF  }
.LBB2_4:
0x69: {  	_ =	swait.ge [sflag:s30], $0x2000  }
0x6a: {  	s5 =	sshra.s32 s23, $0x2;
	[sflag:s30] =	ssyncset.done $0x0  }
0x6b: {  	s9 =	sadd.s32 $0x3C00, s5;
	[sflag:s30] =	ssyncadd.s32 $0xFFFFE000  }
0x6c: {  	[spmem:s3] =	stream.indirect.scatter.add.f32 [tilespmem:s24], [sflag:$0x5], $0x40, s9, s28, $0xb8;
	[tilespmem:$0x1B000] =	vst v63  }
0x6d: {  	_ = 	snop  }
0x6e: {  	[spmem:s4] =	stream.indirect.scatter.add.f32 [tilespmem:s25], [sflag:$0x9], $0x8, s9, s28, $0xb8;
	[tilespmem:$0x1B000] =	vst v63  }
0x6f: {  	_ =	swait.ge [sflag:s0], $0x2000  }
0x70: {  	[sflag:s0] =	ssyncset.done $0x0  }
0x71: {  	s1 =	sadd.s32 $0x3C80, s5;
	[sflag:s0] =	ssyncadd.s32 $0xFFFFE000  }
0x72: {  	[spmem:s3] =	stream.indirect.scatter.add.f32 [tilespmem:s29], [sflag:$0x6], $0x40, s1, s28, $0xb8;
	[tilespmem:$0x1B000] =	vst v63  }
0x73: {  	_ = 	snop  }
0x74: {  	[spmem:s4] =	stream.indirect.scatter.add.f32 [tilespmem:s25], [sflag:$0xA], $0x8, s1, s28, $0xb8;
	[tilespmem:$0x1B000] =	vst v63  }
0x75: {  	_ =	swait.ge [sflag:s7], $0x2000  }
0x76: {  	[sflag:s7] =	ssyncset.done $0x0  }
0x77: {  	s16 =	sadd.s32 $0x3D00, s5;
	[sflag:s7] =	ssyncadd.s32 $0xFFFFE000  }
0x78: {  	[spmem:s3] =	stream.indirect.scatter.add.f32 [tilespmem:s31], [sflag:$0x7], $0x40, s16, s28, $0xb8;
	[tilespmem:$0x1B000] =	vst v63  }
0x79: {  	_ = 	snop  }
0x7a: {  	[spmem:s4] =	stream.indirect.scatter.add.f32 [tilespmem:s25], [sflag:$0xB], $0x8, s16, s28, $0xb8;
	[tilespmem:$0x1B000] =	vst v63  }
0x7b: {  	_ =	swait.ge [sflag:s10], $0x2000  }
0x7c: {  	[sflag:s10] =	ssyncset.done $0x0  }
0x7d: {  	s5 =	sadd.s32 $0x3D80, s5;
	[sflag:s10] =	ssyncadd.s32 $0xFFFFE000  }
0x7e: {  	[spmem:s3] =	stream.indirect.scatter.add.f32 [tilespmem:s2], [sflag:$0x8], $0x40, s5, s28, $0xb8;
	[tilespmem:$0x1B000] =	vst v63  }
0x7f: {  	_ = 	snop  }
0x80: {  	[spmem:s4] =	stream.indirect.scatter.add.f32 [tilespmem:s25], [sflag:$0xC], $0x8, s5, s28, $0xb8;
	[tilespmem:$0x1B000] =	vst v63  }
0x81: {  	_ =	swait.ge [sflag:s11], $0x2000  }
0x82: {  	[sflag:s11] =	ssyncset.done $0x0  }
0x83: {  	s1 =	sadd.s32 $0xFFFFFFFD, s18;
	[sflag:s11] =	ssyncadd.s32 $0xFFFFE000  }
0x84: {  	p1 =	sge.u32 s1, s8;
	_ =	swait.ge [sflag:s12], $0x400  }
0x85: {  	s9 =	simm.s32 @!p1 $0x80;
	s5 =	sshra.s32 @!p1 s23, $0x2;
	[sflag:s12] =	ssyncset.done $0x0  }
0x86: {  	s16 =	simm.s32 @!p1 $0x7800;
	s5 =	sadd.s32 @!p1 $0x200, s5;
	[sflag:s12] =	ssyncadd.s32 $0xFFFFFC00  }
0x87: {  	[tilespmem:s16], [sflag:$0x1] =	stream.indirect.gather @!p1 [hbm4b:s6+s9], $0x40, s5, s9, $0xb8;
	[tilespmem:$0x1B000] =	vst v63  }
0x88: {  	_ =	swait.ge [sflag:s13], $0x2000  }
0x89: {  	[sflag:s13] =	ssyncset.done $0x0  }
0x8a: {  	s9 =	sadd.s32 $0xFFFFFFFE, s18;
	[sflag:s13] =	ssyncadd.s32 $0xFFFFE000  }
0x8b: {  	p1 =	sge.u32 s9, s8;
	_ =	swait.ge [sflag:s14], $0x400  }
0x8c: {  	s5 =	sshra.s32 @!p1 s23, $0x2;
	s9 =	simm.s32 @!p1 $0x80;
	[sflag:s14] =	ssyncset.done $0x0  }
0x8d: {  	s16 =	simm.s32 @!p1 $0x9800;
	s5 =	sadd.s32 @!p1 $0x280, s5;
	[sflag:s14] =	ssyncadd.s32 $0xFFFFFC00  }
0x8e: {  	[tilespmem:s16], [sflag:$0x2] =	stream.indirect.gather @!p1 [hbm4b:s6+s9], $0x40, s5, s9, $0xb8;
	[tilespmem:$0x1B000] =	vst v63  }
0x8f: {  	_ =	swait.ge [sflag:s17], $0x2000  }
0x90: {  	[sflag:s17] =	ssyncset.done $0x0  }
0x91: {  	s16 =	sadd.s32 $0xFFFFFFFF, s18;
	[sflag:s17] =	ssyncadd.s32 $0xFFFFE000  }
0x92: {  	p1 =	sge.u32 s16, s8;
	_ =	swait.ge [sflag:s19], $0x400  }
0x93: {  	s5 =	sshra.s32 @!p1 s23, $0x2;
	s9 =	simm.s32 @!p1 $0x80;
	[sflag:s19] =	ssyncset.done $0x0  }
0x94: {  	s16 =	simm.s32 @!p1 $0xB800;
	s5 =	sadd.s32 @!p1 $0x300, s5;
	[sflag:s19] =	ssyncadd.s32 $0xFFFFFC00  }
0x95: {  	[tilespmem:s16], [sflag:$0x3] =	stream.indirect.gather @!p1 [hbm4b:s6+s9], $0x40, s5, s9, $0xb8;
	[tilespmem:$0x1B000] =	vst v63  }
0x96: {  	_ =	swait.ge [sflag:s20], $0x2000  }
0x97: {  	[sflag:s20] =	ssyncset.done $0x0  }
0x98: {  	p1 =	sge.u32 s18, s8;
	[sflag:s20] =	ssyncadd.s32 $0xFFFFE000  }
0x99: {  	s5 =	sshra.s32 @!p1 s23, $0x2;
	s9 =	simm.s32 @!p1 $0x80;
	_ =	swait.ge [sflag:s21], $0x400  }
0x9a: {  	s16 =	simm.s32 @!p1 $0xD800;
	s23 =	sadd.s32 $0x800, s23;
	[sflag:s21] =	ssyncset.done $0x0  }
0x9b: {  	s5 =	sadd.s32 @!p1 $0x380, s5;
	s1 =	rddreg [dreg:$0x5];
	[sflag:s21] =	ssyncadd.s32 $0xFFFFFC00  }
0x9c: {  	[tilespmem:s16], [sflag:$0x4] =	stream.indirect.gather @!p1 [hbm4b:s6+s9], $0x40, s5, s9, $0xb8;
	[tilespmem:$0x1B000] =	vst v63  }
0x9d: {  	p1 =	sne.s32 s1, s23  }
.Ltmp1:
0x9e: {  	_ = 	snop;
	(pc) =	sbr.rel @p1 .LBB2_4-.Ltmp1, $2  }
0x9f: {  	_ =	sdelay $0x2  }
0xa0: {  	s18 =	sadd.s32 $0x4, s18  }
0xa1: {  	_ =	swait.ge [sflag:s30], $0x2000  }
0xa2: {  	s1 =	sshra.s32 s23, $0x2;
	[sflag:s30] =	ssyncset.done $0x0  }
0xa3: {  	s5 =	sadd.s32 $0x3C00, s1;
	[sflag:s30] =	ssyncadd.s32 $0xFFFFE000  }
0xa4: {  	[spmem:s3] =	stream.indirect.scatter.add.f32 [tilespmem:s24], [sflag:$0x5], $0x40, s5, s28, $0xb8;
	[tilespmem:$0x1B000] =	vst v63  }
0xa5: {  	_ = 	snop  }
0xa6: {  	[spmem:s4] =	stream.indirect.scatter.add.f32 [tilespmem:s25], [sflag:$0x9], $0x8, s5, s28, $0xb8;
	[tilespmem:$0x1B000] =	vst v63  }
0xa7: {  	_ =	swait.ge [sflag:s0], $0x2000  }
0xa8: {  	[sflag:s0] =	ssyncset.done $0x0  }
0xa9: {  	s16 =	sadd.s32 $0x3C80, s1;
	[sflag:s0] =	ssyncadd.s32 $0xFFFFE000  }
0xaa: {  	[spmem:s3] =	stream.indirect.scatter.add.f32 [tilespmem:s29], [sflag:$0x6], $0x40, s16, s28, $0xb8;
	[tilespmem:$0x1B000] =	vst v63  }
0xab: {  	_ = 	snop  }
0xac: {  	[spmem:s4] =	stream.indirect.scatter.add.f32 [tilespmem:s25], [sflag:$0xA], $0x8, s16, s28, $0xb8;
	[tilespmem:$0x1B000] =	vst v63  }
0xad: {  	_ =	swait.ge [sflag:s7], $0x2000  }
0xae: {  	[sflag:s7] =	ssyncset.done $0x0  }
0xaf: {  	s9 =	sadd.s32 $0x3D00, s1;
	[sflag:s7] =	ssyncadd.s32 $0xFFFFE000  }
0xb0: {  	[spmem:s3] =	stream.indirect.scatter.add.f32 [tilespmem:s31], [sflag:$0x7], $0x40, s9, s28, $0xb8;
	[tilespmem:$0x1B000] =	vst v63  }
0xb1: {  	_ = 	snop  }
0xb2: {  	[spmem:s4] =	stream.indirect.scatter.add.f32 [tilespmem:s25], [sflag:$0xB], $0x8, s9, s28, $0xb8;
	[tilespmem:$0x1B000] =	vst v63  }
0xb3: {  	_ =	swait.ge [sflag:s10], $0x2000  }
0xb4: {  	[sflag:s10] =	ssyncset.done $0x0  }
0xb5: {  	s1 =	sadd.s32 $0x3D80, s1;
	[sflag:s10] =	ssyncadd.s32 $0xFFFFE000  }
0xb6: {  	[spmem:s3] =	stream.indirect.scatter.add.f32 [tilespmem:s2], [sflag:$0x8], $0x40, s1, s28, $0xb8;
	[tilespmem:$0x1B000] =	vst v63  }
0xb7: {  	_ = 	snop  }
0xb8: {  	[spmem:s4] =	stream.indirect.scatter.add.f32 [tilespmem:s25], [sflag:$0xC], $0x8, s1, s28, $0xb8;
	[tilespmem:$0x1B000] =	vst v63  }
0xb9: {  	_ =	swait.ge [sflag:s11], $0x2000  }
0xba: {  	[sflag:s11] =	ssyncset.done $0x0  }
0xbb: {  	s16 =	sadd.s32 $0xFFFFFFFD, s18;
	[sflag:s11] =	ssyncadd.s32 $0xFFFFE000  }
0xbc: {  	p1 =	sge.u32 s16, s8;
	_ =	swait.ge [sflag:s12], $0x400  }
0xbd: {  	s5 =	simm.s32 @!p1 $0x80;
	s1 =	sshra.s32 @!p1 s23, $0x2;
	[sflag:s12] =	ssyncset.done $0x0  }
0xbe: {  	s9 =	simm.s32 @!p1 $0x7800;
	s1 =	sadd.s32 @!p1 $0x200, s1;
	[sflag:s12] =	ssyncadd.s32 $0xFFFFFC00  }
0xbf: {  	[tilespmem:s9], [sflag:$0x1] =	stream.indirect.gather @!p1 [hbm4b:s6+s5], $0x40, s1, s5, $0xb8;
	[tilespmem:$0x1B000] =	vst v63  }
0xc0: {  	_ =	swait.ge [sflag:s13], $0x2000  }
0xc1: {  	[sflag:s13] =	ssyncset.done $0x0  }
0xc2: {  	s5 =	sadd.s32 $0xFFFFFFFE, s18;
	[sflag:s13] =	ssyncadd.s32 $0xFFFFE000  }
0xc3: {  	p1 =	sge.u32 s5, s8;
	_ =	swait.ge [sflag:s14], $0x400  }
0xc4: {  	s1 =	sshra.s32 @!p1 s23, $0x2;
	s5 =	simm.s32 @!p1 $0x80;
	[sflag:s14] =	ssyncset.done $0x0  }
0xc5: {  	s9 =	simm.s32 @!p1 $0x9800;
	s1 =	sadd.s32 @!p1 $0x280, s1;
	[sflag:s14] =	ssyncadd.s32 $0xFFFFFC00  }
0xc6: {  	[tilespmem:s9], [sflag:$0x2] =	stream.indirect.gather @!p1 [hbm4b:s6+s5], $0x40, s1, s5, $0xb8;
	[tilespmem:$0x1B000] =	vst v63  }
0xc7: {  	_ =	swait.ge [sflag:s17], $0x2000  }
0xc8: {  	[sflag:s17] =	ssyncset.done $0x0  }
0xc9: {  	s9 =	sadd.s32 $0xFFFFFFFF, s18;
	[sflag:s17] =	ssyncadd.s32 $0xFFFFE000  }
0xca: {  	p1 =	sge.u32 s9, s8;
	_ =	swait.ge [sflag:s19], $0x400  }
0xcb: {  	s1 =	sshra.s32 @!p1 s23, $0x2;
	s5 =	simm.s32 @!p1 $0x80;
	[sflag:s19] =	ssyncset.done $0x0  }
0xcc: {  	s9 =	simm.s32 @!p1 $0xB800;
	s1 =	sadd.s32 @!p1 $0x300, s1;
	[sflag:s19] =	ssyncadd.s32 $0xFFFFFC00  }
0xcd: {  	[tilespmem:s9], [sflag:$0x3] =	stream.indirect.gather @!p1 [hbm4b:s6+s5], $0x40, s1, s5, $0xb8;
	[tilespmem:$0x1B000] =	vst v63  }
0xce: {  	_ =	swait.ge [sflag:s20], $0x2000  }
0xcf: {  	[sflag:s20] =	ssyncset.done $0x0  }
0xd0: {  	[sflag:s20] =	ssyncadd.s32 $0xFFFFE000  }
0xd1: {  	p1 =	sge.u32 s18, s8;
	_ =	swait.ge [sflag:s21], $0x400  }
0xd2: {  	s1 =	sshra.s32 @!p1 s23, $0x2;
	s5 =	simm.s32 @!p1 $0x80;
	[sflag:s21] =	ssyncset.done $0x0  }
0xd3: {  	s9 =	simm.s32 @!p1 $0xD800;
	s1 =	sadd.s32 @!p1 $0x380, s1;
	[sflag:s21] =	ssyncadd.s32 $0xFFFFFC00  }
0xd4: {  	[tilespmem:s9], [sflag:$0x4] =	stream.indirect.gather @!p1 [hbm4b:s6+s5], $0x40, s1, s5, $0xb8;
	[tilespmem:$0x1B000] =	vst v63  }
0xd5: {  	[bflag:$0x0] =	sbarrier.arrive $0xFFFF  }
0xd6: {  	s16 =	rddreg [dreg:$0xd]  }
0xd7: {  	s9 =	rddreg [dreg:$0x7]  }
0xd8: {  	s1 =	sor.u32 $0x1C0D, s16;
	s18 =	sshrl.u32 s9, $0x3;
	s16 =	rddreg [dreg:$0x13]  }
0xd9: {  	[hbm:s16], [sflag:s1] =	dma.local [spmem:s18], $0x1400  }
0xda: {  	s16 =	rddreg [dreg:$0xe]  }
0xdb: {  	s1 =	rddreg [dreg:$0x14]  }
0xdc: {  	[hbm:s1], [sflag:s16] =	dma.local [spmem:s22], $0x280  }
0xdd: {  	_ =	swait.ge [sflag:s26], $0x1400  }
0xde: {  	[sflag:s26] =	ssyncset.done $0x0  }
0xdf: {  	s22 =	simm.s32 $0xE;
	[sflag:s26] =	ssyncadd.s32 $0xFFFFEC00  }
0xe0: {  	_ =	swait.ge [sflag:s22], $0x280  }
0xe1: {  	s15 =	sadd.s32 $0x1, s15;
	s23 =	rddreg [dreg:$0x15]  }
0xe2: {  	p1 =	sne.s32 s15, s23  }
.Ltmp2:
0xe3: {  	_ = 	snop;
	(pc) =	sbr.rel @p1 .LBB2_1-.Ltmp2, $3  }
0xe4: {  	_ =	sdelay $0x1  }
0xe5: {  	[sflag:s22] =	ssyncset.done $0x0  }
0xe6: {  	[sflag:s22] =	ssyncadd.s32 $0xFFFFFD80  }
0xe7: {  	_ =	sfence.sel $0x180000  }
0xe8: {  	[bflag:$0x0] =	sbarrier.arrive $0xFFFF  }
0xe9: {  	_ =	strace $0x90000047  }
0xea: {  	s0 =	stileid.u32;
	[bflag:$0x2] =	sbarrier.arrive $0xFFFF  }
0xeb: {  	p0 =	sne.s32 s0, $0x0;
	s0 =	rddreg [dreg:$0x4]  }
0xec: {  	s0 =	sadd.s32 @!p0 $0x100000, s0  }
0xed: {  	[sflag:s0] =	ssyncadd.tile.s32 @!p0 $0x1;
	_ =	shalt  }
.Lfunc_end2:
_tile_overlayer_lowered:
.L_overlay_start_2:
0xee: {  	(tag) =	ssettag $0x2  }
0xef: {  	s0 =	rddreg [dreg:$0x0];
	s2 =	stileid.u32  }
0xf0: {  	s1 =	rddreg [dreg:$0x1];
	p0 =	sne.s32 s2, $0x0  }
0xf1: {  	s3 =	rddreg [dreg:$0x2];
	[bflag:$0x3] =	sbarrier.arrive $0xFFFF;
	s2 =	simm.s32 @!p0 $0x1C12  }
0xf2: {  	[timem:s3], [sflag:s2] =	dma.local @!p0 [hbm:s0], s1  }
0xf3: {  	s0 =	simm.s32 @!p0 $0x12  }
0xf4: {  	_ =	swait.ge @!p0 [sflag:s0], s1  }
0xf5: {  	s1 =	ssub.s32 @!p0 $0x0, s1;
	[sflag:s0] =	ssyncset.done @!p0 $0x0  }
0xf6: {  	[sflag:s0] =	ssyncadd.s32 @!p0 s1  }
0xf7: {  	[bflag:$0x3] =	sbarrier.arrive $0xFFFF  }
0xf8: {  	_ =	shalt  }

</sc_bundles>
